<compile_context>
chip_gen: v7x
topology: tpu7x:2x2x1
jax: 0.10.2.dev20260603
libtpu: 0.0.44.dev20260713+nightly
codegen_flags: <defaults>
</compile_context>

<pallas_src>
import functools

import jax
import jax.numpy as jnp
from jax import lax
from jax.experimental import pallas as pl
from jax.experimental.pallas import tpu as pltpu
from jax.experimental.pallas import tpu_sc as plsc

N_NODES = 100000
N_EDGES = 6400000
OUT_F = 128
N_GRAPHS = 64

LANES = 128
K_ROWS = 8
CHUNK_E = LANES * K_ROWS
CHUNKS = N_EDGES // CHUNK_E
NW = 32
CHUNKS_PER_W = CHUNKS // NW
CHUNKS_EXTRA = CHUNKS % NW

TILE_N = 2048
N_PAD = 100352
N_TILES = N_PAD // TILE_N
STRIPE = N_PAD // 16
ZB = STRIPE // 8


def _sc_edge_body(x_hbm, ei_hbm, dz_hbm, aggr_out, deg_out,
                  aggr_sp, deg_sp,
                  x_tile, idx_v, vals, ones_v, zbuf,
                  ssem, lsem):
    c = lax.axis_index("c")
    s = lax.axis_index("s")
    wid = c * 16 + s

    def _zb(i, _):
        zbuf[pl.ds(i * 16, 16)] = jnp.zeros((16,), jnp.float32)
        return 0
    lax.fori_loop(0, ZB // 16, _zb, 0)
    for j in range(K_ROWS):
        for i in range(LANES // 16):
            ones_v[j, pl.ds(i * 16, 16)] = jnp.ones((16,), jnp.float32)

    st = s * STRIPE
    pltpu.async_copy(x_hbm, x_tile, lsem).wait()
    for q in range(8):
        pltpu.async_copy(zbuf, aggr_sp.at[pl.ds(st + q * ZB, ZB)], lsem).wait()
        pltpu.async_copy(zbuf, deg_sp.at[pl.ds(st + q * ZB, ZB)], lsem).wait()
    plsc.subcore_barrier()

    base = wid * CHUNKS_PER_W + jnp.minimum(wid, CHUNKS_EXTRA)
    nchunks = CHUNKS_PER_W + jnp.where(wid < CHUNKS_EXTRA, 1, 0)

    def vdrain(sem, n):
        for j in range(n):
            pltpu.make_async_copy(dz_hbm, vals.at[0, j], sem).wait()

    def ldrain(n):
        for j in range(n):
            pltpu.make_async_copy(ei_hbm.at[:, pl.ds(0, LANES)],
                                  idx_v.at[0, j], lsem).wait()

    def load_chunk(ck, pset):
        for j in range(K_ROWS):
            off = ck * CHUNK_E + j * LANES
            pltpu.async_copy(ei_hbm.at[:, pl.ds(off, LANES)],
                             idx_v.at[pset, j], lsem)

    load_chunk(base, 0)

    def round_body(r, _):
        p = lax.rem(r, 3)

        @pl.when(jnp.logical_and(r >= 1, r <= nchunks))
        def _():
            vdrain(ssem, 2 * K_ROWS)

        @pl.when(r < nchunks)
        def _():
            ldrain(K_ROWS)

            @pl.when(r + 1 < nchunks)
            def _():
                load_chunk(base + r + 1, lax.rem(r + 1, 3))

            for j in range(K_ROWS):
                pltpu.async_copy(ones_v.at[j], deg_sp.at[idx_v.at[p, j, 1]],
                                 ssem, add=True)

            for j in range(K_ROWS):
                for i in range(LANES // 16):
                    vidx = idx_v[p, j, 0, pl.ds(i * 16, 16)]
                    vals[p, j, pl.ds(i * 16, 16)] = plsc.load_gather(
                        x_tile, [vidx])

            for j in range(K_ROWS):
                pltpu.async_copy(vals.at[p, j],
                                 aggr_sp.at[idx_v.at[p, j, 1]],
                                 ssem, add=True)
        return 0
    lax.fori_loop(0, nchunks + 1, round_body, 0)

    plsc.subcore_barrier()

    pltpu.async_copy(aggr_sp.at[pl.ds(st, STRIPE)],
                     aggr_out.at[pl.ds(c * N_PAD + st, STRIPE)], lsem).wait()
    pltpu.async_copy(deg_sp.at[pl.ds(st, STRIPE)],
                     deg_out.at[pl.ds(c * N_PAD + st, STRIPE)], lsem).wait()


_sc_edge_kernel = functools.partial(
    pl.kernel,
    out_type=[jax.ShapeDtypeStruct((2 * N_PAD,), jnp.float32),
              jax.ShapeDtypeStruct((2 * N_PAD,), jnp.float32)],
    mesh=plsc.VectorSubcoreMesh(core_axis_name="c", subcore_axis_name="s"),
    compiler_params=pltpu.CompilerParams(needs_layout_passes=False),
    scratch_types=[
        pltpu.VMEM_SHARED((N_PAD,), jnp.float32),
        pltpu.VMEM_SHARED((N_PAD,), jnp.float32),
        pltpu.VMEM((N_PAD,), jnp.float32),
        pltpu.VMEM((3, K_ROWS, 2, LANES), jnp.int32),
        pltpu.VMEM((3, K_ROWS, LANES), jnp.float32),
        pltpu.VMEM((K_ROWS, LANES), jnp.float32),
        pltpu.VMEM((ZB,), jnp.float32),
        pltpu.SemaphoreType.DMA,
        pltpu.SemaphoreType.DMA,
    ],
)(_sc_edge_body)


def _tc_pool_body(ap, dp, xr, br, wl, wr, bl, out_ref):
    t = pl.program_id(0)

    @pl.when(t == 0)
    def _():
        out_ref[...] = jnp.full((N_GRAPHS, OUT_F), -jnp.inf, jnp.float32)

    aggr = ap[0, 0] + ap[1, 0]
    deg = dp[0, 0] + dp[1, 0]
    mean = aggr / jnp.maximum(deg, 1.0)
    xv = xr[0]
    b = br[0]

    mcol = mean.reshape(TILE_N, 1)
    xcol = xv.reshape(TILE_N, 1)
    h = mcol * wl[...] + xcol * wr[...]

    bcol = b.reshape(TILE_N, 1)
    g_lo = jnp.minimum(b[0, 0], N_GRAPHS - 1)
    g_hi = jnp.minimum(b[0, TILE_N - 1], N_GRAPHS - 1)
    rows = lax.broadcasted_iota(jnp.int32, (N_GRAPHS, 1), 0)

    def body(g, _):
        mask = bcol == g
        row = jnp.max(jnp.where(mask, h, -jnp.inf), axis=0,
                      keepdims=True)
        cur = out_ref[pl.ds(g, 1), :]
        out_ref[pl.ds(g, 1), :] = jnp.maximum(cur, row)
        return 0
    lax.fori_loop(g_lo, g_hi + 1, body, 0)

    @pl.when(t == pl.num_programs(0) - 1)
    def _():
        out_ref[...] = out_ref[...] + bl[...]


def _tc_pool(ap, dp, xr, br, wl, wr, bl):
    part4 = lambda: pl.BlockSpec((2, 1, 1, TILE_N), lambda t: (0, t, 0, 0))
    node3 = lambda: pl.BlockSpec((1, 1, TILE_N), lambda t: (t, 0, 0))
    const2 = lambda: pl.BlockSpec((1, OUT_F), lambda t: (0, 0))
    return pl.pallas_call(
        _tc_pool_body,
        grid=(N_TILES,),
        in_specs=[part4(), part4(), node3(), node3(),
                  const2(), const2(), const2()],
        out_specs=pl.BlockSpec((N_GRAPHS, OUT_F), lambda t: (0, 0)),
        out_shape=jax.ShapeDtypeStruct((N_GRAPHS, OUT_F), jnp.float32),
    )(ap, dp, xr, br, wl, wr, bl)


def kernel(x, edge_index, batch, W_l, b_l, W_r):
    x_flat = x.reshape(N_NODES)
    x_p = jnp.pad(x_flat, (0, N_PAD - N_NODES))

    dz = jnp.zeros((LANES,), jnp.float32)
    aggr_parts, deg_parts = _sc_edge_kernel(x_p, edge_index, dz)

    shape4 = (2, N_TILES, 1, TILE_N)
    ap = aggr_parts.reshape(shape4)
    dp = deg_parts.reshape(shape4)
    shape3 = (N_TILES, 1, TILE_N)
    xr = x_p.reshape(shape3)
    br = jnp.pad(batch, (0, N_PAD - N_NODES),
                 constant_values=N_GRAPHS).reshape(shape3)

    out = _tc_pool(ap, dp, xr, br,
                   W_l.reshape(1, OUT_F), W_r.reshape(1, OUT_F),
                   b_l.reshape(1, OUT_F))
    return out

# --- scband reference (transcript-rebuilt; emitter-appended) ---
"""Pipeline reference for scband-sergiogcn-53068615910295 (READ-ONLY COPY).

The authoritative reference and input builder live on the scoring server;
editing this copy changes nothing except your own understanding.
"""

import jax, jax.numpy as jnp
import numpy as np

N = 100000
E = 6400000
OUT = 128
G = 64


def setup_inputs(seed: int = 0) -> dict:
    key = jax.random.key(seed)
    k1, k2, k3, k4, k5 = jax.random.split(key, 5)
    x = jax.random.normal(k1, (N, 1), dtype=jnp.float32)
    edge_index = jax.random.randint(k2, (2, E), 0, N, dtype=jnp.int32)
    batch = jnp.sort(jax.random.randint(k3, (N,), 0, G, dtype=jnp.int32))
    # SAGEConv(1, OUT) params (PyG defaults: mean aggr, root_weight=True, bias on lin_l)
    W_l = jax.random.normal(k4, (1, OUT), dtype=jnp.float32) * 0.1  # neighbor linear
    b_l = jnp.zeros((OUT,), dtype=jnp.float32)
    W_r = jax.random.normal(k5, (1, OUT), dtype=jnp.float32) * 0.1  # root linear (no bias)
    return {"x": x, "edge_index": edge_index, "batch": batch, "W_l": W_l, "b_l": b_l, "W_r": W_r}


def reference(x, edge_index, batch, W_l, b_l, W_r):
    src = edge_index[0]
    dst = edge_index[1]
    # SAGEConv mean aggregation: gather source features, scatter-mean to dst
    msgs = jnp.take(x, src, axis=0)  # [E, 1]
    aggr = jax.ops.segment_sum(msgs, dst, num_segments=N)  # [N, 1]
    deg = jax.ops.segment_sum(jnp.ones((E, 1), dtype=x.dtype), dst, num_segments=N)
    aggr = aggr / jnp.clip(deg, 1.0, None)
    h = aggr @ W_l + b_l + x @ W_r  # lin_l(mean_neigh) + lin_r(x)
    # F.dropout(p=0.2, training=self.training) -> identity in eval mode
    # global_max_pool over batch assignment
    out = jax.ops.segment_max(h, batch, num_segments=G)  # [G, OUT]
    return out

if __name__ == "__main__":
    import jax
    _d = setup_inputs()
    print(jax.jit(kernel)(*tuple(_d.values())))

</pallas_src>

<mosaic_0001>
#map = affine_map<(d0, d1) -> (0)>
#map1 = affine_map<(d0, d1) -> (0, 0)>
module attributes {stable_mosaic.version = 14 : i64} {
  func.func @_sc_edge_body(%arg0: i32, %arg1: i32, %arg2: memref<100352xf32, #tpu.memory_space<hbm>>, %arg3: memref<2x6400000xi32, #tpu.memory_space<hbm>>, %arg4: memref<128xf32, #tpu.memory_space<hbm>>, %arg5: memref<200704xf32, #tpu.memory_space<hbm>>, %arg6: memref<200704xf32, #tpu.memory_space<hbm>>, %arg7: memref<100352xf32, #tpu.memory_space<vmem_shared>>, %arg8: memref<100352xf32, #tpu.memory_space<vmem_shared>>, %arg9: memref<100352xf32, #tpu.memory_space<vmem>>, %arg10: memref<3x8x2x128xi32, #tpu.memory_space<vmem>>, %arg11: memref<3x8x128xf32, #tpu.memory_space<vmem>>, %arg12: memref<8x128xf32, #tpu.memory_space<vmem>>, %arg13: memref<784xf32, #tpu.memory_space<vmem>>, %arg14: memref<!tpu.dma_semaphore, #tpu.memory_space<semaphore_mem>>, %arg15: memref<!tpu.dma_semaphore, #tpu.memory_space<semaphore_mem>>) attributes {dimension_semantics = [#tpu.dimension_semantics<core_parallel>, #tpu.dimension_semantics<subcore_parallel>], iteration_bounds = array<i64: 2, 16>, scalar_prefetch = 0 : i64, scratch_operands = 9 : i64, tpu.core_type = #tpu.core_type<sc_vector_subcore>, window_params = [{transform_indices = #map}, {transform_indices = #map1}, {transform_indices = #map}, {transform_indices = #map}, {transform_indices = #map}]} {
    %mul3A = arith.constant 16 : i32
    %mul3A_0 = arith.muli %arg0, %mul3A : i32
    %add3A = arith.addi %mul3A_0, %arg1 : i32
    %scan3A = arith.constant 0 : i32
    %scan3A_1 = arith.constant 0 : i32
    %scan3A_2 = arith.constant 49 : i32
    %scan3A_3 = arith.addi %scan3A_1, %scan3A_2 : i32
    %scan3A_4 = arith.constant 1 : i32
    %scan3A_5 = scf.for %scan3A_665 = %scan3A_1 to %scan3A_3 step %scan3A_4 iter_args(%scan3A_666 = %scan3A) -> (i32)  : i32 {
      %broadcast_in_dim3A_667 = arith.constant 0.000000e+00 : f32
      %broadcast_in_dim3A_668 = vector.broadcast %broadcast_in_dim3A_667 : f32 to vector<16xf32>
      %mul3A_669 = arith.constant 16 : i32
      %mul3A_670 = arith.muli %scan3A_665, %mul3A_669 : i32
      %swap3A_671 = arith.index_cast %mul3A_670 : i32 to index
      %swap3A_672 = tpu.vector_load %arg13[%swap3A_671] {strides = array<i32>} : memref<784xf32, #tpu.memory_space<vmem>>, vector<16xf32>,
      tpu.vector_store %arg13[%swap3A_671], %broadcast_in_dim3A_668 {strides = array<i32>} : memref<784xf32, #tpu.memory_space<vmem>>, vector<16xf32>,
      %scan3A_673 = arith.constant 0 : i32
      scf.yield %scan3A_673 : i32
    }
    %scan3A_6 = arith.constant 49 : i32
    %broadcast_in_dim3A = arith.constant 1.000000e+00 : f32
    %broadcast_in_dim3A_7 = vector.broadcast %broadcast_in_dim3A : f32 to vector<16xf32>
    %swap3A = arith.constant 0 : i32
    %swap3A_8 = arith.index_cast %swap3A : i32 to index
    %swap3A_9 = arith.constant 0 : index
    %swap3A_10 = tpu.vector_load %arg12[%swap3A_8, %swap3A_9] {strides = array<i32>} : memref<8x128xf32, #tpu.memory_space<vmem>>, vector<16xf32>,
    tpu.vector_store %arg12[%swap3A_8, %swap3A_9], %broadcast_in_dim3A_7 {strides = array<i32>} : memref<8x128xf32, #tpu.memory_space<vmem>>, vector<16xf32>,
    %broadcast_in_dim3A_11 = arith.constant 1.000000e+00 : f32
    %broadcast_in_dim3A_12 = vector.broadcast %broadcast_in_dim3A_11 : f32 to vector<16xf32>
    %swap3A_13 = arith.constant 0 : i32
    %swap3A_14 = arith.index_cast %swap3A_13 : i32 to index
    %swap3A_15 = arith.constant 16 : index
    %swap3A_16 = tpu.vector_load %arg12[%swap3A_14, %swap3A_15] {strides = array<i32>} : memref<8x128xf32, #tpu.memory_space<vmem>>, vector<16xf32>,
    tpu.vector_store %arg12[%swap3A_14, %swap3A_15], %broadcast_in_dim3A_12 {strides = array<i32>} : memref<8x128xf32, #tpu.memory_space<vmem>>, vector<16xf32>,
    %broadcast_in_dim3A_17 = arith.constant 1.000000e+00 : f32
    %broadcast_in_dim3A_18 = vector.broadcast %broadcast_in_dim3A_17 : f32 to vector<16xf32>
    %swap3A_19 = arith.constant 0 : i32
    %swap3A_20 = arith.index_cast %swap3A_19 : i32 to index
    %swap3A_21 = arith.constant 32 : index
    %swap3A_22 = tpu.vector_load %arg12[%swap3A_20, %swap3A_21] {strides = array<i32>} : memref<8x128xf32, #tpu.memory_space<vmem>>, vector<16xf32>,
    tpu.vector_store %arg12[%swap3A_20, %swap3A_21], %broadcast_in_dim3A_18 {strides = array<i32>} : memref<8x128xf32, #tpu.memory_space<vmem>>, vector<16xf32>,
    %broadcast_in_dim3A_23 = arith.constant 1.000000e+00 : f32
    %broadcast_in_dim3A_24 = vector.broadcast %broadcast_in_dim3A_23 : f32 to vector<16xf32>
    %swap3A_25 = arith.constant 0 : i32
    %swap3A_26 = arith.index_cast %swap3A_25 : i32 to index
    %swap3A_27 = arith.constant 48 : index
    %swap3A_28 = tpu.vector_load %arg12[%swap3A_26, %swap3A_27] {strides = array<i32>} : memref<8x128xf32, #tpu.memory_space<vmem>>, vector<16xf32>,
    tpu.vector_store %arg12[%swap3A_26, %swap3A_27], %broadcast_in_dim3A_24 {strides = array<i32>} : memref<8x128xf32, #tpu.memory_space<vmem>>, vector<16xf32>,
    %broadcast_in_dim3A_29 = arith.constant 1.000000e+00 : f32
    %broadcast_in_dim3A_30 = vector.broadcast %broadcast_in_dim3A_29 : f32 to vector<16xf32>
    %swap3A_31 = arith.constant 0 : i32
    %swap3A_32 = arith.index_cast %swap3A_31 : i32 to index
    %swap3A_33 = arith.constant 64 : index
    %swap3A_34 = tpu.vector_load %arg12[%swap3A_32, %swap3A_33] {strides = array<i32>} : memref<8x128xf32, #tpu.memory_space<vmem>>, vector<16xf32>,
    tpu.vector_store %arg12[%swap3A_32, %swap3A_33], %broadcast_in_dim3A_30 {strides = array<i32>} : memref<8x128xf32, #tpu.memory_space<vmem>>, vector<16xf32>,
    %broadcast_in_dim3A_35 = arith.constant 1.000000e+00 : f32
    %broadcast_in_dim3A_36 = vector.broadcast %broadcast_in_dim3A_35 : f32 to vector<16xf32>
    %swap3A_37 = arith.constant 0 : i32
    %swap3A_38 = arith.index_cast %swap3A_37 : i32 to index
    %swap3A_39 = arith.constant 80 : index
    %swap3A_40 = tpu.vector_load %arg12[%swap3A_38, %swap3A_39] {strides = array<i32>} : memref<8x128xf32, #tpu.memory_space<vmem>>, vector<16xf32>,
    tpu.vector_store %arg12[%swap3A_38, %swap3A_39], %broadcast_in_dim3A_36 {strides = array<i32>} : memref<8x128xf32, #tpu.memory_space<vmem>>, vector<16xf32>,
    %broadcast_in_dim3A_41 = arith.constant 1.000000e+00 : f32
    %broadcast_in_dim3A_42 = vector.broadcast %broadcast_in_dim3A_41 : f32 to vector<16xf32>
    %swap3A_43 = arith.constant 0 : i32
    %swap3A_44 = arith.index_cast %swap3A_43 : i32 to index
    %swap3A_45 = arith.constant 96 : index
    %swap3A_46 = tpu.vector_load %arg12[%swap3A_44, %swap3A_45] {strides = array<i32>} : memref<8x128xf32, #tpu.memory_space<vmem>>, vector<16xf32>,
    tpu.vector_store %arg12[%swap3A_44, %swap3A_45], %broadcast_in_dim3A_42 {strides = array<i32>} : memref<8x128xf32, #tpu.memory_space<vmem>>, vector<16xf32>,
    %broadcast_in_dim3A_47 = arith.constant 1.000000e+00 : f32
    %broadcast_in_dim3A_48 = vector.broadcast %broadcast_in_dim3A_47 : f32 to vector<16xf32>
    %swap3A_49 = arith.constant 0 : i32
    %swap3A_50 = arith.index_cast %swap3A_49 : i32 to index
    %swap3A_51 = arith.constant 112 : index
    %swap3A_52 = tpu.vector_load %arg12[%swap3A_50, %swap3A_51] {strides = array<i32>} : memref<8x128xf32, #tpu.memory_space<vmem>>, vector<16xf32>,
    tpu.vector_store %arg12[%swap3A_50, %swap3A_51], %broadcast_in_dim3A_48 {strides = array<i32>} : memref<8x128xf32, #tpu.memory_space<vmem>>, vector<16xf32>,
    %broadcast_in_dim3A_53 = arith.constant 1.000000e+00 : f32
    %broadcast_in_dim3A_54 = vector.broadcast %broadcast_in_dim3A_53 : f32 to vector<16xf32>
    %swap3A_55 = arith.constant 1 : i32
    %swap3A_56 = arith.index_cast %swap3A_55 : i32 to index
    %swap3A_57 = arith.constant 0 : index
    %swap3A_58 = tpu.vector_load %arg12[%swap3A_56, %swap3A_57] {strides = array<i32>} : memref<8x128xf32, #tpu.memory_space<vmem>>, vector<16xf32>,
    tpu.vector_store %arg12[%swap3A_56, %swap3A_57], %broadcast_in_dim3A_54 {strides = array<i32>} : memref<8x128xf32, #tpu.memory_space<vmem>>, vector<16xf32>,
    %broadcast_in_dim3A_59 = arith.constant 1.000000e+00 : f32
    %broadcast_in_dim3A_60 = vector.broadcast %broadcast_in_dim3A_59 : f32 to vector<16xf32>
    %swap3A_61 = arith.constant 1 : i32
    %swap3A_62 = arith.index_cast %swap3A_61 : i32 to index
    %swap3A_63 = arith.constant 16 : index
    %swap3A_64 = tpu.vector_load %arg12[%swap3A_62, %swap3A_63] {strides = array<i32>} : memref<8x128xf32, #tpu.memory_space<vmem>>, vector<16xf32>,
    tpu.vector_store %arg12[%swap3A_62, %swap3A_63], %broadcast_in_dim3A_60 {strides = array<i32>} : memref<8x128xf32, #tpu.memory_space<vmem>>, vector<16xf32>,
    %broadcast_in_dim3A_65 = arith.constant 1.000000e+00 : f32
    %broadcast_in_dim3A_66 = vector.broadcast %broadcast_in_dim3A_65 : f32 to vector<16xf32>
    %swap3A_67 = arith.constant 1 : i32
    %swap3A_68 = arith.index_cast %swap3A_67 : i32 to index
    %swap3A_69 = arith.constant 32 : index
    %swap3A_70 = tpu.vector_load %arg12[%swap3A_68, %swap3A_69] {strides = array<i32>} : memref<8x128xf32, #tpu.memory_space<vmem>>, vector<16xf32>,
    tpu.vector_store %arg12[%swap3A_68, %swap3A_69], %broadcast_in_dim3A_66 {strides = array<i32>} : memref<8x128xf32, #tpu.memory_space<vmem>>, vector<16xf32>,
    %broadcast_in_dim3A_71 = arith.constant 1.000000e+00 : f32
    %broadcast_in_dim3A_72 = vector.broadcast %broadcast_in_dim3A_71 : f32 to vector<16xf32>
    %swap3A_73 = arith.constant 1 : i32
    %swap3A_74 = arith.index_cast %swap3A_73 : i32 to index
    %swap3A_75 = arith.constant 48 : index
    %swap3A_76 = tpu.vector_load %arg12[%swap3A_74, %swap3A_75] {strides = array<i32>} : memref<8x128xf32, #tpu.memory_space<vmem>>, vector<16xf32>,
    tpu.vector_store %arg12[%swap3A_74, %swap3A_75], %broadcast_in_dim3A_72 {strides = array<i32>} : memref<8x128xf32, #tpu.memory_space<vmem>>, vector<16xf32>,
    %broadcast_in_dim3A_77 = arith.constant 1.000000e+00 : f32
    %broadcast_in_dim3A_78 = vector.broadcast %broadcast_in_dim3A_77 : f32 to vector<16xf32>
    %swap3A_79 = arith.constant 1 : i32
    %swap3A_80 = arith.index_cast %swap3A_79 : i32 to index
    %swap3A_81 = arith.constant 64 : index
    %swap3A_82 = tpu.vector_load %arg12[%swap3A_80, %swap3A_81] {strides = array<i32>} : memref<8x128xf32, #tpu.memory_space<vmem>>, vector<16xf32>,
    tpu.vector_store %arg12[%swap3A_80, %swap3A_81], %broadcast_in_dim3A_78 {strides = array<i32>} : memref<8x128xf32, #tpu.memory_space<vmem>>, vector<16xf32>,
    %broadcast_in_dim3A_83 = arith.constant 1.000000e+00 : f32
    %broadcast_in_dim3A_84 = vector.broadcast %broadcast_in_dim3A_83 : f32 to vector<16xf32>
    %swap3A_85 = arith.constant 1 : i32
    %swap3A_86 = arith.index_cast %swap3A_85 : i32 to index
    %swap3A_87 = arith.constant 80 : index
    %swap3A_88 = tpu.vector_load %arg12[%swap3A_86, %swap3A_87] {strides = array<i32>} : memref<8x128xf32, #tpu.memory_space<vmem>>, vector<16xf32>,
    tpu.vector_store %arg12[%swap3A_86, %swap3A_87], %broadcast_in_dim3A_84 {strides = array<i32>} : memref<8x128xf32, #tpu.memory_space<vmem>>, vector<16xf32>,
    %broadcast_in_dim3A_89 = arith.constant 1.000000e+00 : f32
    %broadcast_in_dim3A_90 = vector.broadcast %broadcast_in_dim3A_89 : f32 to vector<16xf32>
    %swap3A_91 = arith.constant 1 : i32
    %swap3A_92 = arith.index_cast %swap3A_91 : i32 to index
    %swap3A_93 = arith.constant 96 : index
    %swap3A_94 = tpu.vector_load %arg12[%swap3A_92, %swap3A_93] {strides = array<i32>} : memref<8x128xf32, #tpu.memory_space<vmem>>, vector<16xf32>,
    tpu.vector_store %arg12[%swap3A_92, %swap3A_93], %broadcast_in_dim3A_90 {strides = array<i32>} : memref<8x128xf32, #tpu.memory_space<vmem>>, vector<16xf32>,
    %broadcast_in_dim3A_95 = arith.constant 1.000000e+00 : f32
    %broadcast_in_dim3A_96 = vector.broadcast %broadcast_in_dim3A_95 : f32 to vector<16xf32>
    %swap3A_97 = arith.constant 1 : i32
    %swap3A_98 = arith.index_cast %swap3A_97 : i32 to index
    %swap3A_99 = arith.constant 112 : index
    %swap3A_100 = tpu.vector_load %arg12[%swap3A_98, %swap3A_99] {strides = array<i32>} : memref<8x128xf32, #tpu.memory_space<vmem>>, vector<16xf32>,
    tpu.vector_store %arg12[%swap3A_98, %swap3A_99], %broadcast_in_dim3A_96 {strides = array<i32>} : memref<8x128xf32, #tpu.memory_space<vmem>>, vector<16xf32>,
    %broadcast_in_dim3A_101 = arith.constant 1.000000e+00 : f32
    %broadcast_in_dim3A_102 = vector.broadcast %broadcast_in_dim3A_101 : f32 to vector<16xf32>
    %swap3A_103 = arith.constant 2 : i32
    %swap3A_104 = arith.index_cast %swap3A_103 : i32 to index
    %swap3A_105 = arith.constant 0 : index
    %swap3A_106 = tpu.vector_load %arg12[%swap3A_104, %swap3A_105] {strides = array<i32>} : memref<8x128xf32, #tpu.memory_space<vmem>>, vector<16xf32>,
    tpu.vector_store %arg12[%swap3A_104, %swap3A_105], %broadcast_in_dim3A_102 {strides = array<i32>} : memref<8x128xf32, #tpu.memory_space<vmem>>, vector<16xf32>,
    %broadcast_in_dim3A_107 = arith.constant 1.000000e+00 : f32
    %broadcast_in_dim3A_108 = vector.broadcast %broadcast_in_dim3A_107 : f32 to vector<16xf32>
    %swap3A_109 = arith.constant 2 : i32
    %swap3A_110 = arith.index_cast %swap3A_109 : i32 to index
    %swap3A_111 = arith.constant 16 : index
    %swap3A_112 = tpu.vector_load %arg12[%swap3A_110, %swap3A_111] {strides = array<i32>} : memref<8x128xf32, #tpu.memory_space<vmem>>, vector<16xf32>,
    tpu.vector_store %arg12[%swap3A_110, %swap3A_111], %broadcast_in_dim3A_108 {strides = array<i32>} : memref<8x128xf32, #tpu.memory_space<vmem>>, vector<16xf32>,
    %broadcast_in_dim3A_113 = arith.constant 1.000000e+00 : f32
    %broadcast_in_dim3A_114 = vector.broadcast %broadcast_in_dim3A_113 : f32 to vector<16xf32>
    %swap3A_115 = arith.constant 2 : i32
    %swap3A_116 = arith.index_cast %swap3A_115 : i32 to index
    %swap3A_117 = arith.constant 32 : index
    %swap3A_118 = tpu.vector_load %arg12[%swap3A_116, %swap3A_117] {strides = array<i32>} : memref<8x128xf32, #tpu.memory_space<vmem>>, vector<16xf32>,
    tpu.vector_store %arg12[%swap3A_116, %swap3A_117], %broadcast_in_dim3A_114 {strides = array<i32>} : memref<8x128xf32, #tpu.memory_space<vmem>>, vector<16xf32>,
    %broadcast_in_dim3A_119 = arith.constant 1.000000e+00 : f32
    %broadcast_in_dim3A_120 = vector.broadcast %broadcast_in_dim3A_119 : f32 to vector<16xf32>
    %swap3A_121 = arith.constant 2 : i32
    %swap3A_122 = arith.index_cast %swap3A_121 : i32 to index
    %swap3A_123 = arith.constant 48 : index
    %swap3A_124 = tpu.vector_load %arg12[%swap3A_122, %swap3A_123] {strides = array<i32>} : memref<8x128xf32, #tpu.memory_space<vmem>>, vector<16xf32>,
    tpu.vector_store %arg12[%swap3A_122, %swap3A_123], %broadcast_in_dim3A_120 {strides = array<i32>} : memref<8x128xf32, #tpu.memory_space<vmem>>, vector<16xf32>,
    %broadcast_in_dim3A_125 = arith.constant 1.000000e+00 : f32
    %broadcast_in_dim3A_126 = vector.broadcast %broadcast_in_dim3A_125 : f32 to vector<16xf32>
    %swap3A_127 = arith.constant 2 : i32
    %swap3A_128 = arith.index_cast %swap3A_127 : i32 to index
    %swap3A_129 = arith.constant 64 : index
    %swap3A_130 = tpu.vector_load %arg12[%swap3A_128, %swap3A_129] {strides = array<i32>} : memref<8x128xf32, #tpu.memory_space<vmem>>, vector<16xf32>,
    tpu.vector_store %arg12[%swap3A_128, %swap3A_129], %broadcast_in_dim3A_126 {strides = array<i32>} : memref<8x128xf32, #tpu.memory_space<vmem>>, vector<16xf32>,
    %broadcast_in_dim3A_131 = arith.constant 1.000000e+00 : f32
    %broadcast_in_dim3A_132 = vector.broadcast %broadcast_in_dim3A_131 : f32 to vector<16xf32>
    %swap3A_133 = arith.constant 2 : i32
    %swap3A_134 = arith.index_cast %swap3A_133 : i32 to index
    %swap3A_135 = arith.constant 80 : index
    %swap3A_136 = tpu.vector_load %arg12[%swap3A_134, %swap3A_135] {strides = array<i32>} : memref<8x128xf32, #tpu.memory_space<vmem>>, vector<16xf32>,
    tpu.vector_store %arg12[%swap3A_134, %swap3A_135], %broadcast_in_dim3A_132 {strides = array<i32>} : memref<8x128xf32, #tpu.memory_space<vmem>>, vector<16xf32>,
    %broadcast_in_dim3A_137 = arith.constant 1.000000e+00 : f32
    %broadcast_in_dim3A_138 = vector.broadcast %broadcast_in_dim3A_137 : f32 to vector<16xf32>
    %swap3A_139 = arith.constant 2 : i32
    %swap3A_140 = arith.index_cast %swap3A_139 : i32 to index
    %swap3A_141 = arith.constant 96 : index
    %swap3A_142 = tpu.vector_load %arg12[%swap3A_140, %swap3A_141] {strides = array<i32>} : memref<8x128xf32, #tpu.memory_space<vmem>>, vector<16xf32>,
    tpu.vector_store %arg12[%swap3A_140, %swap3A_141], %broadcast_in_dim3A_138 {strides = array<i32>} : memref<8x128xf32, #tpu.memory_space<vmem>>, vector<16xf32>,
    %broadcast_in_dim3A_143 = arith.constant 1.000000e+00 : f32
    %broadcast_in_dim3A_144 = vector.broadcast %broadcast_in_dim3A_143 : f32 to vector<16xf32>
    %swap3A_145 = arith.constant 2 : i32
    %swap3A_146 = arith.index_cast %swap3A_145 : i32 to index
    %swap3A_147 = arith.constant 112 : index
    %swap3A_148 = tpu.vector_load %arg12[%swap3A_146, %swap3A_147] {strides = array<i32>} : memref<8x128xf32, #tpu.memory_space<vmem>>, vector<16xf32>,
    tpu.vector_store %arg12[%swap3A_146, %swap3A_147], %broadcast_in_dim3A_144 {strides = array<i32>} : memref<8x128xf32, #tpu.memory_space<vmem>>, vector<16xf32>,
    %broadcast_in_dim3A_149 = arith.constant 1.000000e+00 : f32
    %broadcast_in_dim3A_150 = vector.broadcast %broadcast_in_dim3A_149 : f32 to vector<16xf32>
    %swap3A_151 = arith.constant 3 : i32
    %swap3A_152 = arith.index_cast %swap3A_151 : i32 to index
    %swap3A_153 = arith.constant 0 : index
    %swap3A_154 = tpu.vector_load %arg12[%swap3A_152, %swap3A_153] {strides = array<i32>} : memref<8x128xf32, #tpu.memory_space<vmem>>, vector<16xf32>,
    tpu.vector_store %arg12[%swap3A_152, %swap3A_153], %broadcast_in_dim3A_150 {strides = array<i32>} : memref<8x128xf32, #tpu.memory_space<vmem>>, vector<16xf32>,
    %broadcast_in_dim3A_155 = arith.constant 1.000000e+00 : f32
    %broadcast_in_dim3A_156 = vector.broadcast %broadcast_in_dim3A_155 : f32 to vector<16xf32>
    %swap3A_157 = arith.constant 3 : i32
    %swap3A_158 = arith.index_cast %swap3A_157 : i32 to index
    %swap3A_159 = arith.constant 16 : index
    %swap3A_160 = tpu.vector_load %arg12[%swap3A_158, %swap3A_159] {strides = array<i32>} : memref<8x128xf32, #tpu.memory_space<vmem>>, vector<16xf32>,
    tpu.vector_store %arg12[%swap3A_158, %swap3A_159], %broadcast_in_dim3A_156 {strides = array<i32>} : memref<8x128xf32, #tpu.memory_space<vmem>>, vector<16xf32>,
    %broadcast_in_dim3A_161 = arith.constant 1.000000e+00 : f32
    %broadcast_in_dim3A_162 = vector.broadcast %broadcast_in_dim3A_161 : f32 to vector<16xf32>
    %swap3A_163 = arith.constant 3 : i32
    %swap3A_164 = arith.index_cast %swap3A_163 : i32 to index
    %swap3A_165 = arith.constant 32 : index
    %swap3A_166 = tpu.vector_load %arg12[%swap3A_164, %swap3A_165] {strides = array<i32>} : memref<8x128xf32, #tpu.memory_space<vmem>>, vector<16xf32>,
    tpu.vector_store %arg12[%swap3A_164, %swap3A_165], %broadcast_in_dim3A_162 {strides = array<i32>} : memref<8x128xf32, #tpu.memory_space<vmem>>, vector<16xf32>,
    %broadcast_in_dim3A_167 = arith.constant 1.000000e+00 : f32
    %broadcast_in_dim3A_168 = vector.broadcast %broadcast_in_dim3A_167 : f32 to vector<16xf32>
    %swap3A_169 = arith.constant 3 : i32
    %swap3A_170 = arith.index_cast %swap3A_169 : i32 to index
    %swap3A_171 = arith.constant 48 : index
    %swap3A_172 = tpu.vector_load %arg12[%swap3A_170, %swap3A_171] {strides = array<i32>} : memref<8x128xf32, #tpu.memory_space<vmem>>, vector<16xf32>,
    tpu.vector_store %arg12[%swap3A_170, %swap3A_171], %broadcast_in_dim3A_168 {strides = array<i32>} : memref<8x128xf32, #tpu.memory_space<vmem>>, vector<16xf32>,
    %broadcast_in_dim3A_173 = arith.constant 1.000000e+00 : f32
    %broadcast_in_dim3A_174 = vector.broadcast %broadcast_in_dim3A_173 : f32 to vector<16xf32>
    %swap3A_175 = arith.constant 3 : i32
    %swap3A_176 = arith.index_cast %swap3A_175 : i32 to index
    %swap3A_177 = arith.constant 64 : index
    %swap3A_178 = tpu.vector_load %arg12[%swap3A_176, %swap3A_177] {strides = array<i32>} : memref<8x128xf32, #tpu.memory_space<vmem>>, vector<16xf32>,
    tpu.vector_store %arg12[%swap3A_176, %swap3A_177], %broadcast_in_dim3A_174 {strides = array<i32>} : memref<8x128xf32, #tpu.memory_space<vmem>>, vector<16xf32>,
    %broadcast_in_dim3A_179 = arith.constant 1.000000e+00 : f32
    %broadcast_in_dim3A_180 = vector.broadcast %broadcast_in_dim3A_179 : f32 to vector<16xf32>
    %swap3A_181 = arith.constant 3 : i32
    %swap3A_182 = arith.index_cast %swap3A_181 : i32 to index
    %swap3A_183 = arith.constant 80 : index
    %swap3A_184 = tpu.vector_load %arg12[%swap3A_182, %swap3A_183] {strides = array<i32>} : memref<8x128xf32, #tpu.memory_space<vmem>>, vector<16xf32>,
    tpu.vector_store %arg12[%swap3A_182, %swap3A_183], %broadcast_in_dim3A_180 {strides = array<i32>} : memref<8x128xf32, #tpu.memory_space<vmem>>, vector<16xf32>,
    %broadcast_in_dim3A_185 = arith.constant 1.000000e+00 : f32
    %broadcast_in_dim3A_186 = vector.broadcast %broadcast_in_dim3A_185 : f32 to vector<16xf32>
    %swap3A_187 = arith.constant 3 : i32
    %swap3A_188 = arith.index_cast %swap3A_187 : i32 to index
    %swap3A_189 = arith.constant 96 : index
    %swap3A_190 = tpu.vector_load %arg12[%swap3A_188, %swap3A_189] {strides = array<i32>} : memref<8x128xf32, #tpu.memory_space<vmem>>, vector<16xf32>,
    tpu.vector_store %arg12[%swap3A_188, %swap3A_189], %broadcast_in_dim3A_186 {strides = array<i32>} : memref<8x128xf32, #tpu.memory_space<vmem>>, vector<16xf32>,
    %broadcast_in_dim3A_191 = arith.constant 1.000000e+00 : f32
    %broadcast_in_dim3A_192 = vector.broadcast %broadcast_in_dim3A_191 : f32 to vector<16xf32>
    %swap3A_193 = arith.constant 3 : i32
    %swap3A_194 = arith.index_cast %swap3A_193 : i32 to index
    %swap3A_195 = arith.constant 112 : index
    %swap3A_196 = tpu.vector_load %arg12[%swap3A_194, %swap3A_195] {strides = array<i32>} : memref<8x128xf32, #tpu.memory_space<vmem>>, vector<16xf32>,
    tpu.vector_store %arg12[%swap3A_194, %swap3A_195], %broadcast_in_dim3A_192 {strides = array<i32>} : memref<8x128xf32, #tpu.memory_space<vmem>>, vector<16xf32>,
    %broadcast_in_dim3A_197 = arith.constant 1.000000e+00 : f32
    %broadcast_in_dim3A_198 = vector.broadcast %broadcast_in_dim3A_197 : f32 to vector<16xf32>
    %swap3A_199 = arith.constant 4 : i32
    %swap3A_200 = arith.index_cast %swap3A_199 : i32 to index
    %swap3A_201 = arith.constant 0 : index
    %swap3A_202 = tpu.vector_load %arg12[%swap3A_200, %swap3A_201] {strides = array<i32>} : memref<8x128xf32, #tpu.memory_space<vmem>>, vector<16xf32>,
    tpu.vector_store %arg12[%swap3A_200, %swap3A_201], %broadcast_in_dim3A_198 {strides = array<i32>} : memref<8x128xf32, #tpu.memory_space<vmem>>, vector<16xf32>,
    %broadcast_in_dim3A_203 = arith.constant 1.000000e+00 : f32
    %broadcast_in_dim3A_204 = vector.broadcast %broadcast_in_dim3A_203 : f32 to vector<16xf32>
    %swap3A_205 = arith.constant 4 : i32
    %swap3A_206 = arith.index_cast %swap3A_205 : i32 to index
    %swap3A_207 = arith.constant 16 : index
    %swap3A_208 = tpu.vector_load %arg12[%swap3A_206, %swap3A_207] {strides = array<i32>} : memref<8x128xf32, #tpu.memory_space<vmem>>, vector<16xf32>,
    tpu.vector_store %arg12[%swap3A_206, %swap3A_207], %broadcast_in_dim3A_204 {strides = array<i32>} : memref<8x128xf32, #tpu.memory_space<vmem>>, vector<16xf32>,
    %broadcast_in_dim3A_209 = arith.constant 1.000000e+00 : f32
    %broadcast_in_dim3A_210 = vector.broadcast %broadcast_in_dim3A_209 : f32 to vector<16xf32>
    %swap3A_211 = arith.constant 4 : i32
    %swap3A_212 = arith.index_cast %swap3A_211 : i32 to index
    %swap3A_213 = arith.constant 32 : index
    %swap3A_214 = tpu.vector_load %arg12[%swap3A_212, %swap3A_213] {strides = array<i32>} : memref<8x128xf32, #tpu.memory_space<vmem>>, vector<16xf32>,
    tpu.vector_store %arg12[%swap3A_212, %swap3A_213], %broadcast_in_dim3A_210 {strides = array<i32>} : memref<8x128xf32, #tpu.memory_space<vmem>>, vector<16xf32>,
    %broadcast_in_dim3A_215 = arith.constant 1.000000e+00 : f32
    %broadcast_in_dim3A_216 = vector.broadcast %broadcast_in_dim3A_215 : f32 to vector<16xf32>
    %swap3A_217 = arith.constant 4 : i32
    %swap3A_218 = arith.index_cast %swap3A_217 : i32 to index
    %swap3A_219 = arith.constant 48 : index
    %swap3A_220 = tpu.vector_load %arg12[%swap3A_218, %swap3A_219] {strides = array<i32>} : memref<8x128xf32, #tpu.memory_space<vmem>>, vector<16xf32>,
    tpu.vector_store %arg12[%swap3A_218, %swap3A_219], %broadcast_in_dim3A_216 {strides = array<i32>} : memref<8x128xf32, #tpu.memory_space<vmem>>, vector<16xf32>,
    %broadcast_in_dim3A_221 = arith.constant 1.000000e+00 : f32
    %broadcast_in_dim3A_222 = vector.broadcast %broadcast_in_dim3A_221 : f32 to vector<16xf32>
    %swap3A_223 = arith.constant 4 : i32
    %swap3A_224 = arith.index_cast %swap3A_223 : i32 to index
    %swap3A_225 = arith.constant 64 : index
    %swap3A_226 = tpu.vector_load %arg12[%swap3A_224, %swap3A_225] {strides = array<i32>} : memref<8x128xf32, #tpu.memory_space<vmem>>, vector<16xf32>,
    tpu.vector_store %arg12[%swap3A_224, %swap3A_225], %broadcast_in_dim3A_222 {strides = array<i32>} : memref<8x128xf32, #tpu.memory_space<vmem>>, vector<16xf32>,
    %broadcast_in_dim3A_227 = arith.constant 1.000000e+00 : f32
    %broadcast_in_dim3A_228 = vector.broadcast %broadcast_in_dim3A_227 : f32 to vector<16xf32>
    %swap3A_229 = arith.constant 4 : i32
    %swap3A_230 = arith.index_cast %swap3A_229 : i32 to index
    %swap3A_231 = arith.constant 80 : index
    %swap3A_232 = tpu.vector_load %arg12[%swap3A_230, %swap3A_231] {strides = array<i32>} : memref<8x128xf32, #tpu.memory_space<vmem>>, vector<16xf32>,
    tpu.vector_store %arg12[%swap3A_230, %swap3A_231], %broadcast_in_dim3A_228 {strides = array<i32>} : memref<8x128xf32, #tpu.memory_space<vmem>>, vector<16xf32>,
    %broadcast_in_dim3A_233 = arith.constant 1.000000e+00 : f32
    %broadcast_in_dim3A_234 = vector.broadcast %broadcast_in_dim3A_233 : f32 to vector<16xf32>
    %swap3A_235 = arith.constant 4 : i32
    %swap3A_236 = arith.index_cast %swap3A_235 : i32 to index
    %swap3A_237 = arith.constant 96 : index
    %swap3A_238 = tpu.vector_load %arg12[%swap3A_236, %swap3A_237] {strides = array<i32>} : memref<8x128xf32, #tpu.memory_space<vmem>>, vector<16xf32>,
    tpu.vector_store %arg12[%swap3A_236, %swap3A_237], %broadcast_in_dim3A_234 {strides = array<i32>} : memref<8x128xf32, #tpu.memory_space<vmem>>, vector<16xf32>,
    %broadcast_in_dim3A_239 = arith.constant 1.000000e+00 : f32
    %broadcast_in_dim3A_240 = vector.broadcast %broadcast_in_dim3A_239 : f32 to vector<16xf32>
    %swap3A_241 = arith.constant 4 : i32
    %swap3A_242 = arith.index_cast %swap3A_241 : i32 to index
    %swap3A_243 = arith.constant 112 : index
    %swap3A_244 = tpu.vector_load %arg12[%swap3A_242, %swap3A_243] {strides = array<i32>} : memref<8x128xf32, #tpu.memory_space<vmem>>, vector<16xf32>,
    tpu.vector_store %arg12[%swap3A_242, %swap3A_243], %broadcast_in_dim3A_240 {strides = array<i32>} : memref<8x128xf32, #tpu.memory_space<vmem>>, vector<16xf32>,
    %broadcast_in_dim3A_245 = arith.constant 1.000000e+00 : f32
    %broadcast_in_dim3A_246 = vector.broadcast %broadcast_in_dim3A_245 : f32 to vector<16xf32>
    %swap3A_247 = arith.constant 5 : i32
    %swap3A_248 = arith.index_cast %swap3A_247 : i32 to index
    %swap3A_249 = arith.constant 0 : index
    %swap3A_250 = tpu.vector_load %arg12[%swap3A_248, %swap3A_249] {strides = array<i32>} : memref<8x128xf32, #tpu.memory_space<vmem>>, vector<16xf32>,
    tpu.vector_store %arg12[%swap3A_248, %swap3A_249], %broadcast_in_dim3A_246 {strides = array<i32>} : memref<8x128xf32, #tpu.memory_space<vmem>>, vector<16xf32>,
    %broadcast_in_dim3A_251 = arith.constant 1.000000e+00 : f32
    %broadcast_in_dim3A_252 = vector.broadcast %broadcast_in_dim3A_251 : f32 to vector<16xf32>
    %swap3A_253 = arith.constant 5 : i32
    %swap3A_254 = arith.index_cast %swap3A_253 : i32 to index
    %swap3A_255 = arith.constant 16 : index
    %swap3A_256 = tpu.vector_load %arg12[%swap3A_254, %swap3A_255] {strides = array<i32>} : memref<8x128xf32, #tpu.memory_space<vmem>>, vector<16xf32>,
    tpu.vector_store %arg12[%swap3A_254, %swap3A_255], %broadcast_in_dim3A_252 {strides = array<i32>} : memref<8x128xf32, #tpu.memory_space<vmem>>, vector<16xf32>,
    %broadcast_in_dim3A_257 = arith.constant 1.000000e+00 : f32
    %broadcast_in_dim3A_258 = vector.broadcast %broadcast_in_dim3A_257 : f32 to vector<16xf32>
    %swap3A_259 = arith.constant 5 : i32
    %swap3A_260 = arith.index_cast %swap3A_259 : i32 to index
    %swap3A_261 = arith.constant 32 : index
    %swap3A_262 = tpu.vector_load %arg12[%swap3A_260, %swap3A_261] {strides = array<i32>} : memref<8x128xf32, #tpu.memory_space<vmem>>, vector<16xf32>,
    tpu.vector_store %arg12[%swap3A_260, %swap3A_261], %broadcast_in_dim3A_258 {strides = array<i32>} : memref<8x128xf32, #tpu.memory_space<vmem>>, vector<16xf32>,
    %broadcast_in_dim3A_263 = arith.constant 1.000000e+00 : f32
    %broadcast_in_dim3A_264 = vector.broadcast %broadcast_in_dim3A_263 : f32 to vector<16xf32>
    %swap3A_265 = arith.constant 5 : i32
    %swap3A_266 = arith.index_cast %swap3A_265 : i32 to index
    %swap3A_267 = arith.constant 48 : index
    %swap3A_268 = tpu.vector_load %arg12[%swap3A_266, %swap3A_267] {strides = array<i32>} : memref<8x128xf32, #tpu.memory_space<vmem>>, vector<16xf32>,
    tpu.vector_store %arg12[%swap3A_266, %swap3A_267], %broadcast_in_dim3A_264 {strides = array<i32>} : memref<8x128xf32, #tpu.memory_space<vmem>>, vector<16xf32>,
    %broadcast_in_dim3A_269 = arith.constant 1.000000e+00 : f32
    %broadcast_in_dim3A_270 = vector.broadcast %broadcast_in_dim3A_269 : f32 to vector<16xf32>
    %swap3A_271 = arith.constant 5 : i32
    %swap3A_272 = arith.index_cast %swap3A_271 : i32 to index
    %swap3A_273 = arith.constant 64 : index
    %swap3A_274 = tpu.vector_load %arg12[%swap3A_272, %swap3A_273] {strides = array<i32>} : memref<8x128xf32, #tpu.memory_space<vmem>>, vector<16xf32>,
    tpu.vector_store %arg12[%swap3A_272, %swap3A_273], %broadcast_in_dim3A_270 {strides = array<i32>} : memref<8x128xf32, #tpu.memory_space<vmem>>, vector<16xf32>,
    %broadcast_in_dim3A_275 = arith.constant 1.000000e+00 : f32
    %broadcast_in_dim3A_276 = vector.broadcast %broadcast_in_dim3A_275 : f32 to vector<16xf32>
    %swap3A_277 = arith.constant 5 : i32
    %swap3A_278 = arith.index_cast %swap3A_277 : i32 to index
    %swap3A_279 = arith.constant 80 : index
    %swap3A_280 = tpu.vector_load %arg12[%swap3A_278, %swap3A_279] {strides = array<i32>} : memref<8x128xf32, #tpu.memory_space<vmem>>, vector<16xf32>,
    tpu.vector_store %arg12[%swap3A_278, %swap3A_279], %broadcast_in_dim3A_276 {strides = array<i32>} : memref<8x128xf32, #tpu.memory_space<vmem>>, vector<16xf32>,
    %broadcast_in_dim3A_281 = arith.constant 1.000000e+00 : f32
    %broadcast_in_dim3A_282 = vector.broadcast %broadcast_in_dim3A_281 : f32 to vector<16xf32>
    %swap3A_283 = arith.constant 5 : i32
    %swap3A_284 = arith.index_cast %swap3A_283 : i32 to index
    %swap3A_285 = arith.constant 96 : index
    %swap3A_286 = tpu.vector_load %arg12[%swap3A_284, %swap3A_285] {strides = array<i32>} : memref<8x128xf32, #tpu.memory_space<vmem>>, vector<16xf32>,
    tpu.vector_store %arg12[%swap3A_284, %swap3A_285], %broadcast_in_dim3A_282 {strides = array<i32>} : memref<8x128xf32, #tpu.memory_space<vmem>>, vector<16xf32>,
    %broadcast_in_dim3A_287 = arith.constant 1.000000e+00 : f32
    %broadcast_in_dim3A_288 = vector.broadcast %broadcast_in_dim3A_287 : f32 to vector<16xf32>
    %swap3A_289 = arith.constant 5 : i32
    %swap3A_290 = arith.index_cast %swap3A_289 : i32 to index
    %swap3A_291 = arith.constant 112 : index
    %swap3A_292 = tpu.vector_load %arg12[%swap3A_290, %swap3A_291] {strides = array<i32>} : memref<8x128xf32, #tpu.memory_space<vmem>>, vector<16xf32>,
    tpu.vector_store %arg12[%swap3A_290, %swap3A_291], %broadcast_in_dim3A_288 {strides = array<i32>} : memref<8x128xf32, #tpu.memory_space<vmem>>, vector<16xf32>,
    %broadcast_in_dim3A_293 = arith.constant 1.000000e+00 : f32
    %broadcast_in_dim3A_294 = vector.broadcast %broadcast_in_dim3A_293 : f32 to vector<16xf32>
    %swap3A_295 = arith.constant 6 : i32
    %swap3A_296 = arith.index_cast %swap3A_295 : i32 to index
    %swap3A_297 = arith.constant 0 : index
    %swap3A_298 = tpu.vector_load %arg12[%swap3A_296, %swap3A_297] {strides = array<i32>} : memref<8x128xf32, #tpu.memory_space<vmem>>, vector<16xf32>,
    tpu.vector_store %arg12[%swap3A_296, %swap3A_297], %broadcast_in_dim3A_294 {strides = array<i32>} : memref<8x128xf32, #tpu.memory_space<vmem>>, vector<16xf32>,
    %broadcast_in_dim3A_299 = arith.constant 1.000000e+00 : f32
    %broadcast_in_dim3A_300 = vector.broadcast %broadcast_in_dim3A_299 : f32 to vector<16xf32>
    %swap3A_301 = arith.constant 6 : i32
    %swap3A_302 = arith.index_cast %swap3A_301 : i32 to index
    %swap3A_303 = arith.constant 16 : index
    %swap3A_304 = tpu.vector_load %arg12[%swap3A_302, %swap3A_303] {strides = array<i32>} : memref<8x128xf32, #tpu.memory_space<vmem>>, vector<16xf32>,
    tpu.vector_store %arg12[%swap3A_302, %swap3A_303], %broadcast_in_dim3A_300 {strides = array<i32>} : memref<8x128xf32, #tpu.memory_space<vmem>>, vector<16xf32>,
    %broadcast_in_dim3A_305 = arith.constant 1.000000e+00 : f32
    %broadcast_in_dim3A_306 = vector.broadcast %broadcast_in_dim3A_305 : f32 to vector<16xf32>
    %swap3A_307 = arith.constant 6 : i32
    %swap3A_308 = arith.index_cast %swap3A_307 : i32 to index
    %swap3A_309 = arith.constant 32 : index
    %swap3A_310 = tpu.vector_load %arg12[%swap3A_308, %swap3A_309] {strides = array<i32>} : memref<8x128xf32, #tpu.memory_space<vmem>>, vector<16xf32>,
    tpu.vector_store %arg12[%swap3A_308, %swap3A_309], %broadcast_in_dim3A_306 {strides = array<i32>} : memref<8x128xf32, #tpu.memory_space<vmem>>, vector<16xf32>,
    %broadcast_in_dim3A_311 = arith.constant 1.000000e+00 : f32
    %broadcast_in_dim3A_312 = vector.broadcast %broadcast_in_dim3A_311 : f32 to vector<16xf32>
    %swap3A_313 = arith.constant 6 : i32
    %swap3A_314 = arith.index_cast %swap3A_313 : i32 to index
    %swap3A_315 = arith.constant 48 : index
    %swap3A_316 = tpu.vector_load %arg12[%swap3A_314, %swap3A_315] {strides = array<i32>} : memref<8x128xf32, #tpu.memory_space<vmem>>, vector<16xf32>,
    tpu.vector_store %arg12[%swap3A_314, %swap3A_315], %broadcast_in_dim3A_312 {strides = array<i32>} : memref<8x128xf32, #tpu.memory_space<vmem>>, vector<16xf32>,
    %broadcast_in_dim3A_317 = arith.constant 1.000000e+00 : f32
    %broadcast_in_dim3A_318 = vector.broadcast %broadcast_in_dim3A_317 : f32 to vector<16xf32>
    %swap3A_319 = arith.constant 6 : i32
    %swap3A_320 = arith.index_cast %swap3A_319 : i32 to index
    %swap3A_321 = arith.constant 64 : index
    %swap3A_322 = tpu.vector_load %arg12[%swap3A_320, %swap3A_321] {strides = array<i32>} : memref<8x128xf32, #tpu.memory_space<vmem>>, vector<16xf32>,
    tpu.vector_store %arg12[%swap3A_320, %swap3A_321], %broadcast_in_dim3A_318 {strides = array<i32>} : memref<8x128xf32, #tpu.memory_space<vmem>>, vector<16xf32>,
    %broadcast_in_dim3A_323 = arith.constant 1.000000e+00 : f32
    %broadcast_in_dim3A_324 = vector.broadcast %broadcast_in_dim3A_323 : f32 to vector<16xf32>
    %swap3A_325 = arith.constant 6 : i32
    %swap3A_326 = arith.index_cast %swap3A_325 : i32 to index
    %swap3A_327 = arith.constant 80 : index
    %swap3A_328 = tpu.vector_load %arg12[%swap3A_326, %swap3A_327] {strides = array<i32>} : memref<8x128xf32, #tpu.memory_space<vmem>>, vector<16xf32>,
    tpu.vector_store %arg12[%swap3A_326, %swap3A_327], %broadcast_in_dim3A_324 {strides = array<i32>} : memref<8x128xf32, #tpu.memory_space<vmem>>, vector<16xf32>,
    %broadcast_in_dim3A_329 = arith.constant 1.000000e+00 : f32
    %broadcast_in_dim3A_330 = vector.broadcast %broadcast_in_dim3A_329 : f32 to vector<16xf32>
    %swap3A_331 = arith.constant 6 : i32
    %swap3A_332 = arith.index_cast %swap3A_331 : i32 to index
    %swap3A_333 = arith.constant 96 : index
    %swap3A_334 = tpu.vector_load %arg12[%swap3A_332, %swap3A_333] {strides = array<i32>} : memref<8x128xf32, #tpu.memory_space<vmem>>, vector<16xf32>,
    tpu.vector_store %arg12[%swap3A_332, %swap3A_333], %broadcast_in_dim3A_330 {strides = array<i32>} : memref<8x128xf32, #tpu.memory_space<vmem>>, vector<16xf32>,
    %broadcast_in_dim3A_335 = arith.constant 1.000000e+00 : f32
    %broadcast_in_dim3A_336 = vector.broadcast %broadcast_in_dim3A_335 : f32 to vector<16xf32>
    %swap3A_337 = arith.constant 6 : i32
    %swap3A_338 = arith.index_cast %swap3A_337 : i32 to index
    %swap3A_339 = arith.constant 112 : index
    %swap3A_340 = tpu.vector_load %arg12[%swap3A_338, %swap3A_339] {strides = array<i32>} : memref<8x128xf32, #tpu.memory_space<vmem>>, vector<16xf32>,
    tpu.vector_store %arg12[%swap3A_338, %swap3A_339], %broadcast_in_dim3A_336 {strides = array<i32>} : memref<8x128xf32, #tpu.memory_space<vmem>>, vector<16xf32>,
    %broadcast_in_dim3A_341 = arith.constant 1.000000e+00 : f32
    %broadcast_in_dim3A_342 = vector.broadcast %broadcast_in_dim3A_341 : f32 to vector<16xf32>
    %swap3A_343 = arith.constant 7 : i32
    %swap3A_344 = arith.index_cast %swap3A_343 : i32 to index
    %swap3A_345 = arith.constant 0 : index
    %swap3A_346 = tpu.vector_load %arg12[%swap3A_344, %swap3A_345] {strides = array<i32>} : memref<8x128xf32, #tpu.memory_space<vmem>>, vector<16xf32>,
    tpu.vector_store %arg12[%swap3A_344, %swap3A_345], %broadcast_in_dim3A_342 {strides = array<i32>} : memref<8x128xf32, #tpu.memory_space<vmem>>, vector<16xf32>,
    %broadcast_in_dim3A_347 = arith.constant 1.000000e+00 : f32
    %broadcast_in_dim3A_348 = vector.broadcast %broadcast_in_dim3A_347 : f32 to vector<16xf32>
    %swap3A_349 = arith.constant 7 : i32
    %swap3A_350 = arith.index_cast %swap3A_349 : i32 to index
    %swap3A_351 = arith.constant 16 : index
    %swap3A_352 = tpu.vector_load %arg12[%swap3A_350, %swap3A_351] {strides = array<i32>} : memref<8x128xf32, #tpu.memory_space<vmem>>, vector<16xf32>,
    tpu.vector_store %arg12[%swap3A_350, %swap3A_351], %broadcast_in_dim3A_348 {strides = array<i32>} : memref<8x128xf32, #tpu.memory_space<vmem>>, vector<16xf32>,
    %broadcast_in_dim3A_353 = arith.constant 1.000000e+00 : f32
    %broadcast_in_dim3A_354 = vector.broadcast %broadcast_in_dim3A_353 : f32 to vector<16xf32>
    %swap3A_355 = arith.constant 7 : i32
    %swap3A_356 = arith.index_cast %swap3A_355 : i32 to index
    %swap3A_357 = arith.constant 32 : index
    %swap3A_358 = tpu.vector_load %arg12[%swap3A_356, %swap3A_357] {strides = array<i32>} : memref<8x128xf32, #tpu.memory_space<vmem>>, vector<16xf32>,
    tpu.vector_store %arg12[%swap3A_356, %swap3A_357], %broadcast_in_dim3A_354 {strides = array<i32>} : memref<8x128xf32, #tpu.memory_space<vmem>>, vector<16xf32>,
    %broadcast_in_dim3A_359 = arith.constant 1.000000e+00 : f32
    %broadcast_in_dim3A_360 = vector.broadcast %broadcast_in_dim3A_359 : f32 to vector<16xf32>
    %swap3A_361 = arith.constant 7 : i32
    %swap3A_362 = arith.index_cast %swap3A_361 : i32 to index
    %swap3A_363 = arith.constant 48 : index
    %swap3A_364 = tpu.vector_load %arg12[%swap3A_362, %swap3A_363] {strides = array<i32>} : memref<8x128xf32, #tpu.memory_space<vmem>>, vector<16xf32>,
    tpu.vector_store %arg12[%swap3A_362, %swap3A_363], %broadcast_in_dim3A_360 {strides = array<i32>} : memref<8x128xf32, #tpu.memory_space<vmem>>, vector<16xf32>,
    %broadcast_in_dim3A_365 = arith.constant 1.000000e+00 : f32
    %broadcast_in_dim3A_366 = vector.broadcast %broadcast_in_dim3A_365 : f32 to vector<16xf32>
    %swap3A_367 = arith.constant 7 : i32
    %swap3A_368 = arith.index_cast %swap3A_367 : i32 to index
    %swap3A_369 = arith.constant 64 : index
    %swap3A_370 = tpu.vector_load %arg12[%swap3A_368, %swap3A_369] {strides = array<i32>} : memref<8x128xf32, #tpu.memory_space<vmem>>, vector<16xf32>,
    tpu.vector_store %arg12[%swap3A_368, %swap3A_369], %broadcast_in_dim3A_366 {strides = array<i32>} : memref<8x128xf32, #tpu.memory_space<vmem>>, vector<16xf32>,
    %broadcast_in_dim3A_371 = arith.constant 1.000000e+00 : f32
    %broadcast_in_dim3A_372 = vector.broadcast %broadcast_in_dim3A_371 : f32 to vector<16xf32>
    %swap3A_373 = arith.constant 7 : i32
    %swap3A_374 = arith.index_cast %swap3A_373 : i32 to index
    %swap3A_375 = arith.constant 80 : index
    %swap3A_376 = tpu.vector_load %arg12[%swap3A_374, %swap3A_375] {strides = array<i32>} : memref<8x128xf32, #tpu.memory_space<vmem>>, vector<16xf32>,
    tpu.vector_store %arg12[%swap3A_374, %swap3A_375], %broadcast_in_dim3A_372 {strides = array<i32>} : memref<8x128xf32, #tpu.memory_space<vmem>>, vector<16xf32>,
    %broadcast_in_dim3A_377 = arith.constant 1.000000e+00 : f32
    %broadcast_in_dim3A_378 = vector.broadcast %broadcast_in_dim3A_377 : f32 to vector<16xf32>
    %swap3A_379 = arith.constant 7 : i32
    %swap3A_380 = arith.index_cast %swap3A_379 : i32 to index
    %swap3A_381 = arith.constant 96 : index
    %swap3A_382 = tpu.vector_load %arg12[%swap3A_380, %swap3A_381] {strides = array<i32>} : memref<8x128xf32, #tpu.memory_space<vmem>>, vector<16xf32>,
    tpu.vector_store %arg12[%swap3A_380, %swap3A_381], %broadcast_in_dim3A_378 {strides = array<i32>} : memref<8x128xf32, #tpu.memory_space<vmem>>, vector<16xf32>,
    %broadcast_in_dim3A_383 = arith.constant 1.000000e+00 : f32
    %broadcast_in_dim3A_384 = vector.broadcast %broadcast_in_dim3A_383 : f32 to vector<16xf32>
    %swap3A_385 = arith.constant 7 : i32
    %swap3A_386 = arith.index_cast %swap3A_385 : i32 to index
    %swap3A_387 = arith.constant 112 : index
    %swap3A_388 = tpu.vector_load %arg12[%swap3A_386, %swap3A_387] {strides = array<i32>} : memref<8x128xf32, #tpu.memory_space<vmem>>, vector<16xf32>,
    tpu.vector_store %arg12[%swap3A_386, %swap3A_387], %broadcast_in_dim3A_384 {strides = array<i32>} : memref<8x128xf32, #tpu.memory_space<vmem>>, vector<16xf32>,
    %mul3A_389 = arith.constant 6272 : i32
    %mul3A_390 = arith.muli %arg1, %mul3A_389 : i32
    tpu.enqueue_dma source(%arg2 : memref<100352xf32, #tpu.memory_space<hbm>>) target(%arg9 : memref<100352xf32, #tpu.memory_space<vmem>>) target_semaphore(%arg15 : memref<!tpu.dma_semaphore, #tpu.memory_space<semaphore_mem>>)
    tpu.wait_dma2 semaphore(%arg15 : memref<!tpu.dma_semaphore, #tpu.memory_space<semaphore_mem>>) src(%arg2 : memref<100352xf32, #tpu.memory_space<hbm>>) dst(%arg9 : memref<100352xf32, #tpu.memory_space<vmem>>)
    %add3A_391 = arith.constant 0 : i32
    %add3A_392 = arith.addi %mul3A_390, %add3A_391 : i32
    %dma_start3A = tpu.memref_slice %arg7[%add3A_392] : memref<100352xf32, #tpu.memory_space<vmem_shared>> -> memref<784xf32, #tpu.memory_space<vmem_shared>>
    %dma_start3A_393 = tpu.memref_slice %arg7[%add3A_392] : memref<100352xf32, #tpu.memory_space<vmem_shared>> -> memref<784xf32, #tpu.memory_space<vmem_shared>>
    tpu.enqueue_dma source(%arg13 : memref<784xf32, #tpu.memory_space<vmem>>) target(%dma_start3A_393 : memref<784xf32, #tpu.memory_space<vmem_shared>>) target_semaphore(%arg15 : memref<!tpu.dma_semaphore, #tpu.memory_space<semaphore_mem>>)
    %dma_wait3A = tpu.memref_slice %arg7[%add3A_392] : memref<100352xf32, #tpu.memory_space<vmem_shared>> -> memref<784xf32, #tpu.memory_space<vmem_shared>>
    %dma_wait3A_394 = tpu.memref_slice %arg7[%add3A_392] : memref<100352xf32, #tpu.memory_space<vmem_shared>> -> memref<784xf32, #tpu.memory_space<vmem_shared>>
    tpu.wait_dma2 semaphore(%arg15 : memref<!tpu.dma_semaphore, #tpu.memory_space<semaphore_mem>>) src(%arg13 : memref<784xf32, #tpu.memory_space<vmem>>) dst(%dma_wait3A_394 : memref<784xf32, #tpu.memory_space<vmem_shared>>)
    %add3A_395 = arith.constant 0 : i32
    %add3A_396 = arith.addi %mul3A_390, %add3A_395 : i32
    %dma_start3A_397 = tpu.memref_slice %arg8[%add3A_396] : memref<100352xf32, #tpu.memory_space<vmem_shared>> -> memref<784xf32, #tpu.memory_space<vmem_shared>>
    %dma_start3A_398 = tpu.memref_slice %arg8[%add3A_396] : memref<100352xf32, #tpu.memory_space<vmem_shared>> -> memref<784xf32, #tpu.memory_space<vmem_shared>>
    tpu.enqueue_dma source(%arg13 : memref<784xf32, #tpu.memory_space<vmem>>) target(%dma_start3A_398 : memref<784xf32, #tpu.memory_space<vmem_shared>>) target_semaphore(%arg15 : memref<!tpu.dma_semaphore, #tpu.memory_space<semaphore_mem>>)
    %dma_wait3A_399 = tpu.memref_slice %arg8[%add3A_396] : memref<100352xf32, #tpu.memory_space<vmem_shared>> -> memref<784xf32, #tpu.memory_space<vmem_shared>>
    %dma_wait3A_400 = tpu.memref_slice %arg8[%add3A_396] : memref<100352xf32, #tpu.memory_space<vmem_shared>> -> memref<784xf32, #tpu.memory_space<vmem_shared>>
    tpu.wait_dma2 semaphore(%arg15 : memref<!tpu.dma_semaphore, #tpu.memory_space<semaphore_mem>>) src(%arg13 : memref<784xf32, #tpu.memory_space<vmem>>) dst(%dma_wait3A_400 : memref<784xf32, #tpu.memory_space<vmem_shared>>)
    %add3A_401 = arith.constant 784 : i32
    %add3A_402 = arith.addi %mul3A_390, %add3A_401 : i32
    %dma_start3A_403 = tpu.memref_slice %arg7[%add3A_402] : memref<100352xf32, #tpu.memory_space<vmem_shared>> -> memref<784xf32, #tpu.memory_space<vmem_shared>>
    %dma_start3A_404 = tpu.memref_slice %arg7[%add3A_402] : memref<100352xf32, #tpu.memory_space<vmem_shared>> -> memref<784xf32, #tpu.memory_space<vmem_shared>>
    tpu.enqueue_dma source(%arg13 : memref<784xf32, #tpu.memory_space<vmem>>) target(%dma_start3A_404 : memref<784xf32, #tpu.memory_space<vmem_shared>>) target_semaphore(%arg15 : memref<!tpu.dma_semaphore, #tpu.memory_space<semaphore_mem>>)
    %dma_wait3A_405 = tpu.memref_slice %arg7[%add3A_402] : memref<100352xf32, #tpu.memory_space<vmem_shared>> -> memref<784xf32, #tpu.memory_space<vmem_shared>>
    %dma_wait3A_406 = tpu.memref_slice %arg7[%add3A_402] : memref<100352xf32, #tpu.memory_space<vmem_shared>> -> memref<784xf32, #tpu.memory_space<vmem_shared>>
    tpu.wait_dma2 semaphore(%arg15 : memref<!tpu.dma_semaphore, #tpu.memory_space<semaphore_mem>>) src(%arg13 : memref<784xf32, #tpu.memory_space<vmem>>) dst(%dma_wait3A_406 : memref<784xf32, #tpu.memory_space<vmem_shared>>)
    %add3A_407 = arith.constant 784 : i32
    %add3A_408 = arith.addi %mul3A_390, %add3A_407 : i32
    %dma_start3A_409 = tpu.memref_slice %arg8[%add3A_408] : memref<100352xf32, #tpu.memory_space<vmem_shared>> -> memref<784xf32, #tpu.memory_space<vmem_shared>>
    %dma_start3A_410 = tpu.memref_slice %arg8[%add3A_408] : memref<100352xf32, #tpu.memory_space<vmem_shared>> -> memref<784xf32, #tpu.memory_space<vmem_shared>>
    tpu.enqueue_dma source(%arg13 : memref<784xf32, #tpu.memory_space<vmem>>) target(%dma_start3A_410 : memref<784xf32, #tpu.memory_space<vmem_shared>>) target_semaphore(%arg15 : memref<!tpu.dma_semaphore, #tpu.memory_space<semaphore_mem>>)
    %dma_wait3A_411 = tpu.memref_slice %arg8[%add3A_408] : memref<100352xf32, #tpu.memory_space<vmem_shared>> -> memref<784xf32, #tpu.memory_space<vmem_shared>>
    %dma_wait3A_412 = tpu.memref_slice %arg8[%add3A_408] : memref<100352xf32, #tpu.memory_space<vmem_shared>> -> memref<784xf32, #tpu.memory_space<vmem_shared>>
    tpu.wait_dma2 semaphore(%arg15 : memref<!tpu.dma_semaphore, #tpu.memory_space<semaphore_mem>>) src(%arg13 : memref<784xf32, #tpu.memory_space<vmem>>) dst(%dma_wait3A_412 : memref<784xf32, #tpu.memory_space<vmem_shared>>)
    %add3A_413 = arith.constant 1568 : i32
    %add3A_414 = arith.addi %mul3A_390, %add3A_413 : i32
    %dma_start3A_415 = tpu.memref_slice %arg7[%add3A_414] : memref<100352xf32, #tpu.memory_space<vmem_shared>> -> memref<784xf32, #tpu.memory_space<vmem_shared>>
    %dma_start3A_416 = tpu.memref_slice %arg7[%add3A_414] : memref<100352xf32, #tpu.memory_space<vmem_shared>> -> memref<784xf32, #tpu.memory_space<vmem_shared>>
    tpu.enqueue_dma source(%arg13 : memref<784xf32, #tpu.memory_space<vmem>>) target(%dma_start3A_416 : memref<784xf32, #tpu.memory_space<vmem_shared>>) target_semaphore(%arg15 : memref<!tpu.dma_semaphore, #tpu.memory_space<semaphore_mem>>)
    %dma_wait3A_417 = tpu.memref_slice %arg7[%add3A_414] : memref<100352xf32, #tpu.memory_space<vmem_shared>> -> memref<784xf32, #tpu.memory_space<vmem_shared>>
    %dma_wait3A_418 = tpu.memref_slice %arg7[%add3A_414] : memref<100352xf32, #tpu.memory_space<vmem_shared>> -> memref<784xf32, #tpu.memory_space<vmem_shared>>
    tpu.wait_dma2 semaphore(%arg15 : memref<!tpu.dma_semaphore, #tpu.memory_space<semaphore_mem>>) src(%arg13 : memref<784xf32, #tpu.memory_space<vmem>>) dst(%dma_wait3A_418 : memref<784xf32, #tpu.memory_space<vmem_shared>>)
    %add3A_419 = arith.constant 1568 : i32
    %add3A_420 = arith.addi %mul3A_390, %add3A_419 : i32
    %dma_start3A_421 = tpu.memref_slice %arg8[%add3A_420] : memref<100352xf32, #tpu.memory_space<vmem_shared>> -> memref<784xf32, #tpu.memory_space<vmem_shared>>
    %dma_start3A_422 = tpu.memref_slice %arg8[%add3A_420] : memref<100352xf32, #tpu.memory_space<vmem_shared>> -> memref<784xf32, #tpu.memory_space<vmem_shared>>
    tpu.enqueue_dma source(%arg13 : memref<784xf32, #tpu.memory_space<vmem>>) target(%dma_start3A_422 : memref<784xf32, #tpu.memory_space<vmem_shared>>) target_semaphore(%arg15 : memref<!tpu.dma_semaphore, #tpu.memory_space<semaphore_mem>>)
    %dma_wait3A_423 = tpu.memref_slice %arg8[%add3A_420] : memref<100352xf32, #tpu.memory_space<vmem_shared>> -> memref<784xf32, #tpu.memory_space<vmem_shared>>
    %dma_wait3A_424 = tpu.memref_slice %arg8[%add3A_420] : memref<100352xf32, #tpu.memory_space<vmem_shared>> -> memref<784xf32, #tpu.memory_space<vmem_shared>>
    tpu.wait_dma2 semaphore(%arg15 : memref<!tpu.dma_semaphore, #tpu.memory_space<semaphore_mem>>) src(%arg13 : memref<784xf32, #tpu.memory_space<vmem>>) dst(%dma_wait3A_424 : memref<784xf32, #tpu.memory_space<vmem_shared>>)
    %add3A_425 = arith.constant 2352 : i32
    %add3A_426 = arith.addi %mul3A_390, %add3A_425 : i32
    %dma_start3A_427 = tpu.memref_slice %arg7[%add3A_426] : memref<100352xf32, #tpu.memory_space<vmem_shared>> -> memref<784xf32, #tpu.memory_space<vmem_shared>>
    %dma_start3A_428 = tpu.memref_slice %arg7[%add3A_426] : memref<100352xf32, #tpu.memory_space<vmem_shared>> -> memref<784xf32, #tpu.memory_space<vmem_shared>>
    tpu.enqueue_dma source(%arg13 : memref<784xf32, #tpu.memory_space<vmem>>) target(%dma_start3A_428 : memref<784xf32, #tpu.memory_space<vmem_shared>>) target_semaphore(%arg15 : memref<!tpu.dma_semaphore, #tpu.memory_space<semaphore_mem>>)
    %dma_wait3A_429 = tpu.memref_slice %arg7[%add3A_426] : memref<100352xf32, #tpu.memory_space<vmem_shared>> -> memref<784xf32, #tpu.memory_space<vmem_shared>>
    %dma_wait3A_430 = tpu.memref_slice %arg7[%add3A_426] : memref<100352xf32, #tpu.memory_space<vmem_shared>> -> memref<784xf32, #tpu.memory_space<vmem_shared>>
    tpu.wait_dma2 semaphore(%arg15 : memref<!tpu.dma_semaphore, #tpu.memory_space<semaphore_mem>>) src(%arg13 : memref<784xf32, #tpu.memory_space<vmem>>) dst(%dma_wait3A_430 : memref<784xf32, #tpu.memory_space<vmem_shared>>)
    %add3A_431 = arith.constant 2352 : i32
    %add3A_432 = arith.addi %mul3A_390, %add3A_431 : i32
    %dma_start3A_433 = tpu.memref_slice %arg8[%add3A_432] : memref<100352xf32, #tpu.memory_space<vmem_shared>> -> memref<784xf32, #tpu.memory_space<vmem_shared>>
    %dma_start3A_434 = tpu.memref_slice %arg8[%add3A_432] : memref<100352xf32, #tpu.memory_space<vmem_shared>> -> memref<784xf32, #tpu.memory_space<vmem_shared>>
    tpu.enqueue_dma source(%arg13 : memref<784xf32, #tpu.memory_space<vmem>>) target(%dma_start3A_434 : memref<784xf32, #tpu.memory_space<vmem_shared>>) target_semaphore(%arg15 : memref<!tpu.dma_semaphore, #tpu.memory_space<semaphore_mem>>)
    %dma_wait3A_435 = tpu.memref_slice %arg8[%add3A_432] : memref<100352xf32, #tpu.memory_space<vmem_shared>> -> memref<784xf32, #tpu.memory_space<vmem_shared>>
    %dma_wait3A_436 = tpu.memref_slice %arg8[%add3A_432] : memref<100352xf32, #tpu.memory_space<vmem_shared>> -> memref<784xf32, #tpu.memory_space<vmem_shared>>
    tpu.wait_dma2 semaphore(%arg15 : memref<!tpu.dma_semaphore, #tpu.memory_space<semaphore_mem>>) src(%arg13 : memref<784xf32, #tpu.memory_space<vmem>>) dst(%dma_wait3A_436 : memref<784xf32, #tpu.memory_space<vmem_shared>>)
    %add3A_437 = arith.constant 3136 : i32
    %add3A_438 = arith.addi %mul3A_390, %add3A_437 : i32
    %dma_start3A_439 = tpu.memref_slice %arg7[%add3A_438] : memref<100352xf32, #tpu.memory_space<vmem_shared>> -> memref<784xf32, #tpu.memory_space<vmem_shared>>
    %dma_start3A_440 = tpu.memref_slice %arg7[%add3A_438] : memref<100352xf32, #tpu.memory_space<vmem_shared>> -> memref<784xf32, #tpu.memory_space<vmem_shared>>
    tpu.enqueue_dma source(%arg13 : memref<784xf32, #tpu.memory_space<vmem>>) target(%dma_start3A_440 : memref<784xf32, #tpu.memory_space<vmem_shared>>) target_semaphore(%arg15 : memref<!tpu.dma_semaphore, #tpu.memory_space<semaphore_mem>>)
    %dma_wait3A_441 = tpu.memref_slice %arg7[%add3A_438] : memref<100352xf32, #tpu.memory_space<vmem_shared>> -> memref<784xf32, #tpu.memory_space<vmem_shared>>
    %dma_wait3A_442 = tpu.memref_slice %arg7[%add3A_438] : memref<100352xf32, #tpu.memory_space<vmem_shared>> -> memref<784xf32, #tpu.memory_space<vmem_shared>>
    tpu.wait_dma2 semaphore(%arg15 : memref<!tpu.dma_semaphore, #tpu.memory_space<semaphore_mem>>) src(%arg13 : memref<784xf32, #tpu.memory_space<vmem>>) dst(%dma_wait3A_442 : memref<784xf32, #tpu.memory_space<vmem_shared>>)
    %add3A_443 = arith.constant 3136 : i32
    %add3A_444 = arith.addi %mul3A_390, %add3A_443 : i32
    %dma_start3A_445 = tpu.memref_slice %arg8[%add3A_444] : memref<100352xf32, #tpu.memory_space<vmem_shared>> -> memref<784xf32, #tpu.memory_space<vmem_shared>>
    %dma_start3A_446 = tpu.memref_slice %arg8[%add3A_444] : memref<100352xf32, #tpu.memory_space<vmem_shared>> -> memref<784xf32, #tpu.memory_space<vmem_shared>>
    tpu.enqueue_dma source(%arg13 : memref<784xf32, #tpu.memory_space<vmem>>) target(%dma_start3A_446 : memref<784xf32, #tpu.memory_space<vmem_shared>>) target_semaphore(%arg15 : memref<!tpu.dma_semaphore, #tpu.memory_space<semaphore_mem>>)
    %dma_wait3A_447 = tpu.memref_slice %arg8[%add3A_444] : memref<100352xf32, #tpu.memory_space<vmem_shared>> -> memref<784xf32, #tpu.memory_space<vmem_shared>>
    %dma_wait3A_448 = tpu.memref_slice %arg8[%add3A_444] : memref<100352xf32, #tpu.memory_space<vmem_shared>> -> memref<784xf32, #tpu.memory_space<vmem_shared>>
    tpu.wait_dma2 semaphore(%arg15 : memref<!tpu.dma_semaphore, #tpu.memory_space<semaphore_mem>>) src(%arg13 : memref<784xf32, #tpu.memory_space<vmem>>) dst(%dma_wait3A_448 : memref<784xf32, #tpu.memory_space<vmem_shared>>)
    %add3A_449 = arith.constant 3920 : i32
    %add3A_450 = arith.addi %mul3A_390, %add3A_449 : i32
    %dma_start3A_451 = tpu.memref_slice %arg7[%add3A_450] : memref<100352xf32, #tpu.memory_space<vmem_shared>> -> memref<784xf32, #tpu.memory_space<vmem_shared>>
    %dma_start3A_452 = tpu.memref_slice %arg7[%add3A_450] : memref<100352xf32, #tpu.memory_space<vmem_shared>> -> memref<784xf32, #tpu.memory_space<vmem_shared>>
    tpu.enqueue_dma source(%arg13 : memref<784xf32, #tpu.memory_space<vmem>>) target(%dma_start3A_452 : memref<784xf32, #tpu.memory_space<vmem_shared>>) target_semaphore(%arg15 : memref<!tpu.dma_semaphore, #tpu.memory_space<semaphore_mem>>)
    %dma_wait3A_453 = tpu.memref_slice %arg7[%add3A_450] : memref<100352xf32, #tpu.memory_space<vmem_shared>> -> memref<784xf32, #tpu.memory_space<vmem_shared>>
    %dma_wait3A_454 = tpu.memref_slice %arg7[%add3A_450] : memref<100352xf32, #tpu.memory_space<vmem_shared>> -> memref<784xf32, #tpu.memory_space<vmem_shared>>
    tpu.wait_dma2 semaphore(%arg15 : memref<!tpu.dma_semaphore, #tpu.memory_space<semaphore_mem>>) src(%arg13 : memref<784xf32, #tpu.memory_space<vmem>>) dst(%dma_wait3A_454 : memref<784xf32, #tpu.memory_space<vmem_shared>>)
    %add3A_455 = arith.constant 3920 : i32
    %add3A_456 = arith.addi %mul3A_390, %add3A_455 : i32
    %dma_start3A_457 = tpu.memref_slice %arg8[%add3A_456] : memref<100352xf32, #tpu.memory_space<vmem_shared>> -> memref<784xf32, #tpu.memory_space<vmem_shared>>
    %dma_start3A_458 = tpu.memref_slice %arg8[%add3A_456] : memref<100352xf32, #tpu.memory_space<vmem_shared>> -> memref<784xf32, #tpu.memory_space<vmem_shared>>
    tpu.enqueue_dma source(%arg13 : memref<784xf32, #tpu.memory_space<vmem>>) target(%dma_start3A_458 : memref<784xf32, #tpu.memory_space<vmem_shared>>) target_semaphore(%arg15 : memref<!tpu.dma_semaphore, #tpu.memory_space<semaphore_mem>>)
    %dma_wait3A_459 = tpu.memref_slice %arg8[%add3A_456] : memref<100352xf32, #tpu.memory_space<vmem_shared>> -> memref<784xf32, #tpu.memory_space<vmem_shared>>
    %dma_wait3A_460 = tpu.memref_slice %arg8[%add3A_456] : memref<100352xf32, #tpu.memory_space<vmem_shared>> -> memref<784xf32, #tpu.memory_space<vmem_shared>>
    tpu.wait_dma2 semaphore(%arg15 : memref<!tpu.dma_semaphore, #tpu.memory_space<semaphore_mem>>) src(%arg13 : memref<784xf32, #tpu.memory_space<vmem>>) dst(%dma_wait3A_460 : memref<784xf32, #tpu.memory_space<vmem_shared>>)
    %add3A_461 = arith.constant 4704 : i32
    %add3A_462 = arith.addi %mul3A_390, %add3A_461 : i32
    %dma_start3A_463 = tpu.memref_slice %arg7[%add3A_462] : memref<100352xf32, #tpu.memory_space<vmem_shared>> -> memref<784xf32, #tpu.memory_space<vmem_shared>>
    %dma_start3A_464 = tpu.memref_slice %arg7[%add3A_462] : memref<100352xf32, #tpu.memory_space<vmem_shared>> -> memref<784xf32, #tpu.memory_space<vmem_shared>>
    tpu.enqueue_dma source(%arg13 : memref<784xf32, #tpu.memory_space<vmem>>) target(%dma_start3A_464 : memref<784xf32, #tpu.memory_space<vmem_shared>>) target_semaphore(%arg15 : memref<!tpu.dma_semaphore, #tpu.memory_space<semaphore_mem>>)
    %dma_wait3A_465 = tpu.memref_slice %arg7[%add3A_462] : memref<100352xf32, #tpu.memory_space<vmem_shared>> -> memref<784xf32, #tpu.memory_space<vmem_shared>>
    %dma_wait3A_466 = tpu.memref_slice %arg7[%add3A_462] : memref<100352xf32, #tpu.memory_space<vmem_shared>> -> memref<784xf32, #tpu.memory_space<vmem_shared>>
    tpu.wait_dma2 semaphore(%arg15 : memref<!tpu.dma_semaphore, #tpu.memory_space<semaphore_mem>>) src(%arg13 : memref<784xf32, #tpu.memory_space<vmem>>) dst(%dma_wait3A_466 : memref<784xf32, #tpu.memory_space<vmem_shared>>)
    %add3A_467 = arith.constant 4704 : i32
    %add3A_468 = arith.addi %mul3A_390, %add3A_467 : i32
    %dma_start3A_469 = tpu.memref_slice %arg8[%add3A_468] : memref<100352xf32, #tpu.memory_space<vmem_shared>> -> memref<784xf32, #tpu.memory_space<vmem_shared>>
    %dma_start3A_470 = tpu.memref_slice %arg8[%add3A_468] : memref<100352xf32, #tpu.memory_space<vmem_shared>> -> memref<784xf32, #tpu.memory_space<vmem_shared>>
    tpu.enqueue_dma source(%arg13 : memref<784xf32, #tpu.memory_space<vmem>>) target(%dma_start3A_470 : memref<784xf32, #tpu.memory_space<vmem_shared>>) target_semaphore(%arg15 : memref<!tpu.dma_semaphore, #tpu.memory_space<semaphore_mem>>)
    %dma_wait3A_471 = tpu.memref_slice %arg8[%add3A_468] : memref<100352xf32, #tpu.memory_space<vmem_shared>> -> memref<784xf32, #tpu.memory_space<vmem_shared>>
    %dma_wait3A_472 = tpu.memref_slice %arg8[%add3A_468] : memref<100352xf32, #tpu.memory_space<vmem_shared>> -> memref<784xf32, #tpu.memory_space<vmem_shared>>
    tpu.wait_dma2 semaphore(%arg15 : memref<!tpu.dma_semaphore, #tpu.memory_space<semaphore_mem>>) src(%arg13 : memref<784xf32, #tpu.memory_space<vmem>>) dst(%dma_wait3A_472 : memref<784xf32, #tpu.memory_space<vmem_shared>>)
    %add3A_473 = arith.constant 5488 : i32
    %add3A_474 = arith.addi %mul3A_390, %add3A_473 : i32
    %dma_start3A_475 = tpu.memref_slice %arg7[%add3A_474] : memref<100352xf32, #tpu.memory_space<vmem_shared>> -> memref<784xf32, #tpu.memory_space<vmem_shared>>
    %dma_start3A_476 = tpu.memref_slice %arg7[%add3A_474] : memref<100352xf32, #tpu.memory_space<vmem_shared>> -> memref<784xf32, #tpu.memory_space<vmem_shared>>
    tpu.enqueue_dma source(%arg13 : memref<784xf32, #tpu.memory_space<vmem>>) target(%dma_start3A_476 : memref<784xf32, #tpu.memory_space<vmem_shared>>) target_semaphore(%arg15 : memref<!tpu.dma_semaphore, #tpu.memory_space<semaphore_mem>>)
    %dma_wait3A_477 = tpu.memref_slice %arg7[%add3A_474] : memref<100352xf32, #tpu.memory_space<vmem_shared>> -> memref<784xf32, #tpu.memory_space<vmem_shared>>
    %dma_wait3A_478 = tpu.memref_slice %arg7[%add3A_474] : memref<100352xf32, #tpu.memory_space<vmem_shared>> -> memref<784xf32, #tpu.memory_space<vmem_shared>>
    tpu.wait_dma2 semaphore(%arg15 : memref<!tpu.dma_semaphore, #tpu.memory_space<semaphore_mem>>) src(%arg13 : memref<784xf32, #tpu.memory_space<vmem>>) dst(%dma_wait3A_478 : memref<784xf32, #tpu.memory_space<vmem_shared>>)
    %add3A_479 = arith.constant 5488 : i32
    %add3A_480 = arith.addi %mul3A_390, %add3A_479 : i32
    %dma_start3A_481 = tpu.memref_slice %arg8[%add3A_480] : memref<100352xf32, #tpu.memory_space<vmem_shared>> -> memref<784xf32, #tpu.memory_space<vmem_shared>>
    %dma_start3A_482 = tpu.memref_slice %arg8[%add3A_480] : memref<100352xf32, #tpu.memory_space<vmem_shared>> -> memref<784xf32, #tpu.memory_space<vmem_shared>>
    tpu.enqueue_dma source(%arg13 : memref<784xf32, #tpu.memory_space<vmem>>) target(%dma_start3A_482 : memref<784xf32, #tpu.memory_space<vmem_shared>>) target_semaphore(%arg15 : memref<!tpu.dma_semaphore, #tpu.memory_space<semaphore_mem>>)
    %dma_wait3A_483 = tpu.memref_slice %arg8[%add3A_480] : memref<100352xf32, #tpu.memory_space<vmem_shared>> -> memref<784xf32, #tpu.memory_space<vmem_shared>>
    %dma_wait3A_484 = tpu.memref_slice %arg8[%add3A_480] : memref<100352xf32, #tpu.memory_space<vmem_shared>> -> memref<784xf32, #tpu.memory_space<vmem_shared>>
    tpu.wait_dma2 semaphore(%arg15 : memref<!tpu.dma_semaphore, #tpu.memory_space<semaphore_mem>>) src(%arg13 : memref<784xf32, #tpu.memory_space<vmem>>) dst(%dma_wait3A_484 : memref<784xf32, #tpu.memory_space<vmem_shared>>)
    %barrier3A = arith.constant 0 : index
    tpu.barrier barrier_id(%barrier3A)
    %mul3A_485 = arith.constant 195 : i32
    %mul3A_486 = arith.muli %add3A, %mul3A_485 : i32
    %min3A = arith.constant 10 : i32
    %min3A_487 = arith.minsi %add3A, %min3A : i32
    %add3A_488 = arith.addi %mul3A_486, %min3A_487 : i32
    %lt3A = arith.constant 10 : i32
    %lt3A_489 = arith.cmpi slt, %add3A, %lt3A : i32
    %jit3A = arith.constant 1 : i32
    %jit3A_490 = arith.constant 0 : i32
    %select_n3A = arith.select %lt3A_489, %jit3A, %jit3A_490 : i32
    %add3A_491 = arith.constant 195 : i32
    %add3A_492 = arith.addi %add3A_491, %select_n3A : i32
    %mul3A_493 = arith.constant 1024 : i32
    %mul3A_494 = arith.muli %add3A_488, %mul3A_493 : i32
    %add3A_495 = arith.constant 0 : i32
    %add3A_496 = arith.addi %mul3A_494, %add3A_495 : i32
    %dma_start3A_497 = arith.constant 0 : i32
    %dma_start3A_498 = arith.constant 0 : i32
    %dma_start3A_499 = arith.constant 0 : i32
    %dma_start3A_500 = arith.constant 0 : i32
    %dma_start3A_501 = tpu.memref_slice %arg10[%dma_start3A_497, %dma_start3A_498, %dma_start3A_499, %dma_start3A_500] : memref<3x8x2x128xi32, #tpu.memory_space<vmem>> -> memref<1x1x2x128xi32, #tpu.memory_space<vmem>>
    %dma_start3A_502 = tpu.memref_squeeze %dma_start3A_501 : memref<1x1x2x128xi32, #tpu.memory_space<vmem>> -> memref<2x128xi32, #tpu.memory_space<vmem>>
    %dma_start3A_503 = arith.constant 0 : i32
    %dma_start3A_504 = tpu.memref_slice %arg3[%dma_start3A_503, %add3A_496] : memref<2x6400000xi32, #tpu.memory_space<hbm>> -> memref<2x128xi32, #tpu.memory_space<hbm>>
    %dma_start3A_505 = arith.constant 0 : i32
    %dma_start3A_506 = arith.constant 0 : i32
    %dma_start3A_507 = tpu.memref_slice %arg10[%dma_start3A_497, %dma_start3A_498, %dma_start3A_505, %dma_start3A_506] : memref<3x8x2x128xi32, #tpu.memory_space<vmem>> -> memref<1x1x2x128xi32, #tpu.memory_space<vmem>>
    %dma_start3A_508 = tpu.memref_squeeze %dma_start3A_507 : memref<1x1x2x128xi32, #tpu.memory_space<vmem>> -> memref<2x128xi32, #tpu.memory_space<vmem>>
    %dma_start3A_509 = arith.constant 0 : i32
    %dma_start3A_510 = tpu.memref_slice %arg3[%dma_start3A_509, %add3A_496] : memref<2x6400000xi32, #tpu.memory_space<hbm>> -> memref<2x128xi32, #tpu.memory_space<hbm>>
    tpu.enqueue_dma source(%dma_start3A_510 : memref<2x128xi32, #tpu.memory_space<hbm>>) target(%dma_start3A_508 : memref<2x128xi32, #tpu.memory_space<vmem>>) target_semaphore(%arg15 : memref<!tpu.dma_semaphore, #tpu.memory_space<semaphore_mem>>)
    %mul3A_511 = arith.constant 1024 : i32
    %mul3A_512 = arith.muli %add3A_488, %mul3A_511 : i32
    %add3A_513 = arith.constant 128 : i32
    %add3A_514 = arith.addi %mul3A_512, %add3A_513 : i32
    %dma_start3A_515 = arith.constant 0 : i32
    %dma_start3A_516 = arith.constant 1 : i32
    %dma_start3A_517 = arith.constant 0 : i32
    %dma_start3A_518 = arith.constant 0 : i32
    %dma_start3A_519 = tpu.memref_slice %arg10[%dma_start3A_515, %dma_start3A_516, %dma_start3A_517, %dma_start3A_518] : memref<3x8x2x128xi32, #tpu.memory_space<vmem>> -> memref<1x1x2x128xi32, #tpu.memory_space<vmem>>
    %dma_start3A_520 = tpu.memref_squeeze %dma_start3A_519 : memref<1x1x2x128xi32, #tpu.memory_space<vmem>> -> memref<2x128xi32, #tpu.memory_space<vmem>>
    %dma_start3A_521 = arith.constant 0 : i32
    %dma_start3A_522 = tpu.memref_slice %arg3[%dma_start3A_521, %add3A_514] : memref<2x6400000xi32, #tpu.memory_space<hbm>> -> memref<2x128xi32, #tpu.memory_space<hbm>>
    %dma_start3A_523 = arith.constant 0 : i32
    %dma_start3A_524 = arith.constant 0 : i32
    %dma_start3A_525 = tpu.memref_slice %arg10[%dma_start3A_515, %dma_start3A_516, %dma_start3A_523, %dma_start3A_524] : memref<3x8x2x128xi32, #tpu.memory_space<vmem>> -> memref<1x1x2x128xi32, #tpu.memory_space<vmem>>
    %dma_start3A_526 = tpu.memref_squeeze %dma_start3A_525 : memref<1x1x2x128xi32, #tpu.memory_space<vmem>> -> memref<2x128xi32, #tpu.memory_space<vmem>>
    %dma_start3A_527 = arith.constant 0 : i32
    %dma_start3A_528 = tpu.memref_slice %arg3[%dma_start3A_527, %add3A_514] : memref<2x6400000xi32, #tpu.memory_space<hbm>> -> memref<2x128xi32, #tpu.memory_space<hbm>>
    tpu.enqueue_dma source(%dma_start3A_528 : memref<2x128xi32, #tpu.memory_space<hbm>>) target(%dma_start3A_526 : memref<2x128xi32, #tpu.memory_space<vmem>>) target_semaphore(%arg15 : memref<!tpu.dma_semaphore, #tpu.memory_space<semaphore_mem>>)
    %mul3A_529 = arith.constant 1024 : i32
    %mul3A_530 = arith.muli %add3A_488, %mul3A_529 : i32
    %add3A_531 = arith.constant 256 : i32
    %add3A_532 = arith.addi %mul3A_530, %add3A_531 : i32
    %dma_start3A_533 = arith.constant 0 : i32
    %dma_start3A_534 = arith.constant 2 : i32
    %dma_start3A_535 = arith.constant 0 : i32
    %dma_start3A_536 = arith.constant 0 : i32
    %dma_start3A_537 = tpu.memref_slice %arg10[%dma_start3A_533, %dma_start3A_534, %dma_start3A_535, %dma_start3A_536] : memref<3x8x2x128xi32, #tpu.memory_space<vmem>> -> memref<1x1x2x128xi32, #tpu.memory_space<vmem>>
    %dma_start3A_538 = tpu.memref_squeeze %dma_start3A_537 : memref<1x1x2x128xi32, #tpu.memory_space<vmem>> -> memref<2x128xi32, #tpu.memory_space<vmem>>
    %dma_start3A_539 = arith.constant 0 : i32
    %dma_start3A_540 = tpu.memref_slice %arg3[%dma_start3A_539, %add3A_532] : memref<2x6400000xi32, #tpu.memory_space<hbm>> -> memref<2x128xi32, #tpu.memory_space<hbm>>
    %dma_start3A_541 = arith.constant 0 : i32
    %dma_start3A_542 = arith.constant 0 : i32
    %dma_start3A_543 = tpu.memref_slice %arg10[%dma_start3A_533, %dma_start3A_534, %dma_start3A_541, %dma_start3A_542] : memref<3x8x2x128xi32, #tpu.memory_space<vmem>> -> memref<1x1x2x128xi32, #tpu.memory_space<vmem>>
    %dma_start3A_544 = tpu.memref_squeeze %dma_start3A_543 : memref<1x1x2x128xi32, #tpu.memory_space<vmem>> -> memref<2x128xi32, #tpu.memory_space<vmem>>
    %dma_start3A_545 = arith.constant 0 : i32
    %dma_start3A_546 = tpu.memref_slice %arg3[%dma_start3A_545, %add3A_532] : memref<2x6400000xi32, #tpu.memory_space<hbm>> -> memref<2x128xi32, #tpu.memory_space<hbm>>
    tpu.enqueue_dma source(%dma_start3A_546 : memref<2x128xi32, #tpu.memory_space<hbm>>) target(%dma_start3A_544 : memref<2x128xi32, #tpu.memory_space<vmem>>) target_semaphore(%arg15 : memref<!tpu.dma_semaphore, #tpu.memory_space<semaphore_mem>>)
    %mul3A_547 = arith.constant 1024 : i32
    %mul3A_548 = arith.muli %add3A_488, %mul3A_547 : i32
    %add3A_549 = arith.constant 384 : i32
    %add3A_550 = arith.addi %mul3A_548, %add3A_549 : i32
    %dma_start3A_551 = arith.constant 0 : i32
    %dma_start3A_552 = arith.constant 3 : i32
    %dma_start3A_553 = arith.constant 0 : i32
    %dma_start3A_554 = arith.constant 0 : i32
    %dma_start3A_555 = tpu.memref_slice %arg10[%dma_start3A_551, %dma_start3A_552, %dma_start3A_553, %dma_start3A_554] : memref<3x8x2x128xi32, #tpu.memory_space<vmem>> -> memref<1x1x2x128xi32, #tpu.memory_space<vmem>>
    %dma_start3A_556 = tpu.memref_squeeze %dma_start3A_555 : memref<1x1x2x128xi32, #tpu.memory_space<vmem>> -> memref<2x128xi32, #tpu.memory_space<vmem>>
    %dma_start3A_557 = arith.constant 0 : i32
    %dma_start3A_558 = tpu.memref_slice %arg3[%dma_start3A_557, %add3A_550] : memref<2x6400000xi32, #tpu.memory_space<hbm>> -> memref<2x128xi32, #tpu.memory_space<hbm>>
    %dma_start3A_559 = arith.constant 0 : i32
    %dma_start3A_560 = arith.constant 0 : i32
    %dma_start3A_561 = tpu.memref_slice %arg10[%dma_start3A_551, %dma_start3A_552, %dma_start3A_559, %dma_start3A_560] : memref<3x8x2x128xi32, #tpu.memory_space<vmem>> -> memref<1x1x2x128xi32, #tpu.memory_space<vmem>>
    %dma_start3A_562 = tpu.memref_squeeze %dma_start3A_561 : memref<1x1x2x128xi32, #tpu.memory_space<vmem>> -> memref<2x128xi32, #tpu.memory_space<vmem>>
    %dma_start3A_563 = arith.constant 0 : i32
    %dma_start3A_564 = tpu.memref_slice %arg3[%dma_start3A_563, %add3A_550] : memref<2x6400000xi32, #tpu.memory_space<hbm>> -> memref<2x128xi32, #tpu.memory_space<hbm>>
    tpu.enqueue_dma source(%dma_start3A_564 : memref<2x128xi32, #tpu.memory_space<hbm>>) target(%dma_start3A_562 : memref<2x128xi32, #tpu.memory_space<vmem>>) target_semaphore(%arg15 : memref<!tpu.dma_semaphore, #tpu.memory_space<semaphore_mem>>)
    %mul3A_565 = arith.constant 1024 : i32
    %mul3A_566 = arith.muli %add3A_488, %mul3A_565 : i32
    %add3A_567 = arith.constant 512 : i32
    %add3A_568 = arith.addi %mul3A_566, %add3A_567 : i32
    %dma_start3A_569 = arith.constant 0 : i32
    %dma_start3A_570 = arith.constant 4 : i32
    %dma_start3A_571 = arith.constant 0 : i32
    %dma_start3A_572 = arith.constant 0 : i32
    %dma_start3A_573 = tpu.memref_slice %arg10[%dma_start3A_569, %dma_start3A_570, %dma_start3A_571, %dma_start3A_572] : memref<3x8x2x128xi32, #tpu.memory_space<vmem>> -> memref<1x1x2x128xi32, #tpu.memory_space<vmem>>
    %dma_start3A_574 = tpu.memref_squeeze %dma_start3A_573 : memref<1x1x2x128xi32, #tpu.memory_space<vmem>> -> memref<2x128xi32, #tpu.memory_space<vmem>>
    %dma_start3A_575 = arith.constant 0 : i32
    %dma_start3A_576 = tpu.memref_slice %arg3[%dma_start3A_575, %add3A_568] : memref<2x6400000xi32, #tpu.memory_space<hbm>> -> memref<2x128xi32, #tpu.memory_space<hbm>>
    %dma_start3A_577 = arith.constant 0 : i32
    %dma_start3A_578 = arith.constant 0 : i32
    %dma_start3A_579 = tpu.memref_slice %arg10[%dma_start3A_569, %dma_start3A_570, %dma_start3A_577, %dma_start3A_578] : memref<3x8x2x128xi32, #tpu.memory_space<vmem>> -> memref<1x1x2x128xi32, #tpu.memory_space<vmem>>
    %dma_start3A_580 = tpu.memref_squeeze %dma_start3A_579 : memref<1x1x2x128xi32, #tpu.memory_space<vmem>> -> memref<2x128xi32, #tpu.memory_space<vmem>>
    %dma_start3A_581 = arith.constant 0 : i32
    %dma_start3A_582 = tpu.memref_slice %arg3[%dma_start3A_581, %add3A_568] : memref<2x6400000xi32, #tpu.memory_space<hbm>> -> memref<2x128xi32, #tpu.memory_space<hbm>>
    tpu.enqueue_dma source(%dma_start3A_582 : memref<2x128xi32, #tpu.memory_space<hbm>>) target(%dma_start3A_580 : memref<2x128xi32, #tpu.memory_space<vmem>>) target_semaphore(%arg15 : memref<!tpu.dma_semaphore, #tpu.memory_space<semaphore_mem>>)
    %mul3A_583 = arith.constant 1024 : i32
    %mul3A_584 = arith.muli %add3A_488, %mul3A_583 : i32
    %add3A_585 = arith.constant 640 : i32
    %add3A_586 = arith.addi %mul3A_584, %add3A_585 : i32
    %dma_start3A_587 = arith.constant 0 : i32
    %dma_start3A_588 = arith.constant 5 : i32
    %dma_start3A_589 = arith.constant 0 : i32
    %dma_start3A_590 = arith.constant 0 : i32
    %dma_start3A_591 = tpu.memref_slice %arg10[%dma_start3A_587, %dma_start3A_588, %dma_start3A_589, %dma_start3A_590] : memref<3x8x2x128xi32, #tpu.memory_space<vmem>> -> memref<1x1x2x128xi32, #tpu.memory_space<vmem>>
    %dma_start3A_592 = tpu.memref_squeeze %dma_start3A_591 : memref<1x1x2x128xi32, #tpu.memory_space<vmem>> -> memref<2x128xi32, #tpu.memory_space<vmem>>
    %dma_start3A_593 = arith.constant 0 : i32
    %dma_start3A_594 = tpu.memref_slice %arg3[%dma_start3A_593, %add3A_586] : memref<2x6400000xi32, #tpu.memory_space<hbm>> -> memref<2x128xi32, #tpu.memory_space<hbm>>
    %dma_start3A_595 = arith.constant 0 : i32
    %dma_start3A_596 = arith.constant 0 : i32
    %dma_start3A_597 = tpu.memref_slice %arg10[%dma_start3A_587, %dma_start3A_588, %dma_start3A_595, %dma_start3A_596] : memref<3x8x2x128xi32, #tpu.memory_space<vmem>> -> memref<1x1x2x128xi32, #tpu.memory_space<vmem>>
    %dma_start3A_598 = tpu.memref_squeeze %dma_start3A_597 : memref<1x1x2x128xi32, #tpu.memory_space<vmem>> -> memref<2x128xi32, #tpu.memory_space<vmem>>
    %dma_start3A_599 = arith.constant 0 : i32
    %dma_start3A_600 = tpu.memref_slice %arg3[%dma_start3A_599, %add3A_586] : memref<2x6400000xi32, #tpu.memory_space<hbm>> -> memref<2x128xi32, #tpu.memory_space<hbm>>
    tpu.enqueue_dma source(%dma_start3A_600 : memref<2x128xi32, #tpu.memory_space<hbm>>) target(%dma_start3A_598 : memref<2x128xi32, #tpu.memory_space<vmem>>) target_semaphore(%arg15 : memref<!tpu.dma_semaphore, #tpu.memory_space<semaphore_mem>>)
    %mul3A_601 = arith.constant 1024 : i32
    %mul3A_602 = arith.muli %add3A_488, %mul3A_601 : i32
    %add3A_603 = arith.constant 768 : i32
    %add3A_604 = arith.addi %mul3A_602, %add3A_603 : i32
    %dma_start3A_605 = arith.constant 0 : i32
    %dma_start3A_606 = arith.constant 6 : i32
    %dma_start3A_607 = arith.constant 0 : i32
    %dma_start3A_608 = arith.constant 0 : i32
    %dma_start3A_609 = tpu.memref_slice %arg10[%dma_start3A_605, %dma_start3A_606, %dma_start3A_607, %dma_start3A_608] : memref<3x8x2x128xi32, #tpu.memory_space<vmem>> -> memref<1x1x2x128xi32, #tpu.memory_space<vmem>>
    %dma_start3A_610 = tpu.memref_squeeze %dma_start3A_609 : memref<1x1x2x128xi32, #tpu.memory_space<vmem>> -> memref<2x128xi32, #tpu.memory_space<vmem>>
    %dma_start3A_611 = arith.constant 0 : i32
    %dma_start3A_612 = tpu.memref_slice %arg3[%dma_start3A_611, %add3A_604] : memref<2x6400000xi32, #tpu.memory_space<hbm>> -> memref<2x128xi32, #tpu.memory_space<hbm>>
    %dma_start3A_613 = arith.constant 0 : i32
    %dma_start3A_614 = arith.constant 0 : i32
    %dma_start3A_615 = tpu.memref_slice %arg10[%dma_start3A_605, %dma_start3A_606, %dma_start3A_613, %dma_start3A_614] : memref<3x8x2x128xi32, #tpu.memory_space<vmem>> -> memref<1x1x2x128xi32, #tpu.memory_space<vmem>>
    %dma_start3A_616 = tpu.memref_squeeze %dma_start3A_615 : memref<1x1x2x128xi32, #tpu.memory_space<vmem>> -> memref<2x128xi32, #tpu.memory_space<vmem>>
    %dma_start3A_617 = arith.constant 0 : i32
    %dma_start3A_618 = tpu.memref_slice %arg3[%dma_start3A_617, %add3A_604] : memref<2x6400000xi32, #tpu.memory_space<hbm>> -> memref<2x128xi32, #tpu.memory_space<hbm>>
    tpu.enqueue_dma source(%dma_start3A_618 : memref<2x128xi32, #tpu.memory_space<hbm>>) target(%dma_start3A_616 : memref<2x128xi32, #tpu.memory_space<vmem>>) target_semaphore(%arg15 : memref<!tpu.dma_semaphore, #tpu.memory_space<semaphore_mem>>)
    %mul3A_619 = arith.constant 1024 : i32
    %mul3A_620 = arith.muli %add3A_488, %mul3A_619 : i32
    %add3A_621 = arith.constant 896 : i32
    %add3A_622 = arith.addi %mul3A_620, %add3A_621 : i32
    %dma_start3A_623 = arith.constant 0 : i32
    %dma_start3A_624 = arith.constant 7 : i32
    %dma_start3A_625 = arith.constant 0 : i32
    %dma_start3A_626 = arith.constant 0 : i32
    %dma_start3A_627 = tpu.memref_slice %arg10[%dma_start3A_623, %dma_start3A_624, %dma_start3A_625, %dma_start3A_626] : memref<3x8x2x128xi32, #tpu.memory_space<vmem>> -> memref<1x1x2x128xi32, #tpu.memory_space<vmem>>
    %dma_start3A_628 = tpu.memref_squeeze %dma_start3A_627 : memref<1x1x2x128xi32, #tpu.memory_space<vmem>> -> memref<2x128xi32, #tpu.memory_space<vmem>>
    %dma_start3A_629 = arith.constant 0 : i32
    %dma_start3A_630 = tpu.memref_slice %arg3[%dma_start3A_629, %add3A_622] : memref<2x6400000xi32, #tpu.memory_space<hbm>> -> memref<2x128xi32, #tpu.memory_space<hbm>>
    %dma_start3A_631 = arith.constant 0 : i32
    %dma_start3A_632 = arith.constant 0 : i32
    %dma_start3A_633 = tpu.memref_slice %arg10[%dma_start3A_623, %dma_start3A_624, %dma_start3A_631, %dma_start3A_632] : memref<3x8x2x128xi32, #tpu.memory_space<vmem>> -> memref<1x1x2x128xi32, #tpu.memory_space<vmem>>
    %dma_start3A_634 = tpu.memref_squeeze %dma_start3A_633 : memref<1x1x2x128xi32, #tpu.memory_space<vmem>> -> memref<2x128xi32, #tpu.memory_space<vmem>>
    %dma_start3A_635 = arith.constant 0 : i32
    %dma_start3A_636 = tpu.memref_slice %arg3[%dma_start3A_635, %add3A_622] : memref<2x6400000xi32, #tpu.memory_space<hbm>> -> memref<2x128xi32, #tpu.memory_space<hbm>>
    tpu.enqueue_dma source(%dma_start3A_636 : memref<2x128xi32, #tpu.memory_space<hbm>>) target(%dma_start3A_634 : memref<2x128xi32, #tpu.memory_space<vmem>>) target_semaphore(%arg15 : memref<!tpu.dma_semaphore, #tpu.memory_space<semaphore_mem>>)
    %add3A_637 = arith.constant 1 : i32
    %add3A_638 = arith.addi %add3A_492, %add3A_637 : i32
    %while3A = arith.constant 0 : i32
    %while3A_639 = arith.constant 0 : i32
    %while3A_640 = arith.subi %add3A_638, %while3A : i32
    %while3A_641 = arith.addi %while3A, %while3A_640 : i32
    %while3A_642 = arith.constant 1 : i32
    %while3A_643 = arith.divsi %while3A_640, %while3A_642 : i32
    %while3A_644 = arith.muli %while3A_643, %while3A_642 : i32
    %while3A_645 = arith.addi %while3A, %while3A_644 : i32
    %while3A_646 = arith.constant 1 : i32
    %while3A_647 = scf.for %while3A_665 = %while3A to %while3A_645 step %while3A_646 iter_args(%while3A_666 = %while3A_639) -> (i32)  : i32 {
      %rem3A = arith.constant 3 : i32
      %rem3A_667 = arith.remsi %while3A_665, %rem3A : i32
      %ge3A = arith.constant 1 : i32
      %ge3A_668 = arith.cmpi sge, %while3A_665, %ge3A : i32
      %le3A = arith.cmpi sle, %while3A_665, %add3A_492 : i32
      %and3A = arith.andi %ge3A_668, %le3A : i1
      %convert_element_type3A = arith.extui %and3A : i1 to i32
      %cond3A = arith.constant 0 : i32
      %cond3A_669 = arith.cmpi ne, %convert_element_type3A, %cond3A : i32
      scf.if %cond3A_669 {
        %dma_wait3A_675 = arith.constant 0 : i32
        %dma_wait3A_676 = arith.constant 0 : i32
        %dma_wait3A_677 = arith.constant 0 : i32
        %dma_wait3A_678 = tpu.memref_slice %arg11[%dma_wait3A_675, %dma_wait3A_676, %dma_wait3A_677] : memref<3x8x128xf32, #tpu.memory_space<vmem>> -> memref<1x1x128xf32, #tpu.memory_space<vmem>>
        %dma_wait3A_679 = tpu.memref_squeeze %dma_wait3A_678 : memref<1x1x128xf32, #tpu.memory_space<vmem>> -> memref<128xf32, #tpu.memory_space<vmem>>
        %dma_wait3A_680 = arith.constant 0 : i32
        %dma_wait3A_681 = tpu.memref_slice %arg11[%dma_wait3A_675, %dma_wait3A_676, %dma_wait3A_680] : memref<3x8x128xf32, #tpu.memory_space<vmem>> -> memref<1x1x128xf32, #tpu.memory_space<vmem>>
        %dma_wait3A_682 = tpu.memref_squeeze %dma_wait3A_681 : memref<1x1x128xf32, #tpu.memory_space<vmem>> -> memref<128xf32, #tpu.memory_space<vmem>>
        tpu.wait_dma2 semaphore(%arg14 : memref<!tpu.dma_semaphore, #tpu.memory_space<semaphore_mem>>) src(%arg4 : memref<128xf32, #tpu.memory_space<hbm>>) dst(%dma_wait3A_682 : memref<128xf32, #tpu.memory_space<vmem>>)
        %dma_wait3A_683 = arith.constant 0 : i32
        %dma_wait3A_684 = arith.constant 1 : i32
        %dma_wait3A_685 = arith.constant 0 : i32
        %dma_wait3A_686 = tpu.memref_slice %arg11[%dma_wait3A_683, %dma_wait3A_684, %dma_wait3A_685] : memref<3x8x128xf32, #tpu.memory_space<vmem>> -> memref<1x1x128xf32, #tpu.memory_space<vmem>>
        %dma_wait3A_687 = tpu.memref_squeeze %dma_wait3A_686 : memref<1x1x128xf32, #tpu.memory_space<vmem>> -> memref<128xf32, #tpu.memory_space<vmem>>
        %dma_wait3A_688 = arith.constant 0 : i32
        %dma_wait3A_689 = tpu.memref_slice %arg11[%dma_wait3A_683, %dma_wait3A_684, %dma_wait3A_688] : memref<3x8x128xf32, #tpu.memory_space<vmem>> -> memref<1x1x128xf32, #tpu.memory_space<vmem>>
        %dma_wait3A_690 = tpu.memref_squeeze %dma_wait3A_689 : memref<1x1x128xf32, #tpu.memory_space<vmem>> -> memref<128xf32, #tpu.memory_space<vmem>>
        tpu.wait_dma2 semaphore(%arg14 : memref<!tpu.dma_semaphore, #tpu.memory_space<semaphore_mem>>) src(%arg4 : memref<128xf32, #tpu.memory_space<hbm>>) dst(%dma_wait3A_690 : memref<128xf32, #tpu.memory_space<vmem>>)
        %dma_wait3A_691 = arith.constant 0 : i32
        %dma_wait3A_692 = arith.constant 2 : i32
        %dma_wait3A_693 = arith.constant 0 : i32
        %dma_wait3A_694 = tpu.memref_slice %arg11[%dma_wait3A_691, %dma_wait3A_692, %dma_wait3A_693] : memref<3x8x128xf32, #tpu.memory_space<vmem>> -> memref<1x1x128xf32, #tpu.memory_space<vmem>>
        %dma_wait3A_695 = tpu.memref_squeeze %dma_wait3A_694 : memref<1x1x128xf32, #tpu.memory_space<vmem>> -> memref<128xf32, #tpu.memory_space<vmem>>
        %dma_wait3A_696 = arith.constant 0 : i32
        %dma_wait3A_697 = tpu.memref_slice %arg11[%dma_wait3A_691, %dma_wait3A_692, %dma_wait3A_696] : memref<3x8x128xf32, #tpu.memory_space<vmem>> -> memref<1x1x128xf32, #tpu.memory_space<vmem>>
        %dma_wait3A_698 = tpu.memref_squeeze %dma_wait3A_697 : memref<1x1x128xf32, #tpu.memory_space<vmem>> -> memref<128xf32, #tpu.memory_space<vmem>>
        tpu.wait_dma2 semaphore(%arg14 : memref<!tpu.dma_semaphore, #tpu.memory_space<semaphore_mem>>) src(%arg4 : memref<128xf32, #tpu.memory_space<hbm>>) dst(%dma_wait3A_698 : memref<128xf32, #tpu.memory_space<vmem>>)
        %dma_wait3A_699 = arith.constant 0 : i32
        %dma_wait3A_700 = arith.constant 3 : i32
        %dma_wait3A_701 = arith.constant 0 : i32
        %dma_wait3A_702 = tpu.memref_slice %arg11[%dma_wait3A_699, %dma_wait3A_700, %dma_wait3A_701] : memref<3x8x128xf32, #tpu.memory_space<vmem>> -> memref<1x1x128xf32, #tpu.memory_space<vmem>>
        %dma_wait3A_703 = tpu.memref_squeeze %dma_wait3A_702 : memref<1x1x128xf32, #tpu.memory_space<vmem>> -> memref<128xf32, #tpu.memory_space<vmem>>
        %dma_wait3A_704 = arith.constant 0 : i32
        %dma_wait3A_705 = tpu.memref_slice %arg11[%dma_wait3A_699, %dma_wait3A_700, %dma_wait3A_704] : memref<3x8x128xf32, #tpu.memory_space<vmem>> -> memref<1x1x128xf32, #tpu.memory_space<vmem>>
        %dma_wait3A_706 = tpu.memref_squeeze %dma_wait3A_705 : memref<1x1x128xf32, #tpu.memory_space<vmem>> -> memref<128xf32, #tpu.memory_space<vmem>>
        tpu.wait_dma2 semaphore(%arg14 : memref<!tpu.dma_semaphore, #tpu.memory_space<semaphore_mem>>) src(%arg4 : memref<128xf32, #tpu.memory_space<hbm>>) dst(%dma_wait3A_706 : memref<128xf32, #tpu.memory_space<vmem>>)
        %dma_wait3A_707 = arith.constant 0 : i32
        %dma_wait3A_708 = arith.constant 4 : i32
        %dma_wait3A_709 = arith.constant 0 : i32
        %dma_wait3A_710 = tpu.memref_slice %arg11[%dma_wait3A_707, %dma_wait3A_708, %dma_wait3A_709] : memref<3x8x128xf32, #tpu.memory_space<vmem>> -> memref<1x1x128xf32, #tpu.memory_space<vmem>>
        %dma_wait3A_711 = tpu.memref_squeeze %dma_wait3A_710 : memref<1x1x128xf32, #tpu.memory_space<vmem>> -> memref<128xf32, #tpu.memory_space<vmem>>
        %dma_wait3A_712 = arith.constant 0 : i32
        %dma_wait3A_713 = tpu.memref_slice %arg11[%dma_wait3A_707, %dma_wait3A_708, %dma_wait3A_712] : memref<3x8x128xf32, #tpu.memory_space<vmem>> -> memref<1x1x128xf32, #tpu.memory_space<vmem>>
        %dma_wait3A_714 = tpu.memref_squeeze %dma_wait3A_713 : memref<1x1x128xf32, #tpu.memory_space<vmem>> -> memref<128xf32, #tpu.memory_space<vmem>>
        tpu.wait_dma2 semaphore(%arg14 : memref<!tpu.dma_semaphore, #tpu.memory_space<semaphore_mem>>) src(%arg4 : memref<128xf32, #tpu.memory_space<hbm>>) dst(%dma_wait3A_714 : memref<128xf32, #tpu.memory_space<vmem>>)
        %dma_wait3A_715 = arith.constant 0 : i32
        %dma_wait3A_716 = arith.constant 5 : i32
        %dma_wait3A_717 = arith.constant 0 : i32
        %dma_wait3A_718 = tpu.memref_slice %arg11[%dma_wait3A_715, %dma_wait3A_716, %dma_wait3A_717] : memref<3x8x128xf32, #tpu.memory_space<vmem>> -> memref<1x1x128xf32, #tpu.memory_space<vmem>>
        %dma_wait3A_719 = tpu.memref_squeeze %dma_wait3A_718 : memref<1x1x128xf32, #tpu.memory_space<vmem>> -> memref<128xf32, #tpu.memory_space<vmem>>
        %dma_wait3A_720 = arith.constant 0 : i32
        %dma_wait3A_721 = tpu.memref_slice %arg11[%dma_wait3A_715, %dma_wait3A_716, %dma_wait3A_720] : memref<3x8x128xf32, #tpu.memory_space<vmem>> -> memref<1x1x128xf32, #tpu.memory_space<vmem>>
        %dma_wait3A_722 = tpu.memref_squeeze %dma_wait3A_721 : memref<1x1x128xf32, #tpu.memory_space<vmem>> -> memref<128xf32, #tpu.memory_space<vmem>>
        tpu.wait_dma2 semaphore(%arg14 : memref<!tpu.dma_semaphore, #tpu.memory_space<semaphore_mem>>) src(%arg4 : memref<128xf32, #tpu.memory_space<hbm>>) dst(%dma_wait3A_722 : memref<128xf32, #tpu.memory_space<vmem>>)
        %dma_wait3A_723 = arith.constant 0 : i32
        %dma_wait3A_724 = arith.constant 6 : i32
        %dma_wait3A_725 = arith.constant 0 : i32
        %dma_wait3A_726 = tpu.memref_slice %arg11[%dma_wait3A_723, %dma_wait3A_724, %dma_wait3A_725] : memref<3x8x128xf32, #tpu.memory_space<vmem>> -> memref<1x1x128xf32, #tpu.memory_space<vmem>>
        %dma_wait3A_727 = tpu.memref_squeeze %dma_wait3A_726 : memref<1x1x128xf32, #tpu.memory_space<vmem>> -> memref<128xf32, #tpu.memory_space<vmem>>
        %dma_wait3A_728 = arith.constant 0 : i32
        %dma_wait3A_729 = tpu.memref_slice %arg11[%dma_wait3A_723, %dma_wait3A_724, %dma_wait3A_728] : memref<3x8x128xf32, #tpu.memory_space<vmem>> -> memref<1x1x128xf32, #tpu.memory_space<vmem>>
        %dma_wait3A_730 = tpu.memref_squeeze %dma_wait3A_729 : memref<1x1x128xf32, #tpu.memory_space<vmem>> -> memref<128xf32, #tpu.memory_space<vmem>>
        tpu.wait_dma2 semaphore(%arg14 : memref<!tpu.dma_semaphore, #tpu.memory_space<semaphore_mem>>) src(%arg4 : memref<128xf32, #tpu.memory_space<hbm>>) dst(%dma_wait3A_730 : memref<128xf32, #tpu.memory_space<vmem>>)
        %dma_wait3A_731 = arith.constant 0 : i32
        %dma_wait3A_732 = arith.constant 7 : i32
        %dma_wait3A_733 = arith.constant 0 : i32
        %dma_wait3A_734 = tpu.memref_slice %arg11[%dma_wait3A_731, %dma_wait3A_732, %dma_wait3A_733] : memref<3x8x128xf32, #tpu.memory_space<vmem>> -> memref<1x1x128xf32, #tpu.memory_space<vmem>>
        %dma_wait3A_735 = tpu.memref_squeeze %dma_wait3A_734 : memref<1x1x128xf32, #tpu.memory_space<vmem>> -> memref<128xf32, #tpu.memory_space<vmem>>
        %dma_wait3A_736 = arith.constant 0 : i32
        %dma_wait3A_737 = tpu.memref_slice %arg11[%dma_wait3A_731, %dma_wait3A_732, %dma_wait3A_736] : memref<3x8x128xf32, #tpu.memory_space<vmem>> -> memref<1x1x128xf32, #tpu.memory_space<vmem>>
        %dma_wait3A_738 = tpu.memref_squeeze %dma_wait3A_737 : memref<1x1x128xf32, #tpu.memory_space<vmem>> -> memref<128xf32, #tpu.memory_space<vmem>>
        tpu.wait_dma2 semaphore(%arg14 : memref<!tpu.dma_semaphore, #tpu.memory_space<semaphore_mem>>) src(%arg4 : memref<128xf32, #tpu.memory_space<hbm>>) dst(%dma_wait3A_738 : memref<128xf32, #tpu.memory_space<vmem>>)
        %dma_wait3A_739 = arith.constant 0 : i32
        %dma_wait3A_740 = arith.constant 8 : i32
        %dma_wait3A_741 = arith.constant 0 : i32
        %dma_wait3A_742 = tpu.memref_slice %arg11[%dma_wait3A_739, %dma_wait3A_740, %dma_wait3A_741] : memref<3x8x128xf32, #tpu.memory_space<vmem>> -> memref<1x1x128xf32, #tpu.memory_space<vmem>>
        %dma_wait3A_743 = tpu.memref_squeeze %dma_wait3A_742 : memref<1x1x128xf32, #tpu.memory_space<vmem>> -> memref<128xf32, #tpu.memory_space<vmem>>
        %dma_wait3A_744 = arith.constant 0 : i32
        %dma_wait3A_745 = tpu.memref_slice %arg11[%dma_wait3A_739, %dma_wait3A_740, %dma_wait3A_744] : memref<3x8x128xf32, #tpu.memory_space<vmem>> -> memref<1x1x128xf32, #tpu.memory_space<vmem>>
        %dma_wait3A_746 = tpu.memref_squeeze %dma_wait3A_745 : memref<1x1x128xf32, #tpu.memory_space<vmem>> -> memref<128xf32, #tpu.memory_space<vmem>>
        tpu.wait_dma2 semaphore(%arg14 : memref<!tpu.dma_semaphore, #tpu.memory_space<semaphore_mem>>) src(%arg4 : memref<128xf32, #tpu.memory_space<hbm>>) dst(%dma_wait3A_746 : memref<128xf32, #tpu.memory_space<vmem>>)
        %dma_wait3A_747 = arith.constant 0 : i32
        %dma_wait3A_748 = arith.constant 9 : i32
        %dma_wait3A_749 = arith.constant 0 : i32
        %dma_wait3A_750 = tpu.memref_slice %arg11[%dma_wait3A_747, %dma_wait3A_748, %dma_wait3A_749] : memref<3x8x128xf32, #tpu.memory_space<vmem>> -> memref<1x1x128xf32, #tpu.memory_space<vmem>>
        %dma_wait3A_751 = tpu.memref_squeeze %dma_wait3A_750 : memref<1x1x128xf32, #tpu.memory_space<vmem>> -> memref<128xf32, #tpu.memory_space<vmem>>
        %dma_wait3A_752 = arith.constant 0 : i32
        %dma_wait3A_753 = tpu.memref_slice %arg11[%dma_wait3A_747, %dma_wait3A_748, %dma_wait3A_752] : memref<3x8x128xf32, #tpu.memory_space<vmem>> -> memref<1x1x128xf32, #tpu.memory_space<vmem>>
        %dma_wait3A_754 = tpu.memref_squeeze %dma_wait3A_753 : memref<1x1x128xf32, #tpu.memory_space<vmem>> -> memref<128xf32, #tpu.memory_space<vmem>>
        tpu.wait_dma2 semaphore(%arg14 : memref<!tpu.dma_semaphore, #tpu.memory_space<semaphore_mem>>) src(%arg4 : memref<128xf32, #tpu.memory_space<hbm>>) dst(%dma_wait3A_754 : memref<128xf32, #tpu.memory_space<vmem>>)
        %dma_wait3A_755 = arith.constant 0 : i32
        %dma_wait3A_756 = arith.constant 10 : i32
        %dma_wait3A_757 = arith.constant 0 : i32
        %dma_wait3A_758 = tpu.memref_slice %arg11[%dma_wait3A_755, %dma_wait3A_756, %dma_wait3A_757] : memref<3x8x128xf32, #tpu.memory_space<vmem>> -> memref<1x1x128xf32, #tpu.memory_space<vmem>>
        %dma_wait3A_759 = tpu.memref_squeeze %dma_wait3A_758 : memref<1x1x128xf32, #tpu.memory_space<vmem>> -> memref<128xf32, #tpu.memory_space<vmem>>
        %dma_wait3A_760 = arith.constant 0 : i32
        %dma_wait3A_761 = tpu.memref_slice %arg11[%dma_wait3A_755, %dma_wait3A_756, %dma_wait3A_760] : memref<3x8x128xf32, #tpu.memory_space<vmem>> -> memref<1x1x128xf32, #tpu.memory_space<vmem>>
        %dma_wait3A_762 = tpu.memref_squeeze %dma_wait3A_761 : memref<1x1x128xf32, #tpu.memory_space<vmem>> -> memref<128xf32, #tpu.memory_space<vmem>>
        tpu.wait_dma2 semaphore(%arg14 : memref<!tpu.dma_semaphore, #tpu.memory_space<semaphore_mem>>) src(%arg4 : memref<128xf32, #tpu.memory_space<hbm>>) dst(%dma_wait3A_762 : memref<128xf32, #tpu.memory_space<vmem>>)
        %dma_wait3A_763 = arith.constant 0 : i32
        %dma_wait3A_764 = arith.constant 11 : i32
        %dma_wait3A_765 = arith.constant 0 : i32
        %dma_wait3A_766 = tpu.memref_slice %arg11[%dma_wait3A_763, %dma_wait3A_764, %dma_wait3A_765] : memref<3x8x128xf32, #tpu.memory_space<vmem>> -> memref<1x1x128xf32, #tpu.memory_space<vmem>>
        %dma_wait3A_767 = tpu.memref_squeeze %dma_wait3A_766 : memref<1x1x128xf32, #tpu.memory_space<vmem>> -> memref<128xf32, #tpu.memory_space<vmem>>
        %dma_wait3A_768 = arith.constant 0 : i32
        %dma_wait3A_769 = tpu.memref_slice %arg11[%dma_wait3A_763, %dma_wait3A_764, %dma_wait3A_768] : memref<3x8x128xf32, #tpu.memory_space<vmem>> -> memref<1x1x128xf32, #tpu.memory_space<vmem>>
        %dma_wait3A_770 = tpu.memref_squeeze %dma_wait3A_769 : memref<1x1x128xf32, #tpu.memory_space<vmem>> -> memref<128xf32, #tpu.memory_space<vmem>>
        tpu.wait_dma2 semaphore(%arg14 : memref<!tpu.dma_semaphore, #tpu.memory_space<semaphore_mem>>) src(%arg4 : memref<128xf32, #tpu.memory_space<hbm>>) dst(%dma_wait3A_770 : memref<128xf32, #tpu.memory_space<vmem>>)
        %dma_wait3A_771 = arith.constant 0 : i32
        %dma_wait3A_772 = arith.constant 12 : i32
        %dma_wait3A_773 = arith.constant 0 : i32
        %dma_wait3A_774 = tpu.memref_slice %arg11[%dma_wait3A_771, %dma_wait3A_772, %dma_wait3A_773] : memref<3x8x128xf32, #tpu.memory_space<vmem>> -> memref<1x1x128xf32, #tpu.memory_space<vmem>>
        %dma_wait3A_775 = tpu.memref_squeeze %dma_wait3A_774 : memref<1x1x128xf32, #tpu.memory_space<vmem>> -> memref<128xf32, #tpu.memory_space<vmem>>
        %dma_wait3A_776 = arith.constant 0 : i32
        %dma_wait3A_777 = tpu.memref_slice %arg11[%dma_wait3A_771, %dma_wait3A_772, %dma_wait3A_776] : memref<3x8x128xf32, #tpu.memory_space<vmem>> -> memref<1x1x128xf32, #tpu.memory_space<vmem>>
        %dma_wait3A_778 = tpu.memref_squeeze %dma_wait3A_777 : memref<1x1x128xf32, #tpu.memory_space<vmem>> -> memref<128xf32, #tpu.memory_space<vmem>>
        tpu.wait_dma2 semaphore(%arg14 : memref<!tpu.dma_semaphore, #tpu.memory_space<semaphore_mem>>) src(%arg4 : memref<128xf32, #tpu.memory_space<hbm>>) dst(%dma_wait3A_778 : memref<128xf32, #tpu.memory_space<vmem>>)
        %dma_wait3A_779 = arith.constant 0 : i32
        %dma_wait3A_780 = arith.constant 13 : i32
        %dma_wait3A_781 = arith.constant 0 : i32
        %dma_wait3A_782 = tpu.memref_slice %arg11[%dma_wait3A_779, %dma_wait3A_780, %dma_wait3A_781] : memref<3x8x128xf32, #tpu.memory_space<vmem>> -> memref<1x1x128xf32, #tpu.memory_space<vmem>>
        %dma_wait3A_783 = tpu.memref_squeeze %dma_wait3A_782 : memref<1x1x128xf32, #tpu.memory_space<vmem>> -> memref<128xf32, #tpu.memory_space<vmem>>
        %dma_wait3A_784 = arith.constant 0 : i32
        %dma_wait3A_785 = tpu.memref_slice %arg11[%dma_wait3A_779, %dma_wait3A_780, %dma_wait3A_784] : memref<3x8x128xf32, #tpu.memory_space<vmem>> -> memref<1x1x128xf32, #tpu.memory_space<vmem>>
        %dma_wait3A_786 = tpu.memref_squeeze %dma_wait3A_785 : memref<1x1x128xf32, #tpu.memory_space<vmem>> -> memref<128xf32, #tpu.memory_space<vmem>>
        tpu.wait_dma2 semaphore(%arg14 : memref<!tpu.dma_semaphore, #tpu.memory_space<semaphore_mem>>) src(%arg4 : memref<128xf32, #tpu.memory_space<hbm>>) dst(%dma_wait3A_786 : memref<128xf32, #tpu.memory_space<vmem>>)
        %dma_wait3A_787 = arith.constant 0 : i32
        %dma_wait3A_788 = arith.constant 14 : i32
        %dma_wait3A_789 = arith.constant 0 : i32
        %dma_wait3A_790 = tpu.memref_slice %arg11[%dma_wait3A_787, %dma_wait3A_788, %dma_wait3A_789] : memref<3x8x128xf32, #tpu.memory_space<vmem>> -> memref<1x1x128xf32, #tpu.memory_space<vmem>>
        %dma_wait3A_791 = tpu.memref_squeeze %dma_wait3A_790 : memref<1x1x128xf32, #tpu.memory_space<vmem>> -> memref<128xf32, #tpu.memory_space<vmem>>
        %dma_wait3A_792 = arith.constant 0 : i32
        %dma_wait3A_793 = tpu.memref_slice %arg11[%dma_wait3A_787, %dma_wait3A_788, %dma_wait3A_792] : memref<3x8x128xf32, #tpu.memory_space<vmem>> -> memref<1x1x128xf32, #tpu.memory_space<vmem>>
        %dma_wait3A_794 = tpu.memref_squeeze %dma_wait3A_793 : memref<1x1x128xf32, #tpu.memory_space<vmem>> -> memref<128xf32, #tpu.memory_space<vmem>>
        tpu.wait_dma2 semaphore(%arg14 : memref<!tpu.dma_semaphore, #tpu.memory_space<semaphore_mem>>) src(%arg4 : memref<128xf32, #tpu.memory_space<hbm>>) dst(%dma_wait3A_794 : memref<128xf32, #tpu.memory_space<vmem>>)
        %dma_wait3A_795 = arith.constant 0 : i32
        %dma_wait3A_796 = arith.constant 15 : i32
        %dma_wait3A_797 = arith.constant 0 : i32
        %dma_wait3A_798 = tpu.memref_slice %arg11[%dma_wait3A_795, %dma_wait3A_796, %dma_wait3A_797] : memref<3x8x128xf32, #tpu.memory_space<vmem>> -> memref<1x1x128xf32, #tpu.memory_space<vmem>>
        %dma_wait3A_799 = tpu.memref_squeeze %dma_wait3A_798 : memref<1x1x128xf32, #tpu.memory_space<vmem>> -> memref<128xf32, #tpu.memory_space<vmem>>
        %dma_wait3A_800 = arith.constant 0 : i32
        %dma_wait3A_801 = tpu.memref_slice %arg11[%dma_wait3A_795, %dma_wait3A_796, %dma_wait3A_800] : memref<3x8x128xf32, #tpu.memory_space<vmem>> -> memref<1x1x128xf32, #tpu.memory_space<vmem>>
        %dma_wait3A_802 = tpu.memref_squeeze %dma_wait3A_801 : memref<1x1x128xf32, #tpu.memory_space<vmem>> -> memref<128xf32, #tpu.memory_space<vmem>>
        tpu.wait_dma2 semaphore(%arg14 : memref<!tpu.dma_semaphore, #tpu.memory_space<semaphore_mem>>) src(%arg4 : memref<128xf32, #tpu.memory_space<hbm>>) dst(%dma_wait3A_802 : memref<128xf32, #tpu.memory_space<vmem>>)
      } else {
      }
      %lt3A_670 = arith.cmpi slt, %while3A_665, %add3A_492 : i32
      %convert_element_type3A_671 = arith.extui %lt3A_670 : i1 to i32
      %cond3A_672 = arith.constant 0 : i32
      %cond3A_673 = arith.cmpi ne, %convert_element_type3A_671, %cond3A_672 : i32
      scf.if %cond3A_673 {
        %dma_wait3A_675 = arith.constant 0 : i32
        %dma_wait3A_676 = arith.constant 0 : i32
        %dma_wait3A_677 = arith.constant 0 : i32
        %dma_wait3A_678 = arith.constant 0 : i32
        %dma_wait3A_679 = tpu.memref_slice %arg10[%dma_wait3A_675, %dma_wait3A_676, %dma_wait3A_677, %dma_wait3A_678] : memref<3x8x2x128xi32, #tpu.memory_space<vmem>> -> memref<1x1x2x128xi32, #tpu.memory_space<vmem>>
        %dma_wait3A_680 = tpu.memref_squeeze %dma_wait3A_679 : memref<1x1x2x128xi32, #tpu.memory_space<vmem>> -> memref<2x128xi32, #tpu.memory_space<vmem>>
        %dma_wait3A_681 = arith.constant 0 : i32
        %dma_wait3A_682 = arith.constant 0 : i32
        %dma_wait3A_683 = tpu.memref_slice %arg3[%dma_wait3A_681, %dma_wait3A_682] : memref<2x6400000xi32, #tpu.memory_space<hbm>> -> memref<2x128xi32, #tpu.memory_space<hbm>>
        %dma_wait3A_684 = arith.constant 0 : i32
        %dma_wait3A_685 = arith.constant 0 : i32
        %dma_wait3A_686 = tpu.memref_slice %arg10[%dma_wait3A_675, %dma_wait3A_676, %dma_wait3A_684, %dma_wait3A_685] : memref<3x8x2x128xi32, #tpu.memory_space<vmem>> -> memref<1x1x2x128xi32, #tpu.memory_space<vmem>>
        %dma_wait3A_687 = tpu.memref_squeeze %dma_wait3A_686 : memref<1x1x2x128xi32, #tpu.memory_space<vmem>> -> memref<2x128xi32, #tpu.memory_space<vmem>>
        %dma_wait3A_688 = arith.constant 0 : i32
        %dma_wait3A_689 = arith.constant 0 : i32
        %dma_wait3A_690 = tpu.memref_slice %arg3[%dma_wait3A_688, %dma_wait3A_689] : memref<2x6400000xi32, #tpu.memory_space<hbm>> -> memref<2x128xi32, #tpu.memory_space<hbm>>
        tpu.wait_dma2 semaphore(%arg15 : memref<!tpu.dma_semaphore, #tpu.memory_space<semaphore_mem>>) src(%dma_wait3A_690 : memref<2x128xi32, #tpu.memory_space<hbm>>) dst(%dma_wait3A_687 : memref<2x128xi32, #tpu.memory_space<vmem>>)
        %dma_wait3A_691 = arith.constant 0 : i32
        %dma_wait3A_692 = arith.constant 1 : i32
        %dma_wait3A_693 = arith.constant 0 : i32
        %dma_wait3A_694 = arith.constant 0 : i32
        %dma_wait3A_695 = tpu.memref_slice %arg10[%dma_wait3A_691, %dma_wait3A_692, %dma_wait3A_693, %dma_wait3A_694] : memref<3x8x2x128xi32, #tpu.memory_space<vmem>> -> memref<1x1x2x128xi32, #tpu.memory_space<vmem>>
        %dma_wait3A_696 = tpu.memref_squeeze %dma_wait3A_695 : memref<1x1x2x128xi32, #tpu.memory_space<vmem>> -> memref<2x128xi32, #tpu.memory_space<vmem>>
        %dma_wait3A_697 = arith.constant 0 : i32
        %dma_wait3A_698 = arith.constant 0 : i32
        %dma_wait3A_699 = tpu.memref_slice %arg3[%dma_wait3A_697, %dma_wait3A_698] : memref<2x6400000xi32, #tpu.memory_space<hbm>> -> memref<2x128xi32, #tpu.memory_space<hbm>>
        %dma_wait3A_700 = arith.constant 0 : i32
        %dma_wait3A_701 = arith.constant 0 : i32
        %dma_wait3A_702 = tpu.memref_slice %arg10[%dma_wait3A_691, %dma_wait3A_692, %dma_wait3A_700, %dma_wait3A_701] : memref<3x8x2x128xi32, #tpu.memory_space<vmem>> -> memref<1x1x2x128xi32, #tpu.memory_space<vmem>>
        %dma_wait3A_703 = tpu.memref_squeeze %dma_wait3A_702 : memref<1x1x2x128xi32, #tpu.memory_space<vmem>> -> memref<2x128xi32, #tpu.memory_space<vmem>>
        %dma_wait3A_704 = arith.constant 0 : i32
        %dma_wait3A_705 = arith.constant 0 : i32
        %dma_wait3A_706 = tpu.memref_slice %arg3[%dma_wait3A_704, %dma_wait3A_705] : memref<2x6400000xi32, #tpu.memory_space<hbm>> -> memref<2x128xi32, #tpu.memory_space<hbm>>
        tpu.wait_dma2 semaphore(%arg15 : memref<!tpu.dma_semaphore, #tpu.memory_space<semaphore_mem>>) src(%dma_wait3A_706 : memref<2x128xi32, #tpu.memory_space<hbm>>) dst(%dma_wait3A_703 : memref<2x128xi32, #tpu.memory_space<vmem>>)
        %dma_wait3A_707 = arith.constant 0 : i32
        %dma_wait3A_708 = arith.constant 2 : i32
        %dma_wait3A_709 = arith.constant 0 : i32
        %dma_wait3A_710 = arith.constant 0 : i32
        %dma_wait3A_711 = tpu.memref_slice %arg10[%dma_wait3A_707, %dma_wait3A_708, %dma_wait3A_709, %dma_wait3A_710] : memref<3x8x2x128xi32, #tpu.memory_space<vmem>> -> memref<1x1x2x128xi32, #tpu.memory_space<vmem>>
        %dma_wait3A_712 = tpu.memref_squeeze %dma_wait3A_711 : memref<1x1x2x128xi32, #tpu.memory_space<vmem>> -> memref<2x128xi32, #tpu.memory_space<vmem>>
        %dma_wait3A_713 = arith.constant 0 : i32
        %dma_wait3A_714 = arith.constant 0 : i32
        %dma_wait3A_715 = tpu.memref_slice %arg3[%dma_wait3A_713, %dma_wait3A_714] : memref<2x6400000xi32, #tpu.memory_space<hbm>> -> memref<2x128xi32, #tpu.memory_space<hbm>>
        %dma_wait3A_716 = arith.constant 0 : i32
        %dma_wait3A_717 = arith.constant 0 : i32
        %dma_wait3A_718 = tpu.memref_slice %arg10[%dma_wait3A_707, %dma_wait3A_708, %dma_wait3A_716, %dma_wait3A_717] : memref<3x8x2x128xi32, #tpu.memory_space<vmem>> -> memref<1x1x2x128xi32, #tpu.memory_space<vmem>>
        %dma_wait3A_719 = tpu.memref_squeeze %dma_wait3A_718 : memref<1x1x2x128xi32, #tpu.memory_space<vmem>> -> memref<2x128xi32, #tpu.memory_space<vmem>>
        %dma_wait3A_720 = arith.constant 0 : i32
        %dma_wait3A_721 = arith.constant 0 : i32
        %dma_wait3A_722 = tpu.memref_slice %arg3[%dma_wait3A_720, %dma_wait3A_721] : memref<2x6400000xi32, #tpu.memory_space<hbm>> -> memref<2x128xi32, #tpu.memory_space<hbm>>
        tpu.wait_dma2 semaphore(%arg15 : memref<!tpu.dma_semaphore, #tpu.memory_space<semaphore_mem>>) src(%dma_wait3A_722 : memref<2x128xi32, #tpu.memory_space<hbm>>) dst(%dma_wait3A_719 : memref<2x128xi32, #tpu.memory_space<vmem>>)
        %dma_wait3A_723 = arith.constant 0 : i32
        %dma_wait3A_724 = arith.constant 3 : i32
        %dma_wait3A_725 = arith.constant 0 : i32
        %dma_wait3A_726 = arith.constant 0 : i32
        %dma_wait3A_727 = tpu.memref_slice %arg10[%dma_wait3A_723, %dma_wait3A_724, %dma_wait3A_725, %dma_wait3A_726] : memref<3x8x2x128xi32, #tpu.memory_space<vmem>> -> memref<1x1x2x128xi32, #tpu.memory_space<vmem>>
        %dma_wait3A_728 = tpu.memref_squeeze %dma_wait3A_727 : memref<1x1x2x128xi32, #tpu.memory_space<vmem>> -> memref<2x128xi32, #tpu.memory_space<vmem>>
        %dma_wait3A_729 = arith.constant 0 : i32
        %dma_wait3A_730 = arith.constant 0 : i32
        %dma_wait3A_731 = tpu.memref_slice %arg3[%dma_wait3A_729, %dma_wait3A_730] : memref<2x6400000xi32, #tpu.memory_space<hbm>> -> memref<2x128xi32, #tpu.memory_space<hbm>>
        %dma_wait3A_732 = arith.constant 0 : i32
        %dma_wait3A_733 = arith.constant 0 : i32
        %dma_wait3A_734 = tpu.memref_slice %arg10[%dma_wait3A_723, %dma_wait3A_724, %dma_wait3A_732, %dma_wait3A_733] : memref<3x8x2x128xi32, #tpu.memory_space<vmem>> -> memref<1x1x2x128xi32, #tpu.memory_space<vmem>>
        %dma_wait3A_735 = tpu.memref_squeeze %dma_wait3A_734 : memref<1x1x2x128xi32, #tpu.memory_space<vmem>> -> memref<2x128xi32, #tpu.memory_space<vmem>>
        %dma_wait3A_736 = arith.constant 0 : i32
        %dma_wait3A_737 = arith.constant 0 : i32
        %dma_wait3A_738 = tpu.memref_slice %arg3[%dma_wait3A_736, %dma_wait3A_737] : memref<2x6400000xi32, #tpu.memory_space<hbm>> -> memref<2x128xi32, #tpu.memory_space<hbm>>
        tpu.wait_dma2 semaphore(%arg15 : memref<!tpu.dma_semaphore, #tpu.memory_space<semaphore_mem>>) src(%dma_wait3A_738 : memref<2x128xi32, #tpu.memory_space<hbm>>) dst(%dma_wait3A_735 : memref<2x128xi32, #tpu.memory_space<vmem>>)
        %dma_wait3A_739 = arith.constant 0 : i32
        %dma_wait3A_740 = arith.constant 4 : i32
        %dma_wait3A_741 = arith.constant 0 : i32
        %dma_wait3A_742 = arith.constant 0 : i32
        %dma_wait3A_743 = tpu.memref_slice %arg10[%dma_wait3A_739, %dma_wait3A_740, %dma_wait3A_741, %dma_wait3A_742] : memref<3x8x2x128xi32, #tpu.memory_space<vmem>> -> memref<1x1x2x128xi32, #tpu.memory_space<vmem>>
        %dma_wait3A_744 = tpu.memref_squeeze %dma_wait3A_743 : memref<1x1x2x128xi32, #tpu.memory_space<vmem>> -> memref<2x128xi32, #tpu.memory_space<vmem>>
        %dma_wait3A_745 = arith.constant 0 : i32
        %dma_wait3A_746 = arith.constant 0 : i32
        %dma_wait3A_747 = tpu.memref_slice %arg3[%dma_wait3A_745, %dma_wait3A_746] : memref<2x6400000xi32, #tpu.memory_space<hbm>> -> memref<2x128xi32, #tpu.memory_space<hbm>>
        %dma_wait3A_748 = arith.constant 0 : i32
        %dma_wait3A_749 = arith.constant 0 : i32
        %dma_wait3A_750 = tpu.memref_slice %arg10[%dma_wait3A_739, %dma_wait3A_740, %dma_wait3A_748, %dma_wait3A_749] : memref<3x8x2x128xi32, #tpu.memory_space<vmem>> -> memref<1x1x2x128xi32, #tpu.memory_space<vmem>>
        %dma_wait3A_751 = tpu.memref_squeeze %dma_wait3A_750 : memref<1x1x2x128xi32, #tpu.memory_space<vmem>> -> memref<2x128xi32, #tpu.memory_space<vmem>>
        %dma_wait3A_752 = arith.constant 0 : i32
        %dma_wait3A_753 = arith.constant 0 : i32
        %dma_wait3A_754 = tpu.memref_slice %arg3[%dma_wait3A_752, %dma_wait3A_753] : memref<2x6400000xi32, #tpu.memory_space<hbm>> -> memref<2x128xi32, #tpu.memory_space<hbm>>
        tpu.wait_dma2 semaphore(%arg15 : memref<!tpu.dma_semaphore, #tpu.memory_space<semaphore_mem>>) src(%dma_wait3A_754 : memref<2x128xi32, #tpu.memory_space<hbm>>) dst(%dma_wait3A_751 : memref<2x128xi32, #tpu.memory_space<vmem>>)
        %dma_wait3A_755 = arith.constant 0 : i32
        %dma_wait3A_756 = arith.constant 5 : i32
        %dma_wait3A_757 = arith.constant 0 : i32
        %dma_wait3A_758 = arith.constant 0 : i32
        %dma_wait3A_759 = tpu.memref_slice %arg10[%dma_wait3A_755, %dma_wait3A_756, %dma_wait3A_757, %dma_wait3A_758] : memref<3x8x2x128xi32, #tpu.memory_space<vmem>> -> memref<1x1x2x128xi32, #tpu.memory_space<vmem>>
        %dma_wait3A_760 = tpu.memref_squeeze %dma_wait3A_759 : memref<1x1x2x128xi32, #tpu.memory_space<vmem>> -> memref<2x128xi32, #tpu.memory_space<vmem>>
        %dma_wait3A_761 = arith.constant 0 : i32
        %dma_wait3A_762 = arith.constant 0 : i32
        %dma_wait3A_763 = tpu.memref_slice %arg3[%dma_wait3A_761, %dma_wait3A_762] : memref<2x6400000xi32, #tpu.memory_space<hbm>> -> memref<2x128xi32, #tpu.memory_space<hbm>>
        %dma_wait3A_764 = arith.constant 0 : i32
        %dma_wait3A_765 = arith.constant 0 : i32
        %dma_wait3A_766 = tpu.memref_slice %arg10[%dma_wait3A_755, %dma_wait3A_756, %dma_wait3A_764, %dma_wait3A_765] : memref<3x8x2x128xi32, #tpu.memory_space<vmem>> -> memref<1x1x2x128xi32, #tpu.memory_space<vmem>>
        %dma_wait3A_767 = tpu.memref_squeeze %dma_wait3A_766 : memref<1x1x2x128xi32, #tpu.memory_space<vmem>> -> memref<2x128xi32, #tpu.memory_space<vmem>>
        %dma_wait3A_768 = arith.constant 0 : i32
        %dma_wait3A_769 = arith.constant 0 : i32
        %dma_wait3A_770 = tpu.memref_slice %arg3[%dma_wait3A_768, %dma_wait3A_769] : memref<2x6400000xi32, #tpu.memory_space<hbm>> -> memref<2x128xi32, #tpu.memory_space<hbm>>
        tpu.wait_dma2 semaphore(%arg15 : memref<!tpu.dma_semaphore, #tpu.memory_space<semaphore_mem>>) src(%dma_wait3A_770 : memref<2x128xi32, #tpu.memory_space<hbm>>) dst(%dma_wait3A_767 : memref<2x128xi32, #tpu.memory_space<vmem>>)
        %dma_wait3A_771 = arith.constant 0 : i32
        %dma_wait3A_772 = arith.constant 6 : i32
        %dma_wait3A_773 = arith.constant 0 : i32
        %dma_wait3A_774 = arith.constant 0 : i32
        %dma_wait3A_775 = tpu.memref_slice %arg10[%dma_wait3A_771, %dma_wait3A_772, %dma_wait3A_773, %dma_wait3A_774] : memref<3x8x2x128xi32, #tpu.memory_space<vmem>> -> memref<1x1x2x128xi32, #tpu.memory_space<vmem>>
        %dma_wait3A_776 = tpu.memref_squeeze %dma_wait3A_775 : memref<1x1x2x128xi32, #tpu.memory_space<vmem>> -> memref<2x128xi32, #tpu.memory_space<vmem>>
        %dma_wait3A_777 = arith.constant 0 : i32
        %dma_wait3A_778 = arith.constant 0 : i32
        %dma_wait3A_779 = tpu.memref_slice %arg3[%dma_wait3A_777, %dma_wait3A_778] : memref<2x6400000xi32, #tpu.memory_space<hbm>> -> memref<2x128xi32, #tpu.memory_space<hbm>>
        %dma_wait3A_780 = arith.constant 0 : i32
        %dma_wait3A_781 = arith.constant 0 : i32
        %dma_wait3A_782 = tpu.memref_slice %arg10[%dma_wait3A_771, %dma_wait3A_772, %dma_wait3A_780, %dma_wait3A_781] : memref<3x8x2x128xi32, #tpu.memory_space<vmem>> -> memref<1x1x2x128xi32, #tpu.memory_space<vmem>>
        %dma_wait3A_783 = tpu.memref_squeeze %dma_wait3A_782 : memref<1x1x2x128xi32, #tpu.memory_space<vmem>> -> memref<2x128xi32, #tpu.memory_space<vmem>>
        %dma_wait3A_784 = arith.constant 0 : i32
        %dma_wait3A_785 = arith.constant 0 : i32
        %dma_wait3A_786 = tpu.memref_slice %arg3[%dma_wait3A_784, %dma_wait3A_785] : memref<2x6400000xi32, #tpu.memory_space<hbm>> -> memref<2x128xi32, #tpu.memory_space<hbm>>
        tpu.wait_dma2 semaphore(%arg15 : memref<!tpu.dma_semaphore, #tpu.memory_space<semaphore_mem>>) src(%dma_wait3A_786 : memref<2x128xi32, #tpu.memory_space<hbm>>) dst(%dma_wait3A_783 : memref<2x128xi32, #tpu.memory_space<vmem>>)
        %dma_wait3A_787 = arith.constant 0 : i32
        %dma_wait3A_788 = arith.constant 7 : i32
        %dma_wait3A_789 = arith.constant 0 : i32
        %dma_wait3A_790 = arith.constant 0 : i32
        %dma_wait3A_791 = tpu.memref_slice %arg10[%dma_wait3A_787, %dma_wait3A_788, %dma_wait3A_789, %dma_wait3A_790] : memref<3x8x2x128xi32, #tpu.memory_space<vmem>> -> memref<1x1x2x128xi32, #tpu.memory_space<vmem>>
        %dma_wait3A_792 = tpu.memref_squeeze %dma_wait3A_791 : memref<1x1x2x128xi32, #tpu.memory_space<vmem>> -> memref<2x128xi32, #tpu.memory_space<vmem>>
        %dma_wait3A_793 = arith.constant 0 : i32
        %dma_wait3A_794 = arith.constant 0 : i32
        %dma_wait3A_795 = tpu.memref_slice %arg3[%dma_wait3A_793, %dma_wait3A_794] : memref<2x6400000xi32, #tpu.memory_space<hbm>> -> memref<2x128xi32, #tpu.memory_space<hbm>>
        %dma_wait3A_796 = arith.constant 0 : i32
        %dma_wait3A_797 = arith.constant 0 : i32
        %dma_wait3A_798 = tpu.memref_slice %arg10[%dma_wait3A_787, %dma_wait3A_788, %dma_wait3A_796, %dma_wait3A_797] : memref<3x8x2x128xi32, #tpu.memory_space<vmem>> -> memref<1x1x2x128xi32, #tpu.memory_space<vmem>>
        %dma_wait3A_799 = tpu.memref_squeeze %dma_wait3A_798 : memref<1x1x2x128xi32, #tpu.memory_space<vmem>> -> memref<2x128xi32, #tpu.memory_space<vmem>>
        %dma_wait3A_800 = arith.constant 0 : i32
        %dma_wait3A_801 = arith.constant 0 : i32
        %dma_wait3A_802 = tpu.memref_slice %arg3[%dma_wait3A_800, %dma_wait3A_801] : memref<2x6400000xi32, #tpu.memory_space<hbm>> -> memref<2x128xi32, #tpu.memory_space<hbm>>
        tpu.wait_dma2 semaphore(%arg15 : memref<!tpu.dma_semaphore, #tpu.memory_space<semaphore_mem>>) src(%dma_wait3A_802 : memref<2x128xi32, #tpu.memory_space<hbm>>) dst(%dma_wait3A_799 : memref<2x128xi32, #tpu.memory_space<vmem>>)
        %add3A_803 = arith.constant 1 : i32
        %add3A_804 = arith.addi %while3A_665, %add3A_803 : i32
        %lt3A_805 = arith.cmpi slt, %add3A_804, %add3A_492 : i32
        %convert_element_type3A_806 = arith.extui %lt3A_805 : i1 to i32
        %cond3A_807 = arith.constant 0 : i32
        %cond3A_808 = arith.cmpi ne, %convert_element_type3A_806, %cond3A_807 : i32
        scf.if %cond3A_808 {
          %add3A_1815 = arith.addi %add3A_488, %while3A_665 : i32
          %add3A_1816 = arith.constant 1 : i32
          %add3A_1817 = arith.addi %add3A_1815, %add3A_1816 : i32
          %add3A_1818 = arith.constant 1 : i32
          %add3A_1819 = arith.addi %while3A_665, %add3A_1818 : i32
          %rem3A_1820 = arith.constant 3 : i32
          %rem3A_1821 = arith.remsi %add3A_1819, %rem3A_1820 : i32
          %mul3A_1822 = arith.constant 1024 : i32
          %mul3A_1823 = arith.muli %add3A_1817, %mul3A_1822 : i32
          %add3A_1824 = arith.constant 0 : i32
          %add3A_1825 = arith.addi %mul3A_1823, %add3A_1824 : i32
          %dma_start3A_1826 = arith.constant 0 : i32
          %dma_start3A_1827 = arith.constant 0 : i32
          %dma_start3A_1828 = arith.constant 0 : i32
          %dma_start3A_1829 = tpu.memref_slice %arg10[%rem3A_1821, %dma_start3A_1826, %dma_start3A_1827, %dma_start3A_1828] : memref<3x8x2x128xi32, #tpu.memory_space<vmem>> -> memref<1x1x2x128xi32, #tpu.memory_space<vmem>>
          %dma_start3A_1830 = tpu.memref_squeeze %dma_start3A_1829 : memref<1x1x2x128xi32, #tpu.memory_space<vmem>> -> memref<2x128xi32, #tpu.memory_space<vmem>>
          %dma_start3A_1831 = arith.constant 0 : i32
          %dma_start3A_1832 = tpu.memref_slice %arg3[%dma_start3A_1831, %add3A_1825] : memref<2x6400000xi32, #tpu.memory_space<hbm>> -> memref<2x128xi32, #tpu.memory_space<hbm>>
          %dma_start3A_1833 = arith.constant 0 : i32
          %dma_start3A_1834 = arith.constant 0 : i32
          %dma_start3A_1835 = tpu.memref_slice %arg10[%rem3A_1821, %dma_start3A_1826, %dma_start3A_1833, %dma_start3A_1834] : memref<3x8x2x128xi32, #tpu.memory_space<vmem>> -> memref<1x1x2x128xi32, #tpu.memory_space<vmem>>
          %dma_start3A_1836 = tpu.memref_squeeze %dma_start3A_1835 : memref<1x1x2x128xi32, #tpu.memory_space<vmem>> -> memref<2x128xi32, #tpu.memory_space<vmem>>
          %dma_start3A_1837 = arith.constant 0 : i32
          %dma_start3A_1838 = tpu.memref_slice %arg3[%dma_start3A_1837, %add3A_1825] : memref<2x6400000xi32, #tpu.memory_space<hbm>> -> memref<2x128xi32, #tpu.memory_space<hbm>>
          tpu.enqueue_dma source(%dma_start3A_1838 : memref<2x128xi32, #tpu.memory_space<hbm>>) target(%dma_start3A_1836 : memref<2x128xi32, #tpu.memory_space<vmem>>) target_semaphore(%arg15 : memref<!tpu.dma_semaphore, #tpu.memory_space<semaphore_mem>>)
          %mul3A_1839 = arith.constant 1024 : i32
          %mul3A_1840 = arith.muli %add3A_1817, %mul3A_1839 : i32
          %add3A_1841 = arith.constant 128 : i32
          %add3A_1842 = arith.addi %mul3A_1840, %add3A_1841 : i32
          %dma_start3A_1843 = arith.constant 1 : i32
          %dma_start3A_1844 = arith.constant 0 : i32
          %dma_start3A_1845 = arith.constant 0 : i32
          %dma_start3A_1846 = tpu.memref_slice %arg10[%rem3A_1821, %dma_start3A_1843, %dma_start3A_1844, %dma_start3A_1845] : memref<3x8x2x128xi32, #tpu.memory_space<vmem>> -> memref<1x1x2x128xi32, #tpu.memory_space<vmem>>
          %dma_start3A_1847 = tpu.memref_squeeze %dma_start3A_1846 : memref<1x1x2x128xi32, #tpu.memory_space<vmem>> -> memref<2x128xi32, #tpu.memory_space<vmem>>
          %dma_start3A_1848 = arith.constant 0 : i32
          %dma_start3A_1849 = tpu.memref_slice %arg3[%dma_start3A_1848, %add3A_1842] : memref<2x6400000xi32, #tpu.memory_space<hbm>> -> memref<2x128xi32, #tpu.memory_space<hbm>>
          %dma_start3A_1850 = arith.constant 0 : i32
          %dma_start3A_1851 = arith.constant 0 : i32
          %dma_start3A_1852 = tpu.memref_slice %arg10[%rem3A_1821, %dma_start3A_1843, %dma_start3A_1850, %dma_start3A_1851] : memref<3x8x2x128xi32, #tpu.memory_space<vmem>> -> memref<1x1x2x128xi32, #tpu.memory_space<vmem>>
          %dma_start3A_1853 = tpu.memref_squeeze %dma_start3A_1852 : memref<1x1x2x128xi32, #tpu.memory_space<vmem>> -> memref<2x128xi32, #tpu.memory_space<vmem>>
          %dma_start3A_1854 = arith.constant 0 : i32
          %dma_start3A_1855 = tpu.memref_slice %arg3[%dma_start3A_1854, %add3A_1842] : memref<2x6400000xi32, #tpu.memory_space<hbm>> -> memref<2x128xi32, #tpu.memory_space<hbm>>
          tpu.enqueue_dma source(%dma_start3A_1855 : memref<2x128xi32, #tpu.memory_space<hbm>>) target(%dma_start3A_1853 : memref<2x128xi32, #tpu.memory_space<vmem>>) target_semaphore(%arg15 : memref<!tpu.dma_semaphore, #tpu.memory_space<semaphore_mem>>)
          %mul3A_1856 = arith.constant 1024 : i32
          %mul3A_1857 = arith.muli %add3A_1817, %mul3A_1856 : i32
          %add3A_1858 = arith.constant 256 : i32
          %add3A_1859 = arith.addi %mul3A_1857, %add3A_1858 : i32
          %dma_start3A_1860 = arith.constant 2 : i32
          %dma_start3A_1861 = arith.constant 0 : i32
          %dma_start3A_1862 = arith.constant 0 : i32
          %dma_start3A_1863 = tpu.memref_slice %arg10[%rem3A_1821, %dma_start3A_1860, %dma_start3A_1861, %dma_start3A_1862] : memref<3x8x2x128xi32, #tpu.memory_space<vmem>> -> memref<1x1x2x128xi32, #tpu.memory_space<vmem>>
          %dma_start3A_1864 = tpu.memref_squeeze %dma_start3A_1863 : memref<1x1x2x128xi32, #tpu.memory_space<vmem>> -> memref<2x128xi32, #tpu.memory_space<vmem>>
          %dma_start3A_1865 = arith.constant 0 : i32
          %dma_start3A_1866 = tpu.memref_slice %arg3[%dma_start3A_1865, %add3A_1859] : memref<2x6400000xi32, #tpu.memory_space<hbm>> -> memref<2x128xi32, #tpu.memory_space<hbm>>
          %dma_start3A_1867 = arith.constant 0 : i32
          %dma_start3A_1868 = arith.constant 0 : i32
          %dma_start3A_1869 = tpu.memref_slice %arg10[%rem3A_1821, %dma_start3A_1860, %dma_start3A_1867, %dma_start3A_1868] : memref<3x8x2x128xi32, #tpu.memory_space<vmem>> -> memref<1x1x2x128xi32, #tpu.memory_space<vmem>>
          %dma_start3A_1870 = tpu.memref_squeeze %dma_start3A_1869 : memref<1x1x2x128xi32, #tpu.memory_space<vmem>> -> memref<2x128xi32, #tpu.memory_space<vmem>>
          %dma_start3A_1871 = arith.constant 0 : i32
          %dma_start3A_1872 = tpu.memref_slice %arg3[%dma_start3A_1871, %add3A_1859] : memref<2x6400000xi32, #tpu.memory_space<hbm>> -> memref<2x128xi32, #tpu.memory_space<hbm>>
          tpu.enqueue_dma source(%dma_start3A_1872 : memref<2x128xi32, #tpu.memory_space<hbm>>) target(%dma_start3A_1870 : memref<2x128xi32, #tpu.memory_space<vmem>>) target_semaphore(%arg15 : memref<!tpu.dma_semaphore, #tpu.memory_space<semaphore_mem>>)
          %mul3A_1873 = arith.constant 1024 : i32
          %mul3A_1874 = arith.muli %add3A_1817, %mul3A_1873 : i32
          %add3A_1875 = arith.constant 384 : i32
          %add3A_1876 = arith.addi %mul3A_1874, %add3A_1875 : i32
          %dma_start3A_1877 = arith.constant 3 : i32
          %dma_start3A_1878 = arith.constant 0 : i32
          %dma_start3A_1879 = arith.constant 0 : i32
          %dma_start3A_1880 = tpu.memref_slice %arg10[%rem3A_1821, %dma_start3A_1877, %dma_start3A_1878, %dma_start3A_1879] : memref<3x8x2x128xi32, #tpu.memory_space<vmem>> -> memref<1x1x2x128xi32, #tpu.memory_space<vmem>>
          %dma_start3A_1881 = tpu.memref_squeeze %dma_start3A_1880 : memref<1x1x2x128xi32, #tpu.memory_space<vmem>> -> memref<2x128xi32, #tpu.memory_space<vmem>>
          %dma_start3A_1882 = arith.constant 0 : i32
          %dma_start3A_1883 = tpu.memref_slice %arg3[%dma_start3A_1882, %add3A_1876] : memref<2x6400000xi32, #tpu.memory_space<hbm>> -> memref<2x128xi32, #tpu.memory_space<hbm>>
          %dma_start3A_1884 = arith.constant 0 : i32
          %dma_start3A_1885 = arith.constant 0 : i32
          %dma_start3A_1886 = tpu.memref_slice %arg10[%rem3A_1821, %dma_start3A_1877, %dma_start3A_1884, %dma_start3A_1885] : memref<3x8x2x128xi32, #tpu.memory_space<vmem>> -> memref<1x1x2x128xi32, #tpu.memory_space<vmem>>
          %dma_start3A_1887 = tpu.memref_squeeze %dma_start3A_1886 : memref<1x1x2x128xi32, #tpu.memory_space<vmem>> -> memref<2x128xi32, #tpu.memory_space<vmem>>
          %dma_start3A_1888 = arith.constant 0 : i32
          %dma_start3A_1889 = tpu.memref_slice %arg3[%dma_start3A_1888, %add3A_1876] : memref<2x6400000xi32, #tpu.memory_space<hbm>> -> memref<2x128xi32, #tpu.memory_space<hbm>>
          tpu.enqueue_dma source(%dma_start3A_1889 : memref<2x128xi32, #tpu.memory_space<hbm>>) target(%dma_start3A_1887 : memref<2x128xi32, #tpu.memory_space<vmem>>) target_semaphore(%arg15 : memref<!tpu.dma_semaphore, #tpu.memory_space<semaphore_mem>>)
          %mul3A_1890 = arith.constant 1024 : i32
          %mul3A_1891 = arith.muli %add3A_1817, %mul3A_1890 : i32
          %add3A_1892 = arith.constant 512 : i32
          %add3A_1893 = arith.addi %mul3A_1891, %add3A_1892 : i32
          %dma_start3A_1894 = arith.constant 4 : i32
          %dma_start3A_1895 = arith.constant 0 : i32
          %dma_start3A_1896 = arith.constant 0 : i32
          %dma_start3A_1897 = tpu.memref_slice %arg10[%rem3A_1821, %dma_start3A_1894, %dma_start3A_1895, %dma_start3A_1896] : memref<3x8x2x128xi32, #tpu.memory_space<vmem>> -> memref<1x1x2x128xi32, #tpu.memory_space<vmem>>
          %dma_start3A_1898 = tpu.memref_squeeze %dma_start3A_1897 : memref<1x1x2x128xi32, #tpu.memory_space<vmem>> -> memref<2x128xi32, #tpu.memory_space<vmem>>
          %dma_start3A_1899 = arith.constant 0 : i32
          %dma_start3A_1900 = tpu.memref_slice %arg3[%dma_start3A_1899, %add3A_1893] : memref<2x6400000xi32, #tpu.memory_space<hbm>> -> memref<2x128xi32, #tpu.memory_space<hbm>>
          %dma_start3A_1901 = arith.constant 0 : i32
          %dma_start3A_1902 = arith.constant 0 : i32
          %dma_start3A_1903 = tpu.memref_slice %arg10[%rem3A_1821, %dma_start3A_1894, %dma_start3A_1901, %dma_start3A_1902] : memref<3x8x2x128xi32, #tpu.memory_space<vmem>> -> memref<1x1x2x128xi32, #tpu.memory_space<vmem>>
          %dma_start3A_1904 = tpu.memref_squeeze %dma_start3A_1903 : memref<1x1x2x128xi32, #tpu.memory_space<vmem>> -> memref<2x128xi32, #tpu.memory_space<vmem>>
          %dma_start3A_1905 = arith.constant 0 : i32
          %dma_start3A_1906 = tpu.memref_slice %arg3[%dma_start3A_1905, %add3A_1893] : memref<2x6400000xi32, #tpu.memory_space<hbm>> -> memref<2x128xi32, #tpu.memory_space<hbm>>
          tpu.enqueue_dma source(%dma_start3A_1906 : memref<2x128xi32, #tpu.memory_space<hbm>>) target(%dma_start3A_1904 : memref<2x128xi32, #tpu.memory_space<vmem>>) target_semaphore(%arg15 : memref<!tpu.dma_semaphore, #tpu.memory_space<semaphore_mem>>)
          %mul3A_1907 = arith.constant 1024 : i32
          %mul3A_1908 = arith.muli %add3A_1817, %mul3A_1907 : i32
          %add3A_1909 = arith.constant 640 : i32
          %add3A_1910 = arith.addi %mul3A_1908, %add3A_1909 : i32
          %dma_start3A_1911 = arith.constant 5 : i32
          %dma_start3A_1912 = arith.constant 0 : i32
          %dma_start3A_1913 = arith.constant 0 : i32
          %dma_start3A_1914 = tpu.memref_slice %arg10[%rem3A_1821, %dma_start3A_1911, %dma_start3A_1912, %dma_start3A_1913] : memref<3x8x2x128xi32, #tpu.memory_space<vmem>> -> memref<1x1x2x128xi32, #tpu.memory_space<vmem>>
          %dma_start3A_1915 = tpu.memref_squeeze %dma_start3A_1914 : memref<1x1x2x128xi32, #tpu.memory_space<vmem>> -> memref<2x128xi32, #tpu.memory_space<vmem>>
          %dma_start3A_1916 = arith.constant 0 : i32
          %dma_start3A_1917 = tpu.memref_slice %arg3[%dma_start3A_1916, %add3A_1910] : memref<2x6400000xi32, #tpu.memory_space<hbm>> -> memref<2x128xi32, #tpu.memory_space<hbm>>
          %dma_start3A_1918 = arith.constant 0 : i32
          %dma_start3A_1919 = arith.constant 0 : i32
          %dma_start3A_1920 = tpu.memref_slice %arg10[%rem3A_1821, %dma_start3A_1911, %dma_start3A_1918, %dma_start3A_1919] : memref<3x8x2x128xi32, #tpu.memory_space<vmem>> -> memref<1x1x2x128xi32, #tpu.memory_space<vmem>>
          %dma_start3A_1921 = tpu.memref_squeeze %dma_start3A_1920 : memref<1x1x2x128xi32, #tpu.memory_space<vmem>> -> memref<2x128xi32, #tpu.memory_space<vmem>>
          %dma_start3A_1922 = arith.constant 0 : i32
          %dma_start3A_1923 = tpu.memref_slice %arg3[%dma_start3A_1922, %add3A_1910] : memref<2x6400000xi32, #tpu.memory_space<hbm>> -> memref<2x128xi32, #tpu.memory_space<hbm>>
          tpu.enqueue_dma source(%dma_start3A_1923 : memref<2x128xi32, #tpu.memory_space<hbm>>) target(%dma_start3A_1921 : memref<2x128xi32, #tpu.memory_space<vmem>>) target_semaphore(%arg15 : memref<!tpu.dma_semaphore, #tpu.memory_space<semaphore_mem>>)
          %mul3A_1924 = arith.constant 1024 : i32
          %mul3A_1925 = arith.muli %add3A_1817, %mul3A_1924 : i32
          %add3A_1926 = arith.constant 768 : i32
          %add3A_1927 = arith.addi %mul3A_1925, %add3A_1926 : i32
          %dma_start3A_1928 = arith.constant 6 : i32
          %dma_start3A_1929 = arith.constant 0 : i32
          %dma_start3A_1930 = arith.constant 0 : i32
          %dma_start3A_1931 = tpu.memref_slice %arg10[%rem3A_1821, %dma_start3A_1928, %dma_start3A_1929, %dma_start3A_1930] : memref<3x8x2x128xi32, #tpu.memory_space<vmem>> -> memref<1x1x2x128xi32, #tpu.memory_space<vmem>>
          %dma_start3A_1932 = tpu.memref_squeeze %dma_start3A_1931 : memref<1x1x2x128xi32, #tpu.memory_space<vmem>> -> memref<2x128xi32, #tpu.memory_space<vmem>>
          %dma_start3A_1933 = arith.constant 0 : i32
          %dma_start3A_1934 = tpu.memref_slice %arg3[%dma_start3A_1933, %add3A_1927] : memref<2x6400000xi32, #tpu.memory_space<hbm>> -> memref<2x128xi32, #tpu.memory_space<hbm>>
          %dma_start3A_1935 = arith.constant 0 : i32
          %dma_start3A_1936 = arith.constant 0 : i32
          %dma_start3A_1937 = tpu.memref_slice %arg10[%rem3A_1821, %dma_start3A_1928, %dma_start3A_1935, %dma_start3A_1936] : memref<3x8x2x128xi32, #tpu.memory_space<vmem>> -> memref<1x1x2x128xi32, #tpu.memory_space<vmem>>
          %dma_start3A_1938 = tpu.memref_squeeze %dma_start3A_1937 : memref<1x1x2x128xi32, #tpu.memory_space<vmem>> -> memref<2x128xi32, #tpu.memory_space<vmem>>
          %dma_start3A_1939 = arith.constant 0 : i32
          %dma_start3A_1940 = tpu.memref_slice %arg3[%dma_start3A_1939, %add3A_1927] : memref<2x6400000xi32, #tpu.memory_space<hbm>> -> memref<2x128xi32, #tpu.memory_space<hbm>>
          tpu.enqueue_dma source(%dma_start3A_1940 : memref<2x128xi32, #tpu.memory_space<hbm>>) target(%dma_start3A_1938 : memref<2x128xi32, #tpu.memory_space<vmem>>) target_semaphore(%arg15 : memref<!tpu.dma_semaphore, #tpu.memory_space<semaphore_mem>>)
          %mul3A_1941 = arith.constant 1024 : i32
          %mul3A_1942 = arith.muli %add3A_1817, %mul3A_1941 : i32
          %add3A_1943 = arith.constant 896 : i32
          %add3A_1944 = arith.addi %mul3A_1942, %add3A_1943 : i32
          %dma_start3A_1945 = arith.constant 7 : i32
          %dma_start3A_1946 = arith.constant 0 : i32
          %dma_start3A_1947 = arith.constant 0 : i32
          %dma_start3A_1948 = tpu.memref_slice %arg10[%rem3A_1821, %dma_start3A_1945, %dma_start3A_1946, %dma_start3A_1947] : memref<3x8x2x128xi32, #tpu.memory_space<vmem>> -> memref<1x1x2x128xi32, #tpu.memory_space<vmem>>
          %dma_start3A_1949 = tpu.memref_squeeze %dma_start3A_1948 : memref<1x1x2x128xi32, #tpu.memory_space<vmem>> -> memref<2x128xi32, #tpu.memory_space<vmem>>
          %dma_start3A_1950 = arith.constant 0 : i32
          %dma_start3A_1951 = tpu.memref_slice %arg3[%dma_start3A_1950, %add3A_1944] : memref<2x6400000xi32, #tpu.memory_space<hbm>> -> memref<2x128xi32, #tpu.memory_space<hbm>>
          %dma_start3A_1952 = arith.constant 0 : i32
          %dma_start3A_1953 = arith.constant 0 : i32
          %dma_start3A_1954 = tpu.memref_slice %arg10[%rem3A_1821, %dma_start3A_1945, %dma_start3A_1952, %dma_start3A_1953] : memref<3x8x2x128xi32, #tpu.memory_space<vmem>> -> memref<1x1x2x128xi32, #tpu.memory_space<vmem>>
          %dma_start3A_1955 = tpu.memref_squeeze %dma_start3A_1954 : memref<1x1x2x128xi32, #tpu.memory_space<vmem>> -> memref<2x128xi32, #tpu.memory_space<vmem>>
          %dma_start3A_1956 = arith.constant 0 : i32
          %dma_start3A_1957 = tpu.memref_slice %arg3[%dma_start3A_1956, %add3A_1944] : memref<2x6400000xi32, #tpu.memory_space<hbm>> -> memref<2x128xi32, #tpu.memory_space<hbm>>
          tpu.enqueue_dma source(%dma_start3A_1957 : memref<2x128xi32, #tpu.memory_space<hbm>>) target(%dma_start3A_1955 : memref<2x128xi32, #tpu.memory_space<vmem>>) target_semaphore(%arg15 : memref<!tpu.dma_semaphore, #tpu.memory_space<semaphore_mem>>)
        } else {
        }
        %dma_start3A_809 = arith.constant 0 : i32
        %dma_start3A_810 = arith.constant 0 : i32
        %dma_start3A_811 = arith.constant 1 : i32
        %dma_start3A_812 = arith.constant 0 : i32
        %dma_start3A_813 = tpu.memref_slice %arg12[%dma_start3A_809, %dma_start3A_812] : memref<8x128xf32, #tpu.memory_space<vmem>> -> memref<1x128xf32, #tpu.memory_space<vmem>>
        %dma_start3A_814 = tpu.memref_squeeze %dma_start3A_813 : memref<1x128xf32, #tpu.memory_space<vmem>> -> memref<128xf32, #tpu.memory_space<vmem>>
        %dma_start3A_815 = arith.constant 0 : i32
        %dma_start3A_816 = tpu.memref_slice %arg10[%rem3A_667, %dma_start3A_810, %dma_start3A_811, %dma_start3A_815] : memref<3x8x2x128xi32, #tpu.memory_space<vmem>> -> memref<1x1x1x128xi32, #tpu.memory_space<vmem>>
        %dma_start3A_817 = tpu.memref_squeeze %dma_start3A_816 : memref<1x1x1x128xi32, #tpu.memory_space<vmem>> -> memref<128xi32, #tpu.memory_space<vmem>>
        %dma_start3A_818 = arith.constant 0 : i32
        %dma_start3A_819 = tpu.memref_slice %arg8[%dma_start3A_818] : memref<100352xf32, #tpu.memory_space<vmem_shared>> -> memref<100352xf32, #tpu.memory_space<vmem_shared>>
        tpu.enqueue_indirect_dma source(%dma_start3A_814 : memref<128xf32, #tpu.memory_space<vmem>>) target(%dma_start3A_819 : memref<100352xf32, #tpu.memory_space<vmem_shared>>) offsets(%dma_start3A_817 : memref<128xi32, #tpu.memory_space<vmem>>) semaphore(%arg14 : memref<!tpu.dma_semaphore, #tpu.memory_space<semaphore_mem>>) {add = true}
        %dma_start3A_820 = arith.constant 1 : i32
        %dma_start3A_821 = arith.constant 1 : i32
        %dma_start3A_822 = arith.constant 1 : i32
        %dma_start3A_823 = arith.constant 0 : i32
        %dma_start3A_824 = tpu.memref_slice %arg12[%dma_start3A_820, %dma_start3A_823] : memref<8x128xf32, #tpu.memory_space<vmem>> -> memref<1x128xf32, #tpu.memory_space<vmem>>
        %dma_start3A_825 = tpu.memref_squeeze %dma_start3A_824 : memref<1x128xf32, #tpu.memory_space<vmem>> -> memref<128xf32, #tpu.memory_space<vmem>>
        %dma_start3A_826 = arith.constant 0 : i32
        %dma_start3A_827 = tpu.memref_slice %arg10[%rem3A_667, %dma_start3A_821, %dma_start3A_822, %dma_start3A_826] : memref<3x8x2x128xi32, #tpu.memory_space<vmem>> -> memref<1x1x1x128xi32, #tpu.memory_space<vmem>>
        %dma_start3A_828 = tpu.memref_squeeze %dma_start3A_827 : memref<1x1x1x128xi32, #tpu.memory_space<vmem>> -> memref<128xi32, #tpu.memory_space<vmem>>
        %dma_start3A_829 = arith.constant 0 : i32
        %dma_start3A_830 = tpu.memref_slice %arg8[%dma_start3A_829] : memref<100352xf32, #tpu.memory_space<vmem_shared>> -> memref<100352xf32, #tpu.memory_space<vmem_shared>>
        tpu.enqueue_indirect_dma source(%dma_start3A_825 : memref<128xf32, #tpu.memory_space<vmem>>) target(%dma_start3A_830 : memref<100352xf32, #tpu.memory_space<vmem_shared>>) offsets(%dma_start3A_828 : memref<128xi32, #tpu.memory_space<vmem>>) semaphore(%arg14 : memref<!tpu.dma_semaphore, #tpu.memory_space<semaphore_mem>>) {add = true}
        %dma_start3A_831 = arith.constant 2 : i32
        %dma_start3A_832 = arith.constant 2 : i32
        %dma_start3A_833 = arith.constant 1 : i32
        %dma_start3A_834 = arith.constant 0 : i32
        %dma_start3A_835 = tpu.memref_slice %arg12[%dma_start3A_831, %dma_start3A_834] : memref<8x128xf32, #tpu.memory_space<vmem>> -> memref<1x128xf32, #tpu.memory_space<vmem>>
        %dma_start3A_836 = tpu.memref_squeeze %dma_start3A_835 : memref<1x128xf32, #tpu.memory_space<vmem>> -> memref<128xf32, #tpu.memory_space<vmem>>
        %dma_start3A_837 = arith.constant 0 : i32
        %dma_start3A_838 = tpu.memref_slice %arg10[%rem3A_667, %dma_start3A_832, %dma_start3A_833, %dma_start3A_837] : memref<3x8x2x128xi32, #tpu.memory_space<vmem>> -> memref<1x1x1x128xi32, #tpu.memory_space<vmem>>
        %dma_start3A_839 = tpu.memref_squeeze %dma_start3A_838 : memref<1x1x1x128xi32, #tpu.memory_space<vmem>> -> memref<128xi32, #tpu.memory_space<vmem>>
        %dma_start3A_840 = arith.constant 0 : i32
        %dma_start3A_841 = tpu.memref_slice %arg8[%dma_start3A_840] : memref<100352xf32, #tpu.memory_space<vmem_shared>> -> memref<100352xf32, #tpu.memory_space<vmem_shared>>
        tpu.enqueue_indirect_dma source(%dma_start3A_836 : memref<128xf32, #tpu.memory_space<vmem>>) target(%dma_start3A_841 : memref<100352xf32, #tpu.memory_space<vmem_shared>>) offsets(%dma_start3A_839 : memref<128xi32, #tpu.memory_space<vmem>>) semaphore(%arg14 : memref<!tpu.dma_semaphore, #tpu.memory_space<semaphore_mem>>) {add = true}
        %dma_start3A_842 = arith.constant 3 : i32
        %dma_start3A_843 = arith.constant 3 : i32
        %dma_start3A_844 = arith.constant 1 : i32
        %dma_start3A_845 = arith.constant 0 : i32
        %dma_start3A_846 = tpu.memref_slice %arg12[%dma_start3A_842, %dma_start3A_845] : memref<8x128xf32, #tpu.memory_space<vmem>> -> memref<1x128xf32, #tpu.memory_space<vmem>>
        %dma_start3A_847 = tpu.memref_squeeze %dma_start3A_846 : memref<1x128xf32, #tpu.memory_space<vmem>> -> memref<128xf32, #tpu.memory_space<vmem>>
        %dma_start3A_848 = arith.constant 0 : i32
        %dma_start3A_849 = tpu.memref_slice %arg10[%rem3A_667, %dma_start3A_843, %dma_start3A_844, %dma_start3A_848] : memref<3x8x2x128xi32, #tpu.memory_space<vmem>> -> memref<1x1x1x128xi32, #tpu.memory_space<vmem>>
        %dma_start3A_850 = tpu.memref_squeeze %dma_start3A_849 : memref<1x1x1x128xi32, #tpu.memory_space<vmem>> -> memref<128xi32, #tpu.memory_space<vmem>>
        %dma_start3A_851 = arith.constant 0 : i32
        %dma_start3A_852 = tpu.memref_slice %arg8[%dma_start3A_851] : memref<100352xf32, #tpu.memory_space<vmem_shared>> -> memref<100352xf32, #tpu.memory_space<vmem_shared>>
        tpu.enqueue_indirect_dma source(%dma_start3A_847 : memref<128xf32, #tpu.memory_space<vmem>>) target(%dma_start3A_852 : memref<100352xf32, #tpu.memory_space<vmem_shared>>) offsets(%dma_start3A_850 : memref<128xi32, #tpu.memory_space<vmem>>) semaphore(%arg14 : memref<!tpu.dma_semaphore, #tpu.memory_space<semaphore_mem>>) {add = true}
        %dma_start3A_853 = arith.constant 4 : i32
        %dma_start3A_854 = arith.constant 4 : i32
        %dma_start3A_855 = arith.constant 1 : i32
        %dma_start3A_856 = arith.constant 0 : i32
        %dma_start3A_857 = tpu.memref_slice %arg12[%dma_start3A_853, %dma_start3A_856] : memref<8x128xf32, #tpu.memory_space<vmem>> -> memref<1x128xf32, #tpu.memory_space<vmem>>
        %dma_start3A_858 = tpu.memref_squeeze %dma_start3A_857 : memref<1x128xf32, #tpu.memory_space<vmem>> -> memref<128xf32, #tpu.memory_space<vmem>>
        %dma_start3A_859 = arith.constant 0 : i32
        %dma_start3A_860 = tpu.memref_slice %arg10[%rem3A_667, %dma_start3A_854, %dma_start3A_855, %dma_start3A_859] : memref<3x8x2x128xi32, #tpu.memory_space<vmem>> -> memref<1x1x1x128xi32, #tpu.memory_space<vmem>>
        %dma_start3A_861 = tpu.memref_squeeze %dma_start3A_860 : memref<1x1x1x128xi32, #tpu.memory_space<vmem>> -> memref<128xi32, #tpu.memory_space<vmem>>
        %dma_start3A_862 = arith.constant 0 : i32
        %dma_start3A_863 = tpu.memref_slice %arg8[%dma_start3A_862] : memref<100352xf32, #tpu.memory_space<vmem_shared>> -> memref<100352xf32, #tpu.memory_space<vmem_shared>>
        tpu.enqueue_indirect_dma source(%dma_start3A_858 : memref<128xf32, #tpu.memory_space<vmem>>) target(%dma_start3A_863 : memref<100352xf32, #tpu.memory_space<vmem_shared>>) offsets(%dma_start3A_861 : memref<128xi32, #tpu.memory_space<vmem>>) semaphore(%arg14 : memref<!tpu.dma_semaphore, #tpu.memory_space<semaphore_mem>>) {add = true}
        %dma_start3A_864 = arith.constant 5 : i32
        %dma_start3A_865 = arith.constant 5 : i32
        %dma_start3A_866 = arith.constant 1 : i32
        %dma_start3A_867 = arith.constant 0 : i32
        %dma_start3A_868 = tpu.memref_slice %arg12[%dma_start3A_864, %dma_start3A_867] : memref<8x128xf32, #tpu.memory_space<vmem>> -> memref<1x128xf32, #tpu.memory_space<vmem>>
        %dma_start3A_869 = tpu.memref_squeeze %dma_start3A_868 : memref<1x128xf32, #tpu.memory_space<vmem>> -> memref<128xf32, #tpu.memory_space<vmem>>
        %dma_start3A_870 = arith.constant 0 : i32
        %dma_start3A_871 = tpu.memref_slice %arg10[%rem3A_667, %dma_start3A_865, %dma_start3A_866, %dma_start3A_870] : memref<3x8x2x128xi32, #tpu.memory_space<vmem>> -> memref<1x1x1x128xi32, #tpu.memory_space<vmem>>
        %dma_start3A_872 = tpu.memref_squeeze %dma_start3A_871 : memref<1x1x1x128xi32, #tpu.memory_space<vmem>> -> memref<128xi32, #tpu.memory_space<vmem>>
        %dma_start3A_873 = arith.constant 0 : i32
        %dma_start3A_874 = tpu.memref_slice %arg8[%dma_start3A_873] : memref<100352xf32, #tpu.memory_space<vmem_shared>> -> memref<100352xf32, #tpu.memory_space<vmem_shared>>
        tpu.enqueue_indirect_dma source(%dma_start3A_869 : memref<128xf32, #tpu.memory_space<vmem>>) target(%dma_start3A_874 : memref<100352xf32, #tpu.memory_space<vmem_shared>>) offsets(%dma_start3A_872 : memref<128xi32, #tpu.memory_space<vmem>>) semaphore(%arg14 : memref<!tpu.dma_semaphore, #tpu.memory_space<semaphore_mem>>) {add = true}
        %dma_start3A_875 = arith.constant 6 : i32
        %dma_start3A_876 = arith.constant 6 : i32
        %dma_start3A_877 = arith.constant 1 : i32
        %dma_start3A_878 = arith.constant 0 : i32
        %dma_start3A_879 = tpu.memref_slice %arg12[%dma_start3A_875, %dma_start3A_878] : memref<8x128xf32, #tpu.memory_space<vmem>> -> memref<1x128xf32, #tpu.memory_space<vmem>>
        %dma_start3A_880 = tpu.memref_squeeze %dma_start3A_879 : memref<1x128xf32, #tpu.memory_space<vmem>> -> memref<128xf32, #tpu.memory_space<vmem>>
        %dma_start3A_881 = arith.constant 0 : i32
        %dma_start3A_882 = tpu.memref_slice %arg10[%rem3A_667, %dma_start3A_876, %dma_start3A_877, %dma_start3A_881] : memref<3x8x2x128xi32, #tpu.memory_space<vmem>> -> memref<1x1x1x128xi32, #tpu.memory_space<vmem>>
        %dma_start3A_883 = tpu.memref_squeeze %dma_start3A_882 : memref<1x1x1x128xi32, #tpu.memory_space<vmem>> -> memref<128xi32, #tpu.memory_space<vmem>>
        %dma_start3A_884 = arith.constant 0 : i32
        %dma_start3A_885 = tpu.memref_slice %arg8[%dma_start3A_884] : memref<100352xf32, #tpu.memory_space<vmem_shared>> -> memref<100352xf32, #tpu.memory_space<vmem_shared>>
        tpu.enqueue_indirect_dma source(%dma_start3A_880 : memref<128xf32, #tpu.memory_space<vmem>>) target(%dma_start3A_885 : memref<100352xf32, #tpu.memory_space<vmem_shared>>) offsets(%dma_start3A_883 : memref<128xi32, #tpu.memory_space<vmem>>) semaphore(%arg14 : memref<!tpu.dma_semaphore, #tpu.memory_space<semaphore_mem>>) {add = true}
        %dma_start3A_886 = arith.constant 7 : i32
        %dma_start3A_887 = arith.constant 7 : i32
        %dma_start3A_888 = arith.constant 1 : i32
        %dma_start3A_889 = arith.constant 0 : i32
        %dma_start3A_890 = tpu.memref_slice %arg12[%dma_start3A_886, %dma_start3A_889] : memref<8x128xf32, #tpu.memory_space<vmem>> -> memref<1x128xf32, #tpu.memory_space<vmem>>
        %dma_start3A_891 = tpu.memref_squeeze %dma_start3A_890 : memref<1x128xf32, #tpu.memory_space<vmem>> -> memref<128xf32, #tpu.memory_space<vmem>>
        %dma_start3A_892 = arith.constant 0 : i32
        %dma_start3A_893 = tpu.memref_slice %arg10[%rem3A_667, %dma_start3A_887, %dma_start3A_888, %dma_start3A_892] : memref<3x8x2x128xi32, #tpu.memory_space<vmem>> -> memref<1x1x1x128xi32, #tpu.memory_space<vmem>>
        %dma_start3A_894 = tpu.memref_squeeze %dma_start3A_893 : memref<1x1x1x128xi32, #tpu.memory_space<vmem>> -> memref<128xi32, #tpu.memory_space<vmem>>
        %dma_start3A_895 = arith.constant 0 : i32
        %dma_start3A_896 = tpu.memref_slice %arg8[%dma_start3A_895] : memref<100352xf32, #tpu.memory_space<vmem_shared>> -> memref<100352xf32, #tpu.memory_space<vmem_shared>>
        tpu.enqueue_indirect_dma source(%dma_start3A_891 : memref<128xf32, #tpu.memory_space<vmem>>) target(%dma_start3A_896 : memref<100352xf32, #tpu.memory_space<vmem_shared>>) offsets(%dma_start3A_894 : memref<128xi32, #tpu.memory_space<vmem>>) semaphore(%arg14 : memref<!tpu.dma_semaphore, #tpu.memory_space<semaphore_mem>>) {add = true}
        %get3A = arith.constant 0 : i32
        %get3A_897 = arith.constant 0 : i32
        %get3A_898 = arith.index_cast %rem3A_667 : i32 to index
        %get3A_899 = arith.index_cast %get3A : i32 to index
        %get3A_900 = arith.index_cast %get3A_897 : i32 to index
        %get3A_901 = arith.constant 0 : index
        %get3A_902 = tpu.vector_load %arg10[%get3A_898, %get3A_899, %get3A_900, %get3A_901] {strides = array<i32>} : memref<3x8x2x128xi32, #tpu.memory_space<vmem>>, vector<16xi32>,
        %gather3A = tpu.vector_load_idx %arg9[%get3A_902] : memref<100352xf32, #tpu.memory_space<vmem>>[vector<16xi32>], vector<16xf32>,
        %swap3A_903 = arith.constant 0 : i32
        %swap3A_904 = arith.index_cast %rem3A_667 : i32 to index
        %swap3A_905 = arith.index_cast %swap3A_903 : i32 to index
        %swap3A_906 = arith.constant 0 : index
        %swap3A_907 = tpu.vector_load %arg11[%swap3A_904, %swap3A_905, %swap3A_906] {strides = array<i32>} : memref<3x8x128xf32, #tpu.memory_space<vmem>>, vector<16xf32>,
        tpu.vector_store %arg11[%swap3A_904, %swap3A_905, %swap3A_906], %gather3A {strides = array<i32>} : memref<3x8x128xf32, #tpu.memory_space<vmem>>, vector<16xf32>,
        %get3A_908 = arith.constant 0 : i32
        %get3A_909 = arith.constant 0 : i32
        %get3A_910 = arith.index_cast %rem3A_667 : i32 to index
        %get3A_911 = arith.index_cast %get3A_908 : i32 to index
        %get3A_912 = arith.index_cast %get3A_909 : i32 to index
        %get3A_913 = arith.constant 16 : index
        %get3A_914 = tpu.vector_load %arg10[%get3A_910, %get3A_911, %get3A_912, %get3A_913] {strides = array<i32>} : memref<3x8x2x128xi32, #tpu.memory_space<vmem>>, vector<16xi32>,
        %gather3A_915 = tpu.vector_load_idx %arg9[%get3A_914] : memref<100352xf32, #tpu.memory_space<vmem>>[vector<16xi32>], vector<16xf32>,
        %swap3A_916 = arith.constant 0 : i32
        %swap3A_917 = arith.index_cast %rem3A_667 : i32 to index
        %swap3A_918 = arith.index_cast %swap3A_916 : i32 to index
        %swap3A_919 = arith.constant 16 : index
        %swap3A_920 = tpu.vector_load %arg11[%swap3A_917, %swap3A_918, %swap3A_919] {strides = array<i32>} : memref<3x8x128xf32, #tpu.memory_space<vmem>>, vector<16xf32>,
        tpu.vector_store %arg11[%swap3A_917, %swap3A_918, %swap3A_919], %gather3A_915 {strides = array<i32>} : memref<3x8x128xf32, #tpu.memory_space<vmem>>, vector<16xf32>,
        %get3A_921 = arith.constant 0 : i32
        %get3A_922 = arith.constant 0 : i32
        %get3A_923 = arith.index_cast %rem3A_667 : i32 to index
        %get3A_924 = arith.index_cast %get3A_921 : i32 to index
        %get3A_925 = arith.index_cast %get3A_922 : i32 to index
        %get3A_926 = arith.constant 32 : index
        %get3A_927 = tpu.vector_load %arg10[%get3A_923, %get3A_924, %get3A_925, %get3A_926] {strides = array<i32>} : memref<3x8x2x128xi32, #tpu.memory_space<vmem>>, vector<16xi32>,
        %gather3A_928 = tpu.vector_load_idx %arg9[%get3A_927] : memref<100352xf32, #tpu.memory_space<vmem>>[vector<16xi32>], vector<16xf32>,
        %swap3A_929 = arith.constant 0 : i32
        %swap3A_930 = arith.index_cast %rem3A_667 : i32 to index
        %swap3A_931 = arith.index_cast %swap3A_929 : i32 to index
        %swap3A_932 = arith.constant 32 : index
        %swap3A_933 = tpu.vector_load %arg11[%swap3A_930, %swap3A_931, %swap3A_932] {strides = array<i32>} : memref<3x8x128xf32, #tpu.memory_space<vmem>>, vector<16xf32>,
        tpu.vector_store %arg11[%swap3A_930, %swap3A_931, %swap3A_932], %gather3A_928 {strides = array<i32>} : memref<3x8x128xf32, #tpu.memory_space<vmem>>, vector<16xf32>,
        %get3A_934 = arith.constant 0 : i32
        %get3A_935 = arith.constant 0 : i32
        %get3A_936 = arith.index_cast %rem3A_667 : i32 to index
        %get3A_937 = arith.index_cast %get3A_934 : i32 to index
        %get3A_938 = arith.index_cast %get3A_935 : i32 to index
        %get3A_939 = arith.constant 48 : index
        %get3A_940 = tpu.vector_load %arg10[%get3A_936, %get3A_937, %get3A_938, %get3A_939] {strides = array<i32>} : memref<3x8x2x128xi32, #tpu.memory_space<vmem>>, vector<16xi32>,
        %gather3A_941 = tpu.vector_load_idx %arg9[%get3A_940] : memref<100352xf32, #tpu.memory_space<vmem>>[vector<16xi32>], vector<16xf32>,
        %swap3A_942 = arith.constant 0 : i32
        %swap3A_943 = arith.index_cast %rem3A_667 : i32 to index
        %swap3A_944 = arith.index_cast %swap3A_942 : i32 to index
        %swap3A_945 = arith.constant 48 : index
        %swap3A_946 = tpu.vector_load %arg11[%swap3A_943, %swap3A_944, %swap3A_945] {strides = array<i32>} : memref<3x8x128xf32, #tpu.memory_space<vmem>>, vector<16xf32>,
        tpu.vector_store %arg11[%swap3A_943, %swap3A_944, %swap3A_945], %gather3A_941 {strides = array<i32>} : memref<3x8x128xf32, #tpu.memory_space<vmem>>, vector<16xf32>,
        %get3A_947 = arith.constant 0 : i32
        %get3A_948 = arith.constant 0 : i32
        %get3A_949 = arith.index_cast %rem3A_667 : i32 to index
        %get3A_950 = arith.index_cast %get3A_947 : i32 to index
        %get3A_951 = arith.index_cast %get3A_948 : i32 to index
        %get3A_952 = arith.constant 64 : index
        %get3A_953 = tpu.vector_load %arg10[%get3A_949, %get3A_950, %get3A_951, %get3A_952] {strides = array<i32>} : memref<3x8x2x128xi32, #tpu.memory_space<vmem>>, vector<16xi32>,
        %gather3A_954 = tpu.vector_load_idx %arg9[%get3A_953] : memref<100352xf32, #tpu.memory_space<vmem>>[vector<16xi32>], vector<16xf32>,
        %swap3A_955 = arith.constant 0 : i32
        %swap3A_956 = arith.index_cast %rem3A_667 : i32 to index
        %swap3A_957 = arith.index_cast %swap3A_955 : i32 to index
        %swap3A_958 = arith.constant 64 : index
        %swap3A_959 = tpu.vector_load %arg11[%swap3A_956, %swap3A_957, %swap3A_958] {strides = array<i32>} : memref<3x8x128xf32, #tpu.memory_space<vmem>>, vector<16xf32>,
        tpu.vector_store %arg11[%swap3A_956, %swap3A_957, %swap3A_958], %gather3A_954 {strides = array<i32>} : memref<3x8x128xf32, #tpu.memory_space<vmem>>, vector<16xf32>,
        %get3A_960 = arith.constant 0 : i32
        %get3A_961 = arith.constant 0 : i32
        %get3A_962 = arith.index_cast %rem3A_667 : i32 to index
        %get3A_963 = arith.index_cast %get3A_960 : i32 to index
        %get3A_964 = arith.index_cast %get3A_961 : i32 to index
        %get3A_965 = arith.constant 80 : index
        %get3A_966 = tpu.vector_load %arg10[%get3A_962, %get3A_963, %get3A_964, %get3A_965] {strides = array<i32>} : memref<3x8x2x128xi32, #tpu.memory_space<vmem>>, vector<16xi32>,
        %gather3A_967 = tpu.vector_load_idx %arg9[%get3A_966] : memref<100352xf32, #tpu.memory_space<vmem>>[vector<16xi32>], vector<16xf32>,
        %swap3A_968 = arith.constant 0 : i32
        %swap3A_969 = arith.index_cast %rem3A_667 : i32 to index
        %swap3A_970 = arith.index_cast %swap3A_968 : i32 to index
        %swap3A_971 = arith.constant 80 : index
        %swap3A_972 = tpu.vector_load %arg11[%swap3A_969, %swap3A_970, %swap3A_971] {strides = array<i32>} : memref<3x8x128xf32, #tpu.memory_space<vmem>>, vector<16xf32>,
        tpu.vector_store %arg11[%swap3A_969, %swap3A_970, %swap3A_971], %gather3A_967 {strides = array<i32>} : memref<3x8x128xf32, #tpu.memory_space<vmem>>, vector<16xf32>,
        %get3A_973 = arith.constant 0 : i32
        %get3A_974 = arith.constant 0 : i32
        %get3A_975 = arith.index_cast %rem3A_667 : i32 to index
        %get3A_976 = arith.index_cast %get3A_973 : i32 to index
        %get3A_977 = arith.index_cast %get3A_974 : i32 to index
        %get3A_978 = arith.constant 96 : index
        %get3A_979 = tpu.vector_load %arg10[%get3A_975, %get3A_976, %get3A_977, %get3A_978] {strides = array<i32>} : memref<3x8x2x128xi32, #tpu.memory_space<vmem>>, vector<16xi32>,
        %gather3A_980 = tpu.vector_load_idx %arg9[%get3A_979] : memref<100352xf32, #tpu.memory_space<vmem>>[vector<16xi32>], vector<16xf32>,
        %swap3A_981 = arith.constant 0 : i32
        %swap3A_982 = arith.index_cast %rem3A_667 : i32 to index
        %swap3A_983 = arith.index_cast %swap3A_981 : i32 to index
        %swap3A_984 = arith.constant 96 : index
        %swap3A_985 = tpu.vector_load %arg11[%swap3A_982, %swap3A_983, %swap3A_984] {strides = array<i32>} : memref<3x8x128xf32, #tpu.memory_space<vmem>>, vector<16xf32>,
        tpu.vector_store %arg11[%swap3A_982, %swap3A_983, %swap3A_984], %gather3A_980 {strides = array<i32>} : memref<3x8x128xf32, #tpu.memory_space<vmem>>, vector<16xf32>,
        %get3A_986 = arith.constant 0 : i32
        %get3A_987 = arith.constant 0 : i32
        %get3A_988 = arith.index_cast %rem3A_667 : i32 to index
        %get3A_989 = arith.index_cast %get3A_986 : i32 to index
        %get3A_990 = arith.index_cast %get3A_987 : i32 to index
        %get3A_991 = arith.constant 112 : index
        %get3A_992 = tpu.vector_load %arg10[%get3A_988, %get3A_989, %get3A_990, %get3A_991] {strides = array<i32>} : memref<3x8x2x128xi32, #tpu.memory_space<vmem>>, vector<16xi32>,
        %gather3A_993 = tpu.vector_load_idx %arg9[%get3A_992] : memref<100352xf32, #tpu.memory_space<vmem>>[vector<16xi32>], vector<16xf32>,
        %swap3A_994 = arith.constant 0 : i32
        %swap3A_995 = arith.index_cast %rem3A_667 : i32 to index
        %swap3A_996 = arith.index_cast %swap3A_994 : i32 to index
        %swap3A_997 = arith.constant 112 : index
        %swap3A_998 = tpu.vector_load %arg11[%swap3A_995, %swap3A_996, %swap3A_997] {strides = array<i32>} : memref<3x8x128xf32, #tpu.memory_space<vmem>>, vector<16xf32>,
        tpu.vector_store %arg11[%swap3A_995, %swap3A_996, %swap3A_997], %gather3A_993 {strides = array<i32>} : memref<3x8x128xf32, #tpu.memory_space<vmem>>, vector<16xf32>,
        %get3A_999 = arith.constant 1 : i32
        %get3A_1000 = arith.constant 0 : i32
        %get3A_1001 = arith.index_cast %rem3A_667 : i32 to index
        %get3A_1002 = arith.index_cast %get3A_999 : i32 to index
        %get3A_1003 = arith.index_cast %get3A_1000 : i32 to index
        %get3A_1004 = arith.constant 0 : index
        %get3A_1005 = tpu.vector_load %arg10[%get3A_1001, %get3A_1002, %get3A_1003, %get3A_1004] {strides = array<i32>} : memref<3x8x2x128xi32, #tpu.memory_space<vmem>>, vector<16xi32>,
        %gather3A_1006 = tpu.vector_load_idx %arg9[%get3A_1005] : memref<100352xf32, #tpu.memory_space<vmem>>[vector<16xi32>], vector<16xf32>,
        %swap3A_1007 = arith.constant 1 : i32
        %swap3A_1008 = arith.index_cast %rem3A_667 : i32 to index
        %swap3A_1009 = arith.index_cast %swap3A_1007 : i32 to index
        %swap3A_1010 = arith.constant 0 : index
        %swap3A_1011 = tpu.vector_load %arg11[%swap3A_1008, %swap3A_1009, %swap3A_1010] {strides = array<i32>} : memref<3x8x128xf32, #tpu.memory_space<vmem>>, vector<16xf32>,
        tpu.vector_store %arg11[%swap3A_1008, %swap3A_1009, %swap3A_1010], %gather3A_1006 {strides = array<i32>} : memref<3x8x128xf32, #tpu.memory_space<vmem>>, vector<16xf32>,
        %get3A_1012 = arith.constant 1 : i32
        %get3A_1013 = arith.constant 0 : i32
        %get3A_1014 = arith.index_cast %rem3A_667 : i32 to index
        %get3A_1015 = arith.index_cast %get3A_1012 : i32 to index
        %get3A_1016 = arith.index_cast %get3A_1013 : i32 to index
        %get3A_1017 = arith.constant 16 : index
        %get3A_1018 = tpu.vector_load %arg10[%get3A_1014, %get3A_1015, %get3A_1016, %get3A_1017] {strides = array<i32>} : memref<3x8x2x128xi32, #tpu.memory_space<vmem>>, vector<16xi32>,
        %gather3A_1019 = tpu.vector_load_idx %arg9[%get3A_1018] : memref<100352xf32, #tpu.memory_space<vmem>>[vector<16xi32>], vector<16xf32>,
        %swap3A_1020 = arith.constant 1 : i32
        %swap3A_1021 = arith.index_cast %rem3A_667 : i32 to index
        %swap3A_1022 = arith.index_cast %swap3A_1020 : i32 to index
        %swap3A_1023 = arith.constant 16 : index
        %swap3A_1024 = tpu.vector_load %arg11[%swap3A_1021, %swap3A_1022, %swap3A_1023] {strides = array<i32>} : memref<3x8x128xf32, #tpu.memory_space<vmem>>, vector<16xf32>,
        tpu.vector_store %arg11[%swap3A_1021, %swap3A_1022, %swap3A_1023], %gather3A_1019 {strides = array<i32>} : memref<3x8x128xf32, #tpu.memory_space<vmem>>, vector<16xf32>,
        %get3A_1025 = arith.constant 1 : i32
        %get3A_1026 = arith.constant 0 : i32
        %get3A_1027 = arith.index_cast %rem3A_667 : i32 to index
        %get3A_1028 = arith.index_cast %get3A_1025 : i32 to index
        %get3A_1029 = arith.index_cast %get3A_1026 : i32 to index
        %get3A_1030 = arith.constant 32 : index
        %get3A_1031 = tpu.vector_load %arg10[%get3A_1027, %get3A_1028, %get3A_1029, %get3A_1030] {strides = array<i32>} : memref<3x8x2x128xi32, #tpu.memory_space<vmem>>, vector<16xi32>,
        %gather3A_1032 = tpu.vector_load_idx %arg9[%get3A_1031] : memref<100352xf32, #tpu.memory_space<vmem>>[vector<16xi32>], vector<16xf32>,
        %swap3A_1033 = arith.constant 1 : i32
        %swap3A_1034 = arith.index_cast %rem3A_667 : i32 to index
        %swap3A_1035 = arith.index_cast %swap3A_1033 : i32 to index
        %swap3A_1036 = arith.constant 32 : index
        %swap3A_1037 = tpu.vector_load %arg11[%swap3A_1034, %swap3A_1035, %swap3A_1036] {strides = array<i32>} : memref<3x8x128xf32, #tpu.memory_space<vmem>>, vector<16xf32>,
        tpu.vector_store %arg11[%swap3A_1034, %swap3A_1035, %swap3A_1036], %gather3A_1032 {strides = array<i32>} : memref<3x8x128xf32, #tpu.memory_space<vmem>>, vector<16xf32>,
        %get3A_1038 = arith.constant 1 : i32
        %get3A_1039 = arith.constant 0 : i32
        %get3A_1040 = arith.index_cast %rem3A_667 : i32 to index
        %get3A_1041 = arith.index_cast %get3A_1038 : i32 to index
        %get3A_1042 = arith.index_cast %get3A_1039 : i32 to index
        %get3A_1043 = arith.constant 48 : index
        %get3A_1044 = tpu.vector_load %arg10[%get3A_1040, %get3A_1041, %get3A_1042, %get3A_1043] {strides = array<i32>} : memref<3x8x2x128xi32, #tpu.memory_space<vmem>>, vector<16xi32>,
        %gather3A_1045 = tpu.vector_load_idx %arg9[%get3A_1044] : memref<100352xf32, #tpu.memory_space<vmem>>[vector<16xi32>], vector<16xf32>,
        %swap3A_1046 = arith.constant 1 : i32
        %swap3A_1047 = arith.index_cast %rem3A_667 : i32 to index
        %swap3A_1048 = arith.index_cast %swap3A_1046 : i32 to index
        %swap3A_1049 = arith.constant 48 : index
        %swap3A_1050 = tpu.vector_load %arg11[%swap3A_1047, %swap3A_1048, %swap3A_1049] {strides = array<i32>} : memref<3x8x128xf32, #tpu.memory_space<vmem>>, vector<16xf32>,
        tpu.vector_store %arg11[%swap3A_1047, %swap3A_1048, %swap3A_1049], %gather3A_1045 {strides = array<i32>} : memref<3x8x128xf32, #tpu.memory_space<vmem>>, vector<16xf32>,
        %get3A_1051 = arith.constant 1 : i32
        %get3A_1052 = arith.constant 0 : i32
        %get3A_1053 = arith.index_cast %rem3A_667 : i32 to index
        %get3A_1054 = arith.index_cast %get3A_1051 : i32 to index
        %get3A_1055 = arith.index_cast %get3A_1052 : i32 to index
        %get3A_1056 = arith.constant 64 : index
        %get3A_1057 = tpu.vector_load %arg10[%get3A_1053, %get3A_1054, %get3A_1055, %get3A_1056] {strides = array<i32>} : memref<3x8x2x128xi32, #tpu.memory_space<vmem>>, vector<16xi32>,
        %gather3A_1058 = tpu.vector_load_idx %arg9[%get3A_1057] : memref<100352xf32, #tpu.memory_space<vmem>>[vector<16xi32>], vector<16xf32>,
        %swap3A_1059 = arith.constant 1 : i32
        %swap3A_1060 = arith.index_cast %rem3A_667 : i32 to index
        %swap3A_1061 = arith.index_cast %swap3A_1059 : i32 to index
        %swap3A_1062 = arith.constant 64 : index
        %swap3A_1063 = tpu.vector_load %arg11[%swap3A_1060, %swap3A_1061, %swap3A_1062] {strides = array<i32>} : memref<3x8x128xf32, #tpu.memory_space<vmem>>, vector<16xf32>,
        tpu.vector_store %arg11[%swap3A_1060, %swap3A_1061, %swap3A_1062], %gather3A_1058 {strides = array<i32>} : memref<3x8x128xf32, #tpu.memory_space<vmem>>, vector<16xf32>,
        %get3A_1064 = arith.constant 1 : i32
        %get3A_1065 = arith.constant 0 : i32
        %get3A_1066 = arith.index_cast %rem3A_667 : i32 to index
        %get3A_1067 = arith.index_cast %get3A_1064 : i32 to index
        %get3A_1068 = arith.index_cast %get3A_1065 : i32 to index
        %get3A_1069 = arith.constant 80 : index
        %get3A_1070 = tpu.vector_load %arg10[%get3A_1066, %get3A_1067, %get3A_1068, %get3A_1069] {strides = array<i32>} : memref<3x8x2x128xi32, #tpu.memory_space<vmem>>, vector<16xi32>,
        %gather3A_1071 = tpu.vector_load_idx %arg9[%get3A_1070] : memref<100352xf32, #tpu.memory_space<vmem>>[vector<16xi32>], vector<16xf32>,
        %swap3A_1072 = arith.constant 1 : i32
        %swap3A_1073 = arith.index_cast %rem3A_667 : i32 to index
        %swap3A_1074 = arith.index_cast %swap3A_1072 : i32 to index
        %swap3A_1075 = arith.constant 80 : index
        %swap3A_1076 = tpu.vector_load %arg11[%swap3A_1073, %swap3A_1074, %swap3A_1075] {strides = array<i32>} : memref<3x8x128xf32, #tpu.memory_space<vmem>>, vector<16xf32>,
        tpu.vector_store %arg11[%swap3A_1073, %swap3A_1074, %swap3A_1075], %gather3A_1071 {strides = array<i32>} : memref<3x8x128xf32, #tpu.memory_space<vmem>>, vector<16xf32>,
        %get3A_1077 = arith.constant 1 : i32
        %get3A_1078 = arith.constant 0 : i32
        %get3A_1079 = arith.index_cast %rem3A_667 : i32 to index
        %get3A_1080 = arith.index_cast %get3A_1077 : i32 to index
        %get3A_1081 = arith.index_cast %get3A_1078 : i32 to index
        %get3A_1082 = arith.constant 96 : index
        %get3A_1083 = tpu.vector_load %arg10[%get3A_1079, %get3A_1080, %get3A_1081, %get3A_1082] {strides = array<i32>} : memref<3x8x2x128xi32, #tpu.memory_space<vmem>>, vector<16xi32>,
        %gather3A_1084 = tpu.vector_load_idx %arg9[%get3A_1083] : memref<100352xf32, #tpu.memory_space<vmem>>[vector<16xi32>], vector<16xf32>,
        %swap3A_1085 = arith.constant 1 : i32
        %swap3A_1086 = arith.index_cast %rem3A_667 : i32 to index
        %swap3A_1087 = arith.index_cast %swap3A_1085 : i32 to index
        %swap3A_1088 = arith.constant 96 : index
        %swap3A_1089 = tpu.vector_load %arg11[%swap3A_1086, %swap3A_1087, %swap3A_1088] {strides = array<i32>} : memref<3x8x128xf32, #tpu.memory_space<vmem>>, vector<16xf32>,
        tpu.vector_store %arg11[%swap3A_1086, %swap3A_1087, %swap3A_1088], %gather3A_1084 {strides = array<i32>} : memref<3x8x128xf32, #tpu.memory_space<vmem>>, vector<16xf32>,
        %get3A_1090 = arith.constant 1 : i32
        %get3A_1091 = arith.constant 0 : i32
        %get3A_1092 = arith.index_cast %rem3A_667 : i32 to index
        %get3A_1093 = arith.index_cast %get3A_1090 : i32 to index
        %get3A_1094 = arith.index_cast %get3A_1091 : i32 to index
        %get3A_1095 = arith.constant 112 : index
        %get3A_1096 = tpu.vector_load %arg10[%get3A_1092, %get3A_1093, %get3A_1094, %get3A_1095] {strides = array<i32>} : memref<3x8x2x128xi32, #tpu.memory_space<vmem>>, vector<16xi32>,
        %gather3A_1097 = tpu.vector_load_idx %arg9[%get3A_1096] : memref<100352xf32, #tpu.memory_space<vmem>>[vector<16xi32>], vector<16xf32>,
        %swap3A_1098 = arith.constant 1 : i32
        %swap3A_1099 = arith.index_cast %rem3A_667 : i32 to index
        %swap3A_1100 = arith.index_cast %swap3A_1098 : i32 to index
        %swap3A_1101 = arith.constant 112 : index
        %swap3A_1102 = tpu.vector_load %arg11[%swap3A_1099, %swap3A_1100, %swap3A_1101] {strides = array<i32>} : memref<3x8x128xf32, #tpu.memory_space<vmem>>, vector<16xf32>,
        tpu.vector_store %arg11[%swap3A_1099, %swap3A_1100, %swap3A_1101], %gather3A_1097 {strides = array<i32>} : memref<3x8x128xf32, #tpu.memory_space<vmem>>, vector<16xf32>,
        %get3A_1103 = arith.constant 2 : i32
        %get3A_1104 = arith.constant 0 : i32
        %get3A_1105 = arith.index_cast %rem3A_667 : i32 to index
        %get3A_1106 = arith.index_cast %get3A_1103 : i32 to index
        %get3A_1107 = arith.index_cast %get3A_1104 : i32 to index
        %get3A_1108 = arith.constant 0 : index
        %get3A_1109 = tpu.vector_load %arg10[%get3A_1105, %get3A_1106, %get3A_1107, %get3A_1108] {strides = array<i32>} : memref<3x8x2x128xi32, #tpu.memory_space<vmem>>, vector<16xi32>,
        %gather3A_1110 = tpu.vector_load_idx %arg9[%get3A_1109] : memref<100352xf32, #tpu.memory_space<vmem>>[vector<16xi32>], vector<16xf32>,
        %swap3A_1111 = arith.constant 2 : i32
        %swap3A_1112 = arith.index_cast %rem3A_667 : i32 to index
        %swap3A_1113 = arith.index_cast %swap3A_1111 : i32 to index
        %swap3A_1114 = arith.constant 0 : index
        %swap3A_1115 = tpu.vector_load %arg11[%swap3A_1112, %swap3A_1113, %swap3A_1114] {strides = array<i32>} : memref<3x8x128xf32, #tpu.memory_space<vmem>>, vector<16xf32>,
        tpu.vector_store %arg11[%swap3A_1112, %swap3A_1113, %swap3A_1114], %gather3A_1110 {strides = array<i32>} : memref<3x8x128xf32, #tpu.memory_space<vmem>>, vector<16xf32>,
        %get3A_1116 = arith.constant 2 : i32
        %get3A_1117 = arith.constant 0 : i32
        %get3A_1118 = arith.index_cast %rem3A_667 : i32 to index
        %get3A_1119 = arith.index_cast %get3A_1116 : i32 to index
        %get3A_1120 = arith.index_cast %get3A_1117 : i32 to index
        %get3A_1121 = arith.constant 16 : index
        %get3A_1122 = tpu.vector_load %arg10[%get3A_1118, %get3A_1119, %get3A_1120, %get3A_1121] {strides = array<i32>} : memref<3x8x2x128xi32, #tpu.memory_space<vmem>>, vector<16xi32>,
        %gather3A_1123 = tpu.vector_load_idx %arg9[%get3A_1122] : memref<100352xf32, #tpu.memory_space<vmem>>[vector<16xi32>], vector<16xf32>,
        %swap3A_1124 = arith.constant 2 : i32
        %swap3A_1125 = arith.index_cast %rem3A_667 : i32 to index
        %swap3A_1126 = arith.index_cast %swap3A_1124 : i32 to index
        %swap3A_1127 = arith.constant 16 : index
        %swap3A_1128 = tpu.vector_load %arg11[%swap3A_1125, %swap3A_1126, %swap3A_1127] {strides = array<i32>} : memref<3x8x128xf32, #tpu.memory_space<vmem>>, vector<16xf32>,
        tpu.vector_store %arg11[%swap3A_1125, %swap3A_1126, %swap3A_1127], %gather3A_1123 {strides = array<i32>} : memref<3x8x128xf32, #tpu.memory_space<vmem>>, vector<16xf32>,
        %get3A_1129 = arith.constant 2 : i32
        %get3A_1130 = arith.constant 0 : i32
        %get3A_1131 = arith.index_cast %rem3A_667 : i32 to index
        %get3A_1132 = arith.index_cast %get3A_1129 : i32 to index
        %get3A_1133 = arith.index_cast %get3A_1130 : i32 to index
        %get3A_1134 = arith.constant 32 : index
        %get3A_1135 = tpu.vector_load %arg10[%get3A_1131, %get3A_1132, %get3A_1133, %get3A_1134] {strides = array<i32>} : memref<3x8x2x128xi32, #tpu.memory_space<vmem>>, vector<16xi32>,
        %gather3A_1136 = tpu.vector_load_idx %arg9[%get3A_1135] : memref<100352xf32, #tpu.memory_space<vmem>>[vector<16xi32>], vector<16xf32>,
        %swap3A_1137 = arith.constant 2 : i32
        %swap3A_1138 = arith.index_cast %rem3A_667 : i32 to index
        %swap3A_1139 = arith.index_cast %swap3A_1137 : i32 to index
        %swap3A_1140 = arith.constant 32 : index
        %swap3A_1141 = tpu.vector_load %arg11[%swap3A_1138, %swap3A_1139, %swap3A_1140] {strides = array<i32>} : memref<3x8x128xf32, #tpu.memory_space<vmem>>, vector<16xf32>,
        tpu.vector_store %arg11[%swap3A_1138, %swap3A_1139, %swap3A_1140], %gather3A_1136 {strides = array<i32>} : memref<3x8x128xf32, #tpu.memory_space<vmem>>, vector<16xf32>,
        %get3A_1142 = arith.constant 2 : i32
        %get3A_1143 = arith.constant 0 : i32
        %get3A_1144 = arith.index_cast %rem3A_667 : i32 to index
        %get3A_1145 = arith.index_cast %get3A_1142 : i32 to index
        %get3A_1146 = arith.index_cast %get3A_1143 : i32 to index
        %get3A_1147 = arith.constant 48 : index
        %get3A_1148 = tpu.vector_load %arg10[%get3A_1144, %get3A_1145, %get3A_1146, %get3A_1147] {strides = array<i32>} : memref<3x8x2x128xi32, #tpu.memory_space<vmem>>, vector<16xi32>,
        %gather3A_1149 = tpu.vector_load_idx %arg9[%get3A_1148] : memref<100352xf32, #tpu.memory_space<vmem>>[vector<16xi32>], vector<16xf32>,
        %swap3A_1150 = arith.constant 2 : i32
        %swap3A_1151 = arith.index_cast %rem3A_667 : i32 to index
        %swap3A_1152 = arith.index_cast %swap3A_1150 : i32 to index
        %swap3A_1153 = arith.constant 48 : index
        %swap3A_1154 = tpu.vector_load %arg11[%swap3A_1151, %swap3A_1152, %swap3A_1153] {strides = array<i32>} : memref<3x8x128xf32, #tpu.memory_space<vmem>>, vector<16xf32>,
        tpu.vector_store %arg11[%swap3A_1151, %swap3A_1152, %swap3A_1153], %gather3A_1149 {strides = array<i32>} : memref<3x8x128xf32, #tpu.memory_space<vmem>>, vector<16xf32>,
        %get3A_1155 = arith.constant 2 : i32
        %get3A_1156 = arith.constant 0 : i32
        %get3A_1157 = arith.index_cast %rem3A_667 : i32 to index
        %get3A_1158 = arith.index_cast %get3A_1155 : i32 to index
        %get3A_1159 = arith.index_cast %get3A_1156 : i32 to index
        %get3A_1160 = arith.constant 64 : index
        %get3A_1161 = tpu.vector_load %arg10[%get3A_1157, %get3A_1158, %get3A_1159, %get3A_1160] {strides = array<i32>} : memref<3x8x2x128xi32, #tpu.memory_space<vmem>>, vector<16xi32>,
        %gather3A_1162 = tpu.vector_load_idx %arg9[%get3A_1161] : memref<100352xf32, #tpu.memory_space<vmem>>[vector<16xi32>], vector<16xf32>,
        %swap3A_1163 = arith.constant 2 : i32
        %swap3A_1164 = arith.index_cast %rem3A_667 : i32 to index
        %swap3A_1165 = arith.index_cast %swap3A_1163 : i32 to index
        %swap3A_1166 = arith.constant 64 : index
        %swap3A_1167 = tpu.vector_load %arg11[%swap3A_1164, %swap3A_1165, %swap3A_1166] {strides = array<i32>} : memref<3x8x128xf32, #tpu.memory_space<vmem>>, vector<16xf32>,
        tpu.vector_store %arg11[%swap3A_1164, %swap3A_1165, %swap3A_1166], %gather3A_1162 {strides = array<i32>} : memref<3x8x128xf32, #tpu.memory_space<vmem>>, vector<16xf32>,
        %get3A_1168 = arith.constant 2 : i32
        %get3A_1169 = arith.constant 0 : i32
        %get3A_1170 = arith.index_cast %rem3A_667 : i32 to index
        %get3A_1171 = arith.index_cast %get3A_1168 : i32 to index
        %get3A_1172 = arith.index_cast %get3A_1169 : i32 to index
        %get3A_1173 = arith.constant 80 : index
        %get3A_1174 = tpu.vector_load %arg10[%get3A_1170, %get3A_1171, %get3A_1172, %get3A_1173] {strides = array<i32>} : memref<3x8x2x128xi32, #tpu.memory_space<vmem>>, vector<16xi32>,
        %gather3A_1175 = tpu.vector_load_idx %arg9[%get3A_1174] : memref<100352xf32, #tpu.memory_space<vmem>>[vector<16xi32>], vector<16xf32>,
        %swap3A_1176 = arith.constant 2 : i32
        %swap3A_1177 = arith.index_cast %rem3A_667 : i32 to index
        %swap3A_1178 = arith.index_cast %swap3A_1176 : i32 to index
        %swap3A_1179 = arith.constant 80 : index
        %swap3A_1180 = tpu.vector_load %arg11[%swap3A_1177, %swap3A_1178, %swap3A_1179] {strides = array<i32>} : memref<3x8x128xf32, #tpu.memory_space<vmem>>, vector<16xf32>,
        tpu.vector_store %arg11[%swap3A_1177, %swap3A_1178, %swap3A_1179], %gather3A_1175 {strides = array<i32>} : memref<3x8x128xf32, #tpu.memory_space<vmem>>, vector<16xf32>,
        %get3A_1181 = arith.constant 2 : i32
        %get3A_1182 = arith.constant 0 : i32
        %get3A_1183 = arith.index_cast %rem3A_667 : i32 to index
        %get3A_1184 = arith.index_cast %get3A_1181 : i32 to index
        %get3A_1185 = arith.index_cast %get3A_1182 : i32 to index
        %get3A_1186 = arith.constant 96 : index
        %get3A_1187 = tpu.vector_load %arg10[%get3A_1183, %get3A_1184, %get3A_1185, %get3A_1186] {strides = array<i32>} : memref<3x8x2x128xi32, #tpu.memory_space<vmem>>, vector<16xi32>,
        %gather3A_1188 = tpu.vector_load_idx %arg9[%get3A_1187] : memref<100352xf32, #tpu.memory_space<vmem>>[vector<16xi32>], vector<16xf32>,
        %swap3A_1189 = arith.constant 2 : i32
        %swap3A_1190 = arith.index_cast %rem3A_667 : i32 to index
        %swap3A_1191 = arith.index_cast %swap3A_1189 : i32 to index
        %swap3A_1192 = arith.constant 96 : index
        %swap3A_1193 = tpu.vector_load %arg11[%swap3A_1190, %swap3A_1191, %swap3A_1192] {strides = array<i32>} : memref<3x8x128xf32, #tpu.memory_space<vmem>>, vector<16xf32>,
        tpu.vector_store %arg11[%swap3A_1190, %swap3A_1191, %swap3A_1192], %gather3A_1188 {strides = array<i32>} : memref<3x8x128xf32, #tpu.memory_space<vmem>>, vector<16xf32>,
        %get3A_1194 = arith.constant 2 : i32
        %get3A_1195 = arith.constant 0 : i32
        %get3A_1196 = arith.index_cast %rem3A_667 : i32 to index
        %get3A_1197 = arith.index_cast %get3A_1194 : i32 to index
        %get3A_1198 = arith.index_cast %get3A_1195 : i32 to index
        %get3A_1199 = arith.constant 112 : index
        %get3A_1200 = tpu.vector_load %arg10[%get3A_1196, %get3A_1197, %get3A_1198, %get3A_1199] {strides = array<i32>} : memref<3x8x2x128xi32, #tpu.memory_space<vmem>>, vector<16xi32>,
        %gather3A_1201 = tpu.vector_load_idx %arg9[%get3A_1200] : memref<100352xf32, #tpu.memory_space<vmem>>[vector<16xi32>], vector<16xf32>,
        %swap3A_1202 = arith.constant 2 : i32
        %swap3A_1203 = arith.index_cast %rem3A_667 : i32 to index
        %swap3A_1204 = arith.index_cast %swap3A_1202 : i32 to index
        %swap3A_1205 = arith.constant 112 : index
        %swap3A_1206 = tpu.vector_load %arg11[%swap3A_1203, %swap3A_1204, %swap3A_1205] {strides = array<i32>} : memref<3x8x128xf32, #tpu.memory_space<vmem>>, vector<16xf32>,
        tpu.vector_store %arg11[%swap3A_1203, %swap3A_1204, %swap3A_1205], %gather3A_1201 {strides = array<i32>} : memref<3x8x128xf32, #tpu.memory_space<vmem>>, vector<16xf32>,
        %get3A_1207 = arith.constant 3 : i32
        %get3A_1208 = arith.constant 0 : i32
        %get3A_1209 = arith.index_cast %rem3A_667 : i32 to index
        %get3A_1210 = arith.index_cast %get3A_1207 : i32 to index
        %get3A_1211 = arith.index_cast %get3A_1208 : i32 to index
        %get3A_1212 = arith.constant 0 : index
        %get3A_1213 = tpu.vector_load %arg10[%get3A_1209, %get3A_1210, %get3A_1211, %get3A_1212] {strides = array<i32>} : memref<3x8x2x128xi32, #tpu.memory_space<vmem>>, vector<16xi32>,
        %gather3A_1214 = tpu.vector_load_idx %arg9[%get3A_1213] : memref<100352xf32, #tpu.memory_space<vmem>>[vector<16xi32>], vector<16xf32>,
        %swap3A_1215 = arith.constant 3 : i32
        %swap3A_1216 = arith.index_cast %rem3A_667 : i32 to index
        %swap3A_1217 = arith.index_cast %swap3A_1215 : i32 to index
        %swap3A_1218 = arith.constant 0 : index
        %swap3A_1219 = tpu.vector_load %arg11[%swap3A_1216, %swap3A_1217, %swap3A_1218] {strides = array<i32>} : memref<3x8x128xf32, #tpu.memory_space<vmem>>, vector<16xf32>,
        tpu.vector_store %arg11[%swap3A_1216, %swap3A_1217, %swap3A_1218], %gather3A_1214 {strides = array<i32>} : memref<3x8x128xf32, #tpu.memory_space<vmem>>, vector<16xf32>,
        %get3A_1220 = arith.constant 3 : i32
        %get3A_1221 = arith.constant 0 : i32
        %get3A_1222 = arith.index_cast %rem3A_667 : i32 to index
        %get3A_1223 = arith.index_cast %get3A_1220 : i32 to index
        %get3A_1224 = arith.index_cast %get3A_1221 : i32 to index
        %get3A_1225 = arith.constant 16 : index
        %get3A_1226 = tpu.vector_load %arg10[%get3A_1222, %get3A_1223, %get3A_1224, %get3A_1225] {strides = array<i32>} : memref<3x8x2x128xi32, #tpu.memory_space<vmem>>, vector<16xi32>,
        %gather3A_1227 = tpu.vector_load_idx %arg9[%get3A_1226] : memref<100352xf32, #tpu.memory_space<vmem>>[vector<16xi32>], vector<16xf32>,
        %swap3A_1228 = arith.constant 3 : i32
        %swap3A_1229 = arith.index_cast %rem3A_667 : i32 to index
        %swap3A_1230 = arith.index_cast %swap3A_1228 : i32 to index
        %swap3A_1231 = arith.constant 16 : index
        %swap3A_1232 = tpu.vector_load %arg11[%swap3A_1229, %swap3A_1230, %swap3A_1231] {strides = array<i32>} : memref<3x8x128xf32, #tpu.memory_space<vmem>>, vector<16xf32>,
        tpu.vector_store %arg11[%swap3A_1229, %swap3A_1230, %swap3A_1231], %gather3A_1227 {strides = array<i32>} : memref<3x8x128xf32, #tpu.memory_space<vmem>>, vector<16xf32>,
        %get3A_1233 = arith.constant 3 : i32
        %get3A_1234 = arith.constant 0 : i32
        %get3A_1235 = arith.index_cast %rem3A_667 : i32 to index
        %get3A_1236 = arith.index_cast %get3A_1233 : i32 to index
        %get3A_1237 = arith.index_cast %get3A_1234 : i32 to index
        %get3A_1238 = arith.constant 32 : index
        %get3A_1239 = tpu.vector_load %arg10[%get3A_1235, %get3A_1236, %get3A_1237, %get3A_1238] {strides = array<i32>} : memref<3x8x2x128xi32, #tpu.memory_space<vmem>>, vector<16xi32>,
        %gather3A_1240 = tpu.vector_load_idx %arg9[%get3A_1239] : memref<100352xf32, #tpu.memory_space<vmem>>[vector<16xi32>], vector<16xf32>,
        %swap3A_1241 = arith.constant 3 : i32
        %swap3A_1242 = arith.index_cast %rem3A_667 : i32 to index
        %swap3A_1243 = arith.index_cast %swap3A_1241 : i32 to index
        %swap3A_1244 = arith.constant 32 : index
        %swap3A_1245 = tpu.vector_load %arg11[%swap3A_1242, %swap3A_1243, %swap3A_1244] {strides = array<i32>} : memref<3x8x128xf32, #tpu.memory_space<vmem>>, vector<16xf32>,
        tpu.vector_store %arg11[%swap3A_1242, %swap3A_1243, %swap3A_1244], %gather3A_1240 {strides = array<i32>} : memref<3x8x128xf32, #tpu.memory_space<vmem>>, vector<16xf32>,
        %get3A_1246 = arith.constant 3 : i32
        %get3A_1247 = arith.constant 0 : i32
        %get3A_1248 = arith.index_cast %rem3A_667 : i32 to index
        %get3A_1249 = arith.index_cast %get3A_1246 : i32 to index
        %get3A_1250 = arith.index_cast %get3A_1247 : i32 to index
        %get3A_1251 = arith.constant 48 : index
        %get3A_1252 = tpu.vector_load %arg10[%get3A_1248, %get3A_1249, %get3A_1250, %get3A_1251] {strides = array<i32>} : memref<3x8x2x128xi32, #tpu.memory_space<vmem>>, vector<16xi32>,
        %gather3A_1253 = tpu.vector_load_idx %arg9[%get3A_1252] : memref<100352xf32, #tpu.memory_space<vmem>>[vector<16xi32>], vector<16xf32>,
        %swap3A_1254 = arith.constant 3 : i32
        %swap3A_1255 = arith.index_cast %rem3A_667 : i32 to index
        %swap3A_1256 = arith.index_cast %swap3A_1254 : i32 to index
        %swap3A_1257 = arith.constant 48 : index
        %swap3A_1258 = tpu.vector_load %arg11[%swap3A_1255, %swap3A_1256, %swap3A_1257] {strides = array<i32>} : memref<3x8x128xf32, #tpu.memory_space<vmem>>, vector<16xf32>,
        tpu.vector_store %arg11[%swap3A_1255, %swap3A_1256, %swap3A_1257], %gather3A_1253 {strides = array<i32>} : memref<3x8x128xf32, #tpu.memory_space<vmem>>, vector<16xf32>,
        %get3A_1259 = arith.constant 3 : i32
        %get3A_1260 = arith.constant 0 : i32
        %get3A_1261 = arith.index_cast %rem3A_667 : i32 to index
        %get3A_1262 = arith.index_cast %get3A_1259 : i32 to index
        %get3A_1263 = arith.index_cast %get3A_1260 : i32 to index
        %get3A_1264 = arith.constant 64 : index
        %get3A_1265 = tpu.vector_load %arg10[%get3A_1261, %get3A_1262, %get3A_1263, %get3A_1264] {strides = array<i32>} : memref<3x8x2x128xi32, #tpu.memory_space<vmem>>, vector<16xi32>,
        %gather3A_1266 = tpu.vector_load_idx %arg9[%get3A_1265] : memref<100352xf32, #tpu.memory_space<vmem>>[vector<16xi32>], vector<16xf32>,
        %swap3A_1267 = arith.constant 3 : i32
        %swap3A_1268 = arith.index_cast %rem3A_667 : i32 to index
        %swap3A_1269 = arith.index_cast %swap3A_1267 : i32 to index
        %swap3A_1270 = arith.constant 64 : index
        %swap3A_1271 = tpu.vector_load %arg11[%swap3A_1268, %swap3A_1269, %swap3A_1270] {strides = array<i32>} : memref<3x8x128xf32, #tpu.memory_space<vmem>>, vector<16xf32>,
        tpu.vector_store %arg11[%swap3A_1268, %swap3A_1269, %swap3A_1270], %gather3A_1266 {strides = array<i32>} : memref<3x8x128xf32, #tpu.memory_space<vmem>>, vector<16xf32>,
        %get3A_1272 = arith.constant 3 : i32
        %get3A_1273 = arith.constant 0 : i32
        %get3A_1274 = arith.index_cast %rem3A_667 : i32 to index
        %get3A_1275 = arith.index_cast %get3A_1272 : i32 to index
        %get3A_1276 = arith.index_cast %get3A_1273 : i32 to index
        %get3A_1277 = arith.constant 80 : index
        %get3A_1278 = tpu.vector_load %arg10[%get3A_1274, %get3A_1275, %get3A_1276, %get3A_1277] {strides = array<i32>} : memref<3x8x2x128xi32, #tpu.memory_space<vmem>>, vector<16xi32>,
        %gather3A_1279 = tpu.vector_load_idx %arg9[%get3A_1278] : memref<100352xf32, #tpu.memory_space<vmem>>[vector<16xi32>], vector<16xf32>,
        %swap3A_1280 = arith.constant 3 : i32
        %swap3A_1281 = arith.index_cast %rem3A_667 : i32 to index
        %swap3A_1282 = arith.index_cast %swap3A_1280 : i32 to index
        %swap3A_1283 = arith.constant 80 : index
        %swap3A_1284 = tpu.vector_load %arg11[%swap3A_1281, %swap3A_1282, %swap3A_1283] {strides = array<i32>} : memref<3x8x128xf32, #tpu.memory_space<vmem>>, vector<16xf32>,
        tpu.vector_store %arg11[%swap3A_1281, %swap3A_1282, %swap3A_1283], %gather3A_1279 {strides = array<i32>} : memref<3x8x128xf32, #tpu.memory_space<vmem>>, vector<16xf32>,
        %get3A_1285 = arith.constant 3 : i32
        %get3A_1286 = arith.constant 0 : i32
        %get3A_1287 = arith.index_cast %rem3A_667 : i32 to index
        %get3A_1288 = arith.index_cast %get3A_1285 : i32 to index
        %get3A_1289 = arith.index_cast %get3A_1286 : i32 to index
        %get3A_1290 = arith.constant 96 : index
        %get3A_1291 = tpu.vector_load %arg10[%get3A_1287, %get3A_1288, %get3A_1289, %get3A_1290] {strides = array<i32>} : memref<3x8x2x128xi32, #tpu.memory_space<vmem>>, vector<16xi32>,
        %gather3A_1292 = tpu.vector_load_idx %arg9[%get3A_1291] : memref<100352xf32, #tpu.memory_space<vmem>>[vector<16xi32>], vector<16xf32>,
        %swap3A_1293 = arith.constant 3 : i32
        %swap3A_1294 = arith.index_cast %rem3A_667 : i32 to index
        %swap3A_1295 = arith.index_cast %swap3A_1293 : i32 to index
        %swap3A_1296 = arith.constant 96 : index
        %swap3A_1297 = tpu.vector_load %arg11[%swap3A_1294, %swap3A_1295, %swap3A_1296] {strides = array<i32>} : memref<3x8x128xf32, #tpu.memory_space<vmem>>, vector<16xf32>,
        tpu.vector_store %arg11[%swap3A_1294, %swap3A_1295, %swap3A_1296], %gather3A_1292 {strides = array<i32>} : memref<3x8x128xf32, #tpu.memory_space<vmem>>, vector<16xf32>,
        %get3A_1298 = arith.constant 3 : i32
        %get3A_1299 = arith.constant 0 : i32
        %get3A_1300 = arith.index_cast %rem3A_667 : i32 to index
        %get3A_1301 = arith.index_cast %get3A_1298 : i32 to index
        %get3A_1302 = arith.index_cast %get3A_1299 : i32 to index
        %get3A_1303 = arith.constant 112 : index
        %get3A_1304 = tpu.vector_load %arg10[%get3A_1300, %get3A_1301, %get3A_1302, %get3A_1303] {strides = array<i32>} : memref<3x8x2x128xi32, #tpu.memory_space<vmem>>, vector<16xi32>,
        %gather3A_1305 = tpu.vector_load_idx %arg9[%get3A_1304] : memref<100352xf32, #tpu.memory_space<vmem>>[vector<16xi32>], vector<16xf32>,
        %swap3A_1306 = arith.constant 3 : i32
        %swap3A_1307 = arith.index_cast %rem3A_667 : i32 to index
        %swap3A_1308 = arith.index_cast %swap3A_1306 : i32 to index
        %swap3A_1309 = arith.constant 112 : index
        %swap3A_1310 = tpu.vector_load %arg11[%swap3A_1307, %swap3A_1308, %swap3A_1309] {strides = array<i32>} : memref<3x8x128xf32, #tpu.memory_space<vmem>>, vector<16xf32>,
        tpu.vector_store %arg11[%swap3A_1307, %swap3A_1308, %swap3A_1309], %gather3A_1305 {strides = array<i32>} : memref<3x8x128xf32, #tpu.memory_space<vmem>>, vector<16xf32>,
        %get3A_1311 = arith.constant 4 : i32
        %get3A_1312 = arith.constant 0 : i32
        %get3A_1313 = arith.index_cast %rem3A_667 : i32 to index
        %get3A_1314 = arith.index_cast %get3A_1311 : i32 to index
        %get3A_1315 = arith.index_cast %get3A_1312 : i32 to index
        %get3A_1316 = arith.constant 0 : index
        %get3A_1317 = tpu.vector_load %arg10[%get3A_1313, %get3A_1314, %get3A_1315, %get3A_1316] {strides = array<i32>} : memref<3x8x2x128xi32, #tpu.memory_space<vmem>>, vector<16xi32>,
        %gather3A_1318 = tpu.vector_load_idx %arg9[%get3A_1317] : memref<100352xf32, #tpu.memory_space<vmem>>[vector<16xi32>], vector<16xf32>,
        %swap3A_1319 = arith.constant 4 : i32
        %swap3A_1320 = arith.index_cast %rem3A_667 : i32 to index
        %swap3A_1321 = arith.index_cast %swap3A_1319 : i32 to index
        %swap3A_1322 = arith.constant 0 : index
        %swap3A_1323 = tpu.vector_load %arg11[%swap3A_1320, %swap3A_1321, %swap3A_1322] {strides = array<i32>} : memref<3x8x128xf32, #tpu.memory_space<vmem>>, vector<16xf32>,
        tpu.vector_store %arg11[%swap3A_1320, %swap3A_1321, %swap3A_1322], %gather3A_1318 {strides = array<i32>} : memref<3x8x128xf32, #tpu.memory_space<vmem>>, vector<16xf32>,
        %get3A_1324 = arith.constant 4 : i32
        %get3A_1325 = arith.constant 0 : i32
        %get3A_1326 = arith.index_cast %rem3A_667 : i32 to index
        %get3A_1327 = arith.index_cast %get3A_1324 : i32 to index
        %get3A_1328 = arith.index_cast %get3A_1325 : i32 to index
        %get3A_1329 = arith.constant 16 : index
        %get3A_1330 = tpu.vector_load %arg10[%get3A_1326, %get3A_1327, %get3A_1328, %get3A_1329] {strides = array<i32>} : memref<3x8x2x128xi32, #tpu.memory_space<vmem>>, vector<16xi32>,
        %gather3A_1331 = tpu.vector_load_idx %arg9[%get3A_1330] : memref<100352xf32, #tpu.memory_space<vmem>>[vector<16xi32>], vector<16xf32>,
        %swap3A_1332 = arith.constant 4 : i32
        %swap3A_1333 = arith.index_cast %rem3A_667 : i32 to index
        %swap3A_1334 = arith.index_cast %swap3A_1332 : i32 to index
        %swap3A_1335 = arith.constant 16 : index
        %swap3A_1336 = tpu.vector_load %arg11[%swap3A_1333, %swap3A_1334, %swap3A_1335] {strides = array<i32>} : memref<3x8x128xf32, #tpu.memory_space<vmem>>, vector<16xf32>,
        tpu.vector_store %arg11[%swap3A_1333, %swap3A_1334, %swap3A_1335], %gather3A_1331 {strides = array<i32>} : memref<3x8x128xf32, #tpu.memory_space<vmem>>, vector<16xf32>,
        %get3A_1337 = arith.constant 4 : i32
        %get3A_1338 = arith.constant 0 : i32
        %get3A_1339 = arith.index_cast %rem3A_667 : i32 to index
        %get3A_1340 = arith.index_cast %get3A_1337 : i32 to index
        %get3A_1341 = arith.index_cast %get3A_1338 : i32 to index
        %get3A_1342 = arith.constant 32 : index
        %get3A_1343 = tpu.vector_load %arg10[%get3A_1339, %get3A_1340, %get3A_1341, %get3A_1342] {strides = array<i32>} : memref<3x8x2x128xi32, #tpu.memory_space<vmem>>, vector<16xi32>,
        %gather3A_1344 = tpu.vector_load_idx %arg9[%get3A_1343] : memref<100352xf32, #tpu.memory_space<vmem>>[vector<16xi32>], vector<16xf32>,
        %swap3A_1345 = arith.constant 4 : i32
        %swap3A_1346 = arith.index_cast %rem3A_667 : i32 to index
        %swap3A_1347 = arith.index_cast %swap3A_1345 : i32 to index
        %swap3A_1348 = arith.constant 32 : index
        %swap3A_1349 = tpu.vector_load %arg11[%swap3A_1346, %swap3A_1347, %swap3A_1348] {strides = array<i32>} : memref<3x8x128xf32, #tpu.memory_space<vmem>>, vector<16xf32>,
        tpu.vector_store %arg11[%swap3A_1346, %swap3A_1347, %swap3A_1348], %gather3A_1344 {strides = array<i32>} : memref<3x8x128xf32, #tpu.memory_space<vmem>>, vector<16xf32>,
        %get3A_1350 = arith.constant 4 : i32
        %get3A_1351 = arith.constant 0 : i32
        %get3A_1352 = arith.index_cast %rem3A_667 : i32 to index
        %get3A_1353 = arith.index_cast %get3A_1350 : i32 to index
        %get3A_1354 = arith.index_cast %get3A_1351 : i32 to index
        %get3A_1355 = arith.constant 48 : index
        %get3A_1356 = tpu.vector_load %arg10[%get3A_1352, %get3A_1353, %get3A_1354, %get3A_1355] {strides = array<i32>} : memref<3x8x2x128xi32, #tpu.memory_space<vmem>>, vector<16xi32>,
        %gather3A_1357 = tpu.vector_load_idx %arg9[%get3A_1356] : memref<100352xf32, #tpu.memory_space<vmem>>[vector<16xi32>], vector<16xf32>,
        %swap3A_1358 = arith.constant 4 : i32
        %swap3A_1359 = arith.index_cast %rem3A_667 : i32 to index
        %swap3A_1360 = arith.index_cast %swap3A_1358 : i32 to index
        %swap3A_1361 = arith.constant 48 : index
        %swap3A_1362 = tpu.vector_load %arg11[%swap3A_1359, %swap3A_1360, %swap3A_1361] {strides = array<i32>} : memref<3x8x128xf32, #tpu.memory_space<vmem>>, vector<16xf32>,
        tpu.vector_store %arg11[%swap3A_1359, %swap3A_1360, %swap3A_1361], %gather3A_1357 {strides = array<i32>} : memref<3x8x128xf32, #tpu.memory_space<vmem>>, vector<16xf32>,
        %get3A_1363 = arith.constant 4 : i32
        %get3A_1364 = arith.constant 0 : i32
        %get3A_1365 = arith.index_cast %rem3A_667 : i32 to index
        %get3A_1366 = arith.index_cast %get3A_1363 : i32 to index
        %get3A_1367 = arith.index_cast %get3A_1364 : i32 to index
        %get3A_1368 = arith.constant 64 : index
        %get3A_1369 = tpu.vector_load %arg10[%get3A_1365, %get3A_1366, %get3A_1367, %get3A_1368] {strides = array<i32>} : memref<3x8x2x128xi32, #tpu.memory_space<vmem>>, vector<16xi32>,
        %gather3A_1370 = tpu.vector_load_idx %arg9[%get3A_1369] : memref<100352xf32, #tpu.memory_space<vmem>>[vector<16xi32>], vector<16xf32>,
        %swap3A_1371 = arith.constant 4 : i32
        %swap3A_1372 = arith.index_cast %rem3A_667 : i32 to index
        %swap3A_1373 = arith.index_cast %swap3A_1371 : i32 to index
        %swap3A_1374 = arith.constant 64 : index
        %swap3A_1375 = tpu.vector_load %arg11[%swap3A_1372, %swap3A_1373, %swap3A_1374] {strides = array<i32>} : memref<3x8x128xf32, #tpu.memory_space<vmem>>, vector<16xf32>,
        tpu.vector_store %arg11[%swap3A_1372, %swap3A_1373, %swap3A_1374], %gather3A_1370 {strides = array<i32>} : memref<3x8x128xf32, #tpu.memory_space<vmem>>, vector<16xf32>,
        %get3A_1376 = arith.constant 4 : i32
        %get3A_1377 = arith.constant 0 : i32
        %get3A_1378 = arith.index_cast %rem3A_667 : i32 to index
        %get3A_1379 = arith.index_cast %get3A_1376 : i32 to index
        %get3A_1380 = arith.index_cast %get3A_1377 : i32 to index
        %get3A_1381 = arith.constant 80 : index
        %get3A_1382 = tpu.vector_load %arg10[%get3A_1378, %get3A_1379, %get3A_1380, %get3A_1381] {strides = array<i32>} : memref<3x8x2x128xi32, #tpu.memory_space<vmem>>, vector<16xi32>,
        %gather3A_1383 = tpu.vector_load_idx %arg9[%get3A_1382] : memref<100352xf32, #tpu.memory_space<vmem>>[vector<16xi32>], vector<16xf32>,
        %swap3A_1384 = arith.constant 4 : i32
        %swap3A_1385 = arith.index_cast %rem3A_667 : i32 to index
        %swap3A_1386 = arith.index_cast %swap3A_1384 : i32 to index
        %swap3A_1387 = arith.constant 80 : index
        %swap3A_1388 = tpu.vector_load %arg11[%swap3A_1385, %swap3A_1386, %swap3A_1387] {strides = array<i32>} : memref<3x8x128xf32, #tpu.memory_space<vmem>>, vector<16xf32>,
        tpu.vector_store %arg11[%swap3A_1385, %swap3A_1386, %swap3A_1387], %gather3A_1383 {strides = array<i32>} : memref<3x8x128xf32, #tpu.memory_space<vmem>>, vector<16xf32>,
        %get3A_1389 = arith.constant 4 : i32
        %get3A_1390 = arith.constant 0 : i32
        %get3A_1391 = arith.index_cast %rem3A_667 : i32 to index
        %get3A_1392 = arith.index_cast %get3A_1389 : i32 to index
        %get3A_1393 = arith.index_cast %get3A_1390 : i32 to index
        %get3A_1394 = arith.constant 96 : index
        %get3A_1395 = tpu.vector_load %arg10[%get3A_1391, %get3A_1392, %get3A_1393, %get3A_1394] {strides = array<i32>} : memref<3x8x2x128xi32, #tpu.memory_space<vmem>>, vector<16xi32>,
        %gather3A_1396 = tpu.vector_load_idx %arg9[%get3A_1395] : memref<100352xf32, #tpu.memory_space<vmem>>[vector<16xi32>], vector<16xf32>,
        %swap3A_1397 = arith.constant 4 : i32
        %swap3A_1398 = arith.index_cast %rem3A_667 : i32 to index
        %swap3A_1399 = arith.index_cast %swap3A_1397 : i32 to index
        %swap3A_1400 = arith.constant 96 : index
        %swap3A_1401 = tpu.vector_load %arg11[%swap3A_1398, %swap3A_1399, %swap3A_1400] {strides = array<i32>} : memref<3x8x128xf32, #tpu.memory_space<vmem>>, vector<16xf32>,
        tpu.vector_store %arg11[%swap3A_1398, %swap3A_1399, %swap3A_1400], %gather3A_1396 {strides = array<i32>} : memref<3x8x128xf32, #tpu.memory_space<vmem>>, vector<16xf32>,
        %get3A_1402 = arith.constant 4 : i32
        %get3A_1403 = arith.constant 0 : i32
        %get3A_1404 = arith.index_cast %rem3A_667 : i32 to index
        %get3A_1405 = arith.index_cast %get3A_1402 : i32 to index
        %get3A_1406 = arith.index_cast %get3A_1403 : i32 to index
        %get3A_1407 = arith.constant 112 : index
        %get3A_1408 = tpu.vector_load %arg10[%get3A_1404, %get3A_1405, %get3A_1406, %get3A_1407] {strides = array<i32>} : memref<3x8x2x128xi32, #tpu.memory_space<vmem>>, vector<16xi32>,
        %gather3A_1409 = tpu.vector_load_idx %arg9[%get3A_1408] : memref<100352xf32, #tpu.memory_space<vmem>>[vector<16xi32>], vector<16xf32>,
        %swap3A_1410 = arith.constant 4 : i32
        %swap3A_1411 = arith.index_cast %rem3A_667 : i32 to index
        %swap3A_1412 = arith.index_cast %swap3A_1410 : i32 to index
        %swap3A_1413 = arith.constant 112 : index
        %swap3A_1414 = tpu.vector_load %arg11[%swap3A_1411, %swap3A_1412, %swap3A_1413] {strides = array<i32>} : memref<3x8x128xf32, #tpu.memory_space<vmem>>, vector<16xf32>,
        tpu.vector_store %arg11[%swap3A_1411, %swap3A_1412, %swap3A_1413], %gather3A_1409 {strides = array<i32>} : memref<3x8x128xf32, #tpu.memory_space<vmem>>, vector<16xf32>,
        %get3A_1415 = arith.constant 5 : i32
        %get3A_1416 = arith.constant 0 : i32
        %get3A_1417 = arith.index_cast %rem3A_667 : i32 to index
        %get3A_1418 = arith.index_cast %get3A_1415 : i32 to index
        %get3A_1419 = arith.index_cast %get3A_1416 : i32 to index
        %get3A_1420 = arith.constant 0 : index
        %get3A_1421 = tpu.vector_load %arg10[%get3A_1417, %get3A_1418, %get3A_1419, %get3A_1420] {strides = array<i32>} : memref<3x8x2x128xi32, #tpu.memory_space<vmem>>, vector<16xi32>,
        %gather3A_1422 = tpu.vector_load_idx %arg9[%get3A_1421] : memref<100352xf32, #tpu.memory_space<vmem>>[vector<16xi32>], vector<16xf32>,
        %swap3A_1423 = arith.constant 5 : i32
        %swap3A_1424 = arith.index_cast %rem3A_667 : i32 to index
        %swap3A_1425 = arith.index_cast %swap3A_1423 : i32 to index
        %swap3A_1426 = arith.constant 0 : index
        %swap3A_1427 = tpu.vector_load %arg11[%swap3A_1424, %swap3A_1425, %swap3A_1426] {strides = array<i32>} : memref<3x8x128xf32, #tpu.memory_space<vmem>>, vector<16xf32>,
        tpu.vector_store %arg11[%swap3A_1424, %swap3A_1425, %swap3A_1426], %gather3A_1422 {strides = array<i32>} : memref<3x8x128xf32, #tpu.memory_space<vmem>>, vector<16xf32>,
        %get3A_1428 = arith.constant 5 : i32
        %get3A_1429 = arith.constant 0 : i32
        %get3A_1430 = arith.index_cast %rem3A_667 : i32 to index
        %get3A_1431 = arith.index_cast %get3A_1428 : i32 to index
        %get3A_1432 = arith.index_cast %get3A_1429 : i32 to index
        %get3A_1433 = arith.constant 16 : index
        %get3A_1434 = tpu.vector_load %arg10[%get3A_1430, %get3A_1431, %get3A_1432, %get3A_1433] {strides = array<i32>} : memref<3x8x2x128xi32, #tpu.memory_space<vmem>>, vector<16xi32>,
        %gather3A_1435 = tpu.vector_load_idx %arg9[%get3A_1434] : memref<100352xf32, #tpu.memory_space<vmem>>[vector<16xi32>], vector<16xf32>,
        %swap3A_1436 = arith.constant 5 : i32
        %swap3A_1437 = arith.index_cast %rem3A_667 : i32 to index
        %swap3A_1438 = arith.index_cast %swap3A_1436 : i32 to index
        %swap3A_1439 = arith.constant 16 : index
        %swap3A_1440 = tpu.vector_load %arg11[%swap3A_1437, %swap3A_1438, %swap3A_1439] {strides = array<i32>} : memref<3x8x128xf32, #tpu.memory_space<vmem>>, vector<16xf32>,
        tpu.vector_store %arg11[%swap3A_1437, %swap3A_1438, %swap3A_1439], %gather3A_1435 {strides = array<i32>} : memref<3x8x128xf32, #tpu.memory_space<vmem>>, vector<16xf32>,
        %get3A_1441 = arith.constant 5 : i32
        %get3A_1442 = arith.constant 0 : i32
        %get3A_1443 = arith.index_cast %rem3A_667 : i32 to index
        %get3A_1444 = arith.index_cast %get3A_1441 : i32 to index
        %get3A_1445 = arith.index_cast %get3A_1442 : i32 to index
        %get3A_1446 = arith.constant 32 : index
        %get3A_1447 = tpu.vector_load %arg10[%get3A_1443, %get3A_1444, %get3A_1445, %get3A_1446] {strides = array<i32>} : memref<3x8x2x128xi32, #tpu.memory_space<vmem>>, vector<16xi32>,
        %gather3A_1448 = tpu.vector_load_idx %arg9[%get3A_1447] : memref<100352xf32, #tpu.memory_space<vmem>>[vector<16xi32>], vector<16xf32>,
        %swap3A_1449 = arith.constant 5 : i32
        %swap3A_1450 = arith.index_cast %rem3A_667 : i32 to index
        %swap3A_1451 = arith.index_cast %swap3A_1449 : i32 to index
        %swap3A_1452 = arith.constant 32 : index
        %swap3A_1453 = tpu.vector_load %arg11[%swap3A_1450, %swap3A_1451, %swap3A_1452] {strides = array<i32>} : memref<3x8x128xf32, #tpu.memory_space<vmem>>, vector<16xf32>,
        tpu.vector_store %arg11[%swap3A_1450, %swap3A_1451, %swap3A_1452], %gather3A_1448 {strides = array<i32>} : memref<3x8x128xf32, #tpu.memory_space<vmem>>, vector<16xf32>,
        %get3A_1454 = arith.constant 5 : i32
        %get3A_1455 = arith.constant 0 : i32
        %get3A_1456 = arith.index_cast %rem3A_667 : i32 to index
        %get3A_1457 = arith.index_cast %get3A_1454 : i32 to index
        %get3A_1458 = arith.index_cast %get3A_1455 : i32 to index
        %get3A_1459 = arith.constant 48 : index
        %get3A_1460 = tpu.vector_load %arg10[%get3A_1456, %get3A_1457, %get3A_1458, %get3A_1459] {strides = array<i32>} : memref<3x8x2x128xi32, #tpu.memory_space<vmem>>, vector<16xi32>,
        %gather3A_1461 = tpu.vector_load_idx %arg9[%get3A_1460] : memref<100352xf32, #tpu.memory_space<vmem>>[vector<16xi32>], vector<16xf32>,
        %swap3A_1462 = arith.constant 5 : i32
        %swap3A_1463 = arith.index_cast %rem3A_667 : i32 to index
        %swap3A_1464 = arith.index_cast %swap3A_1462 : i32 to index
        %swap3A_1465 = arith.constant 48 : index
        %swap3A_1466 = tpu.vector_load %arg11[%swap3A_1463, %swap3A_1464, %swap3A_1465] {strides = array<i32>} : memref<3x8x128xf32, #tpu.memory_space<vmem>>, vector<16xf32>,
        tpu.vector_store %arg11[%swap3A_1463, %swap3A_1464, %swap3A_1465], %gather3A_1461 {strides = array<i32>} : memref<3x8x128xf32, #tpu.memory_space<vmem>>, vector<16xf32>,
        %get3A_1467 = arith.constant 5 : i32
        %get3A_1468 = arith.constant 0 : i32
        %get3A_1469 = arith.index_cast %rem3A_667 : i32 to index
        %get3A_1470 = arith.index_cast %get3A_1467 : i32 to index
        %get3A_1471 = arith.index_cast %get3A_1468 : i32 to index
        %get3A_1472 = arith.constant 64 : index
        %get3A_1473 = tpu.vector_load %arg10[%get3A_1469, %get3A_1470, %get3A_1471, %get3A_1472] {strides = array<i32>} : memref<3x8x2x128xi32, #tpu.memory_space<vmem>>, vector<16xi32>,
        %gather3A_1474 = tpu.vector_load_idx %arg9[%get3A_1473] : memref<100352xf32, #tpu.memory_space<vmem>>[vector<16xi32>], vector<16xf32>,
        %swap3A_1475 = arith.constant 5 : i32
        %swap3A_1476 = arith.index_cast %rem3A_667 : i32 to index
        %swap3A_1477 = arith.index_cast %swap3A_1475 : i32 to index
        %swap3A_1478 = arith.constant 64 : index
        %swap3A_1479 = tpu.vector_load %arg11[%swap3A_1476, %swap3A_1477, %swap3A_1478] {strides = array<i32>} : memref<3x8x128xf32, #tpu.memory_space<vmem>>, vector<16xf32>,
        tpu.vector_store %arg11[%swap3A_1476, %swap3A_1477, %swap3A_1478], %gather3A_1474 {strides = array<i32>} : memref<3x8x128xf32, #tpu.memory_space<vmem>>, vector<16xf32>,
        %get3A_1480 = arith.constant 5 : i32
        %get3A_1481 = arith.constant 0 : i32
        %get3A_1482 = arith.index_cast %rem3A_667 : i32 to index
        %get3A_1483 = arith.index_cast %get3A_1480 : i32 to index
        %get3A_1484 = arith.index_cast %get3A_1481 : i32 to index
        %get3A_1485 = arith.constant 80 : index
        %get3A_1486 = tpu.vector_load %arg10[%get3A_1482, %get3A_1483, %get3A_1484, %get3A_1485] {strides = array<i32>} : memref<3x8x2x128xi32, #tpu.memory_space<vmem>>, vector<16xi32>,
        %gather3A_1487 = tpu.vector_load_idx %arg9[%get3A_1486] : memref<100352xf32, #tpu.memory_space<vmem>>[vector<16xi32>], vector<16xf32>,
        %swap3A_1488 = arith.constant 5 : i32
        %swap3A_1489 = arith.index_cast %rem3A_667 : i32 to index
        %swap3A_1490 = arith.index_cast %swap3A_1488 : i32 to index
        %swap3A_1491 = arith.constant 80 : index
        %swap3A_1492 = tpu.vector_load %arg11[%swap3A_1489, %swap3A_1490, %swap3A_1491] {strides = array<i32>} : memref<3x8x128xf32, #tpu.memory_space<vmem>>, vector<16xf32>,
        tpu.vector_store %arg11[%swap3A_1489, %swap3A_1490, %swap3A_1491], %gather3A_1487 {strides = array<i32>} : memref<3x8x128xf32, #tpu.memory_space<vmem>>, vector<16xf32>,
        %get3A_1493 = arith.constant 5 : i32
        %get3A_1494 = arith.constant 0 : i32
        %get3A_1495 = arith.index_cast %rem3A_667 : i32 to index
        %get3A_1496 = arith.index_cast %get3A_1493 : i32 to index
        %get3A_1497 = arith.index_cast %get3A_1494 : i32 to index
        %get3A_1498 = arith.constant 96 : index
        %get3A_1499 = tpu.vector_load %arg10[%get3A_1495, %get3A_1496, %get3A_1497, %get3A_1498] {strides = array<i32>} : memref<3x8x2x128xi32, #tpu.memory_space<vmem>>, vector<16xi32>,
        %gather3A_1500 = tpu.vector_load_idx %arg9[%get3A_1499] : memref<100352xf32, #tpu.memory_space<vmem>>[vector<16xi32>], vector<16xf32>,
        %swap3A_1501 = arith.constant 5 : i32
        %swap3A_1502 = arith.index_cast %rem3A_667 : i32 to index
        %swap3A_1503 = arith.index_cast %swap3A_1501 : i32 to index
        %swap3A_1504 = arith.constant 96 : index
        %swap3A_1505 = tpu.vector_load %arg11[%swap3A_1502, %swap3A_1503, %swap3A_1504] {strides = array<i32>} : memref<3x8x128xf32, #tpu.memory_space<vmem>>, vector<16xf32>,
        tpu.vector_store %arg11[%swap3A_1502, %swap3A_1503, %swap3A_1504], %gather3A_1500 {strides = array<i32>} : memref<3x8x128xf32, #tpu.memory_space<vmem>>, vector<16xf32>,
        %get3A_1506 = arith.constant 5 : i32
        %get3A_1507 = arith.constant 0 : i32
        %get3A_1508 = arith.index_cast %rem3A_667 : i32 to index
        %get3A_1509 = arith.index_cast %get3A_1506 : i32 to index
        %get3A_1510 = arith.index_cast %get3A_1507 : i32 to index
        %get3A_1511 = arith.constant 112 : index
        %get3A_1512 = tpu.vector_load %arg10[%get3A_1508, %get3A_1509, %get3A_1510, %get3A_1511] {strides = array<i32>} : memref<3x8x2x128xi32, #tpu.memory_space<vmem>>, vector<16xi32>,
        %gather3A_1513 = tpu.vector_load_idx %arg9[%get3A_1512] : memref<100352xf32, #tpu.memory_space<vmem>>[vector<16xi32>], vector<16xf32>,
        %swap3A_1514 = arith.constant 5 : i32
        %swap3A_1515 = arith.index_cast %rem3A_667 : i32 to index
        %swap3A_1516 = arith.index_cast %swap3A_1514 : i32 to index
        %swap3A_1517 = arith.constant 112 : index
        %swap3A_1518 = tpu.vector_load %arg11[%swap3A_1515, %swap3A_1516, %swap3A_1517] {strides = array<i32>} : memref<3x8x128xf32, #tpu.memory_space<vmem>>, vector<16xf32>,
        tpu.vector_store %arg11[%swap3A_1515, %swap3A_1516, %swap3A_1517], %gather3A_1513 {strides = array<i32>} : memref<3x8x128xf32, #tpu.memory_space<vmem>>, vector<16xf32>,
        %get3A_1519 = arith.constant 6 : i32
        %get3A_1520 = arith.constant 0 : i32
        %get3A_1521 = arith.index_cast %rem3A_667 : i32 to index
        %get3A_1522 = arith.index_cast %get3A_1519 : i32 to index
        %get3A_1523 = arith.index_cast %get3A_1520 : i32 to index
        %get3A_1524 = arith.constant 0 : index
        %get3A_1525 = tpu.vector_load %arg10[%get3A_1521, %get3A_1522, %get3A_1523, %get3A_1524] {strides = array<i32>} : memref<3x8x2x128xi32, #tpu.memory_space<vmem>>, vector<16xi32>,
        %gather3A_1526 = tpu.vector_load_idx %arg9[%get3A_1525] : memref<100352xf32, #tpu.memory_space<vmem>>[vector<16xi32>], vector<16xf32>,
        %swap3A_1527 = arith.constant 6 : i32
        %swap3A_1528 = arith.index_cast %rem3A_667 : i32 to index
        %swap3A_1529 = arith.index_cast %swap3A_1527 : i32 to index
        %swap3A_1530 = arith.constant 0 : index
        %swap3A_1531 = tpu.vector_load %arg11[%swap3A_1528, %swap3A_1529, %swap3A_1530] {strides = array<i32>} : memref<3x8x128xf32, #tpu.memory_space<vmem>>, vector<16xf32>,
        tpu.vector_store %arg11[%swap3A_1528, %swap3A_1529, %swap3A_1530], %gather3A_1526 {strides = array<i32>} : memref<3x8x128xf32, #tpu.memory_space<vmem>>, vector<16xf32>,
        %get3A_1532 = arith.constant 6 : i32
        %get3A_1533 = arith.constant 0 : i32
        %get3A_1534 = arith.index_cast %rem3A_667 : i32 to index
        %get3A_1535 = arith.index_cast %get3A_1532 : i32 to index
        %get3A_1536 = arith.index_cast %get3A_1533 : i32 to index
        %get3A_1537 = arith.constant 16 : index
        %get3A_1538 = tpu.vector_load %arg10[%get3A_1534, %get3A_1535, %get3A_1536, %get3A_1537] {strides = array<i32>} : memref<3x8x2x128xi32, #tpu.memory_space<vmem>>, vector<16xi32>,
        %gather3A_1539 = tpu.vector_load_idx %arg9[%get3A_1538] : memref<100352xf32, #tpu.memory_space<vmem>>[vector<16xi32>], vector<16xf32>,
        %swap3A_1540 = arith.constant 6 : i32
        %swap3A_1541 = arith.index_cast %rem3A_667 : i32 to index
        %swap3A_1542 = arith.index_cast %swap3A_1540 : i32 to index
        %swap3A_1543 = arith.constant 16 : index
        %swap3A_1544 = tpu.vector_load %arg11[%swap3A_1541, %swap3A_1542, %swap3A_1543] {strides = array<i32>} : memref<3x8x128xf32, #tpu.memory_space<vmem>>, vector<16xf32>,
        tpu.vector_store %arg11[%swap3A_1541, %swap3A_1542, %swap3A_1543], %gather3A_1539 {strides = array<i32>} : memref<3x8x128xf32, #tpu.memory_space<vmem>>, vector<16xf32>,
        %get3A_1545 = arith.constant 6 : i32
        %get3A_1546 = arith.constant 0 : i32
        %get3A_1547 = arith.index_cast %rem3A_667 : i32 to index
        %get3A_1548 = arith.index_cast %get3A_1545 : i32 to index
        %get3A_1549 = arith.index_cast %get3A_1546 : i32 to index
        %get3A_1550 = arith.constant 32 : index
        %get3A_1551 = tpu.vector_load %arg10[%get3A_1547, %get3A_1548, %get3A_1549, %get3A_1550] {strides = array<i32>} : memref<3x8x2x128xi32, #tpu.memory_space<vmem>>, vector<16xi32>,
        %gather3A_1552 = tpu.vector_load_idx %arg9[%get3A_1551] : memref<100352xf32, #tpu.memory_space<vmem>>[vector<16xi32>], vector<16xf32>,
        %swap3A_1553 = arith.constant 6 : i32
        %swap3A_1554 = arith.index_cast %rem3A_667 : i32 to index
        %swap3A_1555 = arith.index_cast %swap3A_1553 : i32 to index
        %swap3A_1556 = arith.constant 32 : index
        %swap3A_1557 = tpu.vector_load %arg11[%swap3A_1554, %swap3A_1555, %swap3A_1556] {strides = array<i32>} : memref<3x8x128xf32, #tpu.memory_space<vmem>>, vector<16xf32>,
        tpu.vector_store %arg11[%swap3A_1554, %swap3A_1555, %swap3A_1556], %gather3A_1552 {strides = array<i32>} : memref<3x8x128xf32, #tpu.memory_space<vmem>>, vector<16xf32>,
        %get3A_1558 = arith.constant 6 : i32
        %get3A_1559 = arith.constant 0 : i32
        %get3A_1560 = arith.index_cast %rem3A_667 : i32 to index
        %get3A_1561 = arith.index_cast %get3A_1558 : i32 to index
        %get3A_1562 = arith.index_cast %get3A_1559 : i32 to index
        %get3A_1563 = arith.constant 48 : index
        %get3A_1564 = tpu.vector_load %arg10[%get3A_1560, %get3A_1561, %get3A_1562, %get3A_1563] {strides = array<i32>} : memref<3x8x2x128xi32, #tpu.memory_space<vmem>>, vector<16xi32>,
        %gather3A_1565 = tpu.vector_load_idx %arg9[%get3A_1564] : memref<100352xf32, #tpu.memory_space<vmem>>[vector<16xi32>], vector<16xf32>,
        %swap3A_1566 = arith.constant 6 : i32
        %swap3A_1567 = arith.index_cast %rem3A_667 : i32 to index
        %swap3A_1568 = arith.index_cast %swap3A_1566 : i32 to index
        %swap3A_1569 = arith.constant 48 : index
        %swap3A_1570 = tpu.vector_load %arg11[%swap3A_1567, %swap3A_1568, %swap3A_1569] {strides = array<i32>} : memref<3x8x128xf32, #tpu.memory_space<vmem>>, vector<16xf32>,
        tpu.vector_store %arg11[%swap3A_1567, %swap3A_1568, %swap3A_1569], %gather3A_1565 {strides = array<i32>} : memref<3x8x128xf32, #tpu.memory_space<vmem>>, vector<16xf32>,
        %get3A_1571 = arith.constant 6 : i32
        %get3A_1572 = arith.constant 0 : i32
        %get3A_1573 = arith.index_cast %rem3A_667 : i32 to index
        %get3A_1574 = arith.index_cast %get3A_1571 : i32 to index
        %get3A_1575 = arith.index_cast %get3A_1572 : i32 to index
        %get3A_1576 = arith.constant 64 : index
        %get3A_1577 = tpu.vector_load %arg10[%get3A_1573, %get3A_1574, %get3A_1575, %get3A_1576] {strides = array<i32>} : memref<3x8x2x128xi32, #tpu.memory_space<vmem>>, vector<16xi32>,
        %gather3A_1578 = tpu.vector_load_idx %arg9[%get3A_1577] : memref<100352xf32, #tpu.memory_space<vmem>>[vector<16xi32>], vector<16xf32>,
        %swap3A_1579 = arith.constant 6 : i32
        %swap3A_1580 = arith.index_cast %rem3A_667 : i32 to index
        %swap3A_1581 = arith.index_cast %swap3A_1579 : i32 to index
        %swap3A_1582 = arith.constant 64 : index
        %swap3A_1583 = tpu.vector_load %arg11[%swap3A_1580, %swap3A_1581, %swap3A_1582] {strides = array<i32>} : memref<3x8x128xf32, #tpu.memory_space<vmem>>, vector<16xf32>,
        tpu.vector_store %arg11[%swap3A_1580, %swap3A_1581, %swap3A_1582], %gather3A_1578 {strides = array<i32>} : memref<3x8x128xf32, #tpu.memory_space<vmem>>, vector<16xf32>,
        %get3A_1584 = arith.constant 6 : i32
        %get3A_1585 = arith.constant 0 : i32
        %get3A_1586 = arith.index_cast %rem3A_667 : i32 to index
        %get3A_1587 = arith.index_cast %get3A_1584 : i32 to index
        %get3A_1588 = arith.index_cast %get3A_1585 : i32 to index
        %get3A_1589 = arith.constant 80 : index
        %get3A_1590 = tpu.vector_load %arg10[%get3A_1586, %get3A_1587, %get3A_1588, %get3A_1589] {strides = array<i32>} : memref<3x8x2x128xi32, #tpu.memory_space<vmem>>, vector<16xi32>,
        %gather3A_1591 = tpu.vector_load_idx %arg9[%get3A_1590] : memref<100352xf32, #tpu.memory_space<vmem>>[vector<16xi32>], vector<16xf32>,
        %swap3A_1592 = arith.constant 6 : i32
        %swap3A_1593 = arith.index_cast %rem3A_667 : i32 to index
        %swap3A_1594 = arith.index_cast %swap3A_1592 : i32 to index
        %swap3A_1595 = arith.constant 80 : index
        %swap3A_1596 = tpu.vector_load %arg11[%swap3A_1593, %swap3A_1594, %swap3A_1595] {strides = array<i32>} : memref<3x8x128xf32, #tpu.memory_space<vmem>>, vector<16xf32>,
        tpu.vector_store %arg11[%swap3A_1593, %swap3A_1594, %swap3A_1595], %gather3A_1591 {strides = array<i32>} : memref<3x8x128xf32, #tpu.memory_space<vmem>>, vector<16xf32>,
        %get3A_1597 = arith.constant 6 : i32
        %get3A_1598 = arith.constant 0 : i32
        %get3A_1599 = arith.index_cast %rem3A_667 : i32 to index
        %get3A_1600 = arith.index_cast %get3A_1597 : i32 to index
        %get3A_1601 = arith.index_cast %get3A_1598 : i32 to index
        %get3A_1602 = arith.constant 96 : index
        %get3A_1603 = tpu.vector_load %arg10[%get3A_1599, %get3A_1600, %get3A_1601, %get3A_1602] {strides = array<i32>} : memref<3x8x2x128xi32, #tpu.memory_space<vmem>>, vector<16xi32>,
        %gather3A_1604 = tpu.vector_load_idx %arg9[%get3A_1603] : memref<100352xf32, #tpu.memory_space<vmem>>[vector<16xi32>], vector<16xf32>,
        %swap3A_1605 = arith.constant 6 : i32
        %swap3A_1606 = arith.index_cast %rem3A_667 : i32 to index
        %swap3A_1607 = arith.index_cast %swap3A_1605 : i32 to index
        %swap3A_1608 = arith.constant 96 : index
        %swap3A_1609 = tpu.vector_load %arg11[%swap3A_1606, %swap3A_1607, %swap3A_1608] {strides = array<i32>} : memref<3x8x128xf32, #tpu.memory_space<vmem>>, vector<16xf32>,
        tpu.vector_store %arg11[%swap3A_1606, %swap3A_1607, %swap3A_1608], %gather3A_1604 {strides = array<i32>} : memref<3x8x128xf32, #tpu.memory_space<vmem>>, vector<16xf32>,
        %get3A_1610 = arith.constant 6 : i32
        %get3A_1611 = arith.constant 0 : i32
        %get3A_1612 = arith.index_cast %rem3A_667 : i32 to index
        %get3A_1613 = arith.index_cast %get3A_1610 : i32 to index
        %get3A_1614 = arith.index_cast %get3A_1611 : i32 to index
        %get3A_1615 = arith.constant 112 : index
        %get3A_1616 = tpu.vector_load %arg10[%get3A_1612, %get3A_1613, %get3A_1614, %get3A_1615] {strides = array<i32>} : memref<3x8x2x128xi32, #tpu.memory_space<vmem>>, vector<16xi32>,
        %gather3A_1617 = tpu.vector_load_idx %arg9[%get3A_1616] : memref<100352xf32, #tpu.memory_space<vmem>>[vector<16xi32>], vector<16xf32>,
        %swap3A_1618 = arith.constant 6 : i32
        %swap3A_1619 = arith.index_cast %rem3A_667 : i32 to index
        %swap3A_1620 = arith.index_cast %swap3A_1618 : i32 to index
        %swap3A_1621 = arith.constant 112 : index
        %swap3A_1622 = tpu.vector_load %arg11[%swap3A_1619, %swap3A_1620, %swap3A_1621] {strides = array<i32>} : memref<3x8x128xf32, #tpu.memory_space<vmem>>, vector<16xf32>,
        tpu.vector_store %arg11[%swap3A_1619, %swap3A_1620, %swap3A_1621], %gather3A_1617 {strides = array<i32>} : memref<3x8x128xf32, #tpu.memory_space<vmem>>, vector<16xf32>,
        %get3A_1623 = arith.constant 7 : i32
        %get3A_1624 = arith.constant 0 : i32
        %get3A_1625 = arith.index_cast %rem3A_667 : i32 to index
        %get3A_1626 = arith.index_cast %get3A_1623 : i32 to index
        %get3A_1627 = arith.index_cast %get3A_1624 : i32 to index
        %get3A_1628 = arith.constant 0 : index
        %get3A_1629 = tpu.vector_load %arg10[%get3A_1625, %get3A_1626, %get3A_1627, %get3A_1628] {strides = array<i32>} : memref<3x8x2x128xi32, #tpu.memory_space<vmem>>, vector<16xi32>,
        %gather3A_1630 = tpu.vector_load_idx %arg9[%get3A_1629] : memref<100352xf32, #tpu.memory_space<vmem>>[vector<16xi32>], vector<16xf32>,
        %swap3A_1631 = arith.constant 7 : i32
        %swap3A_1632 = arith.index_cast %rem3A_667 : i32 to index
        %swap3A_1633 = arith.index_cast %swap3A_1631 : i32 to index
        %swap3A_1634 = arith.constant 0 : index
        %swap3A_1635 = tpu.vector_load %arg11[%swap3A_1632, %swap3A_1633, %swap3A_1634] {strides = array<i32>} : memref<3x8x128xf32, #tpu.memory_space<vmem>>, vector<16xf32>,
        tpu.vector_store %arg11[%swap3A_1632, %swap3A_1633, %swap3A_1634], %gather3A_1630 {strides = array<i32>} : memref<3x8x128xf32, #tpu.memory_space<vmem>>, vector<16xf32>,
        %get3A_1636 = arith.constant 7 : i32
        %get3A_1637 = arith.constant 0 : i32
        %get3A_1638 = arith.index_cast %rem3A_667 : i32 to index
        %get3A_1639 = arith.index_cast %get3A_1636 : i32 to index
        %get3A_1640 = arith.index_cast %get3A_1637 : i32 to index
        %get3A_1641 = arith.constant 16 : index
        %get3A_1642 = tpu.vector_load %arg10[%get3A_1638, %get3A_1639, %get3A_1640, %get3A_1641] {strides = array<i32>} : memref<3x8x2x128xi32, #tpu.memory_space<vmem>>, vector<16xi32>,
        %gather3A_1643 = tpu.vector_load_idx %arg9[%get3A_1642] : memref<100352xf32, #tpu.memory_space<vmem>>[vector<16xi32>], vector<16xf32>,
        %swap3A_1644 = arith.constant 7 : i32
        %swap3A_1645 = arith.index_cast %rem3A_667 : i32 to index
        %swap3A_1646 = arith.index_cast %swap3A_1644 : i32 to index
        %swap3A_1647 = arith.constant 16 : index
        %swap3A_1648 = tpu.vector_load %arg11[%swap3A_1645, %swap3A_1646, %swap3A_1647] {strides = array<i32>} : memref<3x8x128xf32, #tpu.memory_space<vmem>>, vector<16xf32>,
        tpu.vector_store %arg11[%swap3A_1645, %swap3A_1646, %swap3A_1647], %gather3A_1643 {strides = array<i32>} : memref<3x8x128xf32, #tpu.memory_space<vmem>>, vector<16xf32>,
        %get3A_1649 = arith.constant 7 : i32
        %get3A_1650 = arith.constant 0 : i32
        %get3A_1651 = arith.index_cast %rem3A_667 : i32 to index
        %get3A_1652 = arith.index_cast %get3A_1649 : i32 to index
        %get3A_1653 = arith.index_cast %get3A_1650 : i32 to index
        %get3A_1654 = arith.constant 32 : index
        %get3A_1655 = tpu.vector_load %arg10[%get3A_1651, %get3A_1652, %get3A_1653, %get3A_1654] {strides = array<i32>} : memref<3x8x2x128xi32, #tpu.memory_space<vmem>>, vector<16xi32>,
        %gather3A_1656 = tpu.vector_load_idx %arg9[%get3A_1655] : memref<100352xf32, #tpu.memory_space<vmem>>[vector<16xi32>], vector<16xf32>,
        %swap3A_1657 = arith.constant 7 : i32
        %swap3A_1658 = arith.index_cast %rem3A_667 : i32 to index
        %swap3A_1659 = arith.index_cast %swap3A_1657 : i32 to index
        %swap3A_1660 = arith.constant 32 : index
        %swap3A_1661 = tpu.vector_load %arg11[%swap3A_1658, %swap3A_1659, %swap3A_1660] {strides = array<i32>} : memref<3x8x128xf32, #tpu.memory_space<vmem>>, vector<16xf32>,
        tpu.vector_store %arg11[%swap3A_1658, %swap3A_1659, %swap3A_1660], %gather3A_1656 {strides = array<i32>} : memref<3x8x128xf32, #tpu.memory_space<vmem>>, vector<16xf32>,
        %get3A_1662 = arith.constant 7 : i32
        %get3A_1663 = arith.constant 0 : i32
        %get3A_1664 = arith.index_cast %rem3A_667 : i32 to index
        %get3A_1665 = arith.index_cast %get3A_1662 : i32 to index
        %get3A_1666 = arith.index_cast %get3A_1663 : i32 to index
        %get3A_1667 = arith.constant 48 : index
        %get3A_1668 = tpu.vector_load %arg10[%get3A_1664, %get3A_1665, %get3A_1666, %get3A_1667] {strides = array<i32>} : memref<3x8x2x128xi32, #tpu.memory_space<vmem>>, vector<16xi32>,
        %gather3A_1669 = tpu.vector_load_idx %arg9[%get3A_1668] : memref<100352xf32, #tpu.memory_space<vmem>>[vector<16xi32>], vector<16xf32>,
        %swap3A_1670 = arith.constant 7 : i32
        %swap3A_1671 = arith.index_cast %rem3A_667 : i32 to index
        %swap3A_1672 = arith.index_cast %swap3A_1670 : i32 to index
        %swap3A_1673 = arith.constant 48 : index
        %swap3A_1674 = tpu.vector_load %arg11[%swap3A_1671, %swap3A_1672, %swap3A_1673] {strides = array<i32>} : memref<3x8x128xf32, #tpu.memory_space<vmem>>, vector<16xf32>,
        tpu.vector_store %arg11[%swap3A_1671, %swap3A_1672, %swap3A_1673], %gather3A_1669 {strides = array<i32>} : memref<3x8x128xf32, #tpu.memory_space<vmem>>, vector<16xf32>,
        %get3A_1675 = arith.constant 7 : i32
        %get3A_1676 = arith.constant 0 : i32
        %get3A_1677 = arith.index_cast %rem3A_667 : i32 to index
        %get3A_1678 = arith.index_cast %get3A_1675 : i32 to index
        %get3A_1679 = arith.index_cast %get3A_1676 : i32 to index
        %get3A_1680 = arith.constant 64 : index
        %get3A_1681 = tpu.vector_load %arg10[%get3A_1677, %get3A_1678, %get3A_1679, %get3A_1680] {strides = array<i32>} : memref<3x8x2x128xi32, #tpu.memory_space<vmem>>, vector<16xi32>,
        %gather3A_1682 = tpu.vector_load_idx %arg9[%get3A_1681] : memref<100352xf32, #tpu.memory_space<vmem>>[vector<16xi32>], vector<16xf32>,
        %swap3A_1683 = arith.constant 7 : i32
        %swap3A_1684 = arith.index_cast %rem3A_667 : i32 to index
        %swap3A_1685 = arith.index_cast %swap3A_1683 : i32 to index
        %swap3A_1686 = arith.constant 64 : index
        %swap3A_1687 = tpu.vector_load %arg11[%swap3A_1684, %swap3A_1685, %swap3A_1686] {strides = array<i32>} : memref<3x8x128xf32, #tpu.memory_space<vmem>>, vector<16xf32>,
        tpu.vector_store %arg11[%swap3A_1684, %swap3A_1685, %swap3A_1686], %gather3A_1682 {strides = array<i32>} : memref<3x8x128xf32, #tpu.memory_space<vmem>>, vector<16xf32>,
        %get3A_1688 = arith.constant 7 : i32
        %get3A_1689 = arith.constant 0 : i32
        %get3A_1690 = arith.index_cast %rem3A_667 : i32 to index
        %get3A_1691 = arith.index_cast %get3A_1688 : i32 to index
        %get3A_1692 = arith.index_cast %get3A_1689 : i32 to index
        %get3A_1693 = arith.constant 80 : index
        %get3A_1694 = tpu.vector_load %arg10[%get3A_1690, %get3A_1691, %get3A_1692, %get3A_1693] {strides = array<i32>} : memref<3x8x2x128xi32, #tpu.memory_space<vmem>>, vector<16xi32>,
        %gather3A_1695 = tpu.vector_load_idx %arg9[%get3A_1694] : memref<100352xf32, #tpu.memory_space<vmem>>[vector<16xi32>], vector<16xf32>,
        %swap3A_1696 = arith.constant 7 : i32
        %swap3A_1697 = arith.index_cast %rem3A_667 : i32 to index
        %swap3A_1698 = arith.index_cast %swap3A_1696 : i32 to index
        %swap3A_1699 = arith.constant 80 : index
        %swap3A_1700 = tpu.vector_load %arg11[%swap3A_1697, %swap3A_1698, %swap3A_1699] {strides = array<i32>} : memref<3x8x128xf32, #tpu.memory_space<vmem>>, vector<16xf32>,
        tpu.vector_store %arg11[%swap3A_1697, %swap3A_1698, %swap3A_1699], %gather3A_1695 {strides = array<i32>} : memref<3x8x128xf32, #tpu.memory_space<vmem>>, vector<16xf32>,
        %get3A_1701 = arith.constant 7 : i32
        %get3A_1702 = arith.constant 0 : i32
        %get3A_1703 = arith.index_cast %rem3A_667 : i32 to index
        %get3A_1704 = arith.index_cast %get3A_1701 : i32 to index
        %get3A_1705 = arith.index_cast %get3A_1702 : i32 to index
        %get3A_1706 = arith.constant 96 : index
        %get3A_1707 = tpu.vector_load %arg10[%get3A_1703, %get3A_1704, %get3A_1705, %get3A_1706] {strides = array<i32>} : memref<3x8x2x128xi32, #tpu.memory_space<vmem>>, vector<16xi32>,
        %gather3A_1708 = tpu.vector_load_idx %arg9[%get3A_1707] : memref<100352xf32, #tpu.memory_space<vmem>>[vector<16xi32>], vector<16xf32>,
        %swap3A_1709 = arith.constant 7 : i32
        %swap3A_1710 = arith.index_cast %rem3A_667 : i32 to index
        %swap3A_1711 = arith.index_cast %swap3A_1709 : i32 to index
        %swap3A_1712 = arith.constant 96 : index
        %swap3A_1713 = tpu.vector_load %arg11[%swap3A_1710, %swap3A_1711, %swap3A_1712] {strides = array<i32>} : memref<3x8x128xf32, #tpu.memory_space<vmem>>, vector<16xf32>,
        tpu.vector_store %arg11[%swap3A_1710, %swap3A_1711, %swap3A_1712], %gather3A_1708 {strides = array<i32>} : memref<3x8x128xf32, #tpu.memory_space<vmem>>, vector<16xf32>,
        %get3A_1714 = arith.constant 7 : i32
        %get3A_1715 = arith.constant 0 : i32
        %get3A_1716 = arith.index_cast %rem3A_667 : i32 to index
        %get3A_1717 = arith.index_cast %get3A_1714 : i32 to index
        %get3A_1718 = arith.index_cast %get3A_1715 : i32 to index
        %get3A_1719 = arith.constant 112 : index
        %get3A_1720 = tpu.vector_load %arg10[%get3A_1716, %get3A_1717, %get3A_1718, %get3A_1719] {strides = array<i32>} : memref<3x8x2x128xi32, #tpu.memory_space<vmem>>, vector<16xi32>,
        %gather3A_1721 = tpu.vector_load_idx %arg9[%get3A_1720] : memref<100352xf32, #tpu.memory_space<vmem>>[vector<16xi32>], vector<16xf32>,
        %swap3A_1722 = arith.constant 7 : i32
        %swap3A_1723 = arith.index_cast %rem3A_667 : i32 to index
        %swap3A_1724 = arith.index_cast %swap3A_1722 : i32 to index
        %swap3A_1725 = arith.constant 112 : index
        %swap3A_1726 = tpu.vector_load %arg11[%swap3A_1723, %swap3A_1724, %swap3A_1725] {strides = array<i32>} : memref<3x8x128xf32, #tpu.memory_space<vmem>>, vector<16xf32>,
        tpu.vector_store %arg11[%swap3A_1723, %swap3A_1724, %swap3A_1725], %gather3A_1721 {strides = array<i32>} : memref<3x8x128xf32, #tpu.memory_space<vmem>>, vector<16xf32>,
        %dma_start3A_1727 = arith.constant 0 : i32
        %dma_start3A_1728 = arith.constant 0 : i32
        %dma_start3A_1729 = arith.constant 1 : i32
        %dma_start3A_1730 = arith.constant 0 : i32
        %dma_start3A_1731 = tpu.memref_slice %arg11[%rem3A_667, %dma_start3A_1727, %dma_start3A_1730] : memref<3x8x128xf32, #tpu.memory_space<vmem>> -> memref<1x1x128xf32, #tpu.memory_space<vmem>>
        %dma_start3A_1732 = tpu.memref_squeeze %dma_start3A_1731 : memref<1x1x128xf32, #tpu.memory_space<vmem>> -> memref<128xf32, #tpu.memory_space<vmem>>
        %dma_start3A_1733 = arith.constant 0 : i32
        %dma_start3A_1734 = tpu.memref_slice %arg10[%rem3A_667, %dma_start3A_1728, %dma_start3A_1729, %dma_start3A_1733] : memref<3x8x2x128xi32, #tpu.memory_space<vmem>> -> memref<1x1x1x128xi32, #tpu.memory_space<vmem>>
        %dma_start3A_1735 = tpu.memref_squeeze %dma_start3A_1734 : memref<1x1x1x128xi32, #tpu.memory_space<vmem>> -> memref<128xi32, #tpu.memory_space<vmem>>
        %dma_start3A_1736 = arith.constant 0 : i32
        %dma_start3A_1737 = tpu.memref_slice %arg7[%dma_start3A_1736] : memref<100352xf32, #tpu.memory_space<vmem_shared>> -> memref<100352xf32, #tpu.memory_space<vmem_shared>>
        tpu.enqueue_indirect_dma source(%dma_start3A_1732 : memref<128xf32, #tpu.memory_space<vmem>>) target(%dma_start3A_1737 : memref<100352xf32, #tpu.memory_space<vmem_shared>>) offsets(%dma_start3A_1735 : memref<128xi32, #tpu.memory_space<vmem>>) semaphore(%arg14 : memref<!tpu.dma_semaphore, #tpu.memory_space<semaphore_mem>>) {add = true}
        %dma_start3A_1738 = arith.constant 1 : i32
        %dma_start3A_1739 = arith.constant 1 : i32
        %dma_start3A_1740 = arith.constant 1 : i32
        %dma_start3A_1741 = arith.constant 0 : i32
        %dma_start3A_1742 = tpu.memref_slice %arg11[%rem3A_667, %dma_start3A_1738, %dma_start3A_1741] : memref<3x8x128xf32, #tpu.memory_space<vmem>> -> memref<1x1x128xf32, #tpu.memory_space<vmem>>
        %dma_start3A_1743 = tpu.memref_squeeze %dma_start3A_1742 : memref<1x1x128xf32, #tpu.memory_space<vmem>> -> memref<128xf32, #tpu.memory_space<vmem>>
        %dma_start3A_1744 = arith.constant 0 : i32
        %dma_start3A_1745 = tpu.memref_slice %arg10[%rem3A_667, %dma_start3A_1739, %dma_start3A_1740, %dma_start3A_1744] : memref<3x8x2x128xi32, #tpu.memory_space<vmem>> -> memref<1x1x1x128xi32, #tpu.memory_space<vmem>>
        %dma_start3A_1746 = tpu.memref_squeeze %dma_start3A_1745 : memref<1x1x1x128xi32, #tpu.memory_space<vmem>> -> memref<128xi32, #tpu.memory_space<vmem>>
        %dma_start3A_1747 = arith.constant 0 : i32
        %dma_start3A_1748 = tpu.memref_slice %arg7[%dma_start3A_1747] : memref<100352xf32, #tpu.memory_space<vmem_shared>> -> memref<100352xf32, #tpu.memory_space<vmem_shared>>
        tpu.enqueue_indirect_dma source(%dma_start3A_1743 : memref<128xf32, #tpu.memory_space<vmem>>) target(%dma_start3A_1748 : memref<100352xf32, #tpu.memory_space<vmem_shared>>) offsets(%dma_start3A_1746 : memref<128xi32, #tpu.memory_space<vmem>>) semaphore(%arg14 : memref<!tpu.dma_semaphore, #tpu.memory_space<semaphore_mem>>) {add = true}
        %dma_start3A_1749 = arith.constant 2 : i32
        %dma_start3A_1750 = arith.constant 2 : i32
        %dma_start3A_1751 = arith.constant 1 : i32
        %dma_start3A_1752 = arith.constant 0 : i32
        %dma_start3A_1753 = tpu.memref_slice %arg11[%rem3A_667, %dma_start3A_1749, %dma_start3A_1752] : memref<3x8x128xf32, #tpu.memory_space<vmem>> -> memref<1x1x128xf32, #tpu.memory_space<vmem>>
        %dma_start3A_1754 = tpu.memref_squeeze %dma_start3A_1753 : memref<1x1x128xf32, #tpu.memory_space<vmem>> -> memref<128xf32, #tpu.memory_space<vmem>>
        %dma_start3A_1755 = arith.constant 0 : i32
        %dma_start3A_1756 = tpu.memref_slice %arg10[%rem3A_667, %dma_start3A_1750, %dma_start3A_1751, %dma_start3A_1755] : memref<3x8x2x128xi32, #tpu.memory_space<vmem>> -> memref<1x1x1x128xi32, #tpu.memory_space<vmem>>
        %dma_start3A_1757 = tpu.memref_squeeze %dma_start3A_1756 : memref<1x1x1x128xi32, #tpu.memory_space<vmem>> -> memref<128xi32, #tpu.memory_space<vmem>>
        %dma_start3A_1758 = arith.constant 0 : i32
        %dma_start3A_1759 = tpu.memref_slice %arg7[%dma_start3A_1758] : memref<100352xf32, #tpu.memory_space<vmem_shared>> -> memref<100352xf32, #tpu.memory_space<vmem_shared>>
        tpu.enqueue_indirect_dma source(%dma_start3A_1754 : memref<128xf32, #tpu.memory_space<vmem>>) target(%dma_start3A_1759 : memref<100352xf32, #tpu.memory_space<vmem_shared>>) offsets(%dma_start3A_1757 : memref<128xi32, #tpu.memory_space<vmem>>) semaphore(%arg14 : memref<!tpu.dma_semaphore, #tpu.memory_space<semaphore_mem>>) {add = true}
        %dma_start3A_1760 = arith.constant 3 : i32
        %dma_start3A_1761 = arith.constant 3 : i32
        %dma_start3A_1762 = arith.constant 1 : i32
        %dma_start3A_1763 = arith.constant 0 : i32
        %dma_start3A_1764 = tpu.memref_slice %arg11[%rem3A_667, %dma_start3A_1760, %dma_start3A_1763] : memref<3x8x128xf32, #tpu.memory_space<vmem>> -> memref<1x1x128xf32, #tpu.memory_space<vmem>>
        %dma_start3A_1765 = tpu.memref_squeeze %dma_start3A_1764 : memref<1x1x128xf32, #tpu.memory_space<vmem>> -> memref<128xf32, #tpu.memory_space<vmem>>
        %dma_start3A_1766 = arith.constant 0 : i32
        %dma_start3A_1767 = tpu.memref_slice %arg10[%rem3A_667, %dma_start3A_1761, %dma_start3A_1762, %dma_start3A_1766] : memref<3x8x2x128xi32, #tpu.memory_space<vmem>> -> memref<1x1x1x128xi32, #tpu.memory_space<vmem>>
        %dma_start3A_1768 = tpu.memref_squeeze %dma_start3A_1767 : memref<1x1x1x128xi32, #tpu.memory_space<vmem>> -> memref<128xi32, #tpu.memory_space<vmem>>
        %dma_start3A_1769 = arith.constant 0 : i32
        %dma_start3A_1770 = tpu.memref_slice %arg7[%dma_start3A_1769] : memref<100352xf32, #tpu.memory_space<vmem_shared>> -> memref<100352xf32, #tpu.memory_space<vmem_shared>>
        tpu.enqueue_indirect_dma source(%dma_start3A_1765 : memref<128xf32, #tpu.memory_space<vmem>>) target(%dma_start3A_1770 : memref<100352xf32, #tpu.memory_space<vmem_shared>>) offsets(%dma_start3A_1768 : memref<128xi32, #tpu.memory_space<vmem>>) semaphore(%arg14 : memref<!tpu.dma_semaphore, #tpu.memory_space<semaphore_mem>>) {add = true}
        %dma_start3A_1771 = arith.constant 4 : i32
        %dma_start3A_1772 = arith.constant 4 : i32
        %dma_start3A_1773 = arith.constant 1 : i32
        %dma_start3A_1774 = arith.constant 0 : i32
        %dma_start3A_1775 = tpu.memref_slice %arg11[%rem3A_667, %dma_start3A_1771, %dma_start3A_1774] : memref<3x8x128xf32, #tpu.memory_space<vmem>> -> memref<1x1x128xf32, #tpu.memory_space<vmem>>
        %dma_start3A_1776 = tpu.memref_squeeze %dma_start3A_1775 : memref<1x1x128xf32, #tpu.memory_space<vmem>> -> memref<128xf32, #tpu.memory_space<vmem>>
        %dma_start3A_1777 = arith.constant 0 : i32
        %dma_start3A_1778 = tpu.memref_slice %arg10[%rem3A_667, %dma_start3A_1772, %dma_start3A_1773, %dma_start3A_1777] : memref<3x8x2x128xi32, #tpu.memory_space<vmem>> -> memref<1x1x1x128xi32, #tpu.memory_space<vmem>>
        %dma_start3A_1779 = tpu.memref_squeeze %dma_start3A_1778 : memref<1x1x1x128xi32, #tpu.memory_space<vmem>> -> memref<128xi32, #tpu.memory_space<vmem>>
        %dma_start3A_1780 = arith.constant 0 : i32
        %dma_start3A_1781 = tpu.memref_slice %arg7[%dma_start3A_1780] : memref<100352xf32, #tpu.memory_space<vmem_shared>> -> memref<100352xf32, #tpu.memory_space<vmem_shared>>
        tpu.enqueue_indirect_dma source(%dma_start3A_1776 : memref<128xf32, #tpu.memory_space<vmem>>) target(%dma_start3A_1781 : memref<100352xf32, #tpu.memory_space<vmem_shared>>) offsets(%dma_start3A_1779 : memref<128xi32, #tpu.memory_space<vmem>>) semaphore(%arg14 : memref<!tpu.dma_semaphore, #tpu.memory_space<semaphore_mem>>) {add = true}
        %dma_start3A_1782 = arith.constant 5 : i32
        %dma_start3A_1783 = arith.constant 5 : i32
        %dma_start3A_1784 = arith.constant 1 : i32
        %dma_start3A_1785 = arith.constant 0 : i32
        %dma_start3A_1786 = tpu.memref_slice %arg11[%rem3A_667, %dma_start3A_1782, %dma_start3A_1785] : memref<3x8x128xf32, #tpu.memory_space<vmem>> -> memref<1x1x128xf32, #tpu.memory_space<vmem>>
        %dma_start3A_1787 = tpu.memref_squeeze %dma_start3A_1786 : memref<1x1x128xf32, #tpu.memory_space<vmem>> -> memref<128xf32, #tpu.memory_space<vmem>>
        %dma_start3A_1788 = arith.constant 0 : i32
        %dma_start3A_1789 = tpu.memref_slice %arg10[%rem3A_667, %dma_start3A_1783, %dma_start3A_1784, %dma_start3A_1788] : memref<3x8x2x128xi32, #tpu.memory_space<vmem>> -> memref<1x1x1x128xi32, #tpu.memory_space<vmem>>
        %dma_start3A_1790 = tpu.memref_squeeze %dma_start3A_1789 : memref<1x1x1x128xi32, #tpu.memory_space<vmem>> -> memref<128xi32, #tpu.memory_space<vmem>>
        %dma_start3A_1791 = arith.constant 0 : i32
        %dma_start3A_1792 = tpu.memref_slice %arg7[%dma_start3A_1791] : memref<100352xf32, #tpu.memory_space<vmem_shared>> -> memref<100352xf32, #tpu.memory_space<vmem_shared>>
        tpu.enqueue_indirect_dma source(%dma_start3A_1787 : memref<128xf32, #tpu.memory_space<vmem>>) target(%dma_start3A_1792 : memref<100352xf32, #tpu.memory_space<vmem_shared>>) offsets(%dma_start3A_1790 : memref<128xi32, #tpu.memory_space<vmem>>) semaphore(%arg14 : memref<!tpu.dma_semaphore, #tpu.memory_space<semaphore_mem>>) {add = true}
        %dma_start3A_1793 = arith.constant 6 : i32
        %dma_start3A_1794 = arith.constant 6 : i32
        %dma_start3A_1795 = arith.constant 1 : i32
        %dma_start3A_1796 = arith.constant 0 : i32
        %dma_start3A_1797 = tpu.memref_slice %arg11[%rem3A_667, %dma_start3A_1793, %dma_start3A_1796] : memref<3x8x128xf32, #tpu.memory_space<vmem>> -> memref<1x1x128xf32, #tpu.memory_space<vmem>>
        %dma_start3A_1798 = tpu.memref_squeeze %dma_start3A_1797 : memref<1x1x128xf32, #tpu.memory_space<vmem>> -> memref<128xf32, #tpu.memory_space<vmem>>
        %dma_start3A_1799 = arith.constant 0 : i32
        %dma_start3A_1800 = tpu.memref_slice %arg10[%rem3A_667, %dma_start3A_1794, %dma_start3A_1795, %dma_start3A_1799] : memref<3x8x2x128xi32, #tpu.memory_space<vmem>> -> memref<1x1x1x128xi32, #tpu.memory_space<vmem>>
        %dma_start3A_1801 = tpu.memref_squeeze %dma_start3A_1800 : memref<1x1x1x128xi32, #tpu.memory_space<vmem>> -> memref<128xi32, #tpu.memory_space<vmem>>
        %dma_start3A_1802 = arith.constant 0 : i32
        %dma_start3A_1803 = tpu.memref_slice %arg7[%dma_start3A_1802] : memref<100352xf32, #tpu.memory_space<vmem_shared>> -> memref<100352xf32, #tpu.memory_space<vmem_shared>>
        tpu.enqueue_indirect_dma source(%dma_start3A_1798 : memref<128xf32, #tpu.memory_space<vmem>>) target(%dma_start3A_1803 : memref<100352xf32, #tpu.memory_space<vmem_shared>>) offsets(%dma_start3A_1801 : memref<128xi32, #tpu.memory_space<vmem>>) semaphore(%arg14 : memref<!tpu.dma_semaphore, #tpu.memory_space<semaphore_mem>>) {add = true}
        %dma_start3A_1804 = arith.constant 7 : i32
        %dma_start3A_1805 = arith.constant 7 : i32
        %dma_start3A_1806 = arith.constant 1 : i32
        %dma_start3A_1807 = arith.constant 0 : i32
        %dma_start3A_1808 = tpu.memref_slice %arg11[%rem3A_667, %dma_start3A_1804, %dma_start3A_1807] : memref<3x8x128xf32, #tpu.memory_space<vmem>> -> memref<1x1x128xf32, #tpu.memory_space<vmem>>
        %dma_start3A_1809 = tpu.memref_squeeze %dma_start3A_1808 : memref<1x1x128xf32, #tpu.memory_space<vmem>> -> memref<128xf32, #tpu.memory_space<vmem>>
        %dma_start3A_1810 = arith.constant 0 : i32
        %dma_start3A_1811 = tpu.memref_slice %arg10[%rem3A_667, %dma_start3A_1805, %dma_start3A_1806, %dma_start3A_1810] : memref<3x8x2x128xi32, #tpu.memory_space<vmem>> -> memref<1x1x1x128xi32, #tpu.memory_space<vmem>>
        %dma_start3A_1812 = tpu.memref_squeeze %dma_start3A_1811 : memref<1x1x1x128xi32, #tpu.memory_space<vmem>> -> memref<128xi32, #tpu.memory_space<vmem>>
        %dma_start3A_1813 = arith.constant 0 : i32
        %dma_start3A_1814 = tpu.memref_slice %arg7[%dma_start3A_1813] : memref<100352xf32, #tpu.memory_space<vmem_shared>> -> memref<100352xf32, #tpu.memory_space<vmem_shared>>
        tpu.enqueue_indirect_dma source(%dma_start3A_1809 : memref<128xf32, #tpu.memory_space<vmem>>) target(%dma_start3A_1814 : memref<100352xf32, #tpu.memory_space<vmem_shared>>) offsets(%dma_start3A_1812 : memref<128xi32, #tpu.memory_space<vmem>>) semaphore(%arg14 : memref<!tpu.dma_semaphore, #tpu.memory_space<semaphore_mem>>) {add = true}
      } else {
      }
      %while3A_674 = arith.constant 0 : i32
      scf.yield %while3A_674 : i32
    }
    %while3A_648 = arith.constant 1 : i32
    %while3A_649 = scf.for %while3A_665 = %while3A_645 to %while3A_641 step %while3A_648 iter_args(%while3A_666 = %while3A_647) -> (i32)  : i32 {
      %rem3A = arith.constant 3 : i32
      %rem3A_667 = arith.remsi %while3A_665, %rem3A : i32
      %ge3A = arith.constant 1 : i32
      %ge3A_668 = arith.cmpi sge, %while3A_665, %ge3A : i32
      %le3A = arith.cmpi sle, %while3A_665, %add3A_492 : i32
      %and3A = arith.andi %ge3A_668, %le3A : i1
      %convert_element_type3A = arith.extui %and3A : i1 to i32
      %cond3A = arith.constant 0 : i32
      %cond3A_669 = arith.cmpi ne, %convert_element_type3A, %cond3A : i32
      scf.if %cond3A_669 {
        %dma_wait3A_675 = arith.constant 0 : i32
        %dma_wait3A_676 = arith.constant 0 : i32
        %dma_wait3A_677 = arith.constant 0 : i32
        %dma_wait3A_678 = tpu.memref_slice %arg11[%dma_wait3A_675, %dma_wait3A_676, %dma_wait3A_677] : memref<3x8x128xf32, #tpu.memory_space<vmem>> -> memref<1x1x128xf32, #tpu.memory_space<vmem>>
        %dma_wait3A_679 = tpu.memref_squeeze %dma_wait3A_678 : memref<1x1x128xf32, #tpu.memory_space<vmem>> -> memref<128xf32, #tpu.memory_space<vmem>>
        %dma_wait3A_680 = arith.constant 0 : i32
        %dma_wait3A_681 = tpu.memref_slice %arg11[%dma_wait3A_675, %dma_wait3A_676, %dma_wait3A_680] : memref<3x8x128xf32, #tpu.memory_space<vmem>> -> memref<1x1x128xf32, #tpu.memory_space<vmem>>
        %dma_wait3A_682 = tpu.memref_squeeze %dma_wait3A_681 : memref<1x1x128xf32, #tpu.memory_space<vmem>> -> memref<128xf32, #tpu.memory_space<vmem>>
        tpu.wait_dma2 semaphore(%arg14 : memref<!tpu.dma_semaphore, #tpu.memory_space<semaphore_mem>>) src(%arg4 : memref<128xf32, #tpu.memory_space<hbm>>) dst(%dma_wait3A_682 : memref<128xf32, #tpu.memory_space<vmem>>)
        %dma_wait3A_683 = arith.constant 0 : i32
        %dma_wait3A_684 = arith.constant 1 : i32
        %dma_wait3A_685 = arith.constant 0 : i32
        %dma_wait3A_686 = tpu.memref_slice %arg11[%dma_wait3A_683, %dma_wait3A_684, %dma_wait3A_685] : memref<3x8x128xf32, #tpu.memory_space<vmem>> -> memref<1x1x128xf32, #tpu.memory_space<vmem>>
        %dma_wait3A_687 = tpu.memref_squeeze %dma_wait3A_686 : memref<1x1x128xf32, #tpu.memory_space<vmem>> -> memref<128xf32, #tpu.memory_space<vmem>>
        %dma_wait3A_688 = arith.constant 0 : i32
        %dma_wait3A_689 = tpu.memref_slice %arg11[%dma_wait3A_683, %dma_wait3A_684, %dma_wait3A_688] : memref<3x8x128xf32, #tpu.memory_space<vmem>> -> memref<1x1x128xf32, #tpu.memory_space<vmem>>
        %dma_wait3A_690 = tpu.memref_squeeze %dma_wait3A_689 : memref<1x1x128xf32, #tpu.memory_space<vmem>> -> memref<128xf32, #tpu.memory_space<vmem>>
        tpu.wait_dma2 semaphore(%arg14 : memref<!tpu.dma_semaphore, #tpu.memory_space<semaphore_mem>>) src(%arg4 : memref<128xf32, #tpu.memory_space<hbm>>) dst(%dma_wait3A_690 : memref<128xf32, #tpu.memory_space<vmem>>)
        %dma_wait3A_691 = arith.constant 0 : i32
        %dma_wait3A_692 = arith.constant 2 : i32
        %dma_wait3A_693 = arith.constant 0 : i32
        %dma_wait3A_694 = tpu.memref_slice %arg11[%dma_wait3A_691, %dma_wait3A_692, %dma_wait3A_693] : memref<3x8x128xf32, #tpu.memory_space<vmem>> -> memref<1x1x128xf32, #tpu.memory_space<vmem>>
        %dma_wait3A_695 = tpu.memref_squeeze %dma_wait3A_694 : memref<1x1x128xf32, #tpu.memory_space<vmem>> -> memref<128xf32, #tpu.memory_space<vmem>>
        %dma_wait3A_696 = arith.constant 0 : i32
        %dma_wait3A_697 = tpu.memref_slice %arg11[%dma_wait3A_691, %dma_wait3A_692, %dma_wait3A_696] : memref<3x8x128xf32, #tpu.memory_space<vmem>> -> memref<1x1x128xf32, #tpu.memory_space<vmem>>
        %dma_wait3A_698 = tpu.memref_squeeze %dma_wait3A_697 : memref<1x1x128xf32, #tpu.memory_space<vmem>> -> memref<128xf32, #tpu.memory_space<vmem>>
        tpu.wait_dma2 semaphore(%arg14 : memref<!tpu.dma_semaphore, #tpu.memory_space<semaphore_mem>>) src(%arg4 : memref<128xf32, #tpu.memory_space<hbm>>) dst(%dma_wait3A_698 : memref<128xf32, #tpu.memory_space<vmem>>)
        %dma_wait3A_699 = arith.constant 0 : i32
        %dma_wait3A_700 = arith.constant 3 : i32
        %dma_wait3A_701 = arith.constant 0 : i32
        %dma_wait3A_702 = tpu.memref_slice %arg11[%dma_wait3A_699, %dma_wait3A_700, %dma_wait3A_701] : memref<3x8x128xf32, #tpu.memory_space<vmem>> -> memref<1x1x128xf32, #tpu.memory_space<vmem>>
        %dma_wait3A_703 = tpu.memref_squeeze %dma_wait3A_702 : memref<1x1x128xf32, #tpu.memory_space<vmem>> -> memref<128xf32, #tpu.memory_space<vmem>>
        %dma_wait3A_704 = arith.constant 0 : i32
        %dma_wait3A_705 = tpu.memref_slice %arg11[%dma_wait3A_699, %dma_wait3A_700, %dma_wait3A_704] : memref<3x8x128xf32, #tpu.memory_space<vmem>> -> memref<1x1x128xf32, #tpu.memory_space<vmem>>
        %dma_wait3A_706 = tpu.memref_squeeze %dma_wait3A_705 : memref<1x1x128xf32, #tpu.memory_space<vmem>> -> memref<128xf32, #tpu.memory_space<vmem>>
        tpu.wait_dma2 semaphore(%arg14 : memref<!tpu.dma_semaphore, #tpu.memory_space<semaphore_mem>>) src(%arg4 : memref<128xf32, #tpu.memory_space<hbm>>) dst(%dma_wait3A_706 : memref<128xf32, #tpu.memory_space<vmem>>)
        %dma_wait3A_707 = arith.constant 0 : i32
        %dma_wait3A_708 = arith.constant 4 : i32
        %dma_wait3A_709 = arith.constant 0 : i32
        %dma_wait3A_710 = tpu.memref_slice %arg11[%dma_wait3A_707, %dma_wait3A_708, %dma_wait3A_709] : memref<3x8x128xf32, #tpu.memory_space<vmem>> -> memref<1x1x128xf32, #tpu.memory_space<vmem>>
        %dma_wait3A_711 = tpu.memref_squeeze %dma_wait3A_710 : memref<1x1x128xf32, #tpu.memory_space<vmem>> -> memref<128xf32, #tpu.memory_space<vmem>>
        %dma_wait3A_712 = arith.constant 0 : i32
        %dma_wait3A_713 = tpu.memref_slice %arg11[%dma_wait3A_707, %dma_wait3A_708, %dma_wait3A_712] : memref<3x8x128xf32, #tpu.memory_space<vmem>> -> memref<1x1x128xf32, #tpu.memory_space<vmem>>
        %dma_wait3A_714 = tpu.memref_squeeze %dma_wait3A_713 : memref<1x1x128xf32, #tpu.memory_space<vmem>> -> memref<128xf32, #tpu.memory_space<vmem>>
        tpu.wait_dma2 semaphore(%arg14 : memref<!tpu.dma_semaphore, #tpu.memory_space<semaphore_mem>>) src(%arg4 : memref<128xf32, #tpu.memory_space<hbm>>) dst(%dma_wait3A_714 : memref<128xf32, #tpu.memory_space<vmem>>)
        %dma_wait3A_715 = arith.constant 0 : i32
        %dma_wait3A_716 = arith.constant 5 : i32
        %dma_wait3A_717 = arith.constant 0 : i32
        %dma_wait3A_718 = tpu.memref_slice %arg11[%dma_wait3A_715, %dma_wait3A_716, %dma_wait3A_717] : memref<3x8x128xf32, #tpu.memory_space<vmem>> -> memref<1x1x128xf32, #tpu.memory_space<vmem>>
        %dma_wait3A_719 = tpu.memref_squeeze %dma_wait3A_718 : memref<1x1x128xf32, #tpu.memory_space<vmem>> -> memref<128xf32, #tpu.memory_space<vmem>>
        %dma_wait3A_720 = arith.constant 0 : i32
        %dma_wait3A_721 = tpu.memref_slice %arg11[%dma_wait3A_715, %dma_wait3A_716, %dma_wait3A_720] : memref<3x8x128xf32, #tpu.memory_space<vmem>> -> memref<1x1x128xf32, #tpu.memory_space<vmem>>
        %dma_wait3A_722 = tpu.memref_squeeze %dma_wait3A_721 : memref<1x1x128xf32, #tpu.memory_space<vmem>> -> memref<128xf32, #tpu.memory_space<vmem>>
        tpu.wait_dma2 semaphore(%arg14 : memref<!tpu.dma_semaphore, #tpu.memory_space<semaphore_mem>>) src(%arg4 : memref<128xf32, #tpu.memory_space<hbm>>) dst(%dma_wait3A_722 : memref<128xf32, #tpu.memory_space<vmem>>)
        %dma_wait3A_723 = arith.constant 0 : i32
        %dma_wait3A_724 = arith.constant 6 : i32
        %dma_wait3A_725 = arith.constant 0 : i32
        %dma_wait3A_726 = tpu.memref_slice %arg11[%dma_wait3A_723, %dma_wait3A_724, %dma_wait3A_725] : memref<3x8x128xf32, #tpu.memory_space<vmem>> -> memref<1x1x128xf32, #tpu.memory_space<vmem>>
        %dma_wait3A_727 = tpu.memref_squeeze %dma_wait3A_726 : memref<1x1x128xf32, #tpu.memory_space<vmem>> -> memref<128xf32, #tpu.memory_space<vmem>>
        %dma_wait3A_728 = arith.constant 0 : i32
        %dma_wait3A_729 = tpu.memref_slice %arg11[%dma_wait3A_723, %dma_wait3A_724, %dma_wait3A_728] : memref<3x8x128xf32, #tpu.memory_space<vmem>> -> memref<1x1x128xf32, #tpu.memory_space<vmem>>
        %dma_wait3A_730 = tpu.memref_squeeze %dma_wait3A_729 : memref<1x1x128xf32, #tpu.memory_space<vmem>> -> memref<128xf32, #tpu.memory_space<vmem>>
        tpu.wait_dma2 semaphore(%arg14 : memref<!tpu.dma_semaphore, #tpu.memory_space<semaphore_mem>>) src(%arg4 : memref<128xf32, #tpu.memory_space<hbm>>) dst(%dma_wait3A_730 : memref<128xf32, #tpu.memory_space<vmem>>)
        %dma_wait3A_731 = arith.constant 0 : i32
        %dma_wait3A_732 = arith.constant 7 : i32
        %dma_wait3A_733 = arith.constant 0 : i32
        %dma_wait3A_734 = tpu.memref_slice %arg11[%dma_wait3A_731, %dma_wait3A_732, %dma_wait3A_733] : memref<3x8x128xf32, #tpu.memory_space<vmem>> -> memref<1x1x128xf32, #tpu.memory_space<vmem>>
        %dma_wait3A_735 = tpu.memref_squeeze %dma_wait3A_734 : memref<1x1x128xf32, #tpu.memory_space<vmem>> -> memref<128xf32, #tpu.memory_space<vmem>>
        %dma_wait3A_736 = arith.constant 0 : i32
        %dma_wait3A_737 = tpu.memref_slice %arg11[%dma_wait3A_731, %dma_wait3A_732, %dma_wait3A_736] : memref<3x8x128xf32, #tpu.memory_space<vmem>> -> memref<1x1x128xf32, #tpu.memory_space<vmem>>
        %dma_wait3A_738 = tpu.memref_squeeze %dma_wait3A_737 : memref<1x1x128xf32, #tpu.memory_space<vmem>> -> memref<128xf32, #tpu.memory_space<vmem>>
        tpu.wait_dma2 semaphore(%arg14 : memref<!tpu.dma_semaphore, #tpu.memory_space<semaphore_mem>>) src(%arg4 : memref<128xf32, #tpu.memory_space<hbm>>) dst(%dma_wait3A_738 : memref<128xf32, #tpu.memory_space<vmem>>)
        %dma_wait3A_739 = arith.constant 0 : i32
        %dma_wait3A_740 = arith.constant 8 : i32
        %dma_wait3A_741 = arith.constant 0 : i32
        %dma_wait3A_742 = tpu.memref_slice %arg11[%dma_wait3A_739, %dma_wait3A_740, %dma_wait3A_741] : memref<3x8x128xf32, #tpu.memory_space<vmem>> -> memref<1x1x128xf32, #tpu.memory_space<vmem>>
        %dma_wait3A_743 = tpu.memref_squeeze %dma_wait3A_742 : memref<1x1x128xf32, #tpu.memory_space<vmem>> -> memref<128xf32, #tpu.memory_space<vmem>>
        %dma_wait3A_744 = arith.constant 0 : i32
        %dma_wait3A_745 = tpu.memref_slice %arg11[%dma_wait3A_739, %dma_wait3A_740, %dma_wait3A_744] : memref<3x8x128xf32, #tpu.memory_space<vmem>> -> memref<1x1x128xf32, #tpu.memory_space<vmem>>
        %dma_wait3A_746 = tpu.memref_squeeze %dma_wait3A_745 : memref<1x1x128xf32, #tpu.memory_space<vmem>> -> memref<128xf32, #tpu.memory_space<vmem>>
        tpu.wait_dma2 semaphore(%arg14 : memref<!tpu.dma_semaphore, #tpu.memory_space<semaphore_mem>>) src(%arg4 : memref<128xf32, #tpu.memory_space<hbm>>) dst(%dma_wait3A_746 : memref<128xf32, #tpu.memory_space<vmem>>)
        %dma_wait3A_747 = arith.constant 0 : i32
        %dma_wait3A_748 = arith.constant 9 : i32
        %dma_wait3A_749 = arith.constant 0 : i32
        %dma_wait3A_750 = tpu.memref_slice %arg11[%dma_wait3A_747, %dma_wait3A_748, %dma_wait3A_749] : memref<3x8x128xf32, #tpu.memory_space<vmem>> -> memref<1x1x128xf32, #tpu.memory_space<vmem>>
        %dma_wait3A_751 = tpu.memref_squeeze %dma_wait3A_750 : memref<1x1x128xf32, #tpu.memory_space<vmem>> -> memref<128xf32, #tpu.memory_space<vmem>>
        %dma_wait3A_752 = arith.constant 0 : i32
        %dma_wait3A_753 = tpu.memref_slice %arg11[%dma_wait3A_747, %dma_wait3A_748, %dma_wait3A_752] : memref<3x8x128xf32, #tpu.memory_space<vmem>> -> memref<1x1x128xf32, #tpu.memory_space<vmem>>
        %dma_wait3A_754 = tpu.memref_squeeze %dma_wait3A_753 : memref<1x1x128xf32, #tpu.memory_space<vmem>> -> memref<128xf32, #tpu.memory_space<vmem>>
        tpu.wait_dma2 semaphore(%arg14 : memref<!tpu.dma_semaphore, #tpu.memory_space<semaphore_mem>>) src(%arg4 : memref<128xf32, #tpu.memory_space<hbm>>) dst(%dma_wait3A_754 : memref<128xf32, #tpu.memory_space<vmem>>)
        %dma_wait3A_755 = arith.constant 0 : i32
        %dma_wait3A_756 = arith.constant 10 : i32
        %dma_wait3A_757 = arith.constant 0 : i32
        %dma_wait3A_758 = tpu.memref_slice %arg11[%dma_wait3A_755, %dma_wait3A_756, %dma_wait3A_757] : memref<3x8x128xf32, #tpu.memory_space<vmem>> -> memref<1x1x128xf32, #tpu.memory_space<vmem>>
        %dma_wait3A_759 = tpu.memref_squeeze %dma_wait3A_758 : memref<1x1x128xf32, #tpu.memory_space<vmem>> -> memref<128xf32, #tpu.memory_space<vmem>>
        %dma_wait3A_760 = arith.constant 0 : i32
        %dma_wait3A_761 = tpu.memref_slice %arg11[%dma_wait3A_755, %dma_wait3A_756, %dma_wait3A_760] : memref<3x8x128xf32, #tpu.memory_space<vmem>> -> memref<1x1x128xf32, #tpu.memory_space<vmem>>
        %dma_wait3A_762 = tpu.memref_squeeze %dma_wait3A_761 : memref<1x1x128xf32, #tpu.memory_space<vmem>> -> memref<128xf32, #tpu.memory_space<vmem>>
        tpu.wait_dma2 semaphore(%arg14 : memref<!tpu.dma_semaphore, #tpu.memory_space<semaphore_mem>>) src(%arg4 : memref<128xf32, #tpu.memory_space<hbm>>) dst(%dma_wait3A_762 : memref<128xf32, #tpu.memory_space<vmem>>)
        %dma_wait3A_763 = arith.constant 0 : i32
        %dma_wait3A_764 = arith.constant 11 : i32
        %dma_wait3A_765 = arith.constant 0 : i32
        %dma_wait3A_766 = tpu.memref_slice %arg11[%dma_wait3A_763, %dma_wait3A_764, %dma_wait3A_765] : memref<3x8x128xf32, #tpu.memory_space<vmem>> -> memref<1x1x128xf32, #tpu.memory_space<vmem>>
        %dma_wait3A_767 = tpu.memref_squeeze %dma_wait3A_766 : memref<1x1x128xf32, #tpu.memory_space<vmem>> -> memref<128xf32, #tpu.memory_space<vmem>>
        %dma_wait3A_768 = arith.constant 0 : i32
        %dma_wait3A_769 = tpu.memref_slice %arg11[%dma_wait3A_763, %dma_wait3A_764, %dma_wait3A_768] : memref<3x8x128xf32, #tpu.memory_space<vmem>> -> memref<1x1x128xf32, #tpu.memory_space<vmem>>
        %dma_wait3A_770 = tpu.memref_squeeze %dma_wait3A_769 : memref<1x1x128xf32, #tpu.memory_space<vmem>> -> memref<128xf32, #tpu.memory_space<vmem>>
        tpu.wait_dma2 semaphore(%arg14 : memref<!tpu.dma_semaphore, #tpu.memory_space<semaphore_mem>>) src(%arg4 : memref<128xf32, #tpu.memory_space<hbm>>) dst(%dma_wait3A_770 : memref<128xf32, #tpu.memory_space<vmem>>)
        %dma_wait3A_771 = arith.constant 0 : i32
        %dma_wait3A_772 = arith.constant 12 : i32
        %dma_wait3A_773 = arith.constant 0 : i32
        %dma_wait3A_774 = tpu.memref_slice %arg11[%dma_wait3A_771, %dma_wait3A_772, %dma_wait3A_773] : memref<3x8x128xf32, #tpu.memory_space<vmem>> -> memref<1x1x128xf32, #tpu.memory_space<vmem>>
        %dma_wait3A_775 = tpu.memref_squeeze %dma_wait3A_774 : memref<1x1x128xf32, #tpu.memory_space<vmem>> -> memref<128xf32, #tpu.memory_space<vmem>>
        %dma_wait3A_776 = arith.constant 0 : i32
        %dma_wait3A_777 = tpu.memref_slice %arg11[%dma_wait3A_771, %dma_wait3A_772, %dma_wait3A_776] : memref<3x8x128xf32, #tpu.memory_space<vmem>> -> memref<1x1x128xf32, #tpu.memory_space<vmem>>
        %dma_wait3A_778 = tpu.memref_squeeze %dma_wait3A_777 : memref<1x1x128xf32, #tpu.memory_space<vmem>> -> memref<128xf32, #tpu.memory_space<vmem>>
        tpu.wait_dma2 semaphore(%arg14 : memref<!tpu.dma_semaphore, #tpu.memory_space<semaphore_mem>>) src(%arg4 : memref<128xf32, #tpu.memory_space<hbm>>) dst(%dma_wait3A_778 : memref<128xf32, #tpu.memory_space<vmem>>)
        %dma_wait3A_779 = arith.constant 0 : i32
        %dma_wait3A_780 = arith.constant 13 : i32
        %dma_wait3A_781 = arith.constant 0 : i32
        %dma_wait3A_782 = tpu.memref_slice %arg11[%dma_wait3A_779, %dma_wait3A_780, %dma_wait3A_781] : memref<3x8x128xf32, #tpu.memory_space<vmem>> -> memref<1x1x128xf32, #tpu.memory_space<vmem>>
        %dma_wait3A_783 = tpu.memref_squeeze %dma_wait3A_782 : memref<1x1x128xf32, #tpu.memory_space<vmem>> -> memref<128xf32, #tpu.memory_space<vmem>>
        %dma_wait3A_784 = arith.constant 0 : i32
        %dma_wait3A_785 = tpu.memref_slice %arg11[%dma_wait3A_779, %dma_wait3A_780, %dma_wait3A_784] : memref<3x8x128xf32, #tpu.memory_space<vmem>> -> memref<1x1x128xf32, #tpu.memory_space<vmem>>
        %dma_wait3A_786 = tpu.memref_squeeze %dma_wait3A_785 : memref<1x1x128xf32, #tpu.memory_space<vmem>> -> memref<128xf32, #tpu.memory_space<vmem>>
        tpu.wait_dma2 semaphore(%arg14 : memref<!tpu.dma_semaphore, #tpu.memory_space<semaphore_mem>>) src(%arg4 : memref<128xf32, #tpu.memory_space<hbm>>) dst(%dma_wait3A_786 : memref<128xf32, #tpu.memory_space<vmem>>)
        %dma_wait3A_787 = arith.constant 0 : i32
        %dma_wait3A_788 = arith.constant 14 : i32
        %dma_wait3A_789 = arith.constant 0 : i32
        %dma_wait3A_790 = tpu.memref_slice %arg11[%dma_wait3A_787, %dma_wait3A_788, %dma_wait3A_789] : memref<3x8x128xf32, #tpu.memory_space<vmem>> -> memref<1x1x128xf32, #tpu.memory_space<vmem>>
        %dma_wait3A_791 = tpu.memref_squeeze %dma_wait3A_790 : memref<1x1x128xf32, #tpu.memory_space<vmem>> -> memref<128xf32, #tpu.memory_space<vmem>>
        %dma_wait3A_792 = arith.constant 0 : i32
        %dma_wait3A_793 = tpu.memref_slice %arg11[%dma_wait3A_787, %dma_wait3A_788, %dma_wait3A_792] : memref<3x8x128xf32, #tpu.memory_space<vmem>> -> memref<1x1x128xf32, #tpu.memory_space<vmem>>
        %dma_wait3A_794 = tpu.memref_squeeze %dma_wait3A_793 : memref<1x1x128xf32, #tpu.memory_space<vmem>> -> memref<128xf32, #tpu.memory_space<vmem>>
        tpu.wait_dma2 semaphore(%arg14 : memref<!tpu.dma_semaphore, #tpu.memory_space<semaphore_mem>>) src(%arg4 : memref<128xf32, #tpu.memory_space<hbm>>) dst(%dma_wait3A_794 : memref<128xf32, #tpu.memory_space<vmem>>)
        %dma_wait3A_795 = arith.constant 0 : i32
        %dma_wait3A_796 = arith.constant 15 : i32
        %dma_wait3A_797 = arith.constant 0 : i32
        %dma_wait3A_798 = tpu.memref_slice %arg11[%dma_wait3A_795, %dma_wait3A_796, %dma_wait3A_797] : memref<3x8x128xf32, #tpu.memory_space<vmem>> -> memref<1x1x128xf32, #tpu.memory_space<vmem>>
        %dma_wait3A_799 = tpu.memref_squeeze %dma_wait3A_798 : memref<1x1x128xf32, #tpu.memory_space<vmem>> -> memref<128xf32, #tpu.memory_space<vmem>>
        %dma_wait3A_800 = arith.constant 0 : i32
        %dma_wait3A_801 = tpu.memref_slice %arg11[%dma_wait3A_795, %dma_wait3A_796, %dma_wait3A_800] : memref<3x8x128xf32, #tpu.memory_space<vmem>> -> memref<1x1x128xf32, #tpu.memory_space<vmem>>
        %dma_wait3A_802 = tpu.memref_squeeze %dma_wait3A_801 : memref<1x1x128xf32, #tpu.memory_space<vmem>> -> memref<128xf32, #tpu.memory_space<vmem>>
        tpu.wait_dma2 semaphore(%arg14 : memref<!tpu.dma_semaphore, #tpu.memory_space<semaphore_mem>>) src(%arg4 : memref<128xf32, #tpu.memory_space<hbm>>) dst(%dma_wait3A_802 : memref<128xf32, #tpu.memory_space<vmem>>)
      } else {
      }
      %lt3A_670 = arith.cmpi slt, %while3A_665, %add3A_492 : i32
      %convert_element_type3A_671 = arith.extui %lt3A_670 : i1 to i32
      %cond3A_672 = arith.constant 0 : i32
      %cond3A_673 = arith.cmpi ne, %convert_element_type3A_671, %cond3A_672 : i32
      scf.if %cond3A_673 {
        %dma_wait3A_675 = arith.constant 0 : i32
        %dma_wait3A_676 = arith.constant 0 : i32
        %dma_wait3A_677 = arith.constant 0 : i32
        %dma_wait3A_678 = arith.constant 0 : i32
        %dma_wait3A_679 = tpu.memref_slice %arg10[%dma_wait3A_675, %dma_wait3A_676, %dma_wait3A_677, %dma_wait3A_678] : memref<3x8x2x128xi32, #tpu.memory_space<vmem>> -> memref<1x1x2x128xi32, #tpu.memory_space<vmem>>
        %dma_wait3A_680 = tpu.memref_squeeze %dma_wait3A_679 : memref<1x1x2x128xi32, #tpu.memory_space<vmem>> -> memref<2x128xi32, #tpu.memory_space<vmem>>
        %dma_wait3A_681 = arith.constant 0 : i32
        %dma_wait3A_682 = arith.constant 0 : i32
        %dma_wait3A_683 = tpu.memref_slice %arg3[%dma_wait3A_681, %dma_wait3A_682] : memref<2x6400000xi32, #tpu.memory_space<hbm>> -> memref<2x128xi32, #tpu.memory_space<hbm>>
        %dma_wait3A_684 = arith.constant 0 : i32
        %dma_wait3A_685 = arith.constant 0 : i32
        %dma_wait3A_686 = tpu.memref_slice %arg10[%dma_wait3A_675, %dma_wait3A_676, %dma_wait3A_684, %dma_wait3A_685] : memref<3x8x2x128xi32, #tpu.memory_space<vmem>> -> memref<1x1x2x128xi32, #tpu.memory_space<vmem>>
        %dma_wait3A_687 = tpu.memref_squeeze %dma_wait3A_686 : memref<1x1x2x128xi32, #tpu.memory_space<vmem>> -> memref<2x128xi32, #tpu.memory_space<vmem>>
        %dma_wait3A_688 = arith.constant 0 : i32
        %dma_wait3A_689 = arith.constant 0 : i32
        %dma_wait3A_690 = tpu.memref_slice %arg3[%dma_wait3A_688, %dma_wait3A_689] : memref<2x6400000xi32, #tpu.memory_space<hbm>> -> memref<2x128xi32, #tpu.memory_space<hbm>>
        tpu.wait_dma2 semaphore(%arg15 : memref<!tpu.dma_semaphore, #tpu.memory_space<semaphore_mem>>) src(%dma_wait3A_690 : memref<2x128xi32, #tpu.memory_space<hbm>>) dst(%dma_wait3A_687 : memref<2x128xi32, #tpu.memory_space<vmem>>)
        %dma_wait3A_691 = arith.constant 0 : i32
        %dma_wait3A_692 = arith.constant 1 : i32
        %dma_wait3A_693 = arith.constant 0 : i32
        %dma_wait3A_694 = arith.constant 0 : i32
        %dma_wait3A_695 = tpu.memref_slice %arg10[%dma_wait3A_691, %dma_wait3A_692, %dma_wait3A_693, %dma_wait3A_694] : memref<3x8x2x128xi32, #tpu.memory_space<vmem>> -> memref<1x1x2x128xi32, #tpu.memory_space<vmem>>
        %dma_wait3A_696 = tpu.memref_squeeze %dma_wait3A_695 : memref<1x1x2x128xi32, #tpu.memory_space<vmem>> -> memref<2x128xi32, #tpu.memory_space<vmem>>
        %dma_wait3A_697 = arith.constant 0 : i32
        %dma_wait3A_698 = arith.constant 0 : i32
        %dma_wait3A_699 = tpu.memref_slice %arg3[%dma_wait3A_697, %dma_wait3A_698] : memref<2x6400000xi32, #tpu.memory_space<hbm>> -> memref<2x128xi32, #tpu.memory_space<hbm>>
        %dma_wait3A_700 = arith.constant 0 : i32
        %dma_wait3A_701 = arith.constant 0 : i32
        %dma_wait3A_702 = tpu.memref_slice %arg10[%dma_wait3A_691, %dma_wait3A_692, %dma_wait3A_700, %dma_wait3A_701] : memref<3x8x2x128xi32, #tpu.memory_space<vmem>> -> memref<1x1x2x128xi32, #tpu.memory_space<vmem>>
        %dma_wait3A_703 = tpu.memref_squeeze %dma_wait3A_702 : memref<1x1x2x128xi32, #tpu.memory_space<vmem>> -> memref<2x128xi32, #tpu.memory_space<vmem>>
        %dma_wait3A_704 = arith.constant 0 : i32
        %dma_wait3A_705 = arith.constant 0 : i32
        %dma_wait3A_706 = tpu.memref_slice %arg3[%dma_wait3A_704, %dma_wait3A_705] : memref<2x6400000xi32, #tpu.memory_space<hbm>> -> memref<2x128xi32, #tpu.memory_space<hbm>>
        tpu.wait_dma2 semaphore(%arg15 : memref<!tpu.dma_semaphore, #tpu.memory_space<semaphore_mem>>) src(%dma_wait3A_706 : memref<2x128xi32, #tpu.memory_space<hbm>>) dst(%dma_wait3A_703 : memref<2x128xi32, #tpu.memory_space<vmem>>)
        %dma_wait3A_707 = arith.constant 0 : i32
        %dma_wait3A_708 = arith.constant 2 : i32
        %dma_wait3A_709 = arith.constant 0 : i32
        %dma_wait3A_710 = arith.constant 0 : i32
        %dma_wait3A_711 = tpu.memref_slice %arg10[%dma_wait3A_707, %dma_wait3A_708, %dma_wait3A_709, %dma_wait3A_710] : memref<3x8x2x128xi32, #tpu.memory_space<vmem>> -> memref<1x1x2x128xi32, #tpu.memory_space<vmem>>
        %dma_wait3A_712 = tpu.memref_squeeze %dma_wait3A_711 : memref<1x1x2x128xi32, #tpu.memory_space<vmem>> -> memref<2x128xi32, #tpu.memory_space<vmem>>
        %dma_wait3A_713 = arith.constant 0 : i32
        %dma_wait3A_714 = arith.constant 0 : i32
        %dma_wait3A_715 = tpu.memref_slice %arg3[%dma_wait3A_713, %dma_wait3A_714] : memref<2x6400000xi32, #tpu.memory_space<hbm>> -> memref<2x128xi32, #tpu.memory_space<hbm>>
        %dma_wait3A_716 = arith.constant 0 : i32
        %dma_wait3A_717 = arith.constant 0 : i32
        %dma_wait3A_718 = tpu.memref_slice %arg10[%dma_wait3A_707, %dma_wait3A_708, %dma_wait3A_716, %dma_wait3A_717] : memref<3x8x2x128xi32, #tpu.memory_space<vmem>> -> memref<1x1x2x128xi32, #tpu.memory_space<vmem>>
        %dma_wait3A_719 = tpu.memref_squeeze %dma_wait3A_718 : memref<1x1x2x128xi32, #tpu.memory_space<vmem>> -> memref<2x128xi32, #tpu.memory_space<vmem>>
        %dma_wait3A_720 = arith.constant 0 : i32
        %dma_wait3A_721 = arith.constant 0 : i32
        %dma_wait3A_722 = tpu.memref_slice %arg3[%dma_wait3A_720, %dma_wait3A_721] : memref<2x6400000xi32, #tpu.memory_space<hbm>> -> memref<2x128xi32, #tpu.memory_space<hbm>>
        tpu.wait_dma2 semaphore(%arg15 : memref<!tpu.dma_semaphore, #tpu.memory_space<semaphore_mem>>) src(%dma_wait3A_722 : memref<2x128xi32, #tpu.memory_space<hbm>>) dst(%dma_wait3A_719 : memref<2x128xi32, #tpu.memory_space<vmem>>)
        %dma_wait3A_723 = arith.constant 0 : i32
        %dma_wait3A_724 = arith.constant 3 : i32
        %dma_wait3A_725 = arith.constant 0 : i32
        %dma_wait3A_726 = arith.constant 0 : i32
        %dma_wait3A_727 = tpu.memref_slice %arg10[%dma_wait3A_723, %dma_wait3A_724, %dma_wait3A_725, %dma_wait3A_726] : memref<3x8x2x128xi32, #tpu.memory_space<vmem>> -> memref<1x1x2x128xi32, #tpu.memory_space<vmem>>
        %dma_wait3A_728 = tpu.memref_squeeze %dma_wait3A_727 : memref<1x1x2x128xi32, #tpu.memory_space<vmem>> -> memref<2x128xi32, #tpu.memory_space<vmem>>
        %dma_wait3A_729 = arith.constant 0 : i32
        %dma_wait3A_730 = arith.constant 0 : i32
        %dma_wait3A_731 = tpu.memref_slice %arg3[%dma_wait3A_729, %dma_wait3A_730] : memref<2x6400000xi32, #tpu.memory_space<hbm>> -> memref<2x128xi32, #tpu.memory_space<hbm>>
        %dma_wait3A_732 = arith.constant 0 : i32
        %dma_wait3A_733 = arith.constant 0 : i32
        %dma_wait3A_734 = tpu.memref_slice %arg10[%dma_wait3A_723, %dma_wait3A_724, %dma_wait3A_732, %dma_wait3A_733] : memref<3x8x2x128xi32, #tpu.memory_space<vmem>> -> memref<1x1x2x128xi32, #tpu.memory_space<vmem>>
        %dma_wait3A_735 = tpu.memref_squeeze %dma_wait3A_734 : memref<1x1x2x128xi32, #tpu.memory_space<vmem>> -> memref<2x128xi32, #tpu.memory_space<vmem>>
        %dma_wait3A_736 = arith.constant 0 : i32
        %dma_wait3A_737 = arith.constant 0 : i32
        %dma_wait3A_738 = tpu.memref_slice %arg3[%dma_wait3A_736, %dma_wait3A_737] : memref<2x6400000xi32, #tpu.memory_space<hbm>> -> memref<2x128xi32, #tpu.memory_space<hbm>>
        tpu.wait_dma2 semaphore(%arg15 : memref<!tpu.dma_semaphore, #tpu.memory_space<semaphore_mem>>) src(%dma_wait3A_738 : memref<2x128xi32, #tpu.memory_space<hbm>>) dst(%dma_wait3A_735 : memref<2x128xi32, #tpu.memory_space<vmem>>)
        %dma_wait3A_739 = arith.constant 0 : i32
        %dma_wait3A_740 = arith.constant 4 : i32
        %dma_wait3A_741 = arith.constant 0 : i32
        %dma_wait3A_742 = arith.constant 0 : i32
        %dma_wait3A_743 = tpu.memref_slice %arg10[%dma_wait3A_739, %dma_wait3A_740, %dma_wait3A_741, %dma_wait3A_742] : memref<3x8x2x128xi32, #tpu.memory_space<vmem>> -> memref<1x1x2x128xi32, #tpu.memory_space<vmem>>
        %dma_wait3A_744 = tpu.memref_squeeze %dma_wait3A_743 : memref<1x1x2x128xi32, #tpu.memory_space<vmem>> -> memref<2x128xi32, #tpu.memory_space<vmem>>
        %dma_wait3A_745 = arith.constant 0 : i32
        %dma_wait3A_746 = arith.constant 0 : i32
        %dma_wait3A_747 = tpu.memref_slice %arg3[%dma_wait3A_745, %dma_wait3A_746] : memref<2x6400000xi32, #tpu.memory_space<hbm>> -> memref<2x128xi32, #tpu.memory_space<hbm>>
        %dma_wait3A_748 = arith.constant 0 : i32
        %dma_wait3A_749 = arith.constant 0 : i32
        %dma_wait3A_750 = tpu.memref_slice %arg10[%dma_wait3A_739, %dma_wait3A_740, %dma_wait3A_748, %dma_wait3A_749] : memref<3x8x2x128xi32, #tpu.memory_space<vmem>> -> memref<1x1x2x128xi32, #tpu.memory_space<vmem>>
        %dma_wait3A_751 = tpu.memref_squeeze %dma_wait3A_750 : memref<1x1x2x128xi32, #tpu.memory_space<vmem>> -> memref<2x128xi32, #tpu.memory_space<vmem>>
        %dma_wait3A_752 = arith.constant 0 : i32
        %dma_wait3A_753 = arith.constant 0 : i32
        %dma_wait3A_754 = tpu.memref_slice %arg3[%dma_wait3A_752, %dma_wait3A_753] : memref<2x6400000xi32, #tpu.memory_space<hbm>> -> memref<2x128xi32, #tpu.memory_space<hbm>>
        tpu.wait_dma2 semaphore(%arg15 : memref<!tpu.dma_semaphore, #tpu.memory_space<semaphore_mem>>) src(%dma_wait3A_754 : memref<2x128xi32, #tpu.memory_space<hbm>>) dst(%dma_wait3A_751 : memref<2x128xi32, #tpu.memory_space<vmem>>)
        %dma_wait3A_755 = arith.constant 0 : i32
        %dma_wait3A_756 = arith.constant 5 : i32
        %dma_wait3A_757 = arith.constant 0 : i32
        %dma_wait3A_758 = arith.constant 0 : i32
        %dma_wait3A_759 = tpu.memref_slice %arg10[%dma_wait3A_755, %dma_wait3A_756, %dma_wait3A_757, %dma_wait3A_758] : memref<3x8x2x128xi32, #tpu.memory_space<vmem>> -> memref<1x1x2x128xi32, #tpu.memory_space<vmem>>
        %dma_wait3A_760 = tpu.memref_squeeze %dma_wait3A_759 : memref<1x1x2x128xi32, #tpu.memory_space<vmem>> -> memref<2x128xi32, #tpu.memory_space<vmem>>
        %dma_wait3A_761 = arith.constant 0 : i32
        %dma_wait3A_762 = arith.constant 0 : i32
        %dma_wait3A_763 = tpu.memref_slice %arg3[%dma_wait3A_761, %dma_wait3A_762] : memref<2x6400000xi32, #tpu.memory_space<hbm>> -> memref<2x128xi32, #tpu.memory_space<hbm>>
        %dma_wait3A_764 = arith.constant 0 : i32
        %dma_wait3A_765 = arith.constant 0 : i32
        %dma_wait3A_766 = tpu.memref_slice %arg10[%dma_wait3A_755, %dma_wait3A_756, %dma_wait3A_764, %dma_wait3A_765] : memref<3x8x2x128xi32, #tpu.memory_space<vmem>> -> memref<1x1x2x128xi32, #tpu.memory_space<vmem>>
        %dma_wait3A_767 = tpu.memref_squeeze %dma_wait3A_766 : memref<1x1x2x128xi32, #tpu.memory_space<vmem>> -> memref<2x128xi32, #tpu.memory_space<vmem>>
        %dma_wait3A_768 = arith.constant 0 : i32
        %dma_wait3A_769 = arith.constant 0 : i32
        %dma_wait3A_770 = tpu.memref_slice %arg3[%dma_wait3A_768, %dma_wait3A_769] : memref<2x6400000xi32, #tpu.memory_space<hbm>> -> memref<2x128xi32, #tpu.memory_space<hbm>>
        tpu.wait_dma2 semaphore(%arg15 : memref<!tpu.dma_semaphore, #tpu.memory_space<semaphore_mem>>) src(%dma_wait3A_770 : memref<2x128xi32, #tpu.memory_space<hbm>>) dst(%dma_wait3A_767 : memref<2x128xi32, #tpu.memory_space<vmem>>)
        %dma_wait3A_771 = arith.constant 0 : i32
        %dma_wait3A_772 = arith.constant 6 : i32
        %dma_wait3A_773 = arith.constant 0 : i32
        %dma_wait3A_774 = arith.constant 0 : i32
        %dma_wait3A_775 = tpu.memref_slice %arg10[%dma_wait3A_771, %dma_wait3A_772, %dma_wait3A_773, %dma_wait3A_774] : memref<3x8x2x128xi32, #tpu.memory_space<vmem>> -> memref<1x1x2x128xi32, #tpu.memory_space<vmem>>
        %dma_wait3A_776 = tpu.memref_squeeze %dma_wait3A_775 : memref<1x1x2x128xi32, #tpu.memory_space<vmem>> -> memref<2x128xi32, #tpu.memory_space<vmem>>
        %dma_wait3A_777 = arith.constant 0 : i32
        %dma_wait3A_778 = arith.constant 0 : i32
        %dma_wait3A_779 = tpu.memref_slice %arg3[%dma_wait3A_777, %dma_wait3A_778] : memref<2x6400000xi32, #tpu.memory_space<hbm>> -> memref<2x128xi32, #tpu.memory_space<hbm>>
        %dma_wait3A_780 = arith.constant 0 : i32
        %dma_wait3A_781 = arith.constant 0 : i32
        %dma_wait3A_782 = tpu.memref_slice %arg10[%dma_wait3A_771, %dma_wait3A_772, %dma_wait3A_780, %dma_wait3A_781] : memref<3x8x2x128xi32, #tpu.memory_space<vmem>> -> memref<1x1x2x128xi32, #tpu.memory_space<vmem>>
        %dma_wait3A_783 = tpu.memref_squeeze %dma_wait3A_782 : memref<1x1x2x128xi32, #tpu.memory_space<vmem>> -> memref<2x128xi32, #tpu.memory_space<vmem>>
        %dma_wait3A_784 = arith.constant 0 : i32
        %dma_wait3A_785 = arith.constant 0 : i32
        %dma_wait3A_786 = tpu.memref_slice %arg3[%dma_wait3A_784, %dma_wait3A_785] : memref<2x6400000xi32, #tpu.memory_space<hbm>> -> memref<2x128xi32, #tpu.memory_space<hbm>>
        tpu.wait_dma2 semaphore(%arg15 : memref<!tpu.dma_semaphore, #tpu.memory_space<semaphore_mem>>) src(%dma_wait3A_786 : memref<2x128xi32, #tpu.memory_space<hbm>>) dst(%dma_wait3A_783 : memref<2x128xi32, #tpu.memory_space<vmem>>)
        %dma_wait3A_787 = arith.constant 0 : i32
        %dma_wait3A_788 = arith.constant 7 : i32
        %dma_wait3A_789 = arith.constant 0 : i32
        %dma_wait3A_790 = arith.constant 0 : i32
        %dma_wait3A_791 = tpu.memref_slice %arg10[%dma_wait3A_787, %dma_wait3A_788, %dma_wait3A_789, %dma_wait3A_790] : memref<3x8x2x128xi32, #tpu.memory_space<vmem>> -> memref<1x1x2x128xi32, #tpu.memory_space<vmem>>
        %dma_wait3A_792 = tpu.memref_squeeze %dma_wait3A_791 : memref<1x1x2x128xi32, #tpu.memory_space<vmem>> -> memref<2x128xi32, #tpu.memory_space<vmem>>
        %dma_wait3A_793 = arith.constant 0 : i32
        %dma_wait3A_794 = arith.constant 0 : i32
        %dma_wait3A_795 = tpu.memref_slice %arg3[%dma_wait3A_793, %dma_wait3A_794] : memref<2x6400000xi32, #tpu.memory_space<hbm>> -> memref<2x128xi32, #tpu.memory_space<hbm>>
        %dma_wait3A_796 = arith.constant 0 : i32
        %dma_wait3A_797 = arith.constant 0 : i32
        %dma_wait3A_798 = tpu.memref_slice %arg10[%dma_wait3A_787, %dma_wait3A_788, %dma_wait3A_796, %dma_wait3A_797] : memref<3x8x2x128xi32, #tpu.memory_space<vmem>> -> memref<1x1x2x128xi32, #tpu.memory_space<vmem>>
        %dma_wait3A_799 = tpu.memref_squeeze %dma_wait3A_798 : memref<1x1x2x128xi32, #tpu.memory_space<vmem>> -> memref<2x128xi32, #tpu.memory_space<vmem>>
        %dma_wait3A_800 = arith.constant 0 : i32
        %dma_wait3A_801 = arith.constant 0 : i32
        %dma_wait3A_802 = tpu.memref_slice %arg3[%dma_wait3A_800, %dma_wait3A_801] : memref<2x6400000xi32, #tpu.memory_space<hbm>> -> memref<2x128xi32, #tpu.memory_space<hbm>>
        tpu.wait_dma2 semaphore(%arg15 : memref<!tpu.dma_semaphore, #tpu.memory_space<semaphore_mem>>) src(%dma_wait3A_802 : memref<2x128xi32, #tpu.memory_space<hbm>>) dst(%dma_wait3A_799 : memref<2x128xi32, #tpu.memory_space<vmem>>)
        %add3A_803 = arith.constant 1 : i32
        %add3A_804 = arith.addi %while3A_665, %add3A_803 : i32
        %lt3A_805 = arith.cmpi slt, %add3A_804, %add3A_492 : i32
        %convert_element_type3A_806 = arith.extui %lt3A_805 : i1 to i32
        %cond3A_807 = arith.constant 0 : i32
        %cond3A_808 = arith.cmpi ne, %convert_element_type3A_806, %cond3A_807 : i32
        scf.if %cond3A_808 {
          %add3A_1815 = arith.addi %add3A_488, %while3A_665 : i32
          %add3A_1816 = arith.constant 1 : i32
          %add3A_1817 = arith.addi %add3A_1815, %add3A_1816 : i32
          %add3A_1818 = arith.constant 1 : i32
          %add3A_1819 = arith.addi %while3A_665, %add3A_1818 : i32
          %rem3A_1820 = arith.constant 3 : i32
          %rem3A_1821 = arith.remsi %add3A_1819, %rem3A_1820 : i32
          %mul3A_1822 = arith.constant 1024 : i32
          %mul3A_1823 = arith.muli %add3A_1817, %mul3A_1822 : i32
          %add3A_1824 = arith.constant 0 : i32
          %add3A_1825 = arith.addi %mul3A_1823, %add3A_1824 : i32
          %dma_start3A_1826 = arith.constant 0 : i32
          %dma_start3A_1827 = arith.constant 0 : i32
          %dma_start3A_1828 = arith.constant 0 : i32
          %dma_start3A_1829 = tpu.memref_slice %arg10[%rem3A_1821, %dma_start3A_1826, %dma_start3A_1827, %dma_start3A_1828] : memref<3x8x2x128xi32, #tpu.memory_space<vmem>> -> memref<1x1x2x128xi32, #tpu.memory_space<vmem>>
          %dma_start3A_1830 = tpu.memref_squeeze %dma_start3A_1829 : memref<1x1x2x128xi32, #tpu.memory_space<vmem>> -> memref<2x128xi32, #tpu.memory_space<vmem>>
          %dma_start3A_1831 = arith.constant 0 : i32
          %dma_start3A_1832 = tpu.memref_slice %arg3[%dma_start3A_1831, %add3A_1825] : memref<2x6400000xi32, #tpu.memory_space<hbm>> -> memref<2x128xi32, #tpu.memory_space<hbm>>
          %dma_start3A_1833 = arith.constant 0 : i32
          %dma_start3A_1834 = arith.constant 0 : i32
          %dma_start3A_1835 = tpu.memref_slice %arg10[%rem3A_1821, %dma_start3A_1826, %dma_start3A_1833, %dma_start3A_1834] : memref<3x8x2x128xi32, #tpu.memory_space<vmem>> -> memref<1x1x2x128xi32, #tpu.memory_space<vmem>>
          %dma_start3A_1836 = tpu.memref_squeeze %dma_start3A_1835 : memref<1x1x2x128xi32, #tpu.memory_space<vmem>> -> memref<2x128xi32, #tpu.memory_space<vmem>>
          %dma_start3A_1837 = arith.constant 0 : i32
          %dma_start3A_1838 = tpu.memref_slice %arg3[%dma_start3A_1837, %add3A_1825] : memref<2x6400000xi32, #tpu.memory_space<hbm>> -> memref<2x128xi32, #tpu.memory_space<hbm>>
          tpu.enqueue_dma source(%dma_start3A_1838 : memref<2x128xi32, #tpu.memory_space<hbm>>) target(%dma_start3A_1836 : memref<2x128xi32, #tpu.memory_space<vmem>>) target_semaphore(%arg15 : memref<!tpu.dma_semaphore, #tpu.memory_space<semaphore_mem>>)
          %mul3A_1839 = arith.constant 1024 : i32
          %mul3A_1840 = arith.muli %add3A_1817, %mul3A_1839 : i32
          %add3A_1841 = arith.constant 128 : i32
          %add3A_1842 = arith.addi %mul3A_1840, %add3A_1841 : i32
          %dma_start3A_1843 = arith.constant 1 : i32
          %dma_start3A_1844 = arith.constant 0 : i32
          %dma_start3A_1845 = arith.constant 0 : i32
          %dma_start3A_1846 = tpu.memref_slice %arg10[%rem3A_1821, %dma_start3A_1843, %dma_start3A_1844, %dma_start3A_1845] : memref<3x8x2x128xi32, #tpu.memory_space<vmem>> -> memref<1x1x2x128xi32, #tpu.memory_space<vmem>>
          %dma_start3A_1847 = tpu.memref_squeeze %dma_start3A_1846 : memref<1x1x2x128xi32, #tpu.memory_space<vmem>> -> memref<2x128xi32, #tpu.memory_space<vmem>>
          %dma_start3A_1848 = arith.constant 0 : i32
          %dma_start3A_1849 = tpu.memref_slice %arg3[%dma_start3A_1848, %add3A_1842] : memref<2x6400000xi32, #tpu.memory_space<hbm>> -> memref<2x128xi32, #tpu.memory_space<hbm>>
          %dma_start3A_1850 = arith.constant 0 : i32
          %dma_start3A_1851 = arith.constant 0 : i32
          %dma_start3A_1852 = tpu.memref_slice %arg10[%rem3A_1821, %dma_start3A_1843, %dma_start3A_1850, %dma_start3A_1851] : memref<3x8x2x128xi32, #tpu.memory_space<vmem>> -> memref<1x1x2x128xi32, #tpu.memory_space<vmem>>
          %dma_start3A_1853 = tpu.memref_squeeze %dma_start3A_1852 : memref<1x1x2x128xi32, #tpu.memory_space<vmem>> -> memref<2x128xi32, #tpu.memory_space<vmem>>
          %dma_start3A_1854 = arith.constant 0 : i32
          %dma_start3A_1855 = tpu.memref_slice %arg3[%dma_start3A_1854, %add3A_1842] : memref<2x6400000xi32, #tpu.memory_space<hbm>> -> memref<2x128xi32, #tpu.memory_space<hbm>>
          tpu.enqueue_dma source(%dma_start3A_1855 : memref<2x128xi32, #tpu.memory_space<hbm>>) target(%dma_start3A_1853 : memref<2x128xi32, #tpu.memory_space<vmem>>) target_semaphore(%arg15 : memref<!tpu.dma_semaphore, #tpu.memory_space<semaphore_mem>>)
          %mul3A_1856 = arith.constant 1024 : i32
          %mul3A_1857 = arith.muli %add3A_1817, %mul3A_1856 : i32
          %add3A_1858 = arith.constant 256 : i32
          %add3A_1859 = arith.addi %mul3A_1857, %add3A_1858 : i32
          %dma_start3A_1860 = arith.constant 2 : i32
          %dma_start3A_1861 = arith.constant 0 : i32
          %dma_start3A_1862 = arith.constant 0 : i32
          %dma_start3A_1863 = tpu.memref_slice %arg10[%rem3A_1821, %dma_start3A_1860, %dma_start3A_1861, %dma_start3A_1862] : memref<3x8x2x128xi32, #tpu.memory_space<vmem>> -> memref<1x1x2x128xi32, #tpu.memory_space<vmem>>
          %dma_start3A_1864 = tpu.memref_squeeze %dma_start3A_1863 : memref<1x1x2x128xi32, #tpu.memory_space<vmem>> -> memref<2x128xi32, #tpu.memory_space<vmem>>
          %dma_start3A_1865 = arith.constant 0 : i32
          %dma_start3A_1866 = tpu.memref_slice %arg3[%dma_start3A_1865, %add3A_1859] : memref<2x6400000xi32, #tpu.memory_space<hbm>> -> memref<2x128xi32, #tpu.memory_space<hbm>>
          %dma_start3A_1867 = arith.constant 0 : i32
          %dma_start3A_1868 = arith.constant 0 : i32
          %dma_start3A_1869 = tpu.memref_slice %arg10[%rem3A_1821, %dma_start3A_1860, %dma_start3A_1867, %dma_start3A_1868] : memref<3x8x2x128xi32, #tpu.memory_space<vmem>> -> memref<1x1x2x128xi32, #tpu.memory_space<vmem>>
          %dma_start3A_1870 = tpu.memref_squeeze %dma_start3A_1869 : memref<1x1x2x128xi32, #tpu.memory_space<vmem>> -> memref<2x128xi32, #tpu.memory_space<vmem>>
          %dma_start3A_1871 = arith.constant 0 : i32
          %dma_start3A_1872 = tpu.memref_slice %arg3[%dma_start3A_1871, %add3A_1859] : memref<2x6400000xi32, #tpu.memory_space<hbm>> -> memref<2x128xi32, #tpu.memory_space<hbm>>
          tpu.enqueue_dma source(%dma_start3A_1872 : memref<2x128xi32, #tpu.memory_space<hbm>>) target(%dma_start3A_1870 : memref<2x128xi32, #tpu.memory_space<vmem>>) target_semaphore(%arg15 : memref<!tpu.dma_semaphore, #tpu.memory_space<semaphore_mem>>)
          %mul3A_1873 = arith.constant 1024 : i32
          %mul3A_1874 = arith.muli %add3A_1817, %mul3A_1873 : i32
          %add3A_1875 = arith.constant 384 : i32
          %add3A_1876 = arith.addi %mul3A_1874, %add3A_1875 : i32
          %dma_start3A_1877 = arith.constant 3 : i32
          %dma_start3A_1878 = arith.constant 0 : i32
          %dma_start3A_1879 = arith.constant 0 : i32
          %dma_start3A_1880 = tpu.memref_slice %arg10[%rem3A_1821, %dma_start3A_1877, %dma_start3A_1878, %dma_start3A_1879] : memref<3x8x2x128xi32, #tpu.memory_space<vmem>> -> memref<1x1x2x128xi32, #tpu.memory_space<vmem>>
          %dma_start3A_1881 = tpu.memref_squeeze %dma_start3A_1880 : memref<1x1x2x128xi32, #tpu.memory_space<vmem>> -> memref<2x128xi32, #tpu.memory_space<vmem>>
          %dma_start3A_1882 = arith.constant 0 : i32
          %dma_start3A_1883 = tpu.memref_slice %arg3[%dma_start3A_1882, %add3A_1876] : memref<2x6400000xi32, #tpu.memory_space<hbm>> -> memref<2x128xi32, #tpu.memory_space<hbm>>
          %dma_start3A_1884 = arith.constant 0 : i32
          %dma_start3A_1885 = arith.constant 0 : i32
          %dma_start3A_1886 = tpu.memref_slice %arg10[%rem3A_1821, %dma_start3A_1877, %dma_start3A_1884, %dma_start3A_1885] : memref<3x8x2x128xi32, #tpu.memory_space<vmem>> -> memref<1x1x2x128xi32, #tpu.memory_space<vmem>>
          %dma_start3A_1887 = tpu.memref_squeeze %dma_start3A_1886 : memref<1x1x2x128xi32, #tpu.memory_space<vmem>> -> memref<2x128xi32, #tpu.memory_space<vmem>>
          %dma_start3A_1888 = arith.constant 0 : i32
          %dma_start3A_1889 = tpu.memref_slice %arg3[%dma_start3A_1888, %add3A_1876] : memref<2x6400000xi32, #tpu.memory_space<hbm>> -> memref<2x128xi32, #tpu.memory_space<hbm>>
          tpu.enqueue_dma source(%dma_start3A_1889 : memref<2x128xi32, #tpu.memory_space<hbm>>) target(%dma_start3A_1887 : memref<2x128xi32, #tpu.memory_space<vmem>>) target_semaphore(%arg15 : memref<!tpu.dma_semaphore, #tpu.memory_space<semaphore_mem>>)
          %mul3A_1890 = arith.constant 1024 : i32
          %mul3A_1891 = arith.muli %add3A_1817, %mul3A_1890 : i32
          %add3A_1892 = arith.constant 512 : i32
          %add3A_1893 = arith.addi %mul3A_1891, %add3A_1892 : i32
          %dma_start3A_1894 = arith.constant 4 : i32
          %dma_start3A_1895 = arith.constant 0 : i32
          %dma_start3A_1896 = arith.constant 0 : i32
          %dma_start3A_1897 = tpu.memref_slice %arg10[%rem3A_1821, %dma_start3A_1894, %dma_start3A_1895, %dma_start3A_1896] : memref<3x8x2x128xi32, #tpu.memory_space<vmem>> -> memref<1x1x2x128xi32, #tpu.memory_space<vmem>>
          %dma_start3A_1898 = tpu.memref_squeeze %dma_start3A_1897 : memref<1x1x2x128xi32, #tpu.memory_space<vmem>> -> memref<2x128xi32, #tpu.memory_space<vmem>>
          %dma_start3A_1899 = arith.constant 0 : i32
          %dma_start3A_1900 = tpu.memref_slice %arg3[%dma_start3A_1899, %add3A_1893] : memref<2x6400000xi32, #tpu.memory_space<hbm>> -> memref<2x128xi32, #tpu.memory_space<hbm>>
          %dma_start3A_1901 = arith.constant 0 : i32
          %dma_start3A_1902 = arith.constant 0 : i32
          %dma_start3A_1903 = tpu.memref_slice %arg10[%rem3A_1821, %dma_start3A_1894, %dma_start3A_1901, %dma_start3A_1902] : memref<3x8x2x128xi32, #tpu.memory_space<vmem>> -> memref<1x1x2x128xi32, #tpu.memory_space<vmem>>
          %dma_start3A_1904 = tpu.memref_squeeze %dma_start3A_1903 : memref<1x1x2x128xi32, #tpu.memory_space<vmem>> -> memref<2x128xi32, #tpu.memory_space<vmem>>
          %dma_start3A_1905 = arith.constant 0 : i32
          %dma_start3A_1906 = tpu.memref_slice %arg3[%dma_start3A_1905, %add3A_1893] : memref<2x6400000xi32, #tpu.memory_space<hbm>> -> memref<2x128xi32, #tpu.memory_space<hbm>>
          tpu.enqueue_dma source(%dma_start3A_1906 : memref<2x128xi32, #tpu.memory_space<hbm>>) target(%dma_start3A_1904 : memref<2x128xi32, #tpu.memory_space<vmem>>) target_semaphore(%arg15 : memref<!tpu.dma_semaphore, #tpu.memory_space<semaphore_mem>>)
          %mul3A_1907 = arith.constant 1024 : i32
          %mul3A_1908 = arith.muli %add3A_1817, %mul3A_1907 : i32
          %add3A_1909 = arith.constant 640 : i32
          %add3A_1910 = arith.addi %mul3A_1908, %add3A_1909 : i32
          %dma_start3A_1911 = arith.constant 5 : i32
          %dma_start3A_1912 = arith.constant 0 : i32
          %dma_start3A_1913 = arith.constant 0 : i32
          %dma_start3A_1914 = tpu.memref_slice %arg10[%rem3A_1821, %dma_start3A_1911, %dma_start3A_1912, %dma_start3A_1913] : memref<3x8x2x128xi32, #tpu.memory_space<vmem>> -> memref<1x1x2x128xi32, #tpu.memory_space<vmem>>
          %dma_start3A_1915 = tpu.memref_squeeze %dma_start3A_1914 : memref<1x1x2x128xi32, #tpu.memory_space<vmem>> -> memref<2x128xi32, #tpu.memory_space<vmem>>
          %dma_start3A_1916 = arith.constant 0 : i32
          %dma_start3A_1917 = tpu.memref_slice %arg3[%dma_start3A_1916, %add3A_1910] : memref<2x6400000xi32, #tpu.memory_space<hbm>> -> memref<2x128xi32, #tpu.memory_space<hbm>>
          %dma_start3A_1918 = arith.constant 0 : i32
          %dma_start3A_1919 = arith.constant 0 : i32
          %dma_start3A_1920 = tpu.memref_slice %arg10[%rem3A_1821, %dma_start3A_1911, %dma_start3A_1918, %dma_start3A_1919] : memref<3x8x2x128xi32, #tpu.memory_space<vmem>> -> memref<1x1x2x128xi32, #tpu.memory_space<vmem>>
          %dma_start3A_1921 = tpu.memref_squeeze %dma_start3A_1920 : memref<1x1x2x128xi32, #tpu.memory_space<vmem>> -> memref<2x128xi32, #tpu.memory_space<vmem>>
          %dma_start3A_1922 = arith.constant 0 : i32
          %dma_start3A_1923 = tpu.memref_slice %arg3[%dma_start3A_1922, %add3A_1910] : memref<2x6400000xi32, #tpu.memory_space<hbm>> -> memref<2x128xi32, #tpu.memory_space<hbm>>
          tpu.enqueue_dma source(%dma_start3A_1923 : memref<2x128xi32, #tpu.memory_space<hbm>>) target(%dma_start3A_1921 : memref<2x128xi32, #tpu.memory_space<vmem>>) target_semaphore(%arg15 : memref<!tpu.dma_semaphore, #tpu.memory_space<semaphore_mem>>)
          %mul3A_1924 = arith.constant 1024 : i32
          %mul3A_1925 = arith.muli %add3A_1817, %mul3A_1924 : i32
          %add3A_1926 = arith.constant 768 : i32
          %add3A_1927 = arith.addi %mul3A_1925, %add3A_1926 : i32
          %dma_start3A_1928 = arith.constant 6 : i32
          %dma_start3A_1929 = arith.constant 0 : i32
          %dma_start3A_1930 = arith.constant 0 : i32
          %dma_start3A_1931 = tpu.memref_slice %arg10[%rem3A_1821, %dma_start3A_1928, %dma_start3A_1929, %dma_start3A_1930] : memref<3x8x2x128xi32, #tpu.memory_space<vmem>> -> memref<1x1x2x128xi32, #tpu.memory_space<vmem>>
          %dma_start3A_1932 = tpu.memref_squeeze %dma_start3A_1931 : memref<1x1x2x128xi32, #tpu.memory_space<vmem>> -> memref<2x128xi32, #tpu.memory_space<vmem>>
          %dma_start3A_1933 = arith.constant 0 : i32
          %dma_start3A_1934 = tpu.memref_slice %arg3[%dma_start3A_1933, %add3A_1927] : memref<2x6400000xi32, #tpu.memory_space<hbm>> -> memref<2x128xi32, #tpu.memory_space<hbm>>
          %dma_start3A_1935 = arith.constant 0 : i32
          %dma_start3A_1936 = arith.constant 0 : i32
          %dma_start3A_1937 = tpu.memref_slice %arg10[%rem3A_1821, %dma_start3A_1928, %dma_start3A_1935, %dma_start3A_1936] : memref<3x8x2x128xi32, #tpu.memory_space<vmem>> -> memref<1x1x2x128xi32, #tpu.memory_space<vmem>>
          %dma_start3A_1938 = tpu.memref_squeeze %dma_start3A_1937 : memref<1x1x2x128xi32, #tpu.memory_space<vmem>> -> memref<2x128xi32, #tpu.memory_space<vmem>>
          %dma_start3A_1939 = arith.constant 0 : i32
          %dma_start3A_1940 = tpu.memref_slice %arg3[%dma_start3A_1939, %add3A_1927] : memref<2x6400000xi32, #tpu.memory_space<hbm>> -> memref<2x128xi32, #tpu.memory_space<hbm>>
          tpu.enqueue_dma source(%dma_start3A_1940 : memref<2x128xi32, #tpu.memory_space<hbm>>) target(%dma_start3A_1938 : memref<2x128xi32, #tpu.memory_space<vmem>>) target_semaphore(%arg15 : memref<!tpu.dma_semaphore, #tpu.memory_space<semaphore_mem>>)
          %mul3A_1941 = arith.constant 1024 : i32
          %mul3A_1942 = arith.muli %add3A_1817, %mul3A_1941 : i32
          %add3A_1943 = arith.constant 896 : i32
          %add3A_1944 = arith.addi %mul3A_1942, %add3A_1943 : i32
          %dma_start3A_1945 = arith.constant 7 : i32
          %dma_start3A_1946 = arith.constant 0 : i32
          %dma_start3A_1947 = arith.constant 0 : i32
          %dma_start3A_1948 = tpu.memref_slice %arg10[%rem3A_1821, %dma_start3A_1945, %dma_start3A_1946, %dma_start3A_1947] : memref<3x8x2x128xi32, #tpu.memory_space<vmem>> -> memref<1x1x2x128xi32, #tpu.memory_space<vmem>>
          %dma_start3A_1949 = tpu.memref_squeeze %dma_start3A_1948 : memref<1x1x2x128xi32, #tpu.memory_space<vmem>> -> memref<2x128xi32, #tpu.memory_space<vmem>>
          %dma_start3A_1950 = arith.constant 0 : i32
          %dma_start3A_1951 = tpu.memref_slice %arg3[%dma_start3A_1950, %add3A_1944] : memref<2x6400000xi32, #tpu.memory_space<hbm>> -> memref<2x128xi32, #tpu.memory_space<hbm>>
          %dma_start3A_1952 = arith.constant 0 : i32
          %dma_start3A_1953 = arith.constant 0 : i32
          %dma_start3A_1954 = tpu.memref_slice %arg10[%rem3A_1821, %dma_start3A_1945, %dma_start3A_1952, %dma_start3A_1953] : memref<3x8x2x128xi32, #tpu.memory_space<vmem>> -> memref<1x1x2x128xi32, #tpu.memory_space<vmem>>
          %dma_start3A_1955 = tpu.memref_squeeze %dma_start3A_1954 : memref<1x1x2x128xi32, #tpu.memory_space<vmem>> -> memref<2x128xi32, #tpu.memory_space<vmem>>
          %dma_start3A_1956 = arith.constant 0 : i32
          %dma_start3A_1957 = tpu.memref_slice %arg3[%dma_start3A_1956, %add3A_1944] : memref<2x6400000xi32, #tpu.memory_space<hbm>> -> memref<2x128xi32, #tpu.memory_space<hbm>>
          tpu.enqueue_dma source(%dma_start3A_1957 : memref<2x128xi32, #tpu.memory_space<hbm>>) target(%dma_start3A_1955 : memref<2x128xi32, #tpu.memory_space<vmem>>) target_semaphore(%arg15 : memref<!tpu.dma_semaphore, #tpu.memory_space<semaphore_mem>>)
        } else {
        }
        %dma_start3A_809 = arith.constant 0 : i32
        %dma_start3A_810 = arith.constant 0 : i32
        %dma_start3A_811 = arith.constant 1 : i32
        %dma_start3A_812 = arith.constant 0 : i32
        %dma_start3A_813 = tpu.memref_slice %arg12[%dma_start3A_809, %dma_start3A_812] : memref<8x128xf32, #tpu.memory_space<vmem>> -> memref<1x128xf32, #tpu.memory_space<vmem>>
        %dma_start3A_814 = tpu.memref_squeeze %dma_start3A_813 : memref<1x128xf32, #tpu.memory_space<vmem>> -> memref<128xf32, #tpu.memory_space<vmem>>
        %dma_start3A_815 = arith.constant 0 : i32
        %dma_start3A_816 = tpu.memref_slice %arg10[%rem3A_667, %dma_start3A_810, %dma_start3A_811, %dma_start3A_815] : memref<3x8x2x128xi32, #tpu.memory_space<vmem>> -> memref<1x1x1x128xi32, #tpu.memory_space<vmem>>
        %dma_start3A_817 = tpu.memref_squeeze %dma_start3A_816 : memref<1x1x1x128xi32, #tpu.memory_space<vmem>> -> memref<128xi32, #tpu.memory_space<vmem>>
        %dma_start3A_818 = arith.constant 0 : i32
        %dma_start3A_819 = tpu.memref_slice %arg8[%dma_start3A_818] : memref<100352xf32, #tpu.memory_space<vmem_shared>> -> memref<100352xf32, #tpu.memory_space<vmem_shared>>
        tpu.enqueue_indirect_dma source(%dma_start3A_814 : memref<128xf32, #tpu.memory_space<vmem>>) target(%dma_start3A_819 : memref<100352xf32, #tpu.memory_space<vmem_shared>>) offsets(%dma_start3A_817 : memref<128xi32, #tpu.memory_space<vmem>>) semaphore(%arg14 : memref<!tpu.dma_semaphore, #tpu.memory_space<semaphore_mem>>) {add = true}
        %dma_start3A_820 = arith.constant 1 : i32
        %dma_start3A_821 = arith.constant 1 : i32
        %dma_start3A_822 = arith.constant 1 : i32
        %dma_start3A_823 = arith.constant 0 : i32
        %dma_start3A_824 = tpu.memref_slice %arg12[%dma_start3A_820, %dma_start3A_823] : memref<8x128xf32, #tpu.memory_space<vmem>> -> memref<1x128xf32, #tpu.memory_space<vmem>>
        %dma_start3A_825 = tpu.memref_squeeze %dma_start3A_824 : memref<1x128xf32, #tpu.memory_space<vmem>> -> memref<128xf32, #tpu.memory_space<vmem>>
        %dma_start3A_826 = arith.constant 0 : i32
        %dma_start3A_827 = tpu.memref_slice %arg10[%rem3A_667, %dma_start3A_821, %dma_start3A_822, %dma_start3A_826] : memref<3x8x2x128xi32, #tpu.memory_space<vmem>> -> memref<1x1x1x128xi32, #tpu.memory_space<vmem>>
        %dma_start3A_828 = tpu.memref_squeeze %dma_start3A_827 : memref<1x1x1x128xi32, #tpu.memory_space<vmem>> -> memref<128xi32, #tpu.memory_space<vmem>>
        %dma_start3A_829 = arith.constant 0 : i32
        %dma_start3A_830 = tpu.memref_slice %arg8[%dma_start3A_829] : memref<100352xf32, #tpu.memory_space<vmem_shared>> -> memref<100352xf32, #tpu.memory_space<vmem_shared>>
        tpu.enqueue_indirect_dma source(%dma_start3A_825 : memref<128xf32, #tpu.memory_space<vmem>>) target(%dma_start3A_830 : memref<100352xf32, #tpu.memory_space<vmem_shared>>) offsets(%dma_start3A_828 : memref<128xi32, #tpu.memory_space<vmem>>) semaphore(%arg14 : memref<!tpu.dma_semaphore, #tpu.memory_space<semaphore_mem>>) {add = true}
        %dma_start3A_831 = arith.constant 2 : i32
        %dma_start3A_832 = arith.constant 2 : i32
        %dma_start3A_833 = arith.constant 1 : i32
        %dma_start3A_834 = arith.constant 0 : i32
        %dma_start3A_835 = tpu.memref_slice %arg12[%dma_start3A_831, %dma_start3A_834] : memref<8x128xf32, #tpu.memory_space<vmem>> -> memref<1x128xf32, #tpu.memory_space<vmem>>
        %dma_start3A_836 = tpu.memref_squeeze %dma_start3A_835 : memref<1x128xf32, #tpu.memory_space<vmem>> -> memref<128xf32, #tpu.memory_space<vmem>>
        %dma_start3A_837 = arith.constant 0 : i32
        %dma_start3A_838 = tpu.memref_slice %arg10[%rem3A_667, %dma_start3A_832, %dma_start3A_833, %dma_start3A_837] : memref<3x8x2x128xi32, #tpu.memory_space<vmem>> -> memref<1x1x1x128xi32, #tpu.memory_space<vmem>>
        %dma_start3A_839 = tpu.memref_squeeze %dma_start3A_838 : memref<1x1x1x128xi32, #tpu.memory_space<vmem>> -> memref<128xi32, #tpu.memory_space<vmem>>
        %dma_start3A_840 = arith.constant 0 : i32
        %dma_start3A_841 = tpu.memref_slice %arg8[%dma_start3A_840] : memref<100352xf32, #tpu.memory_space<vmem_shared>> -> memref<100352xf32, #tpu.memory_space<vmem_shared>>
        tpu.enqueue_indirect_dma source(%dma_start3A_836 : memref<128xf32, #tpu.memory_space<vmem>>) target(%dma_start3A_841 : memref<100352xf32, #tpu.memory_space<vmem_shared>>) offsets(%dma_start3A_839 : memref<128xi32, #tpu.memory_space<vmem>>) semaphore(%arg14 : memref<!tpu.dma_semaphore, #tpu.memory_space<semaphore_mem>>) {add = true}
        %dma_start3A_842 = arith.constant 3 : i32
        %dma_start3A_843 = arith.constant 3 : i32
        %dma_start3A_844 = arith.constant 1 : i32
        %dma_start3A_845 = arith.constant 0 : i32
        %dma_start3A_846 = tpu.memref_slice %arg12[%dma_start3A_842, %dma_start3A_845] : memref<8x128xf32, #tpu.memory_space<vmem>> -> memref<1x128xf32, #tpu.memory_space<vmem>>
        %dma_start3A_847 = tpu.memref_squeeze %dma_start3A_846 : memref<1x128xf32, #tpu.memory_space<vmem>> -> memref<128xf32, #tpu.memory_space<vmem>>
        %dma_start3A_848 = arith.constant 0 : i32
        %dma_start3A_849 = tpu.memref_slice %arg10[%rem3A_667, %dma_start3A_843, %dma_start3A_844, %dma_start3A_848] : memref<3x8x2x128xi32, #tpu.memory_space<vmem>> -> memref<1x1x1x128xi32, #tpu.memory_space<vmem>>
        %dma_start3A_850 = tpu.memref_squeeze %dma_start3A_849 : memref<1x1x1x128xi32, #tpu.memory_space<vmem>> -> memref<128xi32, #tpu.memory_space<vmem>>
        %dma_start3A_851 = arith.constant 0 : i32
        %dma_start3A_852 = tpu.memref_slice %arg8[%dma_start3A_851] : memref<100352xf32, #tpu.memory_space<vmem_shared>> -> memref<100352xf32, #tpu.memory_space<vmem_shared>>
        tpu.enqueue_indirect_dma source(%dma_start3A_847 : memref<128xf32, #tpu.memory_space<vmem>>) target(%dma_start3A_852 : memref<100352xf32, #tpu.memory_space<vmem_shared>>) offsets(%dma_start3A_850 : memref<128xi32, #tpu.memory_space<vmem>>) semaphore(%arg14 : memref<!tpu.dma_semaphore, #tpu.memory_space<semaphore_mem>>) {add = true}
        %dma_start3A_853 = arith.constant 4 : i32
        %dma_start3A_854 = arith.constant 4 : i32
        %dma_start3A_855 = arith.constant 1 : i32
        %dma_start3A_856 = arith.constant 0 : i32
        %dma_start3A_857 = tpu.memref_slice %arg12[%dma_start3A_853, %dma_start3A_856] : memref<8x128xf32, #tpu.memory_space<vmem>> -> memref<1x128xf32, #tpu.memory_space<vmem>>
        %dma_start3A_858 = tpu.memref_squeeze %dma_start3A_857 : memref<1x128xf32, #tpu.memory_space<vmem>> -> memref<128xf32, #tpu.memory_space<vmem>>
        %dma_start3A_859 = arith.constant 0 : i32
        %dma_start3A_860 = tpu.memref_slice %arg10[%rem3A_667, %dma_start3A_854, %dma_start3A_855, %dma_start3A_859] : memref<3x8x2x128xi32, #tpu.memory_space<vmem>> -> memref<1x1x1x128xi32, #tpu.memory_space<vmem>>
        %dma_start3A_861 = tpu.memref_squeeze %dma_start3A_860 : memref<1x1x1x128xi32, #tpu.memory_space<vmem>> -> memref<128xi32, #tpu.memory_space<vmem>>
        %dma_start3A_862 = arith.constant 0 : i32
        %dma_start3A_863 = tpu.memref_slice %arg8[%dma_start3A_862] : memref<100352xf32, #tpu.memory_space<vmem_shared>> -> memref<100352xf32, #tpu.memory_space<vmem_shared>>
        tpu.enqueue_indirect_dma source(%dma_start3A_858 : memref<128xf32, #tpu.memory_space<vmem>>) target(%dma_start3A_863 : memref<100352xf32, #tpu.memory_space<vmem_shared>>) offsets(%dma_start3A_861 : memref<128xi32, #tpu.memory_space<vmem>>) semaphore(%arg14 : memref<!tpu.dma_semaphore, #tpu.memory_space<semaphore_mem>>) {add = true}
        %dma_start3A_864 = arith.constant 5 : i32
        %dma_start3A_865 = arith.constant 5 : i32
        %dma_start3A_866 = arith.constant 1 : i32
        %dma_start3A_867 = arith.constant 0 : i32
        %dma_start3A_868 = tpu.memref_slice %arg12[%dma_start3A_864, %dma_start3A_867] : memref<8x128xf32, #tpu.memory_space<vmem>> -> memref<1x128xf32, #tpu.memory_space<vmem>>
        %dma_start3A_869 = tpu.memref_squeeze %dma_start3A_868 : memref<1x128xf32, #tpu.memory_space<vmem>> -> memref<128xf32, #tpu.memory_space<vmem>>
        %dma_start3A_870 = arith.constant 0 : i32
        %dma_start3A_871 = tpu.memref_slice %arg10[%rem3A_667, %dma_start3A_865, %dma_start3A_866, %dma_start3A_870] : memref<3x8x2x128xi32, #tpu.memory_space<vmem>> -> memref<1x1x1x128xi32, #tpu.memory_space<vmem>>
        %dma_start3A_872 = tpu.memref_squeeze %dma_start3A_871 : memref<1x1x1x128xi32, #tpu.memory_space<vmem>> -> memref<128xi32, #tpu.memory_space<vmem>>
        %dma_start3A_873 = arith.constant 0 : i32
        %dma_start3A_874 = tpu.memref_slice %arg8[%dma_start3A_873] : memref<100352xf32, #tpu.memory_space<vmem_shared>> -> memref<100352xf32, #tpu.memory_space<vmem_shared>>
        tpu.enqueue_indirect_dma source(%dma_start3A_869 : memref<128xf32, #tpu.memory_space<vmem>>) target(%dma_start3A_874 : memref<100352xf32, #tpu.memory_space<vmem_shared>>) offsets(%dma_start3A_872 : memref<128xi32, #tpu.memory_space<vmem>>) semaphore(%arg14 : memref<!tpu.dma_semaphore, #tpu.memory_space<semaphore_mem>>) {add = true}
        %dma_start3A_875 = arith.constant 6 : i32
        %dma_start3A_876 = arith.constant 6 : i32
        %dma_start3A_877 = arith.constant 1 : i32
        %dma_start3A_878 = arith.constant 0 : i32
        %dma_start3A_879 = tpu.memref_slice %arg12[%dma_start3A_875, %dma_start3A_878] : memref<8x128xf32, #tpu.memory_space<vmem>> -> memref<1x128xf32, #tpu.memory_space<vmem>>
        %dma_start3A_880 = tpu.memref_squeeze %dma_start3A_879 : memref<1x128xf32, #tpu.memory_space<vmem>> -> memref<128xf32, #tpu.memory_space<vmem>>
        %dma_start3A_881 = arith.constant 0 : i32
        %dma_start3A_882 = tpu.memref_slice %arg10[%rem3A_667, %dma_start3A_876, %dma_start3A_877, %dma_start3A_881] : memref<3x8x2x128xi32, #tpu.memory_space<vmem>> -> memref<1x1x1x128xi32, #tpu.memory_space<vmem>>
        %dma_start3A_883 = tpu.memref_squeeze %dma_start3A_882 : memref<1x1x1x128xi32, #tpu.memory_space<vmem>> -> memref<128xi32, #tpu.memory_space<vmem>>
        %dma_start3A_884 = arith.constant 0 : i32
        %dma_start3A_885 = tpu.memref_slice %arg8[%dma_start3A_884] : memref<100352xf32, #tpu.memory_space<vmem_shared>> -> memref<100352xf32, #tpu.memory_space<vmem_shared>>
        tpu.enqueue_indirect_dma source(%dma_start3A_880 : memref<128xf32, #tpu.memory_space<vmem>>) target(%dma_start3A_885 : memref<100352xf32, #tpu.memory_space<vmem_shared>>) offsets(%dma_start3A_883 : memref<128xi32, #tpu.memory_space<vmem>>) semaphore(%arg14 : memref<!tpu.dma_semaphore, #tpu.memory_space<semaphore_mem>>) {add = true}
        %dma_start3A_886 = arith.constant 7 : i32
        %dma_start3A_887 = arith.constant 7 : i32
        %dma_start3A_888 = arith.constant 1 : i32
        %dma_start3A_889 = arith.constant 0 : i32
        %dma_start3A_890 = tpu.memref_slice %arg12[%dma_start3A_886, %dma_start3A_889] : memref<8x128xf32, #tpu.memory_space<vmem>> -> memref<1x128xf32, #tpu.memory_space<vmem>>
        %dma_start3A_891 = tpu.memref_squeeze %dma_start3A_890 : memref<1x128xf32, #tpu.memory_space<vmem>> -> memref<128xf32, #tpu.memory_space<vmem>>
        %dma_start3A_892 = arith.constant 0 : i32
        %dma_start3A_893 = tpu.memref_slice %arg10[%rem3A_667, %dma_start3A_887, %dma_start3A_888, %dma_start3A_892] : memref<3x8x2x128xi32, #tpu.memory_space<vmem>> -> memref<1x1x1x128xi32, #tpu.memory_space<vmem>>
        %dma_start3A_894 = tpu.memref_squeeze %dma_start3A_893 : memref<1x1x1x128xi32, #tpu.memory_space<vmem>> -> memref<128xi32, #tpu.memory_space<vmem>>
        %dma_start3A_895 = arith.constant 0 : i32
        %dma_start3A_896 = tpu.memref_slice %arg8[%dma_start3A_895] : memref<100352xf32, #tpu.memory_space<vmem_shared>> -> memref<100352xf32, #tpu.memory_space<vmem_shared>>
        tpu.enqueue_indirect_dma source(%dma_start3A_891 : memref<128xf32, #tpu.memory_space<vmem>>) target(%dma_start3A_896 : memref<100352xf32, #tpu.memory_space<vmem_shared>>) offsets(%dma_start3A_894 : memref<128xi32, #tpu.memory_space<vmem>>) semaphore(%arg14 : memref<!tpu.dma_semaphore, #tpu.memory_space<semaphore_mem>>) {add = true}
        %get3A = arith.constant 0 : i32
        %get3A_897 = arith.constant 0 : i32
        %get3A_898 = arith.index_cast %rem3A_667 : i32 to index
        %get3A_899 = arith.index_cast %get3A : i32 to index
        %get3A_900 = arith.index_cast %get3A_897 : i32 to index
        %get3A_901 = arith.constant 0 : index
        %get3A_902 = tpu.vector_load %arg10[%get3A_898, %get3A_899, %get3A_900, %get3A_901] {strides = array<i32>} : memref<3x8x2x128xi32, #tpu.memory_space<vmem>>, vector<16xi32>,
        %gather3A = tpu.vector_load_idx %arg9[%get3A_902] : memref<100352xf32, #tpu.memory_space<vmem>>[vector<16xi32>], vector<16xf32>,
        %swap3A_903 = arith.constant 0 : i32
        %swap3A_904 = arith.index_cast %rem3A_667 : i32 to index
        %swap3A_905 = arith.index_cast %swap3A_903 : i32 to index
        %swap3A_906 = arith.constant 0 : index
        %swap3A_907 = tpu.vector_load %arg11[%swap3A_904, %swap3A_905, %swap3A_906] {strides = array<i32>} : memref<3x8x128xf32, #tpu.memory_space<vmem>>, vector<16xf32>,
        tpu.vector_store %arg11[%swap3A_904, %swap3A_905, %swap3A_906], %gather3A {strides = array<i32>} : memref<3x8x128xf32, #tpu.memory_space<vmem>>, vector<16xf32>,
        %get3A_908 = arith.constant 0 : i32
        %get3A_909 = arith.constant 0 : i32
        %get3A_910 = arith.index_cast %rem3A_667 : i32 to index
        %get3A_911 = arith.index_cast %get3A_908 : i32 to index
        %get3A_912 = arith.index_cast %get3A_909 : i32 to index
        %get3A_913 = arith.constant 16 : index
        %get3A_914 = tpu.vector_load %arg10[%get3A_910, %get3A_911, %get3A_912, %get3A_913] {strides = array<i32>} : memref<3x8x2x128xi32, #tpu.memory_space<vmem>>, vector<16xi32>,
        %gather3A_915 = tpu.vector_load_idx %arg9[%get3A_914] : memref<100352xf32, #tpu.memory_space<vmem>>[vector<16xi32>], vector<16xf32>,
        %swap3A_916 = arith.constant 0 : i32
        %swap3A_917 = arith.index_cast %rem3A_667 : i32 to index
        %swap3A_918 = arith.index_cast %swap3A_916 : i32 to index
        %swap3A_919 = arith.constant 16 : index
        %swap3A_920 = tpu.vector_load %arg11[%swap3A_917, %swap3A_918, %swap3A_919] {strides = array<i32>} : memref<3x8x128xf32, #tpu.memory_space<vmem>>, vector<16xf32>,
        tpu.vector_store %arg11[%swap3A_917, %swap3A_918, %swap3A_919], %gather3A_915 {strides = array<i32>} : memref<3x8x128xf32, #tpu.memory_space<vmem>>, vector<16xf32>,
        %get3A_921 = arith.constant 0 : i32
        %get3A_922 = arith.constant 0 : i32
        %get3A_923 = arith.index_cast %rem3A_667 : i32 to index
        %get3A_924 = arith.index_cast %get3A_921 : i32 to index
        %get3A_925 = arith.index_cast %get3A_922 : i32 to index
        %get3A_926 = arith.constant 32 : index
        %get3A_927 = tpu.vector_load %arg10[%get3A_923, %get3A_924, %get3A_925, %get3A_926] {strides = array<i32>} : memref<3x8x2x128xi32, #tpu.memory_space<vmem>>, vector<16xi32>,
        %gather3A_928 = tpu.vector_load_idx %arg9[%get3A_927] : memref<100352xf32, #tpu.memory_space<vmem>>[vector<16xi32>], vector<16xf32>,
        %swap3A_929 = arith.constant 0 : i32
        %swap3A_930 = arith.index_cast %rem3A_667 : i32 to index
        %swap3A_931 = arith.index_cast %swap3A_929 : i32 to index
        %swap3A_932 = arith.constant 32 : index
        %swap3A_933 = tpu.vector_load %arg11[%swap3A_930, %swap3A_931, %swap3A_932] {strides = array<i32>} : memref<3x8x128xf32, #tpu.memory_space<vmem>>, vector<16xf32>,
        tpu.vector_store %arg11[%swap3A_930, %swap3A_931, %swap3A_932], %gather3A_928 {strides = array<i32>} : memref<3x8x128xf32, #tpu.memory_space<vmem>>, vector<16xf32>,
        %get3A_934 = arith.constant 0 : i32
        %get3A_935 = arith.constant 0 : i32
        %get3A_936 = arith.index_cast %rem3A_667 : i32 to index
        %get3A_937 = arith.index_cast %get3A_934 : i32 to index
        %get3A_938 = arith.index_cast %get3A_935 : i32 to index
        %get3A_939 = arith.constant 48 : index
        %get3A_940 = tpu.vector_load %arg10[%get3A_936, %get3A_937, %get3A_938, %get3A_939] {strides = array<i32>} : memref<3x8x2x128xi32, #tpu.memory_space<vmem>>, vector<16xi32>,
        %gather3A_941 = tpu.vector_load_idx %arg9[%get3A_940] : memref<100352xf32, #tpu.memory_space<vmem>>[vector<16xi32>], vector<16xf32>,
        %swap3A_942 = arith.constant 0 : i32
        %swap3A_943 = arith.index_cast %rem3A_667 : i32 to index
        %swap3A_944 = arith.index_cast %swap3A_942 : i32 to index
        %swap3A_945 = arith.constant 48 : index
        %swap3A_946 = tpu.vector_load %arg11[%swap3A_943, %swap3A_944, %swap3A_945] {strides = array<i32>} : memref<3x8x128xf32, #tpu.memory_space<vmem>>, vector<16xf32>,
        tpu.vector_store %arg11[%swap3A_943, %swap3A_944, %swap3A_945], %gather3A_941 {strides = array<i32>} : memref<3x8x128xf32, #tpu.memory_space<vmem>>, vector<16xf32>,
        %get3A_947 = arith.constant 0 : i32
        %get3A_948 = arith.constant 0 : i32
        %get3A_949 = arith.index_cast %rem3A_667 : i32 to index
        %get3A_950 = arith.index_cast %get3A_947 : i32 to index
        %get3A_951 = arith.index_cast %get3A_948 : i32 to index
        %get3A_952 = arith.constant 64 : index
        %get3A_953 = tpu.vector_load %arg10[%get3A_949, %get3A_950, %get3A_951, %get3A_952] {strides = array<i32>} : memref<3x8x2x128xi32, #tpu.memory_space<vmem>>, vector<16xi32>,
        %gather3A_954 = tpu.vector_load_idx %arg9[%get3A_953] : memref<100352xf32, #tpu.memory_space<vmem>>[vector<16xi32>], vector<16xf32>,
        %swap3A_955 = arith.constant 0 : i32
        %swap3A_956 = arith.index_cast %rem3A_667 : i32 to index
        %swap3A_957 = arith.index_cast %swap3A_955 : i32 to index
        %swap3A_958 = arith.constant 64 : index
        %swap3A_959 = tpu.vector_load %arg11[%swap3A_956, %swap3A_957, %swap3A_958] {strides = array<i32>} : memref<3x8x128xf32, #tpu.memory_space<vmem>>, vector<16xf32>,
        tpu.vector_store %arg11[%swap3A_956, %swap3A_957, %swap3A_958], %gather3A_954 {strides = array<i32>} : memref<3x8x128xf32, #tpu.memory_space<vmem>>, vector<16xf32>,
        %get3A_960 = arith.constant 0 : i32
        %get3A_961 = arith.constant 0 : i32
        %get3A_962 = arith.index_cast %rem3A_667 : i32 to index
        %get3A_963 = arith.index_cast %get3A_960 : i32 to index
        %get3A_964 = arith.index_cast %get3A_961 : i32 to index
        %get3A_965 = arith.constant 80 : index
        %get3A_966 = tpu.vector_load %arg10[%get3A_962, %get3A_963, %get3A_964, %get3A_965] {strides = array<i32>} : memref<3x8x2x128xi32, #tpu.memory_space<vmem>>, vector<16xi32>,
        %gather3A_967 = tpu.vector_load_idx %arg9[%get3A_966] : memref<100352xf32, #tpu.memory_space<vmem>>[vector<16xi32>], vector<16xf32>,
        %swap3A_968 = arith.constant 0 : i32
        %swap3A_969 = arith.index_cast %rem3A_667 : i32 to index
        %swap3A_970 = arith.index_cast %swap3A_968 : i32 to index
        %swap3A_971 = arith.constant 80 : index
        %swap3A_972 = tpu.vector_load %arg11[%swap3A_969, %swap3A_970, %swap3A_971] {strides = array<i32>} : memref<3x8x128xf32, #tpu.memory_space<vmem>>, vector<16xf32>,
        tpu.vector_store %arg11[%swap3A_969, %swap3A_970, %swap3A_971], %gather3A_967 {strides = array<i32>} : memref<3x8x128xf32, #tpu.memory_space<vmem>>, vector<16xf32>,
        %get3A_973 = arith.constant 0 : i32
        %get3A_974 = arith.constant 0 : i32
        %get3A_975 = arith.index_cast %rem3A_667 : i32 to index
        %get3A_976 = arith.index_cast %get3A_973 : i32 to index
        %get3A_977 = arith.index_cast %get3A_974 : i32 to index
        %get3A_978 = arith.constant 96 : index
        %get3A_979 = tpu.vector_load %arg10[%get3A_975, %get3A_976, %get3A_977, %get3A_978] {strides = array<i32>} : memref<3x8x2x128xi32, #tpu.memory_space<vmem>>, vector<16xi32>,
        %gather3A_980 = tpu.vector_load_idx %arg9[%get3A_979] : memref<100352xf32, #tpu.memory_space<vmem>>[vector<16xi32>], vector<16xf32>,
        %swap3A_981 = arith.constant 0 : i32
        %swap3A_982 = arith.index_cast %rem3A_667 : i32 to index
        %swap3A_983 = arith.index_cast %swap3A_981 : i32 to index
        %swap3A_984 = arith.constant 96 : index
        %swap3A_985 = tpu.vector_load %arg11[%swap3A_982, %swap3A_983, %swap3A_984] {strides = array<i32>} : memref<3x8x128xf32, #tpu.memory_space<vmem>>, vector<16xf32>,
        tpu.vector_store %arg11[%swap3A_982, %swap3A_983, %swap3A_984], %gather3A_980 {strides = array<i32>} : memref<3x8x128xf32, #tpu.memory_space<vmem>>, vector<16xf32>,
        %get3A_986 = arith.constant 0 : i32
        %get3A_987 = arith.constant 0 : i32
        %get3A_988 = arith.index_cast %rem3A_667 : i32 to index
        %get3A_989 = arith.index_cast %get3A_986 : i32 to index
        %get3A_990 = arith.index_cast %get3A_987 : i32 to index
        %get3A_991 = arith.constant 112 : index
        %get3A_992 = tpu.vector_load %arg10[%get3A_988, %get3A_989, %get3A_990, %get3A_991] {strides = array<i32>} : memref<3x8x2x128xi32, #tpu.memory_space<vmem>>, vector<16xi32>,
        %gather3A_993 = tpu.vector_load_idx %arg9[%get3A_992] : memref<100352xf32, #tpu.memory_space<vmem>>[vector<16xi32>], vector<16xf32>,
        %swap3A_994 = arith.constant 0 : i32
        %swap3A_995 = arith.index_cast %rem3A_667 : i32 to index
        %swap3A_996 = arith.index_cast %swap3A_994 : i32 to index
        %swap3A_997 = arith.constant 112 : index
        %swap3A_998 = tpu.vector_load %arg11[%swap3A_995, %swap3A_996, %swap3A_997] {strides = array<i32>} : memref<3x8x128xf32, #tpu.memory_space<vmem>>, vector<16xf32>,
        tpu.vector_store %arg11[%swap3A_995, %swap3A_996, %swap3A_997], %gather3A_993 {strides = array<i32>} : memref<3x8x128xf32, #tpu.memory_space<vmem>>, vector<16xf32>,
        %get3A_999 = arith.constant 1 : i32
        %get3A_1000 = arith.constant 0 : i32
        %get3A_1001 = arith.index_cast %rem3A_667 : i32 to index
        %get3A_1002 = arith.index_cast %get3A_999 : i32 to index
        %get3A_1003 = arith.index_cast %get3A_1000 : i32 to index
        %get3A_1004 = arith.constant 0 : index
        %get3A_1005 = tpu.vector_load %arg10[%get3A_1001, %get3A_1002, %get3A_1003, %get3A_1004] {strides = array<i32>} : memref<3x8x2x128xi32, #tpu.memory_space<vmem>>, vector<16xi32>,
        %gather3A_1006 = tpu.vector_load_idx %arg9[%get3A_1005] : memref<100352xf32, #tpu.memory_space<vmem>>[vector<16xi32>], vector<16xf32>,
        %swap3A_1007 = arith.constant 1 : i32
        %swap3A_1008 = arith.index_cast %rem3A_667 : i32 to index
        %swap3A_1009 = arith.index_cast %swap3A_1007 : i32 to index
        %swap3A_1010 = arith.constant 0 : index
        %swap3A_1011 = tpu.vector_load %arg11[%swap3A_1008, %swap3A_1009, %swap3A_1010] {strides = array<i32>} : memref<3x8x128xf32, #tpu.memory_space<vmem>>, vector<16xf32>,
        tpu.vector_store %arg11[%swap3A_1008, %swap3A_1009, %swap3A_1010], %gather3A_1006 {strides = array<i32>} : memref<3x8x128xf32, #tpu.memory_space<vmem>>, vector<16xf32>,
        %get3A_1012 = arith.constant 1 : i32
        %get3A_1013 = arith.constant 0 : i32
        %get3A_1014 = arith.index_cast %rem3A_667 : i32 to index
        %get3A_1015 = arith.index_cast %get3A_1012 : i32 to index
        %get3A_1016 = arith.index_cast %get3A_1013 : i32 to index
        %get3A_1017 = arith.constant 16 : index
        %get3A_1018 = tpu.vector_load %arg10[%get3A_1014, %get3A_1015, %get3A_1016, %get3A_1017] {strides = array<i32>} : memref<3x8x2x128xi32, #tpu.memory_space<vmem>>, vector<16xi32>,
        %gather3A_1019 = tpu.vector_load_idx %arg9[%get3A_1018] : memref<100352xf32, #tpu.memory_space<vmem>>[vector<16xi32>], vector<16xf32>,
        %swap3A_1020 = arith.constant 1 : i32
        %swap3A_1021 = arith.index_cast %rem3A_667 : i32 to index
        %swap3A_1022 = arith.index_cast %swap3A_1020 : i32 to index
        %swap3A_1023 = arith.constant 16 : index
        %swap3A_1024 = tpu.vector_load %arg11[%swap3A_1021, %swap3A_1022, %swap3A_1023] {strides = array<i32>} : memref<3x8x128xf32, #tpu.memory_space<vmem>>, vector<16xf32>,
        tpu.vector_store %arg11[%swap3A_1021, %swap3A_1022, %swap3A_1023], %gather3A_1019 {strides = array<i32>} : memref<3x8x128xf32, #tpu.memory_space<vmem>>, vector<16xf32>,
        %get3A_1025 = arith.constant 1 : i32
        %get3A_1026 = arith.constant 0 : i32
        %get3A_1027 = arith.index_cast %rem3A_667 : i32 to index
        %get3A_1028 = arith.index_cast %get3A_1025 : i32 to index
        %get3A_1029 = arith.index_cast %get3A_1026 : i32 to index
        %get3A_1030 = arith.constant 32 : index
        %get3A_1031 = tpu.vector_load %arg10[%get3A_1027, %get3A_1028, %get3A_1029, %get3A_1030] {strides = array<i32>} : memref<3x8x2x128xi32, #tpu.memory_space<vmem>>, vector<16xi32>,
        %gather3A_1032 = tpu.vector_load_idx %arg9[%get3A_1031] : memref<100352xf32, #tpu.memory_space<vmem>>[vector<16xi32>], vector<16xf32>,
        %swap3A_1033 = arith.constant 1 : i32
        %swap3A_1034 = arith.index_cast %rem3A_667 : i32 to index
        %swap3A_1035 = arith.index_cast %swap3A_1033 : i32 to index
        %swap3A_1036 = arith.constant 32 : index
        %swap3A_1037 = tpu.vector_load %arg11[%swap3A_1034, %swap3A_1035, %swap3A_1036] {strides = array<i32>} : memref<3x8x128xf32, #tpu.memory_space<vmem>>, vector<16xf32>,
        tpu.vector_store %arg11[%swap3A_1034, %swap3A_1035, %swap3A_1036], %gather3A_1032 {strides = array<i32>} : memref<3x8x128xf32, #tpu.memory_space<vmem>>, vector<16xf32>,
        %get3A_1038 = arith.constant 1 : i32
        %get3A_1039 = arith.constant 0 : i32
        %get3A_1040 = arith.index_cast %rem3A_667 : i32 to index
        %get3A_1041 = arith.index_cast %get3A_1038 : i32 to index
        %get3A_1042 = arith.index_cast %get3A_1039 : i32 to index
        %get3A_1043 = arith.constant 48 : index
        %get3A_1044 = tpu.vector_load %arg10[%get3A_1040, %get3A_1041, %get3A_1042, %get3A_1043] {strides = array<i32>} : memref<3x8x2x128xi32, #tpu.memory_space<vmem>>, vector<16xi32>,
        %gather3A_1045 = tpu.vector_load_idx %arg9[%get3A_1044] : memref<100352xf32, #tpu.memory_space<vmem>>[vector<16xi32>], vector<16xf32>,
        %swap3A_1046 = arith.constant 1 : i32
        %swap3A_1047 = arith.index_cast %rem3A_667 : i32 to index
        %swap3A_1048 = arith.index_cast %swap3A_1046 : i32 to index
        %swap3A_1049 = arith.constant 48 : index
        %swap3A_1050 = tpu.vector_load %arg11[%swap3A_1047, %swap3A_1048, %swap3A_1049] {strides = array<i32>} : memref<3x8x128xf32, #tpu.memory_space<vmem>>, vector<16xf32>,
        tpu.vector_store %arg11[%swap3A_1047, %swap3A_1048, %swap3A_1049], %gather3A_1045 {strides = array<i32>} : memref<3x8x128xf32, #tpu.memory_space<vmem>>, vector<16xf32>,
        %get3A_1051 = arith.constant 1 : i32
        %get3A_1052 = arith.constant 0 : i32
        %get3A_1053 = arith.index_cast %rem3A_667 : i32 to index
        %get3A_1054 = arith.index_cast %get3A_1051 : i32 to index
        %get3A_1055 = arith.index_cast %get3A_1052 : i32 to index
        %get3A_1056 = arith.constant 64 : index
        %get3A_1057 = tpu.vector_load %arg10[%get3A_1053, %get3A_1054, %get3A_1055, %get3A_1056] {strides = array<i32>} : memref<3x8x2x128xi32, #tpu.memory_space<vmem>>, vector<16xi32>,
        %gather3A_1058 = tpu.vector_load_idx %arg9[%get3A_1057] : memref<100352xf32, #tpu.memory_space<vmem>>[vector<16xi32>], vector<16xf32>,
        %swap3A_1059 = arith.constant 1 : i32
        %swap3A_1060 = arith.index_cast %rem3A_667 : i32 to index
        %swap3A_1061 = arith.index_cast %swap3A_1059 : i32 to index
        %swap3A_1062 = arith.constant 64 : index
        %swap3A_1063 = tpu.vector_load %arg11[%swap3A_1060, %swap3A_1061, %swap3A_1062] {strides = array<i32>} : memref<3x8x128xf32, #tpu.memory_space<vmem>>, vector<16xf32>,
        tpu.vector_store %arg11[%swap3A_1060, %swap3A_1061, %swap3A_1062], %gather3A_1058 {strides = array<i32>} : memref<3x8x128xf32, #tpu.memory_space<vmem>>, vector<16xf32>,
        %get3A_1064 = arith.constant 1 : i32
        %get3A_1065 = arith.constant 0 : i32
        %get3A_1066 = arith.index_cast %rem3A_667 : i32 to index
        %get3A_1067 = arith.index_cast %get3A_1064 : i32 to index
        %get3A_1068 = arith.index_cast %get3A_1065 : i32 to index
        %get3A_1069 = arith.constant 80 : index
        %get3A_1070 = tpu.vector_load %arg10[%get3A_1066, %get3A_1067, %get3A_1068, %get3A_1069] {strides = array<i32>} : memref<3x8x2x128xi32, #tpu.memory_space<vmem>>, vector<16xi32>,
        %gather3A_1071 = tpu.vector_load_idx %arg9[%get3A_1070] : memref<100352xf32, #tpu.memory_space<vmem>>[vector<16xi32>], vector<16xf32>,
        %swap3A_1072 = arith.constant 1 : i32
        %swap3A_1073 = arith.index_cast %rem3A_667 : i32 to index
        %swap3A_1074 = arith.index_cast %swap3A_1072 : i32 to index
        %swap3A_1075 = arith.constant 80 : index
        %swap3A_1076 = tpu.vector_load %arg11[%swap3A_1073, %swap3A_1074, %swap3A_1075] {strides = array<i32>} : memref<3x8x128xf32, #tpu.memory_space<vmem>>, vector<16xf32>,
        tpu.vector_store %arg11[%swap3A_1073, %swap3A_1074, %swap3A_1075], %gather3A_1071 {strides = array<i32>} : memref<3x8x128xf32, #tpu.memory_space<vmem>>, vector<16xf32>,
        %get3A_1077 = arith.constant 1 : i32
        %get3A_1078 = arith.constant 0 : i32
        %get3A_1079 = arith.index_cast %rem3A_667 : i32 to index
        %get3A_1080 = arith.index_cast %get3A_1077 : i32 to index
        %get3A_1081 = arith.index_cast %get3A_1078 : i32 to index
        %get3A_1082 = arith.constant 96 : index
        %get3A_1083 = tpu.vector_load %arg10[%get3A_1079, %get3A_1080, %get3A_1081, %get3A_1082] {strides = array<i32>} : memref<3x8x2x128xi32, #tpu.memory_space<vmem>>, vector<16xi32>,
        %gather3A_1084 = tpu.vector_load_idx %arg9[%get3A_1083] : memref<100352xf32, #tpu.memory_space<vmem>>[vector<16xi32>], vector<16xf32>,
        %swap3A_1085 = arith.constant 1 : i32
        %swap3A_1086 = arith.index_cast %rem3A_667 : i32 to index
        %swap3A_1087 = arith.index_cast %swap3A_1085 : i32 to index
        %swap3A_1088 = arith.constant 96 : index
        %swap3A_1089 = tpu.vector_load %arg11[%swap3A_1086, %swap3A_1087, %swap3A_1088] {strides = array<i32>} : memref<3x8x128xf32, #tpu.memory_space<vmem>>, vector<16xf32>,
        tpu.vector_store %arg11[%swap3A_1086, %swap3A_1087, %swap3A_1088], %gather3A_1084 {strides = array<i32>} : memref<3x8x128xf32, #tpu.memory_space<vmem>>, vector<16xf32>,
        %get3A_1090 = arith.constant 1 : i32
        %get3A_1091 = arith.constant 0 : i32
        %get3A_1092 = arith.index_cast %rem3A_667 : i32 to index
        %get3A_1093 = arith.index_cast %get3A_1090 : i32 to index
        %get3A_1094 = arith.index_cast %get3A_1091 : i32 to index
        %get3A_1095 = arith.constant 112 : index
        %get3A_1096 = tpu.vector_load %arg10[%get3A_1092, %get3A_1093, %get3A_1094, %get3A_1095] {strides = array<i32>} : memref<3x8x2x128xi32, #tpu.memory_space<vmem>>, vector<16xi32>,
        %gather3A_1097 = tpu.vector_load_idx %arg9[%get3A_1096] : memref<100352xf32, #tpu.memory_space<vmem>>[vector<16xi32>], vector<16xf32>,
        %swap3A_1098 = arith.constant 1 : i32
        %swap3A_1099 = arith.index_cast %rem3A_667 : i32 to index
        %swap3A_1100 = arith.index_cast %swap3A_1098 : i32 to index
        %swap3A_1101 = arith.constant 112 : index
        %swap3A_1102 = tpu.vector_load %arg11[%swap3A_1099, %swap3A_1100, %swap3A_1101] {strides = array<i32>} : memref<3x8x128xf32, #tpu.memory_space<vmem>>, vector<16xf32>,
        tpu.vector_store %arg11[%swap3A_1099, %swap3A_1100, %swap3A_1101], %gather3A_1097 {strides = array<i32>} : memref<3x8x128xf32, #tpu.memory_space<vmem>>, vector<16xf32>,
        %get3A_1103 = arith.constant 2 : i32
        %get3A_1104 = arith.constant 0 : i32
        %get3A_1105 = arith.index_cast %rem3A_667 : i32 to index
        %get3A_1106 = arith.index_cast %get3A_1103 : i32 to index
        %get3A_1107 = arith.index_cast %get3A_1104 : i32 to index
        %get3A_1108 = arith.constant 0 : index
        %get3A_1109 = tpu.vector_load %arg10[%get3A_1105, %get3A_1106, %get3A_1107, %get3A_1108] {strides = array<i32>} : memref<3x8x2x128xi32, #tpu.memory_space<vmem>>, vector<16xi32>,
        %gather3A_1110 = tpu.vector_load_idx %arg9[%get3A_1109] : memref<100352xf32, #tpu.memory_space<vmem>>[vector<16xi32>], vector<16xf32>,
        %swap3A_1111 = arith.constant 2 : i32
        %swap3A_1112 = arith.index_cast %rem3A_667 : i32 to index
        %swap3A_1113 = arith.index_cast %swap3A_1111 : i32 to index
        %swap3A_1114 = arith.constant 0 : index
        %swap3A_1115 = tpu.vector_load %arg11[%swap3A_1112, %swap3A_1113, %swap3A_1114] {strides = array<i32>} : memref<3x8x128xf32, #tpu.memory_space<vmem>>, vector<16xf32>,
        tpu.vector_store %arg11[%swap3A_1112, %swap3A_1113, %swap3A_1114], %gather3A_1110 {strides = array<i32>} : memref<3x8x128xf32, #tpu.memory_space<vmem>>, vector<16xf32>,
        %get3A_1116 = arith.constant 2 : i32
        %get3A_1117 = arith.constant 0 : i32
        %get3A_1118 = arith.index_cast %rem3A_667 : i32 to index
        %get3A_1119 = arith.index_cast %get3A_1116 : i32 to index
        %get3A_1120 = arith.index_cast %get3A_1117 : i32 to index
        %get3A_1121 = arith.constant 16 : index
        %get3A_1122 = tpu.vector_load %arg10[%get3A_1118, %get3A_1119, %get3A_1120, %get3A_1121] {strides = array<i32>} : memref<3x8x2x128xi32, #tpu.memory_space<vmem>>, vector<16xi32>,
        %gather3A_1123 = tpu.vector_load_idx %arg9[%get3A_1122] : memref<100352xf32, #tpu.memory_space<vmem>>[vector<16xi32>], vector<16xf32>,
        %swap3A_1124 = arith.constant 2 : i32
        %swap3A_1125 = arith.index_cast %rem3A_667 : i32 to index
        %swap3A_1126 = arith.index_cast %swap3A_1124 : i32 to index
        %swap3A_1127 = arith.constant 16 : index
        %swap3A_1128 = tpu.vector_load %arg11[%swap3A_1125, %swap3A_1126, %swap3A_1127] {strides = array<i32>} : memref<3x8x128xf32, #tpu.memory_space<vmem>>, vector<16xf32>,
        tpu.vector_store %arg11[%swap3A_1125, %swap3A_1126, %swap3A_1127], %gather3A_1123 {strides = array<i32>} : memref<3x8x128xf32, #tpu.memory_space<vmem>>, vector<16xf32>,
        %get3A_1129 = arith.constant 2 : i32
        %get3A_1130 = arith.constant 0 : i32
        %get3A_1131 = arith.index_cast %rem3A_667 : i32 to index
        %get3A_1132 = arith.index_cast %get3A_1129 : i32 to index
        %get3A_1133 = arith.index_cast %get3A_1130 : i32 to index
        %get3A_1134 = arith.constant 32 : index
        %get3A_1135 = tpu.vector_load %arg10[%get3A_1131, %get3A_1132, %get3A_1133, %get3A_1134] {strides = array<i32>} : memref<3x8x2x128xi32, #tpu.memory_space<vmem>>, vector<16xi32>,
        %gather3A_1136 = tpu.vector_load_idx %arg9[%get3A_1135] : memref<100352xf32, #tpu.memory_space<vmem>>[vector<16xi32>], vector<16xf32>,
        %swap3A_1137 = arith.constant 2 : i32
        %swap3A_1138 = arith.index_cast %rem3A_667 : i32 to index
        %swap3A_1139 = arith.index_cast %swap3A_1137 : i32 to index
        %swap3A_1140 = arith.constant 32 : index
        %swap3A_1141 = tpu.vector_load %arg11[%swap3A_1138, %swap3A_1139, %swap3A_1140] {strides = array<i32>} : memref<3x8x128xf32, #tpu.memory_space<vmem>>, vector<16xf32>,
        tpu.vector_store %arg11[%swap3A_1138, %swap3A_1139, %swap3A_1140], %gather3A_1136 {strides = array<i32>} : memref<3x8x128xf32, #tpu.memory_space<vmem>>, vector<16xf32>,
        %get3A_1142 = arith.constant 2 : i32
        %get3A_1143 = arith.constant 0 : i32
        %get3A_1144 = arith.index_cast %rem3A_667 : i32 to index
        %get3A_1145 = arith.index_cast %get3A_1142 : i32 to index
        %get3A_1146 = arith.index_cast %get3A_1143 : i32 to index
        %get3A_1147 = arith.constant 48 : index
        %get3A_1148 = tpu.vector_load %arg10[%get3A_1144, %get3A_1145, %get3A_1146, %get3A_1147] {strides = array<i32>} : memref<3x8x2x128xi32, #tpu.memory_space<vmem>>, vector<16xi32>,
        %gather3A_1149 = tpu.vector_load_idx %arg9[%get3A_1148] : memref<100352xf32, #tpu.memory_space<vmem>>[vector<16xi32>], vector<16xf32>,
        %swap3A_1150 = arith.constant 2 : i32
        %swap3A_1151 = arith.index_cast %rem3A_667 : i32 to index
        %swap3A_1152 = arith.index_cast %swap3A_1150 : i32 to index
        %swap3A_1153 = arith.constant 48 : index
        %swap3A_1154 = tpu.vector_load %arg11[%swap3A_1151, %swap3A_1152, %swap3A_1153] {strides = array<i32>} : memref<3x8x128xf32, #tpu.memory_space<vmem>>, vector<16xf32>,
        tpu.vector_store %arg11[%swap3A_1151, %swap3A_1152, %swap3A_1153], %gather3A_1149 {strides = array<i32>} : memref<3x8x128xf32, #tpu.memory_space<vmem>>, vector<16xf32>,
        %get3A_1155 = arith.constant 2 : i32
        %get3A_1156 = arith.constant 0 : i32
        %get3A_1157 = arith.index_cast %rem3A_667 : i32 to index
        %get3A_1158 = arith.index_cast %get3A_1155 : i32 to index
        %get3A_1159 = arith.index_cast %get3A_1156 : i32 to index
        %get3A_1160 = arith.constant 64 : index
        %get3A_1161 = tpu.vector_load %arg10[%get3A_1157, %get3A_1158, %get3A_1159, %get3A_1160] {strides = array<i32>} : memref<3x8x2x128xi32, #tpu.memory_space<vmem>>, vector<16xi32>,
        %gather3A_1162 = tpu.vector_load_idx %arg9[%get3A_1161] : memref<100352xf32, #tpu.memory_space<vmem>>[vector<16xi32>], vector<16xf32>,
        %swap3A_1163 = arith.constant 2 : i32
        %swap3A_1164 = arith.index_cast %rem3A_667 : i32 to index
        %swap3A_1165 = arith.index_cast %swap3A_1163 : i32 to index
        %swap3A_1166 = arith.constant 64 : index
        %swap3A_1167 = tpu.vector_load %arg11[%swap3A_1164, %swap3A_1165, %swap3A_1166] {strides = array<i32>} : memref<3x8x128xf32, #tpu.memory_space<vmem>>, vector<16xf32>,
        tpu.vector_store %arg11[%swap3A_1164, %swap3A_1165, %swap3A_1166], %gather3A_1162 {strides = array<i32>} : memref<3x8x128xf32, #tpu.memory_space<vmem>>, vector<16xf32>,
        %get3A_1168 = arith.constant 2 : i32
        %get3A_1169 = arith.constant 0 : i32
        %get3A_1170 = arith.index_cast %rem3A_667 : i32 to index
        %get3A_1171 = arith.index_cast %get3A_1168 : i32 to index
        %get3A_1172 = arith.index_cast %get3A_1169 : i32 to index
        %get3A_1173 = arith.constant 80 : index
        %get3A_1174 = tpu.vector_load %arg10[%get3A_1170, %get3A_1171, %get3A_1172, %get3A_1173] {strides = array<i32>} : memref<3x8x2x128xi32, #tpu.memory_space<vmem>>, vector<16xi32>,
        %gather3A_1175 = tpu.vector_load_idx %arg9[%get3A_1174] : memref<100352xf32, #tpu.memory_space<vmem>>[vector<16xi32>], vector<16xf32>,
        %swap3A_1176 = arith.constant 2 : i32
        %swap3A_1177 = arith.index_cast %rem3A_667 : i32 to index
        %swap3A_1178 = arith.index_cast %swap3A_1176 : i32 to index
        %swap3A_1179 = arith.constant 80 : index
        %swap3A_1180 = tpu.vector_load %arg11[%swap3A_1177, %swap3A_1178, %swap3A_1179] {strides = array<i32>} : memref<3x8x128xf32, #tpu.memory_space<vmem>>, vector<16xf32>,
        tpu.vector_store %arg11[%swap3A_1177, %swap3A_1178, %swap3A_1179], %gather3A_1175 {strides = array<i32>} : memref<3x8x128xf32, #tpu.memory_space<vmem>>, vector<16xf32>,
        %get3A_1181 = arith.constant 2 : i32
        %get3A_1182 = arith.constant 0 : i32
        %get3A_1183 = arith.index_cast %rem3A_667 : i32 to index
        %get3A_1184 = arith.index_cast %get3A_1181 : i32 to index
        %get3A_1185 = arith.index_cast %get3A_1182 : i32 to index
        %get3A_1186 = arith.constant 96 : index
        %get3A_1187 = tpu.vector_load %arg10[%get3A_1183, %get3A_1184, %get3A_1185, %get3A_1186] {strides = array<i32>} : memref<3x8x2x128xi32, #tpu.memory_space<vmem>>, vector<16xi32>,
        %gather3A_1188 = tpu.vector_load_idx %arg9[%get3A_1187] : memref<100352xf32, #tpu.memory_space<vmem>>[vector<16xi32>], vector<16xf32>,
        %swap3A_1189 = arith.constant 2 : i32
        %swap3A_1190 = arith.index_cast %rem3A_667 : i32 to index
        %swap3A_1191 = arith.index_cast %swap3A_1189 : i32 to index
        %swap3A_1192 = arith.constant 96 : index
        %swap3A_1193 = tpu.vector_load %arg11[%swap3A_1190, %swap3A_1191, %swap3A_1192] {strides = array<i32>} : memref<3x8x128xf32, #tpu.memory_space<vmem>>, vector<16xf32>,
        tpu.vector_store %arg11[%swap3A_1190, %swap3A_1191, %swap3A_1192], %gather3A_1188 {strides = array<i32>} : memref<3x8x128xf32, #tpu.memory_space<vmem>>, vector<16xf32>,
        %get3A_1194 = arith.constant 2 : i32
        %get3A_1195 = arith.constant 0 : i32
        %get3A_1196 = arith.index_cast %rem3A_667 : i32 to index
        %get3A_1197 = arith.index_cast %get3A_1194 : i32 to index
        %get3A_1198 = arith.index_cast %get3A_1195 : i32 to index
        %get3A_1199 = arith.constant 112 : index
        %get3A_1200 = tpu.vector_load %arg10[%get3A_1196, %get3A_1197, %get3A_1198, %get3A_1199] {strides = array<i32>} : memref<3x8x2x128xi32, #tpu.memory_space<vmem>>, vector<16xi32>,
        %gather3A_1201 = tpu.vector_load_idx %arg9[%get3A_1200] : memref<100352xf32, #tpu.memory_space<vmem>>[vector<16xi32>], vector<16xf32>,
        %swap3A_1202 = arith.constant 2 : i32
        %swap3A_1203 = arith.index_cast %rem3A_667 : i32 to index
        %swap3A_1204 = arith.index_cast %swap3A_1202 : i32 to index
        %swap3A_1205 = arith.constant 112 : index
        %swap3A_1206 = tpu.vector_load %arg11[%swap3A_1203, %swap3A_1204, %swap3A_1205] {strides = array<i32>} : memref<3x8x128xf32, #tpu.memory_space<vmem>>, vector<16xf32>,
        tpu.vector_store %arg11[%swap3A_1203, %swap3A_1204, %swap3A_1205], %gather3A_1201 {strides = array<i32>} : memref<3x8x128xf32, #tpu.memory_space<vmem>>, vector<16xf32>,
        %get3A_1207 = arith.constant 3 : i32
        %get3A_1208 = arith.constant 0 : i32
        %get3A_1209 = arith.index_cast %rem3A_667 : i32 to index
        %get3A_1210 = arith.index_cast %get3A_1207 : i32 to index
        %get3A_1211 = arith.index_cast %get3A_1208 : i32 to index
        %get3A_1212 = arith.constant 0 : index
        %get3A_1213 = tpu.vector_load %arg10[%get3A_1209, %get3A_1210, %get3A_1211, %get3A_1212] {strides = array<i32>} : memref<3x8x2x128xi32, #tpu.memory_space<vmem>>, vector<16xi32>,
        %gather3A_1214 = tpu.vector_load_idx %arg9[%get3A_1213] : memref<100352xf32, #tpu.memory_space<vmem>>[vector<16xi32>], vector<16xf32>,
        %swap3A_1215 = arith.constant 3 : i32
        %swap3A_1216 = arith.index_cast %rem3A_667 : i32 to index
        %swap3A_1217 = arith.index_cast %swap3A_1215 : i32 to index
        %swap3A_1218 = arith.constant 0 : index
        %swap3A_1219 = tpu.vector_load %arg11[%swap3A_1216, %swap3A_1217, %swap3A_1218] {strides = array<i32>} : memref<3x8x128xf32, #tpu.memory_space<vmem>>, vector<16xf32>,
        tpu.vector_store %arg11[%swap3A_1216, %swap3A_1217, %swap3A_1218], %gather3A_1214 {strides = array<i32>} : memref<3x8x128xf32, #tpu.memory_space<vmem>>, vector<16xf32>,
        %get3A_1220 = arith.constant 3 : i32
        %get3A_1221 = arith.constant 0 : i32
        %get3A_1222 = arith.index_cast %rem3A_667 : i32 to index
        %get3A_1223 = arith.index_cast %get3A_1220 : i32 to index
        %get3A_1224 = arith.index_cast %get3A_1221 : i32 to index
        %get3A_1225 = arith.constant 16 : index
        %get3A_1226 = tpu.vector_load %arg10[%get3A_1222, %get3A_1223, %get3A_1224, %get3A_1225] {strides = array<i32>} : memref<3x8x2x128xi32, #tpu.memory_space<vmem>>, vector<16xi32>,
        %gather3A_1227 = tpu.vector_load_idx %arg9[%get3A_1226] : memref<100352xf32, #tpu.memory_space<vmem>>[vector<16xi32>], vector<16xf32>,
        %swap3A_1228 = arith.constant 3 : i32
        %swap3A_1229 = arith.index_cast %rem3A_667 : i32 to index
        %swap3A_1230 = arith.index_cast %swap3A_1228 : i32 to index
        %swap3A_1231 = arith.constant 16 : index
        %swap3A_1232 = tpu.vector_load %arg11[%swap3A_1229, %swap3A_1230, %swap3A_1231] {strides = array<i32>} : memref<3x8x128xf32, #tpu.memory_space<vmem>>, vector<16xf32>,
        tpu.vector_store %arg11[%swap3A_1229, %swap3A_1230, %swap3A_1231], %gather3A_1227 {strides = array<i32>} : memref<3x8x128xf32, #tpu.memory_space<vmem>>, vector<16xf32>,
        %get3A_1233 = arith.constant 3 : i32
        %get3A_1234 = arith.constant 0 : i32
        %get3A_1235 = arith.index_cast %rem3A_667 : i32 to index
        %get3A_1236 = arith.index_cast %get3A_1233 : i32 to index
        %get3A_1237 = arith.index_cast %get3A_1234 : i32 to index
        %get3A_1238 = arith.constant 32 : index
        %get3A_1239 = tpu.vector_load %arg10[%get3A_1235, %get3A_1236, %get3A_1237, %get3A_1238] {strides = array<i32>} : memref<3x8x2x128xi32, #tpu.memory_space<vmem>>, vector<16xi32>,
        %gather3A_1240 = tpu.vector_load_idx %arg9[%get3A_1239] : memref<100352xf32, #tpu.memory_space<vmem>>[vector<16xi32>], vector<16xf32>,
        %swap3A_1241 = arith.constant 3 : i32
        %swap3A_1242 = arith.index_cast %rem3A_667 : i32 to index
        %swap3A_1243 = arith.index_cast %swap3A_1241 : i32 to index
        %swap3A_1244 = arith.constant 32 : index
        %swap3A_1245 = tpu.vector_load %arg11[%swap3A_1242, %swap3A_1243, %swap3A_1244] {strides = array<i32>} : memref<3x8x128xf32, #tpu.memory_space<vmem>>, vector<16xf32>,
        tpu.vector_store %arg11[%swap3A_1242, %swap3A_1243, %swap3A_1244], %gather3A_1240 {strides = array<i32>} : memref<3x8x128xf32, #tpu.memory_space<vmem>>, vector<16xf32>,
        %get3A_1246 = arith.constant 3 : i32
        %get3A_1247 = arith.constant 0 : i32
        %get3A_1248 = arith.index_cast %rem3A_667 : i32 to index
        %get3A_1249 = arith.index_cast %get3A_1246 : i32 to index
        %get3A_1250 = arith.index_cast %get3A_1247 : i32 to index
        %get3A_1251 = arith.constant 48 : index
        %get3A_1252 = tpu.vector_load %arg10[%get3A_1248, %get3A_1249, %get3A_1250, %get3A_1251] {strides = array<i32>} : memref<3x8x2x128xi32, #tpu.memory_space<vmem>>, vector<16xi32>,
        %gather3A_1253 = tpu.vector_load_idx %arg9[%get3A_1252] : memref<100352xf32, #tpu.memory_space<vmem>>[vector<16xi32>], vector<16xf32>,
        %swap3A_1254 = arith.constant 3 : i32
        %swap3A_1255 = arith.index_cast %rem3A_667 : i32 to index
        %swap3A_1256 = arith.index_cast %swap3A_1254 : i32 to index
        %swap3A_1257 = arith.constant 48 : index
        %swap3A_1258 = tpu.vector_load %arg11[%swap3A_1255, %swap3A_1256, %swap3A_1257] {strides = array<i32>} : memref<3x8x128xf32, #tpu.memory_space<vmem>>, vector<16xf32>,
        tpu.vector_store %arg11[%swap3A_1255, %swap3A_1256, %swap3A_1257], %gather3A_1253 {strides = array<i32>} : memref<3x8x128xf32, #tpu.memory_space<vmem>>, vector<16xf32>,
        %get3A_1259 = arith.constant 3 : i32
        %get3A_1260 = arith.constant 0 : i32
        %get3A_1261 = arith.index_cast %rem3A_667 : i32 to index
        %get3A_1262 = arith.index_cast %get3A_1259 : i32 to index
        %get3A_1263 = arith.index_cast %get3A_1260 : i32 to index
        %get3A_1264 = arith.constant 64 : index
        %get3A_1265 = tpu.vector_load %arg10[%get3A_1261, %get3A_1262, %get3A_1263, %get3A_1264] {strides = array<i32>} : memref<3x8x2x128xi32, #tpu.memory_space<vmem>>, vector<16xi32>,
        %gather3A_1266 = tpu.vector_load_idx %arg9[%get3A_1265] : memref<100352xf32, #tpu.memory_space<vmem>>[vector<16xi32>], vector<16xf32>,
        %swap3A_1267 = arith.constant 3 : i32
        %swap3A_1268 = arith.index_cast %rem3A_667 : i32 to index
        %swap3A_1269 = arith.index_cast %swap3A_1267 : i32 to index
        %swap3A_1270 = arith.constant 64 : index
        %swap3A_1271 = tpu.vector_load %arg11[%swap3A_1268, %swap3A_1269, %swap3A_1270] {strides = array<i32>} : memref<3x8x128xf32, #tpu.memory_space<vmem>>, vector<16xf32>,
        tpu.vector_store %arg11[%swap3A_1268, %swap3A_1269, %swap3A_1270], %gather3A_1266 {strides = array<i32>} : memref<3x8x128xf32, #tpu.memory_space<vmem>>, vector<16xf32>,
        %get3A_1272 = arith.constant 3 : i32
        %get3A_1273 = arith.constant 0 : i32
        %get3A_1274 = arith.index_cast %rem3A_667 : i32 to index
        %get3A_1275 = arith.index_cast %get3A_1272 : i32 to index
        %get3A_1276 = arith.index_cast %get3A_1273 : i32 to index
        %get3A_1277 = arith.constant 80 : index
        %get3A_1278 = tpu.vector_load %arg10[%get3A_1274, %get3A_1275, %get3A_1276, %get3A_1277] {strides = array<i32>} : memref<3x8x2x128xi32, #tpu.memory_space<vmem>>, vector<16xi32>,
        %gather3A_1279 = tpu.vector_load_idx %arg9[%get3A_1278] : memref<100352xf32, #tpu.memory_space<vmem>>[vector<16xi32>], vector<16xf32>,
        %swap3A_1280 = arith.constant 3 : i32
        %swap3A_1281 = arith.index_cast %rem3A_667 : i32 to index
        %swap3A_1282 = arith.index_cast %swap3A_1280 : i32 to index
        %swap3A_1283 = arith.constant 80 : index
        %swap3A_1284 = tpu.vector_load %arg11[%swap3A_1281, %swap3A_1282, %swap3A_1283] {strides = array<i32>} : memref<3x8x128xf32, #tpu.memory_space<vmem>>, vector<16xf32>,
        tpu.vector_store %arg11[%swap3A_1281, %swap3A_1282, %swap3A_1283], %gather3A_1279 {strides = array<i32>} : memref<3x8x128xf32, #tpu.memory_space<vmem>>, vector<16xf32>,
        %get3A_1285 = arith.constant 3 : i32
        %get3A_1286 = arith.constant 0 : i32
        %get3A_1287 = arith.index_cast %rem3A_667 : i32 to index
        %get3A_1288 = arith.index_cast %get3A_1285 : i32 to index
        %get3A_1289 = arith.index_cast %get3A_1286 : i32 to index
        %get3A_1290 = arith.constant 96 : index
        %get3A_1291 = tpu.vector_load %arg10[%get3A_1287, %get3A_1288, %get3A_1289, %get3A_1290] {strides = array<i32>} : memref<3x8x2x128xi32, #tpu.memory_space<vmem>>, vector<16xi32>,
        %gather3A_1292 = tpu.vector_load_idx %arg9[%get3A_1291] : memref<100352xf32, #tpu.memory_space<vmem>>[vector<16xi32>], vector<16xf32>,
        %swap3A_1293 = arith.constant 3 : i32
        %swap3A_1294 = arith.index_cast %rem3A_667 : i32 to index
        %swap3A_1295 = arith.index_cast %swap3A_1293 : i32 to index
        %swap3A_1296 = arith.constant 96 : index
        %swap3A_1297 = tpu.vector_load %arg11[%swap3A_1294, %swap3A_1295, %swap3A_1296] {strides = array<i32>} : memref<3x8x128xf32, #tpu.memory_space<vmem>>, vector<16xf32>,
        tpu.vector_store %arg11[%swap3A_1294, %swap3A_1295, %swap3A_1296], %gather3A_1292 {strides = array<i32>} : memref<3x8x128xf32, #tpu.memory_space<vmem>>, vector<16xf32>,
        %get3A_1298 = arith.constant 3 : i32
        %get3A_1299 = arith.constant 0 : i32
        %get3A_1300 = arith.index_cast %rem3A_667 : i32 to index
        %get3A_1301 = arith.index_cast %get3A_1298 : i32 to index
        %get3A_1302 = arith.index_cast %get3A_1299 : i32 to index
        %get3A_1303 = arith.constant 112 : index
        %get3A_1304 = tpu.vector_load %arg10[%get3A_1300, %get3A_1301, %get3A_1302, %get3A_1303] {strides = array<i32>} : memref<3x8x2x128xi32, #tpu.memory_space<vmem>>, vector<16xi32>,
        %gather3A_1305 = tpu.vector_load_idx %arg9[%get3A_1304] : memref<100352xf32, #tpu.memory_space<vmem>>[vector<16xi32>], vector<16xf32>,
        %swap3A_1306 = arith.constant 3 : i32
        %swap3A_1307 = arith.index_cast %rem3A_667 : i32 to index
        %swap3A_1308 = arith.index_cast %swap3A_1306 : i32 to index
        %swap3A_1309 = arith.constant 112 : index
        %swap3A_1310 = tpu.vector_load %arg11[%swap3A_1307, %swap3A_1308, %swap3A_1309] {strides = array<i32>} : memref<3x8x128xf32, #tpu.memory_space<vmem>>, vector<16xf32>,
        tpu.vector_store %arg11[%swap3A_1307, %swap3A_1308, %swap3A_1309], %gather3A_1305 {strides = array<i32>} : memref<3x8x128xf32, #tpu.memory_space<vmem>>, vector<16xf32>,
        %get3A_1311 = arith.constant 4 : i32
        %get3A_1312 = arith.constant 0 : i32
        %get3A_1313 = arith.index_cast %rem3A_667 : i32 to index
        %get3A_1314 = arith.index_cast %get3A_1311 : i32 to index
        %get3A_1315 = arith.index_cast %get3A_1312 : i32 to index
        %get3A_1316 = arith.constant 0 : index
        %get3A_1317 = tpu.vector_load %arg10[%get3A_1313, %get3A_1314, %get3A_1315, %get3A_1316] {strides = array<i32>} : memref<3x8x2x128xi32, #tpu.memory_space<vmem>>, vector<16xi32>,
        %gather3A_1318 = tpu.vector_load_idx %arg9[%get3A_1317] : memref<100352xf32, #tpu.memory_space<vmem>>[vector<16xi32>], vector<16xf32>,
        %swap3A_1319 = arith.constant 4 : i32
        %swap3A_1320 = arith.index_cast %rem3A_667 : i32 to index
        %swap3A_1321 = arith.index_cast %swap3A_1319 : i32 to index
        %swap3A_1322 = arith.constant 0 : index
        %swap3A_1323 = tpu.vector_load %arg11[%swap3A_1320, %swap3A_1321, %swap3A_1322] {strides = array<i32>} : memref<3x8x128xf32, #tpu.memory_space<vmem>>, vector<16xf32>,
        tpu.vector_store %arg11[%swap3A_1320, %swap3A_1321, %swap3A_1322], %gather3A_1318 {strides = array<i32>} : memref<3x8x128xf32, #tpu.memory_space<vmem>>, vector<16xf32>,
        %get3A_1324 = arith.constant 4 : i32
        %get3A_1325 = arith.constant 0 : i32
        %get3A_1326 = arith.index_cast %rem3A_667 : i32 to index
        %get3A_1327 = arith.index_cast %get3A_1324 : i32 to index
        %get3A_1328 = arith.index_cast %get3A_1325 : i32 to index
        %get3A_1329 = arith.constant 16 : index
        %get3A_1330 = tpu.vector_load %arg10[%get3A_1326, %get3A_1327, %get3A_1328, %get3A_1329] {strides = array<i32>} : memref<3x8x2x128xi32, #tpu.memory_space<vmem>>, vector<16xi32>,
        %gather3A_1331 = tpu.vector_load_idx %arg9[%get3A_1330] : memref<100352xf32, #tpu.memory_space<vmem>>[vector<16xi32>], vector<16xf32>,
        %swap3A_1332 = arith.constant 4 : i32
        %swap3A_1333 = arith.index_cast %rem3A_667 : i32 to index
        %swap3A_1334 = arith.index_cast %swap3A_1332 : i32 to index
        %swap3A_1335 = arith.constant 16 : index
        %swap3A_1336 = tpu.vector_load %arg11[%swap3A_1333, %swap3A_1334, %swap3A_1335] {strides = array<i32>} : memref<3x8x128xf32, #tpu.memory_space<vmem>>, vector<16xf32>,
        tpu.vector_store %arg11[%swap3A_1333, %swap3A_1334, %swap3A_1335], %gather3A_1331 {strides = array<i32>} : memref<3x8x128xf32, #tpu.memory_space<vmem>>, vector<16xf32>,
        %get3A_1337 = arith.constant 4 : i32
        %get3A_1338 = arith.constant 0 : i32
        %get3A_1339 = arith.index_cast %rem3A_667 : i32 to index
        %get3A_1340 = arith.index_cast %get3A_1337 : i32 to index
        %get3A_1341 = arith.index_cast %get3A_1338 : i32 to index
        %get3A_1342 = arith.constant 32 : index
        %get3A_1343 = tpu.vector_load %arg10[%get3A_1339, %get3A_1340, %get3A_1341, %get3A_1342] {strides = array<i32>} : memref<3x8x2x128xi32, #tpu.memory_space<vmem>>, vector<16xi32>,
        %gather3A_1344 = tpu.vector_load_idx %arg9[%get3A_1343] : memref<100352xf32, #tpu.memory_space<vmem>>[vector<16xi32>], vector<16xf32>,
        %swap3A_1345 = arith.constant 4 : i32
        %swap3A_1346 = arith.index_cast %rem3A_667 : i32 to index
        %swap3A_1347 = arith.index_cast %swap3A_1345 : i32 to index
        %swap3A_1348 = arith.constant 32 : index
        %swap3A_1349 = tpu.vector_load %arg11[%swap3A_1346, %swap3A_1347, %swap3A_1348] {strides = array<i32>} : memref<3x8x128xf32, #tpu.memory_space<vmem>>, vector<16xf32>,
        tpu.vector_store %arg11[%swap3A_1346, %swap3A_1347, %swap3A_1348], %gather3A_1344 {strides = array<i32>} : memref<3x8x128xf32, #tpu.memory_space<vmem>>, vector<16xf32>,
        %get3A_1350 = arith.constant 4 : i32
        %get3A_1351 = arith.constant 0 : i32
        %get3A_1352 = arith.index_cast %rem3A_667 : i32 to index
        %get3A_1353 = arith.index_cast %get3A_1350 : i32 to index
        %get3A_1354 = arith.index_cast %get3A_1351 : i32 to index
        %get3A_1355 = arith.constant 48 : index
        %get3A_1356 = tpu.vector_load %arg10[%get3A_1352, %get3A_1353, %get3A_1354, %get3A_1355] {strides = array<i32>} : memref<3x8x2x128xi32, #tpu.memory_space<vmem>>, vector<16xi32>,
        %gather3A_1357 = tpu.vector_load_idx %arg9[%get3A_1356] : memref<100352xf32, #tpu.memory_space<vmem>>[vector<16xi32>], vector<16xf32>,
        %swap3A_1358 = arith.constant 4 : i32
        %swap3A_1359 = arith.index_cast %rem3A_667 : i32 to index
        %swap3A_1360 = arith.index_cast %swap3A_1358 : i32 to index
        %swap3A_1361 = arith.constant 48 : index
        %swap3A_1362 = tpu.vector_load %arg11[%swap3A_1359, %swap3A_1360, %swap3A_1361] {strides = array<i32>} : memref<3x8x128xf32, #tpu.memory_space<vmem>>, vector<16xf32>,
        tpu.vector_store %arg11[%swap3A_1359, %swap3A_1360, %swap3A_1361], %gather3A_1357 {strides = array<i32>} : memref<3x8x128xf32, #tpu.memory_space<vmem>>, vector<16xf32>,
        %get3A_1363 = arith.constant 4 : i32
        %get3A_1364 = arith.constant 0 : i32
        %get3A_1365 = arith.index_cast %rem3A_667 : i32 to index
        %get3A_1366 = arith.index_cast %get3A_1363 : i32 to index
        %get3A_1367 = arith.index_cast %get3A_1364 : i32 to index
        %get3A_1368 = arith.constant 64 : index
        %get3A_1369 = tpu.vector_load %arg10[%get3A_1365, %get3A_1366, %get3A_1367, %get3A_1368] {strides = array<i32>} : memref<3x8x2x128xi32, #tpu.memory_space<vmem>>, vector<16xi32>,
        %gather3A_1370 = tpu.vector_load_idx %arg9[%get3A_1369] : memref<100352xf32, #tpu.memory_space<vmem>>[vector<16xi32>], vector<16xf32>,
        %swap3A_1371 = arith.constant 4 : i32
        %swap3A_1372 = arith.index_cast %rem3A_667 : i32 to index
        %swap3A_1373 = arith.index_cast %swap3A_1371 : i32 to index
        %swap3A_1374 = arith.constant 64 : index
        %swap3A_1375 = tpu.vector_load %arg11[%swap3A_1372, %swap3A_1373, %swap3A_1374] {strides = array<i32>} : memref<3x8x128xf32, #tpu.memory_space<vmem>>, vector<16xf32>,
        tpu.vector_store %arg11[%swap3A_1372, %swap3A_1373, %swap3A_1374], %gather3A_1370 {strides = array<i32>} : memref<3x8x128xf32, #tpu.memory_space<vmem>>, vector<16xf32>,
        %get3A_1376 = arith.constant 4 : i32
        %get3A_1377 = arith.constant 0 : i32
        %get3A_1378 = arith.index_cast %rem3A_667 : i32 to index
        %get3A_1379 = arith.index_cast %get3A_1376 : i32 to index
        %get3A_1380 = arith.index_cast %get3A_1377 : i32 to index
        %get3A_1381 = arith.constant 80 : index
        %get3A_1382 = tpu.vector_load %arg10[%get3A_1378, %get3A_1379, %get3A_1380, %get3A_1381] {strides = array<i32>} : memref<3x8x2x128xi32, #tpu.memory_space<vmem>>, vector<16xi32>,
        %gather3A_1383 = tpu.vector_load_idx %arg9[%get3A_1382] : memref<100352xf32, #tpu.memory_space<vmem>>[vector<16xi32>], vector<16xf32>,
        %swap3A_1384 = arith.constant 4 : i32
        %swap3A_1385 = arith.index_cast %rem3A_667 : i32 to index
        %swap3A_1386 = arith.index_cast %swap3A_1384 : i32 to index
        %swap3A_1387 = arith.constant 80 : index
        %swap3A_1388 = tpu.vector_load %arg11[%swap3A_1385, %swap3A_1386, %swap3A_1387] {strides = array<i32>} : memref<3x8x128xf32, #tpu.memory_space<vmem>>, vector<16xf32>,
        tpu.vector_store %arg11[%swap3A_1385, %swap3A_1386, %swap3A_1387], %gather3A_1383 {strides = array<i32>} : memref<3x8x128xf32, #tpu.memory_space<vmem>>, vector<16xf32>,
        %get3A_1389 = arith.constant 4 : i32
        %get3A_1390 = arith.constant 0 : i32
        %get3A_1391 = arith.index_cast %rem3A_667 : i32 to index
        %get3A_1392 = arith.index_cast %get3A_1389 : i32 to index
        %get3A_1393 = arith.index_cast %get3A_1390 : i32 to index
        %get3A_1394 = arith.constant 96 : index
        %get3A_1395 = tpu.vector_load %arg10[%get3A_1391, %get3A_1392, %get3A_1393, %get3A_1394] {strides = array<i32>} : memref<3x8x2x128xi32, #tpu.memory_space<vmem>>, vector<16xi32>,
        %gather3A_1396 = tpu.vector_load_idx %arg9[%get3A_1395] : memref<100352xf32, #tpu.memory_space<vmem>>[vector<16xi32>], vector<16xf32>,
        %swap3A_1397 = arith.constant 4 : i32
        %swap3A_1398 = arith.index_cast %rem3A_667 : i32 to index
        %swap3A_1399 = arith.index_cast %swap3A_1397 : i32 to index
        %swap3A_1400 = arith.constant 96 : index
        %swap3A_1401 = tpu.vector_load %arg11[%swap3A_1398, %swap3A_1399, %swap3A_1400] {strides = array<i32>} : memref<3x8x128xf32, #tpu.memory_space<vmem>>, vector<16xf32>,
        tpu.vector_store %arg11[%swap3A_1398, %swap3A_1399, %swap3A_1400], %gather3A_1396 {strides = array<i32>} : memref<3x8x128xf32, #tpu.memory_space<vmem>>, vector<16xf32>,
        %get3A_1402 = arith.constant 4 : i32
        %get3A_1403 = arith.constant 0 : i32
        %get3A_1404 = arith.index_cast %rem3A_667 : i32 to index
        %get3A_1405 = arith.index_cast %get3A_1402 : i32 to index
        %get3A_1406 = arith.index_cast %get3A_1403 : i32 to index
        %get3A_1407 = arith.constant 112 : index
        %get3A_1408 = tpu.vector_load %arg10[%get3A_1404, %get3A_1405, %get3A_1406, %get3A_1407] {strides = array<i32>} : memref<3x8x2x128xi32, #tpu.memory_space<vmem>>, vector<16xi32>,
        %gather3A_1409 = tpu.vector_load_idx %arg9[%get3A_1408] : memref<100352xf32, #tpu.memory_space<vmem>>[vector<16xi32>], vector<16xf32>,
        %swap3A_1410 = arith.constant 4 : i32
        %swap3A_1411 = arith.index_cast %rem3A_667 : i32 to index
        %swap3A_1412 = arith.index_cast %swap3A_1410 : i32 to index
        %swap3A_1413 = arith.constant 112 : index
        %swap3A_1414 = tpu.vector_load %arg11[%swap3A_1411, %swap3A_1412, %swap3A_1413] {strides = array<i32>} : memref<3x8x128xf32, #tpu.memory_space<vmem>>, vector<16xf32>,
        tpu.vector_store %arg11[%swap3A_1411, %swap3A_1412, %swap3A_1413], %gather3A_1409 {strides = array<i32>} : memref<3x8x128xf32, #tpu.memory_space<vmem>>, vector<16xf32>,
        %get3A_1415 = arith.constant 5 : i32
        %get3A_1416 = arith.constant 0 : i32
        %get3A_1417 = arith.index_cast %rem3A_667 : i32 to index
        %get3A_1418 = arith.index_cast %get3A_1415 : i32 to index
        %get3A_1419 = arith.index_cast %get3A_1416 : i32 to index
        %get3A_1420 = arith.constant 0 : index
        %get3A_1421 = tpu.vector_load %arg10[%get3A_1417, %get3A_1418, %get3A_1419, %get3A_1420] {strides = array<i32>} : memref<3x8x2x128xi32, #tpu.memory_space<vmem>>, vector<16xi32>,
        %gather3A_1422 = tpu.vector_load_idx %arg9[%get3A_1421] : memref<100352xf32, #tpu.memory_space<vmem>>[vector<16xi32>], vector<16xf32>,
        %swap3A_1423 = arith.constant 5 : i32
        %swap3A_1424 = arith.index_cast %rem3A_667 : i32 to index
        %swap3A_1425 = arith.index_cast %swap3A_1423 : i32 to index
        %swap3A_1426 = arith.constant 0 : index
        %swap3A_1427 = tpu.vector_load %arg11[%swap3A_1424, %swap3A_1425, %swap3A_1426] {strides = array<i32>} : memref<3x8x128xf32, #tpu.memory_space<vmem>>, vector<16xf32>,
        tpu.vector_store %arg11[%swap3A_1424, %swap3A_1425, %swap3A_1426], %gather3A_1422 {strides = array<i32>} : memref<3x8x128xf32, #tpu.memory_space<vmem>>, vector<16xf32>,
        %get3A_1428 = arith.constant 5 : i32
        %get3A_1429 = arith.constant 0 : i32
        %get3A_1430 = arith.index_cast %rem3A_667 : i32 to index
        %get3A_1431 = arith.index_cast %get3A_1428 : i32 to index
        %get3A_1432 = arith.index_cast %get3A_1429 : i32 to index
        %get3A_1433 = arith.constant 16 : index
        %get3A_1434 = tpu.vector_load %arg10[%get3A_1430, %get3A_1431, %get3A_1432, %get3A_1433] {strides = array<i32>} : memref<3x8x2x128xi32, #tpu.memory_space<vmem>>, vector<16xi32>,
        %gather3A_1435 = tpu.vector_load_idx %arg9[%get3A_1434] : memref<100352xf32, #tpu.memory_space<vmem>>[vector<16xi32>], vector<16xf32>,
        %swap3A_1436 = arith.constant 5 : i32
        %swap3A_1437 = arith.index_cast %rem3A_667 : i32 to index
        %swap3A_1438 = arith.index_cast %swap3A_1436 : i32 to index
        %swap3A_1439 = arith.constant 16 : index
        %swap3A_1440 = tpu.vector_load %arg11[%swap3A_1437, %swap3A_1438, %swap3A_1439] {strides = array<i32>} : memref<3x8x128xf32, #tpu.memory_space<vmem>>, vector<16xf32>,
        tpu.vector_store %arg11[%swap3A_1437, %swap3A_1438, %swap3A_1439], %gather3A_1435 {strides = array<i32>} : memref<3x8x128xf32, #tpu.memory_space<vmem>>, vector<16xf32>,
        %get3A_1441 = arith.constant 5 : i32
        %get3A_1442 = arith.constant 0 : i32
        %get3A_1443 = arith.index_cast %rem3A_667 : i32 to index
        %get3A_1444 = arith.index_cast %get3A_1441 : i32 to index
        %get3A_1445 = arith.index_cast %get3A_1442 : i32 to index
        %get3A_1446 = arith.constant 32 : index
        %get3A_1447 = tpu.vector_load %arg10[%get3A_1443, %get3A_1444, %get3A_1445, %get3A_1446] {strides = array<i32>} : memref<3x8x2x128xi32, #tpu.memory_space<vmem>>, vector<16xi32>,
        %gather3A_1448 = tpu.vector_load_idx %arg9[%get3A_1447] : memref<100352xf32, #tpu.memory_space<vmem>>[vector<16xi32>], vector<16xf32>,
        %swap3A_1449 = arith.constant 5 : i32
        %swap3A_1450 = arith.index_cast %rem3A_667 : i32 to index
        %swap3A_1451 = arith.index_cast %swap3A_1449 : i32 to index
        %swap3A_1452 = arith.constant 32 : index
        %swap3A_1453 = tpu.vector_load %arg11[%swap3A_1450, %swap3A_1451, %swap3A_1452] {strides = array<i32>} : memref<3x8x128xf32, #tpu.memory_space<vmem>>, vector<16xf32>,
        tpu.vector_store %arg11[%swap3A_1450, %swap3A_1451, %swap3A_1452], %gather3A_1448 {strides = array<i32>} : memref<3x8x128xf32, #tpu.memory_space<vmem>>, vector<16xf32>,
        %get3A_1454 = arith.constant 5 : i32
        %get3A_1455 = arith.constant 0 : i32
        %get3A_1456 = arith.index_cast %rem3A_667 : i32 to index
        %get3A_1457 = arith.index_cast %get3A_1454 : i32 to index
        %get3A_1458 = arith.index_cast %get3A_1455 : i32 to index
        %get3A_1459 = arith.constant 48 : index
        %get3A_1460 = tpu.vector_load %arg10[%get3A_1456, %get3A_1457, %get3A_1458, %get3A_1459] {strides = array<i32>} : memref<3x8x2x128xi32, #tpu.memory_space<vmem>>, vector<16xi32>,
        %gather3A_1461 = tpu.vector_load_idx %arg9[%get3A_1460] : memref<100352xf32, #tpu.memory_space<vmem>>[vector<16xi32>], vector<16xf32>,
        %swap3A_1462 = arith.constant 5 : i32
        %swap3A_1463 = arith.index_cast %rem3A_667 : i32 to index
        %swap3A_1464 = arith.index_cast %swap3A_1462 : i32 to index
        %swap3A_1465 = arith.constant 48 : index
        %swap3A_1466 = tpu.vector_load %arg11[%swap3A_1463, %swap3A_1464, %swap3A_1465] {strides = array<i32>} : memref<3x8x128xf32, #tpu.memory_space<vmem>>, vector<16xf32>,
        tpu.vector_store %arg11[%swap3A_1463, %swap3A_1464, %swap3A_1465], %gather3A_1461 {strides = array<i32>} : memref<3x8x128xf32, #tpu.memory_space<vmem>>, vector<16xf32>,
        %get3A_1467 = arith.constant 5 : i32
        %get3A_1468 = arith.constant 0 : i32
        %get3A_1469 = arith.index_cast %rem3A_667 : i32 to index
        %get3A_1470 = arith.index_cast %get3A_1467 : i32 to index
        %get3A_1471 = arith.index_cast %get3A_1468 : i32 to index
        %get3A_1472 = arith.constant 64 : index
        %get3A_1473 = tpu.vector_load %arg10[%get3A_1469, %get3A_1470, %get3A_1471, %get3A_1472] {strides = array<i32>} : memref<3x8x2x128xi32, #tpu.memory_space<vmem>>, vector<16xi32>,
        %gather3A_1474 = tpu.vector_load_idx %arg9[%get3A_1473] : memref<100352xf32, #tpu.memory_space<vmem>>[vector<16xi32>], vector<16xf32>,
        %swap3A_1475 = arith.constant 5 : i32
        %swap3A_1476 = arith.index_cast %rem3A_667 : i32 to index
        %swap3A_1477 = arith.index_cast %swap3A_1475 : i32 to index
        %swap3A_1478 = arith.constant 64 : index
        %swap3A_1479 = tpu.vector_load %arg11[%swap3A_1476, %swap3A_1477, %swap3A_1478] {strides = array<i32>} : memref<3x8x128xf32, #tpu.memory_space<vmem>>, vector<16xf32>,
        tpu.vector_store %arg11[%swap3A_1476, %swap3A_1477, %swap3A_1478], %gather3A_1474 {strides = array<i32>} : memref<3x8x128xf32, #tpu.memory_space<vmem>>, vector<16xf32>,
        %get3A_1480 = arith.constant 5 : i32
        %get3A_1481 = arith.constant 0 : i32
        %get3A_1482 = arith.index_cast %rem3A_667 : i32 to index
        %get3A_1483 = arith.index_cast %get3A_1480 : i32 to index
        %get3A_1484 = arith.index_cast %get3A_1481 : i32 to index
        %get3A_1485 = arith.constant 80 : index
        %get3A_1486 = tpu.vector_load %arg10[%get3A_1482, %get3A_1483, %get3A_1484, %get3A_1485] {strides = array<i32>} : memref<3x8x2x128xi32, #tpu.memory_space<vmem>>, vector<16xi32>,
        %gather3A_1487 = tpu.vector_load_idx %arg9[%get3A_1486] : memref<100352xf32, #tpu.memory_space<vmem>>[vector<16xi32>], vector<16xf32>,
        %swap3A_1488 = arith.constant 5 : i32
        %swap3A_1489 = arith.index_cast %rem3A_667 : i32 to index
        %swap3A_1490 = arith.index_cast %swap3A_1488 : i32 to index
        %swap3A_1491 = arith.constant 80 : index
        %swap3A_1492 = tpu.vector_load %arg11[%swap3A_1489, %swap3A_1490, %swap3A_1491] {strides = array<i32>} : memref<3x8x128xf32, #tpu.memory_space<vmem>>, vector<16xf32>,
        tpu.vector_store %arg11[%swap3A_1489, %swap3A_1490, %swap3A_1491], %gather3A_1487 {strides = array<i32>} : memref<3x8x128xf32, #tpu.memory_space<vmem>>, vector<16xf32>,
        %get3A_1493 = arith.constant 5 : i32
        %get3A_1494 = arith.constant 0 : i32
        %get3A_1495 = arith.index_cast %rem3A_667 : i32 to index
        %get3A_1496 = arith.index_cast %get3A_1493 : i32 to index
        %get3A_1497 = arith.index_cast %get3A_1494 : i32 to index
        %get3A_1498 = arith.constant 96 : index
        %get3A_1499 = tpu.vector_load %arg10[%get3A_1495, %get3A_1496, %get3A_1497, %get3A_1498] {strides = array<i32>} : memref<3x8x2x128xi32, #tpu.memory_space<vmem>>, vector<16xi32>,
        %gather3A_1500 = tpu.vector_load_idx %arg9[%get3A_1499] : memref<100352xf32, #tpu.memory_space<vmem>>[vector<16xi32>], vector<16xf32>,
        %swap3A_1501 = arith.constant 5 : i32
        %swap3A_1502 = arith.index_cast %rem3A_667 : i32 to index
        %swap3A_1503 = arith.index_cast %swap3A_1501 : i32 to index
        %swap3A_1504 = arith.constant 96 : index
        %swap3A_1505 = tpu.vector_load %arg11[%swap3A_1502, %swap3A_1503, %swap3A_1504] {strides = array<i32>} : memref<3x8x128xf32, #tpu.memory_space<vmem>>, vector<16xf32>,
        tpu.vector_store %arg11[%swap3A_1502, %swap3A_1503, %swap3A_1504], %gather3A_1500 {strides = array<i32>} : memref<3x8x128xf32, #tpu.memory_space<vmem>>, vector<16xf32>,
        %get3A_1506 = arith.constant 5 : i32
        %get3A_1507 = arith.constant 0 : i32
        %get3A_1508 = arith.index_cast %rem3A_667 : i32 to index
        %get3A_1509 = arith.index_cast %get3A_1506 : i32 to index
        %get3A_1510 = arith.index_cast %get3A_1507 : i32 to index
        %get3A_1511 = arith.constant 112 : index
        %get3A_1512 = tpu.vector_load %arg10[%get3A_1508, %get3A_1509, %get3A_1510, %get3A_1511] {strides = array<i32>} : memref<3x8x2x128xi32, #tpu.memory_space<vmem>>, vector<16xi32>,
        %gather3A_1513 = tpu.vector_load_idx %arg9[%get3A_1512] : memref<100352xf32, #tpu.memory_space<vmem>>[vector<16xi32>], vector<16xf32>,
        %swap3A_1514 = arith.constant 5 : i32
        %swap3A_1515 = arith.index_cast %rem3A_667 : i32 to index
        %swap3A_1516 = arith.index_cast %swap3A_1514 : i32 to index
        %swap3A_1517 = arith.constant 112 : index
        %swap3A_1518 = tpu.vector_load %arg11[%swap3A_1515, %swap3A_1516, %swap3A_1517] {strides = array<i32>} : memref<3x8x128xf32, #tpu.memory_space<vmem>>, vector<16xf32>,
        tpu.vector_store %arg11[%swap3A_1515, %swap3A_1516, %swap3A_1517], %gather3A_1513 {strides = array<i32>} : memref<3x8x128xf32, #tpu.memory_space<vmem>>, vector<16xf32>,
        %get3A_1519 = arith.constant 6 : i32
        %get3A_1520 = arith.constant 0 : i32
        %get3A_1521 = arith.index_cast %rem3A_667 : i32 to index
        %get3A_1522 = arith.index_cast %get3A_1519 : i32 to index
        %get3A_1523 = arith.index_cast %get3A_1520 : i32 to index
        %get3A_1524 = arith.constant 0 : index
        %get3A_1525 = tpu.vector_load %arg10[%get3A_1521, %get3A_1522, %get3A_1523, %get3A_1524] {strides = array<i32>} : memref<3x8x2x128xi32, #tpu.memory_space<vmem>>, vector<16xi32>,
        %gather3A_1526 = tpu.vector_load_idx %arg9[%get3A_1525] : memref<100352xf32, #tpu.memory_space<vmem>>[vector<16xi32>], vector<16xf32>,
        %swap3A_1527 = arith.constant 6 : i32
        %swap3A_1528 = arith.index_cast %rem3A_667 : i32 to index
        %swap3A_1529 = arith.index_cast %swap3A_1527 : i32 to index
        %swap3A_1530 = arith.constant 0 : index
        %swap3A_1531 = tpu.vector_load %arg11[%swap3A_1528, %swap3A_1529, %swap3A_1530] {strides = array<i32>} : memref<3x8x128xf32, #tpu.memory_space<vmem>>, vector<16xf32>,
        tpu.vector_store %arg11[%swap3A_1528, %swap3A_1529, %swap3A_1530], %gather3A_1526 {strides = array<i32>} : memref<3x8x128xf32, #tpu.memory_space<vmem>>, vector<16xf32>,
        %get3A_1532 = arith.constant 6 : i32
        %get3A_1533 = arith.constant 0 : i32
        %get3A_1534 = arith.index_cast %rem3A_667 : i32 to index
        %get3A_1535 = arith.index_cast %get3A_1532 : i32 to index
        %get3A_1536 = arith.index_cast %get3A_1533 : i32 to index
        %get3A_1537 = arith.constant 16 : index
        %get3A_1538 = tpu.vector_load %arg10[%get3A_1534, %get3A_1535, %get3A_1536, %get3A_1537] {strides = array<i32>} : memref<3x8x2x128xi32, #tpu.memory_space<vmem>>, vector<16xi32>,
        %gather3A_1539 = tpu.vector_load_idx %arg9[%get3A_1538] : memref<100352xf32, #tpu.memory_space<vmem>>[vector<16xi32>], vector<16xf32>,
        %swap3A_1540 = arith.constant 6 : i32
        %swap3A_1541 = arith.index_cast %rem3A_667 : i32 to index
        %swap3A_1542 = arith.index_cast %swap3A_1540 : i32 to index
        %swap3A_1543 = arith.constant 16 : index
        %swap3A_1544 = tpu.vector_load %arg11[%swap3A_1541, %swap3A_1542, %swap3A_1543] {strides = array<i32>} : memref<3x8x128xf32, #tpu.memory_space<vmem>>, vector<16xf32>,
        tpu.vector_store %arg11[%swap3A_1541, %swap3A_1542, %swap3A_1543], %gather3A_1539 {strides = array<i32>} : memref<3x8x128xf32, #tpu.memory_space<vmem>>, vector<16xf32>,
        %get3A_1545 = arith.constant 6 : i32
        %get3A_1546 = arith.constant 0 : i32
        %get3A_1547 = arith.index_cast %rem3A_667 : i32 to index
        %get3A_1548 = arith.index_cast %get3A_1545 : i32 to index
        %get3A_1549 = arith.index_cast %get3A_1546 : i32 to index
        %get3A_1550 = arith.constant 32 : index
        %get3A_1551 = tpu.vector_load %arg10[%get3A_1547, %get3A_1548, %get3A_1549, %get3A_1550] {strides = array<i32>} : memref<3x8x2x128xi32, #tpu.memory_space<vmem>>, vector<16xi32>,
        %gather3A_1552 = tpu.vector_load_idx %arg9[%get3A_1551] : memref<100352xf32, #tpu.memory_space<vmem>>[vector<16xi32>], vector<16xf32>,
        %swap3A_1553 = arith.constant 6 : i32
        %swap3A_1554 = arith.index_cast %rem3A_667 : i32 to index
        %swap3A_1555 = arith.index_cast %swap3A_1553 : i32 to index
        %swap3A_1556 = arith.constant 32 : index
        %swap3A_1557 = tpu.vector_load %arg11[%swap3A_1554, %swap3A_1555, %swap3A_1556] {strides = array<i32>} : memref<3x8x128xf32, #tpu.memory_space<vmem>>, vector<16xf32>,
        tpu.vector_store %arg11[%swap3A_1554, %swap3A_1555, %swap3A_1556], %gather3A_1552 {strides = array<i32>} : memref<3x8x128xf32, #tpu.memory_space<vmem>>, vector<16xf32>,
        %get3A_1558 = arith.constant 6 : i32
        %get3A_1559 = arith.constant 0 : i32
        %get3A_1560 = arith.index_cast %rem3A_667 : i32 to index
        %get3A_1561 = arith.index_cast %get3A_1558 : i32 to index
        %get3A_1562 = arith.index_cast %get3A_1559 : i32 to index
        %get3A_1563 = arith.constant 48 : index
        %get3A_1564 = tpu.vector_load %arg10[%get3A_1560, %get3A_1561, %get3A_1562, %get3A_1563] {strides = array<i32>} : memref<3x8x2x128xi32, #tpu.memory_space<vmem>>, vector<16xi32>,
        %gather3A_1565 = tpu.vector_load_idx %arg9[%get3A_1564] : memref<100352xf32, #tpu.memory_space<vmem>>[vector<16xi32>], vector<16xf32>,
        %swap3A_1566 = arith.constant 6 : i32
        %swap3A_1567 = arith.index_cast %rem3A_667 : i32 to index
        %swap3A_1568 = arith.index_cast %swap3A_1566 : i32 to index
        %swap3A_1569 = arith.constant 48 : index
        %swap3A_1570 = tpu.vector_load %arg11[%swap3A_1567, %swap3A_1568, %swap3A_1569] {strides = array<i32>} : memref<3x8x128xf32, #tpu.memory_space<vmem>>, vector<16xf32>,
        tpu.vector_store %arg11[%swap3A_1567, %swap3A_1568, %swap3A_1569], %gather3A_1565 {strides = array<i32>} : memref<3x8x128xf32, #tpu.memory_space<vmem>>, vector<16xf32>,
        %get3A_1571 = arith.constant 6 : i32
        %get3A_1572 = arith.constant 0 : i32
        %get3A_1573 = arith.index_cast %rem3A_667 : i32 to index
        %get3A_1574 = arith.index_cast %get3A_1571 : i32 to index
        %get3A_1575 = arith.index_cast %get3A_1572 : i32 to index
        %get3A_1576 = arith.constant 64 : index
        %get3A_1577 = tpu.vector_load %arg10[%get3A_1573, %get3A_1574, %get3A_1575, %get3A_1576] {strides = array<i32>} : memref<3x8x2x128xi32, #tpu.memory_space<vmem>>, vector<16xi32>,
        %gather3A_1578 = tpu.vector_load_idx %arg9[%get3A_1577] : memref<100352xf32, #tpu.memory_space<vmem>>[vector<16xi32>], vector<16xf32>,
        %swap3A_1579 = arith.constant 6 : i32
        %swap3A_1580 = arith.index_cast %rem3A_667 : i32 to index
        %swap3A_1581 = arith.index_cast %swap3A_1579 : i32 to index
        %swap3A_1582 = arith.constant 64 : index
        %swap3A_1583 = tpu.vector_load %arg11[%swap3A_1580, %swap3A_1581, %swap3A_1582] {strides = array<i32>} : memref<3x8x128xf32, #tpu.memory_space<vmem>>, vector<16xf32>,
        tpu.vector_store %arg11[%swap3A_1580, %swap3A_1581, %swap3A_1582], %gather3A_1578 {strides = array<i32>} : memref<3x8x128xf32, #tpu.memory_space<vmem>>, vector<16xf32>,
        %get3A_1584 = arith.constant 6 : i32
        %get3A_1585 = arith.constant 0 : i32
        %get3A_1586 = arith.index_cast %rem3A_667 : i32 to index
        %get3A_1587 = arith.index_cast %get3A_1584 : i32 to index
        %get3A_1588 = arith.index_cast %get3A_1585 : i32 to index
        %get3A_1589 = arith.constant 80 : index
        %get3A_1590 = tpu.vector_load %arg10[%get3A_1586, %get3A_1587, %get3A_1588, %get3A_1589] {strides = array<i32>} : memref<3x8x2x128xi32, #tpu.memory_space<vmem>>, vector<16xi32>,
        %gather3A_1591 = tpu.vector_load_idx %arg9[%get3A_1590] : memref<100352xf32, #tpu.memory_space<vmem>>[vector<16xi32>], vector<16xf32>,
        %swap3A_1592 = arith.constant 6 : i32
        %swap3A_1593 = arith.index_cast %rem3A_667 : i32 to index
        %swap3A_1594 = arith.index_cast %swap3A_1592 : i32 to index
        %swap3A_1595 = arith.constant 80 : index
        %swap3A_1596 = tpu.vector_load %arg11[%swap3A_1593, %swap3A_1594, %swap3A_1595] {strides = array<i32>} : memref<3x8x128xf32, #tpu.memory_space<vmem>>, vector<16xf32>,
        tpu.vector_store %arg11[%swap3A_1593, %swap3A_1594, %swap3A_1595], %gather3A_1591 {strides = array<i32>} : memref<3x8x128xf32, #tpu.memory_space<vmem>>, vector<16xf32>,
        %get3A_1597 = arith.constant 6 : i32
        %get3A_1598 = arith.constant 0 : i32
        %get3A_1599 = arith.index_cast %rem3A_667 : i32 to index
        %get3A_1600 = arith.index_cast %get3A_1597 : i32 to index
        %get3A_1601 = arith.index_cast %get3A_1598 : i32 to index
        %get3A_1602 = arith.constant 96 : index
        %get3A_1603 = tpu.vector_load %arg10[%get3A_1599, %get3A_1600, %get3A_1601, %get3A_1602] {strides = array<i32>} : memref<3x8x2x128xi32, #tpu.memory_space<vmem>>, vector<16xi32>,
        %gather3A_1604 = tpu.vector_load_idx %arg9[%get3A_1603] : memref<100352xf32, #tpu.memory_space<vmem>>[vector<16xi32>], vector<16xf32>,
        %swap3A_1605 = arith.constant 6 : i32
        %swap3A_1606 = arith.index_cast %rem3A_667 : i32 to index
        %swap3A_1607 = arith.index_cast %swap3A_1605 : i32 to index
        %swap3A_1608 = arith.constant 96 : index
        %swap3A_1609 = tpu.vector_load %arg11[%swap3A_1606, %swap3A_1607, %swap3A_1608] {strides = array<i32>} : memref<3x8x128xf32, #tpu.memory_space<vmem>>, vector<16xf32>,
        tpu.vector_store %arg11[%swap3A_1606, %swap3A_1607, %swap3A_1608], %gather3A_1604 {strides = array<i32>} : memref<3x8x128xf32, #tpu.memory_space<vmem>>, vector<16xf32>,
        %get3A_1610 = arith.constant 6 : i32
        %get3A_1611 = arith.constant 0 : i32
        %get3A_1612 = arith.index_cast %rem3A_667 : i32 to index
        %get3A_1613 = arith.index_cast %get3A_1610 : i32 to index
        %get3A_1614 = arith.index_cast %get3A_1611 : i32 to index
        %get3A_1615 = arith.constant 112 : index
        %get3A_1616 = tpu.vector_load %arg10[%get3A_1612, %get3A_1613, %get3A_1614, %get3A_1615] {strides = array<i32>} : memref<3x8x2x128xi32, #tpu.memory_space<vmem>>, vector<16xi32>,
        %gather3A_1617 = tpu.vector_load_idx %arg9[%get3A_1616] : memref<100352xf32, #tpu.memory_space<vmem>>[vector<16xi32>], vector<16xf32>,
        %swap3A_1618 = arith.constant 6 : i32
        %swap3A_1619 = arith.index_cast %rem3A_667 : i32 to index
        %swap3A_1620 = arith.index_cast %swap3A_1618 : i32 to index
        %swap3A_1621 = arith.constant 112 : index
        %swap3A_1622 = tpu.vector_load %arg11[%swap3A_1619, %swap3A_1620, %swap3A_1621] {strides = array<i32>} : memref<3x8x128xf32, #tpu.memory_space<vmem>>, vector<16xf32>,
        tpu.vector_store %arg11[%swap3A_1619, %swap3A_1620, %swap3A_1621], %gather3A_1617 {strides = array<i32>} : memref<3x8x128xf32, #tpu.memory_space<vmem>>, vector<16xf32>,
        %get3A_1623 = arith.constant 7 : i32
        %get3A_1624 = arith.constant 0 : i32
        %get3A_1625 = arith.index_cast %rem3A_667 : i32 to index
        %get3A_1626 = arith.index_cast %get3A_1623 : i32 to index
        %get3A_1627 = arith.index_cast %get3A_1624 : i32 to index
        %get3A_1628 = arith.constant 0 : index
        %get3A_1629 = tpu.vector_load %arg10[%get3A_1625, %get3A_1626, %get3A_1627, %get3A_1628] {strides = array<i32>} : memref<3x8x2x128xi32, #tpu.memory_space<vmem>>, vector<16xi32>,
        %gather3A_1630 = tpu.vector_load_idx %arg9[%get3A_1629] : memref<100352xf32, #tpu.memory_space<vmem>>[vector<16xi32>], vector<16xf32>,
        %swap3A_1631 = arith.constant 7 : i32
        %swap3A_1632 = arith.index_cast %rem3A_667 : i32 to index
        %swap3A_1633 = arith.index_cast %swap3A_1631 : i32 to index
        %swap3A_1634 = arith.constant 0 : index
        %swap3A_1635 = tpu.vector_load %arg11[%swap3A_1632, %swap3A_1633, %swap3A_1634] {strides = array<i32>} : memref<3x8x128xf32, #tpu.memory_space<vmem>>, vector<16xf32>,
        tpu.vector_store %arg11[%swap3A_1632, %swap3A_1633, %swap3A_1634], %gather3A_1630 {strides = array<i32>} : memref<3x8x128xf32, #tpu.memory_space<vmem>>, vector<16xf32>,
        %get3A_1636 = arith.constant 7 : i32
        %get3A_1637 = arith.constant 0 : i32
        %get3A_1638 = arith.index_cast %rem3A_667 : i32 to index
        %get3A_1639 = arith.index_cast %get3A_1636 : i32 to index
        %get3A_1640 = arith.index_cast %get3A_1637 : i32 to index
        %get3A_1641 = arith.constant 16 : index
        %get3A_1642 = tpu.vector_load %arg10[%get3A_1638, %get3A_1639, %get3A_1640, %get3A_1641] {strides = array<i32>} : memref<3x8x2x128xi32, #tpu.memory_space<vmem>>, vector<16xi32>,
        %gather3A_1643 = tpu.vector_load_idx %arg9[%get3A_1642] : memref<100352xf32, #tpu.memory_space<vmem>>[vector<16xi32>], vector<16xf32>,
        %swap3A_1644 = arith.constant 7 : i32
        %swap3A_1645 = arith.index_cast %rem3A_667 : i32 to index
        %swap3A_1646 = arith.index_cast %swap3A_1644 : i32 to index
        %swap3A_1647 = arith.constant 16 : index
        %swap3A_1648 = tpu.vector_load %arg11[%swap3A_1645, %swap3A_1646, %swap3A_1647] {strides = array<i32>} : memref<3x8x128xf32, #tpu.memory_space<vmem>>, vector<16xf32>,
        tpu.vector_store %arg11[%swap3A_1645, %swap3A_1646, %swap3A_1647], %gather3A_1643 {strides = array<i32>} : memref<3x8x128xf32, #tpu.memory_space<vmem>>, vector<16xf32>,
        %get3A_1649 = arith.constant 7 : i32
        %get3A_1650 = arith.constant 0 : i32
        %get3A_1651 = arith.index_cast %rem3A_667 : i32 to index
        %get3A_1652 = arith.index_cast %get3A_1649 : i32 to index
        %get3A_1653 = arith.index_cast %get3A_1650 : i32 to index
        %get3A_1654 = arith.constant 32 : index
        %get3A_1655 = tpu.vector_load %arg10[%get3A_1651, %get3A_1652, %get3A_1653, %get3A_1654] {strides = array<i32>} : memref<3x8x2x128xi32, #tpu.memory_space<vmem>>, vector<16xi32>,
        %gather3A_1656 = tpu.vector_load_idx %arg9[%get3A_1655] : memref<100352xf32, #tpu.memory_space<vmem>>[vector<16xi32>], vector<16xf32>,
        %swap3A_1657 = arith.constant 7 : i32
        %swap3A_1658 = arith.index_cast %rem3A_667 : i32 to index
        %swap3A_1659 = arith.index_cast %swap3A_1657 : i32 to index
        %swap3A_1660 = arith.constant 32 : index
        %swap3A_1661 = tpu.vector_load %arg11[%swap3A_1658, %swap3A_1659, %swap3A_1660] {strides = array<i32>} : memref<3x8x128xf32, #tpu.memory_space<vmem>>, vector<16xf32>,
        tpu.vector_store %arg11[%swap3A_1658, %swap3A_1659, %swap3A_1660], %gather3A_1656 {strides = array<i32>} : memref<3x8x128xf32, #tpu.memory_space<vmem>>, vector<16xf32>,
        %get3A_1662 = arith.constant 7 : i32
        %get3A_1663 = arith.constant 0 : i32
        %get3A_1664 = arith.index_cast %rem3A_667 : i32 to index
        %get3A_1665 = arith.index_cast %get3A_1662 : i32 to index
        %get3A_1666 = arith.index_cast %get3A_1663 : i32 to index
        %get3A_1667 = arith.constant 48 : index
        %get3A_1668 = tpu.vector_load %arg10[%get3A_1664, %get3A_1665, %get3A_1666, %get3A_1667] {strides = array<i32>} : memref<3x8x2x128xi32, #tpu.memory_space<vmem>>, vector<16xi32>,
        %gather3A_1669 = tpu.vector_load_idx %arg9[%get3A_1668] : memref<100352xf32, #tpu.memory_space<vmem>>[vector<16xi32>], vector<16xf32>,
        %swap3A_1670 = arith.constant 7 : i32
        %swap3A_1671 = arith.index_cast %rem3A_667 : i32 to index
        %swap3A_1672 = arith.index_cast %swap3A_1670 : i32 to index
        %swap3A_1673 = arith.constant 48 : index
        %swap3A_1674 = tpu.vector_load %arg11[%swap3A_1671, %swap3A_1672, %swap3A_1673] {strides = array<i32>} : memref<3x8x128xf32, #tpu.memory_space<vmem>>, vector<16xf32>,
        tpu.vector_store %arg11[%swap3A_1671, %swap3A_1672, %swap3A_1673], %gather3A_1669 {strides = array<i32>} : memref<3x8x128xf32, #tpu.memory_space<vmem>>, vector<16xf32>,
        %get3A_1675 = arith.constant 7 : i32
        %get3A_1676 = arith.constant 0 : i32
        %get3A_1677 = arith.index_cast %rem3A_667 : i32 to index
        %get3A_1678 = arith.index_cast %get3A_1675 : i32 to index
        %get3A_1679 = arith.index_cast %get3A_1676 : i32 to index
        %get3A_1680 = arith.constant 64 : index
        %get3A_1681 = tpu.vector_load %arg10[%get3A_1677, %get3A_1678, %get3A_1679, %get3A_1680] {strides = array<i32>} : memref<3x8x2x128xi32, #tpu.memory_space<vmem>>, vector<16xi32>,
        %gather3A_1682 = tpu.vector_load_idx %arg9[%get3A_1681] : memref<100352xf32, #tpu.memory_space<vmem>>[vector<16xi32>], vector<16xf32>,
        %swap3A_1683 = arith.constant 7 : i32
        %swap3A_1684 = arith.index_cast %rem3A_667 : i32 to index
        %swap3A_1685 = arith.index_cast %swap3A_1683 : i32 to index
        %swap3A_1686 = arith.constant 64 : index
        %swap3A_1687 = tpu.vector_load %arg11[%swap3A_1684, %swap3A_1685, %swap3A_1686] {strides = array<i32>} : memref<3x8x128xf32, #tpu.memory_space<vmem>>, vector<16xf32>,
        tpu.vector_store %arg11[%swap3A_1684, %swap3A_1685, %swap3A_1686], %gather3A_1682 {strides = array<i32>} : memref<3x8x128xf32, #tpu.memory_space<vmem>>, vector<16xf32>,
        %get3A_1688 = arith.constant 7 : i32
        %get3A_1689 = arith.constant 0 : i32
        %get3A_1690 = arith.index_cast %rem3A_667 : i32 to index
        %get3A_1691 = arith.index_cast %get3A_1688 : i32 to index
        %get3A_1692 = arith.index_cast %get3A_1689 : i32 to index
        %get3A_1693 = arith.constant 80 : index
        %get3A_1694 = tpu.vector_load %arg10[%get3A_1690, %get3A_1691, %get3A_1692, %get3A_1693] {strides = array<i32>} : memref<3x8x2x128xi32, #tpu.memory_space<vmem>>, vector<16xi32>,
        %gather3A_1695 = tpu.vector_load_idx %arg9[%get3A_1694] : memref<100352xf32, #tpu.memory_space<vmem>>[vector<16xi32>], vector<16xf32>,
        %swap3A_1696 = arith.constant 7 : i32
        %swap3A_1697 = arith.index_cast %rem3A_667 : i32 to index
        %swap3A_1698 = arith.index_cast %swap3A_1696 : i32 to index
        %swap3A_1699 = arith.constant 80 : index
        %swap3A_1700 = tpu.vector_load %arg11[%swap3A_1697, %swap3A_1698, %swap3A_1699] {strides = array<i32>} : memref<3x8x128xf32, #tpu.memory_space<vmem>>, vector<16xf32>,
        tpu.vector_store %arg11[%swap3A_1697, %swap3A_1698, %swap3A_1699], %gather3A_1695 {strides = array<i32>} : memref<3x8x128xf32, #tpu.memory_space<vmem>>, vector<16xf32>,
        %get3A_1701 = arith.constant 7 : i32
        %get3A_1702 = arith.constant 0 : i32
        %get3A_1703 = arith.index_cast %rem3A_667 : i32 to index
        %get3A_1704 = arith.index_cast %get3A_1701 : i32 to index
        %get3A_1705 = arith.index_cast %get3A_1702 : i32 to index
        %get3A_1706 = arith.constant 96 : index
        %get3A_1707 = tpu.vector_load %arg10[%get3A_1703, %get3A_1704, %get3A_1705, %get3A_1706] {strides = array<i32>} : memref<3x8x2x128xi32, #tpu.memory_space<vmem>>, vector<16xi32>,
        %gather3A_1708 = tpu.vector_load_idx %arg9[%get3A_1707] : memref<100352xf32, #tpu.memory_space<vmem>>[vector<16xi32>], vector<16xf32>,
        %swap3A_1709 = arith.constant 7 : i32
        %swap3A_1710 = arith.index_cast %rem3A_667 : i32 to index
        %swap3A_1711 = arith.index_cast %swap3A_1709 : i32 to index
        %swap3A_1712 = arith.constant 96 : index
        %swap3A_1713 = tpu.vector_load %arg11[%swap3A_1710, %swap3A_1711, %swap3A_1712] {strides = array<i32>} : memref<3x8x128xf32, #tpu.memory_space<vmem>>, vector<16xf32>,
        tpu.vector_store %arg11[%swap3A_1710, %swap3A_1711, %swap3A_1712], %gather3A_1708 {strides = array<i32>} : memref<3x8x128xf32, #tpu.memory_space<vmem>>, vector<16xf32>,
        %get3A_1714 = arith.constant 7 : i32
        %get3A_1715 = arith.constant 0 : i32
        %get3A_1716 = arith.index_cast %rem3A_667 : i32 to index
        %get3A_1717 = arith.index_cast %get3A_1714 : i32 to index
        %get3A_1718 = arith.index_cast %get3A_1715 : i32 to index
        %get3A_1719 = arith.constant 112 : index
        %get3A_1720 = tpu.vector_load %arg10[%get3A_1716, %get3A_1717, %get3A_1718, %get3A_1719] {strides = array<i32>} : memref<3x8x2x128xi32, #tpu.memory_space<vmem>>, vector<16xi32>,
        %gather3A_1721 = tpu.vector_load_idx %arg9[%get3A_1720] : memref<100352xf32, #tpu.memory_space<vmem>>[vector<16xi32>], vector<16xf32>,
        %swap3A_1722 = arith.constant 7 : i32
        %swap3A_1723 = arith.index_cast %rem3A_667 : i32 to index
        %swap3A_1724 = arith.index_cast %swap3A_1722 : i32 to index
        %swap3A_1725 = arith.constant 112 : index
        %swap3A_1726 = tpu.vector_load %arg11[%swap3A_1723, %swap3A_1724, %swap3A_1725] {strides = array<i32>} : memref<3x8x128xf32, #tpu.memory_space<vmem>>, vector<16xf32>,
        tpu.vector_store %arg11[%swap3A_1723, %swap3A_1724, %swap3A_1725], %gather3A_1721 {strides = array<i32>} : memref<3x8x128xf32, #tpu.memory_space<vmem>>, vector<16xf32>,
        %dma_start3A_1727 = arith.constant 0 : i32
        %dma_start3A_1728 = arith.constant 0 : i32
        %dma_start3A_1729 = arith.constant 1 : i32
        %dma_start3A_1730 = arith.constant 0 : i32
        %dma_start3A_1731 = tpu.memref_slice %arg11[%rem3A_667, %dma_start3A_1727, %dma_start3A_1730] : memref<3x8x128xf32, #tpu.memory_space<vmem>> -> memref<1x1x128xf32, #tpu.memory_space<vmem>>
        %dma_start3A_1732 = tpu.memref_squeeze %dma_start3A_1731 : memref<1x1x128xf32, #tpu.memory_space<vmem>> -> memref<128xf32, #tpu.memory_space<vmem>>
        %dma_start3A_1733 = arith.constant 0 : i32
        %dma_start3A_1734 = tpu.memref_slice %arg10[%rem3A_667, %dma_start3A_1728, %dma_start3A_1729, %dma_start3A_1733] : memref<3x8x2x128xi32, #tpu.memory_space<vmem>> -> memref<1x1x1x128xi32, #tpu.memory_space<vmem>>
        %dma_start3A_1735 = tpu.memref_squeeze %dma_start3A_1734 : memref<1x1x1x128xi32, #tpu.memory_space<vmem>> -> memref<128xi32, #tpu.memory_space<vmem>>
        %dma_start3A_1736 = arith.constant 0 : i32
        %dma_start3A_1737 = tpu.memref_slice %arg7[%dma_start3A_1736] : memref<100352xf32, #tpu.memory_space<vmem_shared>> -> memref<100352xf32, #tpu.memory_space<vmem_shared>>
        tpu.enqueue_indirect_dma source(%dma_start3A_1732 : memref<128xf32, #tpu.memory_space<vmem>>) target(%dma_start3A_1737 : memref<100352xf32, #tpu.memory_space<vmem_shared>>) offsets(%dma_start3A_1735 : memref<128xi32, #tpu.memory_space<vmem>>) semaphore(%arg14 : memref<!tpu.dma_semaphore, #tpu.memory_space<semaphore_mem>>) {add = true}
        %dma_start3A_1738 = arith.constant 1 : i32
        %dma_start3A_1739 = arith.constant 1 : i32
        %dma_start3A_1740 = arith.constant 1 : i32
        %dma_start3A_1741 = arith.constant 0 : i32
        %dma_start3A_1742 = tpu.memref_slice %arg11[%rem3A_667, %dma_start3A_1738, %dma_start3A_1741] : memref<3x8x128xf32, #tpu.memory_space<vmem>> -> memref<1x1x128xf32, #tpu.memory_space<vmem>>
        %dma_start3A_1743 = tpu.memref_squeeze %dma_start3A_1742 : memref<1x1x128xf32, #tpu.memory_space<vmem>> -> memref<128xf32, #tpu.memory_space<vmem>>
        %dma_start3A_1744 = arith.constant 0 : i32
        %dma_start3A_1745 = tpu.memref_slice %arg10[%rem3A_667, %dma_start3A_1739, %dma_start3A_1740, %dma_start3A_1744] : memref<3x8x2x128xi32, #tpu.memory_space<vmem>> -> memref<1x1x1x128xi32, #tpu.memory_space<vmem>>
        %dma_start3A_1746 = tpu.memref_squeeze %dma_start3A_1745 : memref<1x1x1x128xi32, #tpu.memory_space<vmem>> -> memref<128xi32, #tpu.memory_space<vmem>>
        %dma_start3A_1747 = arith.constant 0 : i32
        %dma_start3A_1748 = tpu.memref_slice %arg7[%dma_start3A_1747] : memref<100352xf32, #tpu.memory_space<vmem_shared>> -> memref<100352xf32, #tpu.memory_space<vmem_shared>>
        tpu.enqueue_indirect_dma source(%dma_start3A_1743 : memref<128xf32, #tpu.memory_space<vmem>>) target(%dma_start3A_1748 : memref<100352xf32, #tpu.memory_space<vmem_shared>>) offsets(%dma_start3A_1746 : memref<128xi32, #tpu.memory_space<vmem>>) semaphore(%arg14 : memref<!tpu.dma_semaphore, #tpu.memory_space<semaphore_mem>>) {add = true}
        %dma_start3A_1749 = arith.constant 2 : i32
        %dma_start3A_1750 = arith.constant 2 : i32
        %dma_start3A_1751 = arith.constant 1 : i32
        %dma_start3A_1752 = arith.constant 0 : i32
        %dma_start3A_1753 = tpu.memref_slice %arg11[%rem3A_667, %dma_start3A_1749, %dma_start3A_1752] : memref<3x8x128xf32, #tpu.memory_space<vmem>> -> memref<1x1x128xf32, #tpu.memory_space<vmem>>
        %dma_start3A_1754 = tpu.memref_squeeze %dma_start3A_1753 : memref<1x1x128xf32, #tpu.memory_space<vmem>> -> memref<128xf32, #tpu.memory_space<vmem>>
        %dma_start3A_1755 = arith.constant 0 : i32
        %dma_start3A_1756 = tpu.memref_slice %arg10[%rem3A_667, %dma_start3A_1750, %dma_start3A_1751, %dma_start3A_1755] : memref<3x8x2x128xi32, #tpu.memory_space<vmem>> -> memref<1x1x1x128xi32, #tpu.memory_space<vmem>>
        %dma_start3A_1757 = tpu.memref_squeeze %dma_start3A_1756 : memref<1x1x1x128xi32, #tpu.memory_space<vmem>> -> memref<128xi32, #tpu.memory_space<vmem>>
        %dma_start3A_1758 = arith.constant 0 : i32
        %dma_start3A_1759 = tpu.memref_slice %arg7[%dma_start3A_1758] : memref<100352xf32, #tpu.memory_space<vmem_shared>> -> memref<100352xf32, #tpu.memory_space<vmem_shared>>
        tpu.enqueue_indirect_dma source(%dma_start3A_1754 : memref<128xf32, #tpu.memory_space<vmem>>) target(%dma_start3A_1759 : memref<100352xf32, #tpu.memory_space<vmem_shared>>) offsets(%dma_start3A_1757 : memref<128xi32, #tpu.memory_space<vmem>>) semaphore(%arg14 : memref<!tpu.dma_semaphore, #tpu.memory_space<semaphore_mem>>) {add = true}
        %dma_start3A_1760 = arith.constant 3 : i32
        %dma_start3A_1761 = arith.constant 3 : i32
        %dma_start3A_1762 = arith.constant 1 : i32
        %dma_start3A_1763 = arith.constant 0 : i32
        %dma_start3A_1764 = tpu.memref_slice %arg11[%rem3A_667, %dma_start3A_1760, %dma_start3A_1763] : memref<3x8x128xf32, #tpu.memory_space<vmem>> -> memref<1x1x128xf32, #tpu.memory_space<vmem>>
        %dma_start3A_1765 = tpu.memref_squeeze %dma_start3A_1764 : memref<1x1x128xf32, #tpu.memory_space<vmem>> -> memref<128xf32, #tpu.memory_space<vmem>>
        %dma_start3A_1766 = arith.constant 0 : i32
        %dma_start3A_1767 = tpu.memref_slice %arg10[%rem3A_667, %dma_start3A_1761, %dma_start3A_1762, %dma_start3A_1766] : memref<3x8x2x128xi32, #tpu.memory_space<vmem>> -> memref<1x1x1x128xi32, #tpu.memory_space<vmem>>
        %dma_start3A_1768 = tpu.memref_squeeze %dma_start3A_1767 : memref<1x1x1x128xi32, #tpu.memory_space<vmem>> -> memref<128xi32, #tpu.memory_space<vmem>>
        %dma_start3A_1769 = arith.constant 0 : i32
        %dma_start3A_1770 = tpu.memref_slice %arg7[%dma_start3A_1769] : memref<100352xf32, #tpu.memory_space<vmem_shared>> -> memref<100352xf32, #tpu.memory_space<vmem_shared>>
        tpu.enqueue_indirect_dma source(%dma_start3A_1765 : memref<128xf32, #tpu.memory_space<vmem>>) target(%dma_start3A_1770 : memref<100352xf32, #tpu.memory_space<vmem_shared>>) offsets(%dma_start3A_1768 : memref<128xi32, #tpu.memory_space<vmem>>) semaphore(%arg14 : memref<!tpu.dma_semaphore, #tpu.memory_space<semaphore_mem>>) {add = true}
        %dma_start3A_1771 = arith.constant 4 : i32
        %dma_start3A_1772 = arith.constant 4 : i32
        %dma_start3A_1773 = arith.constant 1 : i32
        %dma_start3A_1774 = arith.constant 0 : i32
        %dma_start3A_1775 = tpu.memref_slice %arg11[%rem3A_667, %dma_start3A_1771, %dma_start3A_1774] : memref<3x8x128xf32, #tpu.memory_space<vmem>> -> memref<1x1x128xf32, #tpu.memory_space<vmem>>
        %dma_start3A_1776 = tpu.memref_squeeze %dma_start3A_1775 : memref<1x1x128xf32, #tpu.memory_space<vmem>> -> memref<128xf32, #tpu.memory_space<vmem>>
        %dma_start3A_1777 = arith.constant 0 : i32
        %dma_start3A_1778 = tpu.memref_slice %arg10[%rem3A_667, %dma_start3A_1772, %dma_start3A_1773, %dma_start3A_1777] : memref<3x8x2x128xi32, #tpu.memory_space<vmem>> -> memref<1x1x1x128xi32, #tpu.memory_space<vmem>>
        %dma_start3A_1779 = tpu.memref_squeeze %dma_start3A_1778 : memref<1x1x1x128xi32, #tpu.memory_space<vmem>> -> memref<128xi32, #tpu.memory_space<vmem>>
        %dma_start3A_1780 = arith.constant 0 : i32
        %dma_start3A_1781 = tpu.memref_slice %arg7[%dma_start3A_1780] : memref<100352xf32, #tpu.memory_space<vmem_shared>> -> memref<100352xf32, #tpu.memory_space<vmem_shared>>
        tpu.enqueue_indirect_dma source(%dma_start3A_1776 : memref<128xf32, #tpu.memory_space<vmem>>) target(%dma_start3A_1781 : memref<100352xf32, #tpu.memory_space<vmem_shared>>) offsets(%dma_start3A_1779 : memref<128xi32, #tpu.memory_space<vmem>>) semaphore(%arg14 : memref<!tpu.dma_semaphore, #tpu.memory_space<semaphore_mem>>) {add = true}
        %dma_start3A_1782 = arith.constant 5 : i32
        %dma_start3A_1783 = arith.constant 5 : i32
        %dma_start3A_1784 = arith.constant 1 : i32
        %dma_start3A_1785 = arith.constant 0 : i32
        %dma_start3A_1786 = tpu.memref_slice %arg11[%rem3A_667, %dma_start3A_1782, %dma_start3A_1785] : memref<3x8x128xf32, #tpu.memory_space<vmem>> -> memref<1x1x128xf32, #tpu.memory_space<vmem>>
        %dma_start3A_1787 = tpu.memref_squeeze %dma_start3A_1786 : memref<1x1x128xf32, #tpu.memory_space<vmem>> -> memref<128xf32, #tpu.memory_space<vmem>>
        %dma_start3A_1788 = arith.constant 0 : i32
        %dma_start3A_1789 = tpu.memref_slice %arg10[%rem3A_667, %dma_start3A_1783, %dma_start3A_1784, %dma_start3A_1788] : memref<3x8x2x128xi32, #tpu.memory_space<vmem>> -> memref<1x1x1x128xi32, #tpu.memory_space<vmem>>
        %dma_start3A_1790 = tpu.memref_squeeze %dma_start3A_1789 : memref<1x1x1x128xi32, #tpu.memory_space<vmem>> -> memref<128xi32, #tpu.memory_space<vmem>>
        %dma_start3A_1791 = arith.constant 0 : i32
        %dma_start3A_1792 = tpu.memref_slice %arg7[%dma_start3A_1791] : memref<100352xf32, #tpu.memory_space<vmem_shared>> -> memref<100352xf32, #tpu.memory_space<vmem_shared>>
        tpu.enqueue_indirect_dma source(%dma_start3A_1787 : memref<128xf32, #tpu.memory_space<vmem>>) target(%dma_start3A_1792 : memref<100352xf32, #tpu.memory_space<vmem_shared>>) offsets(%dma_start3A_1790 : memref<128xi32, #tpu.memory_space<vmem>>) semaphore(%arg14 : memref<!tpu.dma_semaphore, #tpu.memory_space<semaphore_mem>>) {add = true}
        %dma_start3A_1793 = arith.constant 6 : i32
        %dma_start3A_1794 = arith.constant 6 : i32
        %dma_start3A_1795 = arith.constant 1 : i32
        %dma_start3A_1796 = arith.constant 0 : i32
        %dma_start3A_1797 = tpu.memref_slice %arg11[%rem3A_667, %dma_start3A_1793, %dma_start3A_1796] : memref<3x8x128xf32, #tpu.memory_space<vmem>> -> memref<1x1x128xf32, #tpu.memory_space<vmem>>
        %dma_start3A_1798 = tpu.memref_squeeze %dma_start3A_1797 : memref<1x1x128xf32, #tpu.memory_space<vmem>> -> memref<128xf32, #tpu.memory_space<vmem>>
        %dma_start3A_1799 = arith.constant 0 : i32
        %dma_start3A_1800 = tpu.memref_slice %arg10[%rem3A_667, %dma_start3A_1794, %dma_start3A_1795, %dma_start3A_1799] : memref<3x8x2x128xi32, #tpu.memory_space<vmem>> -> memref<1x1x1x128xi32, #tpu.memory_space<vmem>>
        %dma_start3A_1801 = tpu.memref_squeeze %dma_start3A_1800 : memref<1x1x1x128xi32, #tpu.memory_space<vmem>> -> memref<128xi32, #tpu.memory_space<vmem>>
        %dma_start3A_1802 = arith.constant 0 : i32
        %dma_start3A_1803 = tpu.memref_slice %arg7[%dma_start3A_1802] : memref<100352xf32, #tpu.memory_space<vmem_shared>> -> memref<100352xf32, #tpu.memory_space<vmem_shared>>
        tpu.enqueue_indirect_dma source(%dma_start3A_1798 : memref<128xf32, #tpu.memory_space<vmem>>) target(%dma_start3A_1803 : memref<100352xf32, #tpu.memory_space<vmem_shared>>) offsets(%dma_start3A_1801 : memref<128xi32, #tpu.memory_space<vmem>>) semaphore(%arg14 : memref<!tpu.dma_semaphore, #tpu.memory_space<semaphore_mem>>) {add = true}
        %dma_start3A_1804 = arith.constant 7 : i32
        %dma_start3A_1805 = arith.constant 7 : i32
        %dma_start3A_1806 = arith.constant 1 : i32
        %dma_start3A_1807 = arith.constant 0 : i32
        %dma_start3A_1808 = tpu.memref_slice %arg11[%rem3A_667, %dma_start3A_1804, %dma_start3A_1807] : memref<3x8x128xf32, #tpu.memory_space<vmem>> -> memref<1x1x128xf32, #tpu.memory_space<vmem>>
        %dma_start3A_1809 = tpu.memref_squeeze %dma_start3A_1808 : memref<1x1x128xf32, #tpu.memory_space<vmem>> -> memref<128xf32, #tpu.memory_space<vmem>>
        %dma_start3A_1810 = arith.constant 0 : i32
        %dma_start3A_1811 = tpu.memref_slice %arg10[%rem3A_667, %dma_start3A_1805, %dma_start3A_1806, %dma_start3A_1810] : memref<3x8x2x128xi32, #tpu.memory_space<vmem>> -> memref<1x1x1x128xi32, #tpu.memory_space<vmem>>
        %dma_start3A_1812 = tpu.memref_squeeze %dma_start3A_1811 : memref<1x1x1x128xi32, #tpu.memory_space<vmem>> -> memref<128xi32, #tpu.memory_space<vmem>>
        %dma_start3A_1813 = arith.constant 0 : i32
        %dma_start3A_1814 = tpu.memref_slice %arg7[%dma_start3A_1813] : memref<100352xf32, #tpu.memory_space<vmem_shared>> -> memref<100352xf32, #tpu.memory_space<vmem_shared>>
        tpu.enqueue_indirect_dma source(%dma_start3A_1809 : memref<128xf32, #tpu.memory_space<vmem>>) target(%dma_start3A_1814 : memref<100352xf32, #tpu.memory_space<vmem_shared>>) offsets(%dma_start3A_1812 : memref<128xi32, #tpu.memory_space<vmem>>) semaphore(%arg14 : memref<!tpu.dma_semaphore, #tpu.memory_space<semaphore_mem>>) {add = true}
      } else {
      }
      %while3A_674 = arith.constant 0 : i32
      scf.yield %while3A_674 : i32
    }
    %barrier3A_650 = arith.constant 0 : index
    tpu.barrier barrier_id(%barrier3A_650)
    %mul3A_651 = arith.constant 100352 : i32
    %mul3A_652 = arith.muli %arg0, %mul3A_651 : i32
    %add3A_653 = arith.addi %mul3A_652, %mul3A_390 : i32
    %dma_start3A_654 = tpu.memref_slice %arg5[%add3A_653] : memref<200704xf32, #tpu.memory_space<hbm>> -> memref<6272xf32, #tpu.memory_space<hbm>>
    %dma_start3A_655 = tpu.memref_slice %arg7[%mul3A_390] : memref<100352xf32, #tpu.memory_space<vmem_shared>> -> memref<6272xf32, #tpu.memory_space<vmem_shared>>
    tpu.enqueue_dma source(%dma_start3A_655 : memref<6272xf32, #tpu.memory_space<vmem_shared>>) target(%dma_start3A_654 : memref<6272xf32, #tpu.memory_space<hbm>>) target_semaphore(%arg15 : memref<!tpu.dma_semaphore, #tpu.memory_space<semaphore_mem>>)
    %dma_wait3A_656 = tpu.memref_slice %arg5[%add3A_653] : memref<200704xf32, #tpu.memory_space<hbm>> -> memref<6272xf32, #tpu.memory_space<hbm>>
    %dma_wait3A_657 = tpu.memref_slice %arg7[%mul3A_390] : memref<100352xf32, #tpu.memory_space<vmem_shared>> -> memref<6272xf32, #tpu.memory_space<vmem_shared>>
    tpu.wait_dma2 semaphore(%arg15 : memref<!tpu.dma_semaphore, #tpu.memory_space<semaphore_mem>>) src(%dma_wait3A_657 : memref<6272xf32, #tpu.memory_space<vmem_shared>>) dst(%dma_wait3A_656 : memref<6272xf32, #tpu.memory_space<hbm>>)
    %mul3A_658 = arith.constant 100352 : i32
    %mul3A_659 = arith.muli %arg0, %mul3A_658 : i32
    %add3A_660 = arith.addi %mul3A_659, %mul3A_390 : i32
    %dma_start3A_661 = tpu.memref_slice %arg6[%add3A_660] : memref<200704xf32, #tpu.memory_space<hbm>> -> memref<6272xf32, #tpu.memory_space<hbm>>
    %dma_start3A_662 = tpu.memref_slice %arg8[%mul3A_390] : memref<100352xf32, #tpu.memory_space<vmem_shared>> -> memref<6272xf32, #tpu.memory_space<vmem_shared>>
    tpu.enqueue_dma source(%dma_start3A_662 : memref<6272xf32, #tpu.memory_space<vmem_shared>>) target(%dma_start3A_661 : memref<6272xf32, #tpu.memory_space<hbm>>) target_semaphore(%arg15 : memref<!tpu.dma_semaphore, #tpu.memory_space<semaphore_mem>>)
    %dma_wait3A_663 = tpu.memref_slice %arg6[%add3A_660] : memref<200704xf32, #tpu.memory_space<hbm>> -> memref<6272xf32, #tpu.memory_space<hbm>>
    %dma_wait3A_664 = tpu.memref_slice %arg8[%mul3A_390] : memref<100352xf32, #tpu.memory_space<vmem_shared>> -> memref<6272xf32, #tpu.memory_space<vmem_shared>>
    tpu.wait_dma2 semaphore(%arg15 : memref<!tpu.dma_semaphore, #tpu.memory_space<semaphore_mem>>) src(%dma_wait3A_664 : memref<6272xf32, #tpu.memory_space<vmem_shared>>) dst(%dma_wait3A_663 : memref<6272xf32, #tpu.memory_space<hbm>>)
    return
  }
}

module attributes {stable_mosaic.version = 14 : i64} {
  func.func @_tc_pool_body(%arg0: i32, %arg1: memref<2x1x1x2048xf32, #tpu.memory_space<vmem>>, %arg2: memref<2x1x1x2048xf32, #tpu.memory_space<vmem>>, %arg3: memref<1x1x2048xf32, #tpu.memory_space<vmem>>, %arg4: memref<1x1x2048xi32, #tpu.memory_space<vmem>>, %arg5: memref<1x128xf32, #tpu.memory_space<vmem>>, %arg6: memref<1x128xf32, #tpu.memory_space<vmem>>, %arg7: memref<1x128xf32, #tpu.memory_space<vmem>>, %arg8: memref<64x128xf32, #tpu.memory_space<vmem>>) attributes {dimension_semantics = [#tpu.dimension_semantics<arbitrary>], iteration_bounds = array<i64: 49>, scalar_prefetch = 0 : i64, scratch_operands = 0 : i64, tpu.core_type = #tpu.core_type<tc>, window_params = [{transform_indices = @transform_0, window_bounds = array<i64: 2, 1, 1, 2048>}, {transform_indices = @transform_1, window_bounds = array<i64: 2, 1, 1, 2048>}, {transform_indices = @transform_2, window_bounds = array<i64: 1, 1, 2048>}, {transform_indices = @transform_3, window_bounds = array<i64: 1, 1, 2048>}, {pipeline_mode = #tpu.pipeline_mode<synchronous>, transform_indices = @transform_4, window_bounds = array<i64: 1, 128>}, {pipeline_mode = #tpu.pipeline_mode<synchronous>, transform_indices = @transform_5, window_bounds = array<i64: 1, 128>}, {pipeline_mode = #tpu.pipeline_mode<synchronous>, transform_indices = @transform_6, window_bounds = array<i64: 1, 128>}, {pipeline_mode = #tpu.pipeline_mode<synchronous>, transform_indices = @transform_7, window_bounds = array<i64: 64, 128>}]} {
    %eq3A = arith.constant 0 : i32
    %eq3A_0 = arith.cmpi eq, %arg0, %eq3A : i32
    %convert_element_type3A = arith.extui %eq3A_0 : i1 to i32
    %cond3A = arith.constant 0 : i32
    %cond3A_1 = arith.cmpi ne, %convert_element_type3A, %cond3A : i32
    scf.if %cond3A_1 {
      %broadcast_in_dim3A = arith.constant 0xFF800000 : f32
      %broadcast_in_dim3A_74 = vector.broadcast %broadcast_in_dim3A : f32 to vector<64x128xf32>
      %swap3A = arith.constant 0 : index
      %swap3A_75 = arith.constant 0 : index
      %swap3A_76 = vector.load %arg8[%swap3A, %swap3A_75] : memref<64x128xf32, #tpu.memory_space<vmem>>, vector<64x128xf32>
      tpu.vector_store %arg8[%swap3A, %swap3A_75], %broadcast_in_dim3A_74 {strides = array<i32>} : memref<64x128xf32, #tpu.memory_space<vmem>>, vector<64x128xf32>,
    } else {
    }
    %get3A = arith.constant 0 : index
    %get3A_2 = arith.constant 0 : index
    %get3A_3 = arith.constant 0 : index
    %get3A_4 = arith.constant 0 : index
    %get3A_5 = vector.load %arg1[%get3A, %get3A_2, %get3A_3, %get3A_4] : memref<2x1x1x2048xf32, #tpu.memory_space<vmem>>, vector<1x1x1x2048xf32>
    %get3A_6 = vector.shape_cast %get3A_5 : vector<1x1x1x2048xf32> to vector<1x2048xf32>
    %get3A_7 = arith.constant 1 : index
    %get3A_8 = arith.constant 0 : index
    %get3A_9 = arith.constant 0 : index
    %get3A_10 = arith.constant 0 : index
    %get3A_11 = vector.load %arg1[%get3A_7, %get3A_8, %get3A_9, %get3A_10] : memref<2x1x1x2048xf32, #tpu.memory_space<vmem>>, vector<1x1x1x2048xf32>
    %get3A_12 = vector.shape_cast %get3A_11 : vector<1x1x1x2048xf32> to vector<1x2048xf32>
    %add3A = arith.addf %get3A_6, %get3A_12 : vector<1x2048xf32>
    %get3A_13 = arith.constant 0 : index
    %get3A_14 = arith.constant 0 : index
    %get3A_15 = arith.constant 0 : index
    %get3A_16 = arith.constant 0 : index
    %get3A_17 = vector.load %arg2[%get3A_13, %get3A_14, %get3A_15, %get3A_16] : memref<2x1x1x2048xf32, #tpu.memory_space<vmem>>, vector<1x1x1x2048xf32>
    %get3A_18 = vector.shape_cast %get3A_17 : vector<1x1x1x2048xf32> to vector<1x2048xf32>
    %get3A_19 = arith.constant 1 : index
    %get3A_20 = arith.constant 0 : index
    %get3A_21 = arith.constant 0 : index
    %get3A_22 = arith.constant 0 : index
    %get3A_23 = vector.load %arg2[%get3A_19, %get3A_20, %get3A_21, %get3A_22] : memref<2x1x1x2048xf32, #tpu.memory_space<vmem>>, vector<1x1x1x2048xf32>
    %get3A_24 = vector.shape_cast %get3A_23 : vector<1x1x1x2048xf32> to vector<1x2048xf32>
    %add3A_25 = arith.addf %get3A_18, %get3A_24 : vector<1x2048xf32>
    %max3A = arith.constant 1.000000e+00 : f32
    %max3A_26 = vector.broadcast %max3A : f32 to vector<1x2048xf32>
    %max3A_27 = arith.maximumf %add3A_25, %max3A_26 : vector<1x2048xf32>
    %div3A = arith.divf %add3A, %max3A_27 : vector<1x2048xf32>
    %get3A_28 = arith.constant 0 : index
    %get3A_29 = arith.constant 0 : index
    %get3A_30 = arith.constant 0 : index
    %get3A_31 = vector.load %arg3[%get3A_28, %get3A_29, %get3A_30] : memref<1x1x2048xf32, #tpu.memory_space<vmem>>, vector<1x1x2048xf32>
    %get3A_32 = vector.shape_cast %get3A_31 : vector<1x1x2048xf32> to vector<1x2048xf32>
    %get3A_33 = arith.constant 0 : index
    %get3A_34 = arith.constant 0 : index
    %get3A_35 = arith.constant 0 : index
    %get3A_36 = vector.load %arg4[%get3A_33, %get3A_34, %get3A_35] : memref<1x1x2048xi32, #tpu.memory_space<vmem>>, vector<1x1x2048xi32>
    %get3A_37 = vector.shape_cast %get3A_36 : vector<1x1x2048xi32> to vector<1x2048xi32>
    %reshape3A = vector.shape_cast %div3A : vector<1x2048xf32> to vector<2048x1xf32>
    %reshape3A_38 = vector.shape_cast %get3A_32 : vector<1x2048xf32> to vector<2048x1xf32>
    %get3A_39 = arith.constant 0 : index
    %get3A_40 = arith.constant 0 : index
    %get3A_41 = vector.load %arg5[%get3A_39, %get3A_40] : memref<1x128xf32, #tpu.memory_space<vmem>>, vector<1x128xf32>
    %mul3A = vector.broadcast %reshape3A : vector<2048x1xf32> to vector<2048x128xf32>
    %mul3A_42 = vector.broadcast %get3A_41 : vector<1x128xf32> to vector<2048x128xf32>
    %mul3A_43 = arith.mulf %mul3A, %mul3A_42 : vector<2048x128xf32>
    %get3A_44 = arith.constant 0 : index
    %get3A_45 = arith.constant 0 : index
    %get3A_46 = vector.load %arg6[%get3A_44, %get3A_45] : memref<1x128xf32, #tpu.memory_space<vmem>>, vector<1x128xf32>
    %mul3A_47 = vector.broadcast %reshape3A_38 : vector<2048x1xf32> to vector<2048x128xf32>
    %mul3A_48 = vector.broadcast %get3A_46 : vector<1x128xf32> to vector<2048x128xf32>
    %mul3A_49 = arith.mulf %mul3A_47, %mul3A_48 : vector<2048x128xf32>
    %add3A_50 = arith.addf %mul3A_43, %mul3A_49 : vector<2048x128xf32>
    %reshape3A_51 = vector.shape_cast %get3A_37 : vector<1x2048xi32> to vector<2048x1xi32>
    %slice3A = vector.extract_strided_slice %get3A_37 {offsets = [0, 0], sizes = [1, 1], strides = [1, 1]} : vector<1x2048xi32> to vector<1x1xi32>
    %squeeze3A = vector.extract %slice3A[0, 0] : i32 from vector<1x1xi32>
    %min3A = arith.constant 63 : i32
    %min3A_52 = arith.minsi %squeeze3A, %min3A : i32
    %slice3A_53 = vector.extract_strided_slice %get3A_37 {offsets = [0, 2047], sizes = [1, 1], strides = [1, 1]} : vector<1x2048xi32> to vector<1x1xi32>
    %squeeze3A_54 = vector.extract %slice3A_53[0, 0] : i32 from vector<1x1xi32>
    %min3A_55 = arith.constant 63 : i32
    %min3A_56 = arith.minsi %squeeze3A_54, %min3A_55 : i32
    %add3A_57 = arith.constant 1 : i32
    %add3A_58 = arith.addi %min3A_56, %add3A_57 : i32
    %while3A = arith.constant 0 : i32
    %while3A_59 = arith.subi %add3A_58, %min3A_52 : i32
    %while3A_60 = arith.addi %min3A_52, %while3A_59 : i32
    %while3A_61 = arith.constant 1 : i32
    %while3A_62 = arith.divsi %while3A_59, %while3A_61 : i32
    %while3A_63 = arith.muli %while3A_62, %while3A_61 : i32
    %while3A_64 = arith.addi %min3A_52, %while3A_63 : i32
    %while3A_65 = arith.constant 1 : i32
    %while3A_66 = scf.for %while3A_74 = %min3A_52 to %while3A_64 step %while3A_65 iter_args(%while3A_75 = %while3A) -> (i32)  : i32 {
      %eq3A_76 = vector.broadcast %while3A_74 : i32 to vector<2048x1xi32>
      %eq3A_77 = arith.cmpi eq, %reshape3A_51, %eq3A_76 : vector<2048x1xi32>
      %jit3A = arith.constant 0xFF800000 : f32
      %broadcast_in_dim3A = vector.shape_cast %eq3A_77 : vector<2048x1xi1> to vector<2048x1xi1>
      %broadcast_in_dim3A_78 = vector.broadcast %broadcast_in_dim3A : vector<2048x1xi1> to vector<2048x128xi1>
      %broadcast_in_dim3A_79 = vector.broadcast %jit3A : f32 to vector<2048x128xf32>
      %select_n3A = arith.select %broadcast_in_dim3A_78, %add3A_50, %broadcast_in_dim3A_79 : vector<2048x128xi1>, vector<2048x128xf32>
      %reduce_max3A = arith.constant dense<0xFF800000> : vector<128xf32>
      %reduce_max3A_80 = vector.multi_reduction <maximumf>, %select_n3A, %reduce_max3A [0] : vector<2048x128xf32> to vector<128xf32>
      %broadcast_in_dim3A_81 = vector.shape_cast %reduce_max3A_80 : vector<128xf32> to vector<1x128xf32>
      %get3A_82 = arith.index_cast %while3A_74 : i32 to index
      %get3A_83 = arith.constant 0 : index
      %get3A_84 = vector.load %arg8[%get3A_82, %get3A_83] : memref<64x128xf32, #tpu.memory_space<vmem>>, vector<1x128xf32>
      %max3A_85 = arith.maximumf %get3A_84, %broadcast_in_dim3A_81 : vector<1x128xf32>
      %swap3A = arith.index_cast %while3A_74 : i32 to index
      %swap3A_86 = arith.constant 0 : index
      %swap3A_87 = vector.load %arg8[%swap3A, %swap3A_86] : memref<64x128xf32, #tpu.memory_space<vmem>>, vector<1x128xf32>
      tpu.vector_store %arg8[%swap3A, %swap3A_86], %max3A_85 {strides = array<i32>} : memref<64x128xf32, #tpu.memory_space<vmem>>, vector<1x128xf32>,
      %while3A_88 = arith.constant 0 : i32
      scf.yield %while3A_88 : i32
    }
    %while3A_67 = arith.constant 1 : i32
    %while3A_68 = scf.for %while3A_74 = %while3A_64 to %while3A_60 step %while3A_67 iter_args(%while3A_75 = %while3A_66) -> (i32)  : i32 {
      %eq3A_76 = vector.broadcast %while3A_74 : i32 to vector<2048x1xi32>
      %eq3A_77 = arith.cmpi eq, %reshape3A_51, %eq3A_76 : vector<2048x1xi32>
      %jit3A = arith.constant 0xFF800000 : f32
      %broadcast_in_dim3A = vector.shape_cast %eq3A_77 : vector<2048x1xi1> to vector<2048x1xi1>
      %broadcast_in_dim3A_78 = vector.broadcast %broadcast_in_dim3A : vector<2048x1xi1> to vector<2048x128xi1>
      %broadcast_in_dim3A_79 = vector.broadcast %jit3A : f32 to vector<2048x128xf32>
      %select_n3A = arith.select %broadcast_in_dim3A_78, %add3A_50, %broadcast_in_dim3A_79 : vector<2048x128xi1>, vector<2048x128xf32>
      %reduce_max3A = arith.constant dense<0xFF800000> : vector<128xf32>
      %reduce_max3A_80 = vector.multi_reduction <maximumf>, %select_n3A, %reduce_max3A [0] : vector<2048x128xf32> to vector<128xf32>
      %broadcast_in_dim3A_81 = vector.shape_cast %reduce_max3A_80 : vector<128xf32> to vector<1x128xf32>
      %get3A_82 = arith.index_cast %while3A_74 : i32 to index
      %get3A_83 = arith.constant 0 : index
      %get3A_84 = vector.load %arg8[%get3A_82, %get3A_83] : memref<64x128xf32, #tpu.memory_space<vmem>>, vector<1x128xf32>
      %max3A_85 = arith.maximumf %get3A_84, %broadcast_in_dim3A_81 : vector<1x128xf32>
      %swap3A = arith.index_cast %while3A_74 : i32 to index
      %swap3A_86 = arith.constant 0 : index
      %swap3A_87 = vector.load %arg8[%swap3A, %swap3A_86] : memref<64x128xf32, #tpu.memory_space<vmem>>, vector<1x128xf32>
      tpu.vector_store %arg8[%swap3A, %swap3A_86], %max3A_85 {strides = array<i32>} : memref<64x128xf32, #tpu.memory_space<vmem>>, vector<1x128xf32>,
      %while3A_88 = arith.constant 0 : i32
      scf.yield %while3A_88 : i32
    }
    %eq3A_69 = arith.constant 48 : i32
    %eq3A_70 = arith.cmpi eq, %arg0, %eq3A_69 : i32
    %convert_element_type3A_71 = arith.extui %eq3A_70 : i1 to i32
    %cond3A_72 = arith.constant 0 : i32
    %cond3A_73 = arith.cmpi ne, %convert_element_type3A_71, %cond3A_72 : i32
    scf.if %cond3A_73 {
      %get3A_74 = arith.constant 0 : index
      %get3A_75 = arith.constant 0 : index
      %get3A_76 = vector.load %arg8[%get3A_74, %get3A_75] : memref<64x128xf32, #tpu.memory_space<vmem>>, vector<64x128xf32>
      %get3A_77 = arith.constant 0 : index
      %get3A_78 = arith.constant 0 : index
      %get3A_79 = vector.load %arg7[%get3A_77, %get3A_78] : memref<1x128xf32, #tpu.memory_space<vmem>>, vector<1x128xf32>
      %add3A_80 = vector.broadcast %get3A_79 : vector<1x128xf32> to vector<64x128xf32>
      %add3A_81 = arith.addf %get3A_76, %add3A_80 : vector<64x128xf32>
      %swap3A = arith.constant 0 : index
      %swap3A_82 = arith.constant 0 : index
      %swap3A_83 = vector.load %arg8[%swap3A, %swap3A_82] : memref<64x128xf32, #tpu.memory_space<vmem>>, vector<64x128xf32>
      tpu.vector_store %arg8[%swap3A, %swap3A_82], %add3A_81 {strides = array<i32>} : memref<64x128xf32, #tpu.memory_space<vmem>>, vector<64x128xf32>,
    } else {
    }
    return
  }
  func.func @transform_0(%arg0: i32) -> (i32, i32, i32, i32) {
    %c0_i32 = arith.constant 0 : i32
    %c0_i32_0 = arith.constant 0 : i32
    %c0_i32_1 = arith.constant 0 : i32
    %c0_i32_2 = arith.constant 0 : i32
    return %c0_i32, %arg0, %c0_i32_0, %c0_i32_1 : i32, i32, i32, i32
  }
  func.func @transform_1(%arg0: i32) -> (i32, i32, i32, i32) {
    %c0_i32 = arith.constant 0 : i32
    %c0_i32_0 = arith.constant 0 : i32
    %c0_i32_1 = arith.constant 0 : i32
    %c0_i32_2 = arith.constant 0 : i32
    return %c0_i32, %arg0, %c0_i32_0, %c0_i32_1 : i32, i32, i32, i32
  }
  func.func @transform_2(%arg0: i32) -> (i32, i32, i32) {
    %c0_i32 = arith.constant 0 : i32
    %c0_i32_0 = arith.constant 0 : i32
    %c0_i32_1 = arith.constant 0 : i32
    return %arg0, %c0_i32, %c0_i32_0 : i32, i32, i32
  }
  func.func @transform_3(%arg0: i32) -> (i32, i32, i32) {
    %c0_i32 = arith.constant 0 : i32
    %c0_i32_0 = arith.constant 0 : i32
    %c0_i32_1 = arith.constant 0 : i32
    return %arg0, %c0_i32, %c0_i32_0 : i32, i32, i32
  }
  func.func @transform_4(%arg0: i32) -> (i32, i32) {
    %c0_i32 = arith.constant 0 : i32
    %c0_i32_0 = arith.constant 0 : i32
    %c0_i32_1 = arith.constant 0 : i32
    return %c0_i32, %c0_i32_0 : i32, i32
  }
  func.func @transform_5(%arg0: i32) -> (i32, i32) {
    %c0_i32 = arith.constant 0 : i32
    %c0_i32_0 = arith.constant 0 : i32
    %c0_i32_1 = arith.constant 0 : i32
    return %c0_i32, %c0_i32_0 : i32, i32
  }
  func.func @transform_6(%arg0: i32) -> (i32, i32) {
    %c0_i32 = arith.constant 0 : i32
    %c0_i32_0 = arith.constant 0 : i32
    %c0_i32_1 = arith.constant 0 : i32
    return %c0_i32, %c0_i32_0 : i32, i32
  }
  func.func @transform_7(%arg0: i32) -> (i32, i32) {
    %c0_i32 = arith.constant 0 : i32
    %c0_i32_0 = arith.constant 0 : i32
    %c0_i32_1 = arith.constant 0 : i32
    return %c0_i32, %c0_i32_0 : i32, i32
  }
}

</mosaic_0001>

<sc_bundles>
// kernel: kernel.4.cloned.1.call-start
scs
__scs_entry_jumppad:
0x0: {  	(pc) =	sbr.rel $0x88, $3  }
0x1: {  	(tag) =	ssettag $0x0;
	lr =	simm.s32 $0x1  }
0x2: {  	[smem:$0x3F9B] =	sst lr;
	_ =	strace $0xD0000000  }
0x3: {  	_ = 	snop  }
0x4: {  	_ = 	snop  }
0x5: {  	_ = 	snop  }
0x6: {  	_ = 	snop  }
0x7: {  	_ = 	snop  }
__scs_overlays_trampoline_lowered:
0x8: {  	[smem:$0x3FAA] =	sst s0  }
0x9: {  	[smem:$0x3FAB] =	sst s1  }
0xa: {  	[smem:$0x3FAC] =	sst s2  }
0xb: {  	[smem:$0x3FAD] =	sst s3  }
0xc: {  	[smem:$0x3FAE] =	sst s4  }
0xd: {  	[smem:$0x3FAF] =	sst s5  }
0xe: {  	[smem:$0x3FB0] =	sst s6  }
0xf: {  	[smem:$0x3FB1] =	sst s7  }
0x10: {  	[smem:$0x3FB2] =	sst s8  }
0x11: {  	[smem:$0x3FB3] =	sst s9;
	s0 =	simm.s32 @!p0 $0x0  }
0x12: {  	s1 =	sld [smem:$0x3F99];
	s0 =	simm.s32 @p0 $0x1  }
0x13: {  	[smem:$0x3FB4] =	sst s0;
	s0 =	simm.s32 @!p1 $0x0  }
0x14: {  	s2 =	sld [smem:$0x3F98];
	s0 =	simm.s32 @p1 $0x1  }
0x15: {  	[smem:$0x3FB5] =	sst s0;
	s0 =	simm.s32 @!p2 $0x0  }
0x16: {  	s3 =	sld [smem:$0x3FDB];
	s0 =	simm.s32 @p2 $0x1  }
0x17: {  	s4 =	simm.s32 $0x1BF5;
	[smem:$0x3FB7] =	sst s0  }
0x18: {  	s0 =	sld [smem:$0x3F9A];
	_ =	swait.ge [sflag:s4], $0x0  }
0x19: {  	s7 =	sld [smem:$0x3F9B]  }
0x1a: {  	s8 =	sadd.s32 $0xFFFFE003, lr  }
0x1b: {  	s9 =	sadd.s32 $0xFFFFFEF7, lr;
	s5 =	simm.s32 $0xFFFFFFFF;
	p2 =	slt.u32 s8, $0xFFFFF086  }
0x1c: {  	p1 =	slt.u32 s9, $0xF7A;
	s5 =	simm.s32 @!p2 $0x0  }
0x1d: {  	s5 =	simm.s32 @p1 $0x1;
	p0 =	seq.s32 s7, s2  }
0x1e: {  	s7 =	smul.u32 @!p0 $0xF7A, s2;
	p2 =	seq.s32 @!p0 s5, $0x0  }
0x1f: {  	s9 =	smul.u32 $0xF7A, s1;
	s8 =	simm.s32 @!p0 $0x1BF5;
	p2 =	por !p2, p0  }
0x20: {  	[sflag:s8] =	ssyncset.s32 @!p0 $0xFFFFF086;
	s6 =	sadd.s32 @!p0 s3, s7;
	s7 =	simm.s32 @!p0 $0x108  }
0x21: {  	s3 =	sadd.s32 s3, s9;
	s6 =	sadd.s32 @!p0 $0x88, s6;
	s7 =	simm.s32 @p2 $0x1082  }
0x22: {  	[simem:s7], [sflag:s8] =	dma.local @!p0 [hbm:s6], $0xF7A  }
0x23: {  	s9 =	sor.u32 $0xD0000000, s2;
	s6 =	simm.s32 $0x108;
	_ =	swait.ge @!p0 [sflag:s8], $0x0  }
0x24: {  	s3 =	sadd.s32 $0x88, s3;
	s6 =	simm.s32 @!p1 $0x1082;
	[sflag:s4] =	ssyncset.s32 $0xFFFFF086  }
0x25: {  	[simem:s6], [sflag:s4] =	dma.local [hbm:s3], $0xF7A  }
0x26: {  	[smem:$0x3F9B] =	sst s1;
	(tag) =	ssettag s2;
	_ =	strace s9  }
0x27: {  	s1 =	sld [smem:$0x3FAB]  }
0x28: {  	s2 =	sld [smem:$0x3FAC]  }
0x29: {  	s4 =	sld [smem:$0x3FAE]  }
0x2a: {  	p0 =	seq.s32 s5, $0x0;
	s5 =	sld [smem:$0x3FAF]  }
0x2b: {  	s6 =	sld [smem:$0x3FB0]  }
0x2c: {  	s7 =	sld [smem:$0x3FB1]  }
0x2d: {  	s3 =	simm.s32 $0x108;
	s8 =	sld [smem:$0x3FB2]  }
0x2e: {  	s3 =	simm.s32 @!p0 $0x1082;
	s9 =	sld [smem:$0x3FB3]  }
0x2f: {  	lr =	sadd.s32 s0, s3;
	s0 =	sld [smem:$0x3FAA]  }
0x30: {  	s3 =	sld [smem:$0x3FAD]  }
0x31: {  	[smem:$0x3FB6] =	sst s10  }
0x32: {  	s10 =	sld [smem:$0x3FB4];
	_ =	sdelay $0x3  }
0x33: {  	p0 =	seq.s32 s10, $0x1;
	s10 =	sld [smem:$0x3FB6];
	_ =	sdelay $0x3  }
0x34: {  	[smem:$0x3FB6] =	sst s10  }
0x35: {  	s10 =	sld [smem:$0x3FB5];
	_ =	sdelay $0x3  }
0x36: {  	p1 =	seq.s32 s10, $0x1;
	s10 =	sld [smem:$0x3FB6];
	_ =	sdelay $0x3  }
0x37: {  	[smem:$0x3FB6] =	sst s10  }
0x38: {  	s10 =	sld [smem:$0x3FB7]  }
0x39: {  	_ = 	snop;
	(pc) =	sbr.ind lr, $3  }
0x3a: {  	_ = 	snop  }
0x3b: {  	_ = 	snop  }
0x3c: {  	p2 =	seq.s32 s10, $0x1;
	s10 =	sld [smem:$0x3FB6]  }
0x3d: {  	_ =	shalt  }
0x3e: {  	_ =	shalt  }
0x3f: {  	_ =	shalt  }
0x40: {  	_ =	shalt  }
0x41: {  	_ =	shalt  }
0x42: {  	_ =	shalt  }
0x43: {  	_ =	shalt  }
0x44: {  	_ =	shalt  }
0x45: {  	_ =	shalt  }
0x46: {  	_ =	shalt  }
0x47: {  	_ =	shalt  }
0x48: {  	_ =	shalt  }
0x49: {  	_ =	shalt  }
0x4a: {  	_ =	shalt  }
0x4b: {  	_ =	shalt  }
0x4c: {  	_ =	shalt  }
0x4d: {  	_ =	shalt  }
0x4e: {  	_ =	shalt  }
0x4f: {  	_ =	shalt  }
0x50: {  	_ =	shalt  }
0x51: {  	_ =	shalt  }
0x52: {  	_ =	shalt  }
0x53: {  	_ =	shalt  }
0x54: {  	_ =	shalt  }
0x55: {  	_ =	shalt  }
0x56: {  	_ =	shalt  }
0x57: {  	_ =	shalt  }
0x58: {  	_ =	shalt  }
0x59: {  	_ =	shalt  }
0x5a: {  	_ =	shalt  }
0x5b: {  	_ =	shalt  }
0x5c: {  	_ =	shalt  }
0x5d: {  	_ =	shalt  }
0x5e: {  	_ =	shalt  }
0x5f: {  	_ =	shalt  }
0x60: {  	_ =	shalt  }
0x61: {  	_ =	shalt  }
0x62: {  	_ =	shalt  }
0x63: {  	_ =	shalt  }
0x64: {  	_ =	shalt  }
0x65: {  	_ =	shalt  }
0x66: {  	_ =	shalt  }
0x67: {  	_ =	shalt  }
0x68: {  	_ =	shalt  }
0x69: {  	_ =	shalt  }
0x6a: {  	_ =	shalt  }
0x6b: {  	_ =	shalt  }
0x6c: {  	_ =	shalt  }
0x6d: {  	_ =	shalt  }
0x6e: {  	_ =	shalt  }
0x6f: {  	_ =	shalt  }
0x70: {  	_ =	shalt  }
0x71: {  	_ =	shalt  }
0x72: {  	_ =	shalt  }
0x73: {  	_ =	shalt  }
0x74: {  	_ =	shalt  }
0x75: {  	_ =	shalt  }
0x76: {  	_ =	shalt  }
0x77: {  	_ =	shalt  }
0x78: {  	_ =	shalt  }
0x79: {  	_ =	shalt  }
0x7a: {  	_ =	shalt  }
0x7b: {  	_ =	shalt  }
0x7c: {  	_ =	shalt  }
0x7d: {  	_ =	shalt  }
0x7e: {  	_ =	shalt  }
0x7f: {  	_ =	shalt  }
0x80: {  	_ =	shalt  }
0x81: {  	_ =	shalt  }
0x82: {  	_ =	shalt  }
0x83: {  	_ =	shalt  }
0x84: {  	_ =	shalt  }
0x85: {  	_ =	shalt  }
0x86: {  	_ =	shalt  }
0x87: {  	_ =	shalt  }
.Lfunc_end0:
.L_simem_size_0:
called_computation_lowered:
.L_overlay_start_0:
0x88: {  	s2 =	sld [smem:$0x3FD9]  }
0x89: {  	s3 =	sld [smem:$0x3FFE];
	_ =	sdelay $0x1  }
0x8a: {  	s1 =	srdreg.scid  }
0x8b: {  	s0 =	sand.u32 $0x1, s1  }
0x8c: {  	s17 =	sshll.u32 s0, $0xA;
	s2 =	sadd.s32 s3, s2  }
0x8d: {  	s2 =	sadd.s32 s2, s17  }
0x8e: {  	[smem:$0x3FC2] =	sst s2  }
0x8f: {  	_ = 	snop  }
0x90: {  	s2 =	sld [smem:$0x3FC8];
	(tm) =	ssettm $0x1  }
0x91: {  	s18 =	sld [smem:$0x3FFB];
	_ =	sdelay $0x3  }
0x92: {  	_ =	strace s18  }
0x93: {  	s3 =	sld [smem:$0x3FFC];
	_ =	sdelay $0x3  }
0x94: {  	_ =	strace s3  }
0x95: {  	s3 =	sld [smem:$0x3FFD];
	_ =	sdelay $0x3  }
0x96: {  	_ =	strace s3  }
0x97: {  	_ =	strace $0x8FFFFFFF  }
0x98: {  	s19 =	sld [smem:$0x3FDB];
	_ =	sdelay $0x1  }
0x99: {  	s4 =	simm.s32 $_scs_section_size  }
0x9a: {  	s5 =	simm.s32 $_size__tile_overlayer_lowered;
	s6 =	simm.s32 $_tile_overlayer_lowered  }
0x9b: {  	s22 =	simm.s32 $0x1BFF;
	s21 =	sshll.u32 s6, $0x1;
	s3 =	sadd.s32 s4, s19  }
0x9c: {  	s7 =	simm.s32 $0x0;
	s20 =	sshll.u32 s5, $0x1;
	s5 =	sadd.s32 s21, s3  }
0x9d: {  	[timem:s7], [sflag:s22] =	dma.local [hbm:s5], s20  }
0x9e: {  	_ =	swait.ge [sflag:s22], s20  }
0x9f: {  	s4 =	ssub.s32 $0x0, s20;
	[sflag:s22] =	ssyncset.done $0x0  }
0xa0: {  	[sflag:s22] =	ssyncadd.s32 s4;
	_ =	sdelay $0x1  }
0xa1: {  	s23 =	simm.s32 $0x1B8B  }
0xa2: {  	_ =	swait.ge [sflag:s23], $0x1  }
0xa3: {  	[sflag:s23] =	ssyncset.done $0x0  }
0xa4: {  	s25 =	simm.s32 $0x1B8E;
	s24 =	sld [smem:$0x3FFE];
	[sflag:s23] =	ssyncadd.s32 $0xFFFFFFFF  }
0xa5: {  	s26 =	simm.s32 $execute0_lowered;
	[smem:$0x3FD2] =	sst s25  }
0xa6: {  	s5 =	sshll.u32 s26, $0x1;
	_ =	strace $0x80000046;
	[dreg:$0x1] =	wrdreg $0xFFFFFFFF  }
0xa7: {  	s28 =	simm.s32 $_size_execute0_lowered;
	s3 =	sadd.s32 s3, s5;
	[dreg:$0x0] =	wrdreg $0x0  }
0xa8: {  	s5 =	sshll.u32 s28, $0x1;
	[dreg:$0x2] =	wrdreg s3  }
0xa9: {  	[dreg:$0x3] =	wrdreg s5  }
0xaa: {  	[dreg:$0x4] =	wrdreg $0xC0  }
0xab: {  	_ =	task [dreg:s7], $0x5FFFF  }
0xac: {  	[dreg:$0x1] =	wrdreg $0xFFFFFFFF  }
0xad: {  	[dreg:$0x0] =	wrdreg $0x60  }
0xae: {  	[dreg:$0x2] =	wrdreg s24  }
0xaf: {  	[dreg:$0x3] =	wrdreg s2  }
0xb0: {  	[dreg:$0x4] =	wrdreg $0x0  }
0xb1: {  	[dreg:$0x5] =	wrdreg $0x18800  }
0xb2: {  	[dreg:$0x6] =	wrdreg $0x9  }
0xb3: {  	_ =	task.clear_ibuf [dreg:s7], $0x7FFFF;
	_ =	strace $0x90000046  }
0xb4: {  	s29 =	simm.s32 $0x9;
	_ =	strace $0x80000048  }
0xb5: {  	_ =	swait.ge [sflag:s29], $0x1  }
0xb6: {  	[sflag:s29] =	ssyncadd.s32 $0xFFFFFFFF  }
0xb7: {  	_ =	strace $0x90000048  }
0xb8: {  	_ =	sfence  }
0xb9: {  	s30 =	sld [smem:$0x0];
	_ =	sdelay $0x2  }
0xba: {  	s31 =	sshll.u32 s1, $0xD;
	s1 =	sshrl.u32 s1, $0x2  }
0xbb: {  	s3 =	sand.u32 $0x4000, s31;
	s1 =	sadd.s32 s1, s30  }
0xbc: {  	s0 =	sor.u32 s3, s0;
	s1 =	sshll.u32 s1, $0x11  }
0xbd: {  	s0 =	sor.u32 s1, s0  }
0xbe: {  	s0 =	sadd.s32 $0x8F2B, s0  }
0xbf: {  	[sflag:s0] =	ssyncadd.remote.s32 $0x1  }
0xc0: {  	_ =	sfence.sel $0xFFFF  }
0xc1: {  	[dreg:$0x0] =	wrdreg $0xFFFFFFFF;
	(pc) =	sbr.abs _section_cstart, $3  }
0xc2: {  	[dreg:$0x1] =	wrdreg $0xFFFFFFFF  }
0xc3: {  	_ =	task.clear_ibuf [dreg:s7], $0x2FFFF;
	_ =	strace $0x9FFFFFFF  }
0xc4: {  	(tm) =	ssettm $0x7FFFFFFF  }
0xc5: {  	_ =	shalt  }
tec
execute0_lowered:
.L_overlay_start_1:
0x0: {  	(tag) =	ssettag $0x1  }
0x1: {  	s0 =	rddreg [dreg:$0x0]  }
0x2: {  	s1 =	rddreg [dreg:$0x1]  }
0x3: {  	s2 =	rddreg [dreg:$0x2]  }
0x4: {  	s4 =	srdreg.scid;
	s11 =	stileid.u32  }
0x5: {  	s3 =	rddreg [dreg:$0x3];
	s7 =	simm.s32 $0x0;
	s4 =	sand.u32 $0x1, s4  }
0x6: {  	s5 =	smul.u32 $0x1880, s11;
	[smem:$0x7FF] =	sst s7;
	s8 =	sadd.s32 $0x1200, s0  }
0x7: {  	s6 =	smul.u32 $0x18800, s4;
	_ =	strace $0x80000047;
	s18 =	ssub.s32 $0x2, s4  }
0x8: {  	[dreg:$0x5] =	wrdreg s8;
	s20 =	sshll.u32 s4, $0x4;
	s4 =	smul.u32 $0xC30, s4  }
0x9: {  	s19 =	sshrl.u32 s18, $0x1;
	s7 =	sor.u32 s11, s20;
	s12 =	sadd.s32 s5, s2  }
0xa: {  	s21 =	sadd.s32 $0x310, s5;
	s14 =	sadd.s32 s5, s3;
	s22 =	sadd.s32 $0x620, s5  }
0xb: {  	s24 =	sadd.s32 $0x930, s5;
	s26 =	sadd.s32 $0xC40, s5;
	s10 =	sadd.s32 $0xF50, s5  }
0xc: {  	s11 =	smul.u32 $0xC3, s11;
	s13 =	sadd.s32 $0x1260, s5;
	[dreg:$0x6] =	wrdreg s12  }
0xd: {  	s6 =	sadd.s32 s5, s6;
	s9 =	sadd.s32 s21, s2;
	[dreg:$0x7] =	wrdreg s14  }
0xe: {  	s8 =	sadd.s32 s21, s3;
	s23 =	sadd.s32 s22, s2;
	[dreg:$0x8] =	wrdreg s9  }
0xf: {  	s25 =	sadd.s32 s24, s2;
	s28 =	sadd.s32 s26, s2;
	[dreg:$0x9] =	wrdreg s8  }
0x10: {  	s29 =	smul.u32 $0xC3, s7;
	s30 =	smin.u32 s7, $0xA;
	[dreg:$0xa] =	wrdreg s23  }
0x11: {  	s31 =	sadd.s32 s10, s2;
	s10 =	sadd.s32 s10, s3;
	[dreg:$0xc] =	wrdreg s25  }
0x12: {  	p0 =	slt.u32 s7, $0xA;
	s15 =	sadd.s32 s13, s2;
	[dreg:$0xe] =	wrdreg s28  }
0x13: {  	s7 =	sadd.s32 s13, s3;
	s5 =	sadd.s32 $0x1570, s5;
	[dreg:$0x10] =	wrdreg s31  }
0x14: {  	s13 =	simm.s32 $0x80;
	s6 =	sshrl.u32 s6, $0x3;
	[dreg:$0x11] =	wrdreg s10  }
0x15: {  	s9 =	sadd.s32 s22, s3;
	s8 =	sadd.s32 s24, s3;
	[dreg:$0x12] =	wrdreg s15  }
0x16: {  	s4 =	sor.u32 s4, s30;
	[dreg:$0x13] =	wrdreg s7;
	s17 =	sadd.s32 s5, s2  }
0x17: {  	s22 =	simm.s32 $0xC4;
	s24 =	simm.s32 $0x18A000;
	[dreg:$0xb] =	wrdreg s9  }
0x18: {  	s10 =	simm.s32 $0x3100;
	s0 =	sadd.s32 s6, s0;
	[dreg:$0xd] =	wrdreg s8  }
0x19: {  	s6 =	ssub.s32 s18, s19;
	s9 =	sadd.s32 s26, s3;
	[dreg:$0x15] =	wrdreg s17  }
0x1a: {  	s8 =	sadd.s32 s30, s29;
	s18 =	sadd.s32 s5, s3;
	[dreg:$0xf] =	wrdreg s9  }
0x1b: {  	s4 =	sadd.s32 s11, s4;
	[dreg:$0x16] =	wrdreg s18;
	s19 =	sadd.s32 $0x4400, s0  }
0x1c: {  	s16 =	sshll.u32 s8, $0x8;
	s0 =	sadd.s32 $0xA600, s0;
	[dreg:$0x17] =	wrdreg s19  }
0x1d: {  	s4 =	sshll.u32 s4, $0x8;
	s20 =	smax.u32 s6, $0x1;
	[dreg:$0x18] =	wrdreg s0  }
0x1e: {  	s7 =	sadd.s32 s1, s16;
	s1 =	sadd.s32 s4, s1;
	[dreg:$0x19] =	wrdreg s20  }
0x1f: {  	s22 =	simm.s32 @!p0 $0xC3;
	s21 =	sadd.s32 $0x100, s1;
	[dreg:$0x14] =	wrdreg s7  }
0x20: {  	s24 =	simm.s32 @!p0 $0x188000;
	s23 =	sadd.s32 $0x20, s7;
	[dreg:$0x1a] =	wrdreg s21  }
0x21: {  	s11 =	simm.s32 $0x2;
	s25 =	sadd.s32 $0x40, s7;
	[dreg:$0x1b] =	wrdreg s23  }
0x22: {  	s17 =	simm.s32 $0x1DE80;
	s26 =	sadd.s32 $0x60, s7;
	[dreg:$0x1c] =	wrdreg s25  }
.Ltmp0:
0x23: {  	s28 =	sadd.s32 $0x80, s7;
	[dreg:$0x1d] =	wrdreg s26;
	(pc) =	sbr.rel .LBB2_1-.Ltmp0, $4  }
0x24: {  	s18 =	simm.s32 $0x1DF00;
	s29 =	sadd.s32 $0xA0, s7;
	[dreg:$0x1e] =	wrdreg s28  }
0x25: {  	s19 =	simm.s32 $0x1DF80;
	s30 =	sadd.s32 $0xC0, s7;
	[dreg:$0x1f] =	wrdreg s29  }
0x26: {  	s31 =	sadd.s32 $0xE0, s7;
	s1 =	simm.s32 $0x0;
	[smem:$0x7FC] =	sst s30  }
0x27: {  	v0 =	vimm.f32 $0.0e+00;
	v1 =	vimm.f32 $1.000000000e+00;
	[smem:$0x7FD] =	sst s31;
	s21 =	simm.s32 $0x1E000;
	s23 =	simm.s32 $0x1E080  }
.LBB2_5:
0x28: {  	s0 =	stileid.u32;
	[bflag:$0x0] =	sbarrier.arrive $0xFFFF  }
0x29: {  	s0 =	sshll.u32 s0, $0x6;
	s12 =	rddreg [dreg:$0x6]  }
0x2a: {  	s4 =	rddreg [dreg:$0x17];
	s0 =	sor.u32 $0x1C02, s0;
	s1 =	sshrl.u32 s12, $0x3  }
0x2b: {  	[hbm:s4], [sflag:s0] =	dma.local [spmem:s1], $0x310  }
0x2c: {  	_ =	swait.ge [sflag:s11], $0x310  }
0x2d: {  	[sflag:s11] =	ssyncset.done $0x0;
	s14 =	rddreg [dreg:$0x7]  }
0x2e: {  	s29 =	rddreg [dreg:$0x18];
	[sflag:s11] =	ssyncadd.s32 $0xFFFFFCF0;
	s28 =	sshrl.u32 s14, $0x3  }
0x2f: {  	[hbm:s29], [sflag:s0] =	dma.local [spmem:s28], $0x310  }
0x30: {  	_ =	swait.ge [sflag:s11], $0x310  }
0x31: {  	s30 =	sld [smem:$0x7FB];
	_ =	sdelay $0x2  }
0x32: {  	s31 =	rddreg [dreg:$0x19];
	s1 =	sadd.s32 $0x1, s30  }
0x33: {  	p0 =	sne.s32 s1, s31  }
.Ltmp1:
0x34: {  	_ = 	snop;
	(pc) =	sbr.rel @!p0 .LBB2_6-.Ltmp1, $3  }
0x35: {  	_ =	sdelay $0x1  }
0x36: {  	[sflag:s11] =	ssyncset.done $0x0  }
0x37: {  	[sflag:s11] =	ssyncadd.s32 $0xFFFFFCF0  }
.LBB2_1:
0x38: {  	[tilespmem:$0x1E100] =	vst v0  }
0x39: {  	[tilespmem:$0x1E110] =	vst v0  }
0x3a: {  	[tilespmem:$0x1E120] =	vst v0  }
0x3b: {  	[tilespmem:$0x1E130] =	vst v0  }
0x3c: {  	[tilespmem:$0x1E140] =	vst v0  }
0x3d: {  	[tilespmem:$0x1E150] =	vst v0  }
0x3e: {  	[tilespmem:$0x1E160] =	vst v0  }
0x3f: {  	[tilespmem:$0x1E170] =	vst v0  }
0x40: {  	[tilespmem:$0x1E180] =	vst v0  }
0x41: {  	[tilespmem:$0x1E190] =	vst v0  }
0x42: {  	[tilespmem:$0x1E1A0] =	vst v0  }
0x43: {  	[tilespmem:$0x1E1B0] =	vst v0  }
0x44: {  	[tilespmem:$0x1E1C0] =	vst v0  }
0x45: {  	[tilespmem:$0x1E1D0] =	vst v0  }
0x46: {  	[tilespmem:$0x1E1E0] =	vst v0  }
0x47: {  	[tilespmem:$0x1E1F0] =	vst v0  }
0x48: {  	[tilespmem:$0x1E200] =	vst v0  }
0x49: {  	[tilespmem:$0x1E210] =	vst v0  }
0x4a: {  	[tilespmem:$0x1E220] =	vst v0  }
0x4b: {  	[tilespmem:$0x1E230] =	vst v0  }
0x4c: {  	[tilespmem:$0x1E240] =	vst v0  }
0x4d: {  	[tilespmem:$0x1E250] =	vst v0  }
0x4e: {  	[tilespmem:$0x1E260] =	vst v0  }
0x4f: {  	[tilespmem:$0x1E270] =	vst v0  }
0x50: {  	[tilespmem:$0x1E280] =	vst v0  }
0x51: {  	[tilespmem:$0x1E290] =	vst v0  }
0x52: {  	[tilespmem:$0x1E2A0] =	vst v0  }
0x53: {  	[tilespmem:$0x1E2B0] =	vst v0  }
0x54: {  	[tilespmem:$0x1E2C0] =	vst v0  }
0x55: {  	[tilespmem:$0x1E2D0] =	vst v0  }
0x56: {  	[tilespmem:$0x1E2E0] =	vst v0  }
0x57: {  	[tilespmem:$0x1E2F0] =	vst v0  }
0x58: {  	[tilespmem:$0x1E300] =	vst v0  }
0x59: {  	[tilespmem:$0x1E310] =	vst v0  }
0x5a: {  	[tilespmem:$0x1E320] =	vst v0  }
0x5b: {  	[tilespmem:$0x1E330] =	vst v0  }
0x5c: {  	[tilespmem:$0x1E340] =	vst v0  }
0x5d: {  	[tilespmem:$0x1E350] =	vst v0  }
0x5e: {  	[tilespmem:$0x1E360] =	vst v0  }
0x5f: {  	[tilespmem:$0x1E370] =	vst v0  }
0x60: {  	[tilespmem:$0x1E380] =	vst v0  }
0x61: {  	[tilespmem:$0x1E390] =	vst v0  }
0x62: {  	[tilespmem:$0x1E3A0] =	vst v0  }
0x63: {  	[tilespmem:$0x1E3B0] =	vst v0  }
0x64: {  	[tilespmem:$0x1E3C0] =	vst v0  }
0x65: {  	[tilespmem:$0x1E3D0] =	vst v0  }
0x66: {  	[tilespmem:$0x1E3E0] =	vst v0  }
0x67: {  	[tilespmem:$0x1E3F0] =	vst v0  }
0x68: {  	[tilespmem:$0x1E400] =	vst v0  }
0x69: {  	[tilespmem:$0x1DD00] =	vst v1  }
0x6a: {  	[tilespmem:$0x1DD10] =	vst v1  }
0x6b: {  	[tilespmem:$0x1DD20] =	vst v1  }
0x6c: {  	[tilespmem:$0x1DD30] =	vst v1  }
0x6d: {  	[tilespmem:$0x1DD40] =	vst v1  }
0x6e: {  	[tilespmem:$0x1DD50] =	vst v1  }
0x6f: {  	[tilespmem:$0x1DD60] =	vst v1  }
0x70: {  	[tilespmem:$0x1DD70] =	vst v1  }
0x71: {  	[tilespmem:$0x1DD80] =	vst v1  }
0x72: {  	[tilespmem:$0x1DD90] =	vst v1  }
0x73: {  	[tilespmem:$0x1DDA0] =	vst v1  }
0x74: {  	[tilespmem:$0x1DDB0] =	vst v1  }
0x75: {  	[tilespmem:$0x1DDC0] =	vst v1  }
0x76: {  	[tilespmem:$0x1DDD0] =	vst v1  }
0x77: {  	[tilespmem:$0x1DDE0] =	vst v1  }
0x78: {  	[tilespmem:$0x1DDF0] =	vst v1  }
0x79: {  	[tilespmem:$0x1DE00] =	vst v1  }
0x7a: {  	[tilespmem:$0x1DE10] =	vst v1  }
0x7b: {  	[tilespmem:$0x1DE20] =	vst v1  }
0x7c: {  	[tilespmem:$0x1DE30] =	vst v1  }
0x7d: {  	[tilespmem:$0x1DE40] =	vst v1  }
0x7e: {  	[tilespmem:$0x1DE50] =	vst v1  }
0x7f: {  	[tilespmem:$0x1DE60] =	vst v1  }
0x80: {  	[tilespmem:$0x1DE70] =	vst v1  }
0x81: {  	[tilespmem:$0x1DE80] =	vst v1  }
0x82: {  	[tilespmem:$0x1DE90] =	vst v1  }
0x83: {  	[tilespmem:$0x1DEA0] =	vst v1  }
0x84: {  	[tilespmem:$0x1DEB0] =	vst v1  }
0x85: {  	[tilespmem:$0x1DEC0] =	vst v1  }
0x86: {  	[tilespmem:$0x1DED0] =	vst v1  }
0x87: {  	[tilespmem:$0x1DEE0] =	vst v1  }
0x88: {  	[tilespmem:$0x1DEF0] =	vst v1  }
0x89: {  	[tilespmem:$0x1DF00] =	vst v1  }
0x8a: {  	[tilespmem:$0x1DF10] =	vst v1  }
0x8b: {  	[tilespmem:$0x1DF20] =	vst v1  }
0x8c: {  	[tilespmem:$0x1DF30] =	vst v1  }
0x8d: {  	[tilespmem:$0x1DF40] =	vst v1  }
0x8e: {  	[tilespmem:$0x1DF50] =	vst v1  }
0x8f: {  	[tilespmem:$0x1DF60] =	vst v1  }
0x90: {  	[tilespmem:$0x1DF70] =	vst v1  }
0x91: {  	[tilespmem:$0x1DF80] =	vst v1  }
0x92: {  	[tilespmem:$0x1DF90] =	vst v1  }
0x93: {  	[tilespmem:$0x1DFA0] =	vst v1  }
0x94: {  	[tilespmem:$0x1DFB0] =	vst v1  }
0x95: {  	[tilespmem:$0x1DFC0] =	vst v1  }
0x96: {  	[tilespmem:$0x1DFD0] =	vst v1  }
0x97: {  	[tilespmem:$0x1DFE0] =	vst v1  }
0x98: {  	[tilespmem:$0x1DFF0] =	vst v1  }
0x99: {  	[tilespmem:$0x1E000] =	vst v1  }
0x9a: {  	[tilespmem:$0x1E010] =	vst v1  }
0x9b: {  	[tilespmem:$0x1E020] =	vst v1  }
0x9c: {  	[tilespmem:$0x1E030] =	vst v1  }
0x9d: {  	[tilespmem:$0x1E040] =	vst v1  }
0x9e: {  	[tilespmem:$0x1E050] =	vst v1  }
0x9f: {  	[tilespmem:$0x1E060] =	vst v1  }
0xa0: {  	[tilespmem:$0x1E070] =	vst v1  }
0xa1: {  	[tilespmem:$0x1E080] =	vst v1  }
0xa2: {  	[tilespmem:$0x1E090] =	vst v1  }
0xa3: {  	[tilespmem:$0x1E0A0] =	vst v1  }
0xa4: {  	[tilespmem:$0x1E0B0] =	vst v1  }
0xa5: {  	[tilespmem:$0x1E0C0] =	vst v1  }
0xa6: {  	[tilespmem:$0x1E0D0] =	vst v1  }
0xa7: {  	[smem:$0x7FB] =	sst s1;
	[tilespmem:$0x1E0E0] =	vst v1  }
0xa8: {  	[tilespmem:$0x1E0F0] =	vst v1;
	s0 =	simm.s32 $0x0;
	s20 =	rddreg [dreg:$0x5]  }
0xa9: {  	[tilespmem:s10], [sflag:$0x2] =	stream.linear.gather [hbm4b:s20+s0], $0x18800, $0x38;
	[tilespmem:$0x1E480] =	vst v63  }
0xaa: {  	_ =	swait.ge [sflag:s11], $0x18800  }
0xab: {  	[sflag:s11] =	ssyncset.done $0x0  }
0xac: {  	s4 =	simm.s32 $0x1E100;
	[sflag:s11] =	ssyncadd.s32 $0xFFFE7800  }
0xad: {  	[spmem:s12] =	stream.linear.scatter [tilespmem:s4], [sflag:$0x2], $0x310, $0x38;
	[tilespmem:$0x1E480] =	vst v63  }
0xae: {  	_ =	swait.ge [sflag:s11], $0x310  }
0xaf: {  	[sflag:s11] =	ssyncset.done $0x0  }
0xb0: {  	[sflag:s11] =	ssyncadd.s32 $0xFFFFFCF0  }
0xb1: {  	[spmem:s14] =	stream.linear.scatter [tilespmem:s4], [sflag:$0x2], $0x310, $0x38;
	[tilespmem:$0x1E480] =	vst v63  }
0xb2: {  	_ =	swait.ge [sflag:s11], $0x310  }
0xb3: {  	[sflag:s11] =	ssyncset.done $0x0  }
0xb4: {  	s25 =	rddreg [dreg:$0x8];
	[sflag:s11] =	ssyncadd.s32 $0xFFFFFCF0  }
0xb5: {  	[spmem:s25] =	stream.linear.scatter [tilespmem:s4], [sflag:$0x2], $0x310, $0x38;
	[tilespmem:$0x1E480] =	vst v63  }
0xb6: {  	_ =	swait.ge [sflag:s11], $0x310  }
0xb7: {  	[sflag:s11] =	ssyncset.done $0x0  }
0xb8: {  	s26 =	rddreg [dreg:$0x9];
	[sflag:s11] =	ssyncadd.s32 $0xFFFFFCF0  }
0xb9: {  	[spmem:s26] =	stream.linear.scatter [tilespmem:s4], [sflag:$0x2], $0x310, $0x38;
	[tilespmem:$0x1E480] =	vst v63  }
0xba: {  	_ =	swait.ge [sflag:s11], $0x310  }
0xbb: {  	[sflag:s11] =	ssyncset.done $0x0  }
0xbc: {  	s31 =	rddreg [dreg:$0xa];
	[sflag:s11] =	ssyncadd.s32 $0xFFFFFCF0  }
0xbd: {  	[spmem:s31] =	stream.linear.scatter [tilespmem:s4], [sflag:$0x2], $0x310, $0x38;
	[tilespmem:$0x1E480] =	vst v63  }
0xbe: {  	_ =	swait.ge [sflag:s11], $0x310  }
0xbf: {  	[sflag:s11] =	ssyncset.done $0x0  }
0xc0: {  	s5 =	rddreg [dreg:$0xb];
	[sflag:s11] =	ssyncadd.s32 $0xFFFFFCF0  }
0xc1: {  	[spmem:s5] =	stream.linear.scatter [tilespmem:s4], [sflag:$0x2], $0x310, $0x38;
	[tilespmem:$0x1E480] =	vst v63  }
0xc2: {  	_ =	swait.ge [sflag:s11], $0x310  }
0xc3: {  	[sflag:s11] =	ssyncset.done $0x0  }
0xc4: {  	s6 =	rddreg [dreg:$0xc];
	[sflag:s11] =	ssyncadd.s32 $0xFFFFFCF0  }
0xc5: {  	[spmem:s6] =	stream.linear.scatter [tilespmem:s4], [sflag:$0x2], $0x310, $0x38;
	[tilespmem:$0x1E480] =	vst v63  }
0xc6: {  	_ =	swait.ge [sflag:s11], $0x310  }
0xc7: {  	[sflag:s11] =	ssyncset.done $0x0  }
0xc8: {  	s7 =	rddreg [dreg:$0xd];
	[sflag:s11] =	ssyncadd.s32 $0xFFFFFCF0  }
0xc9: {  	[spmem:s7] =	stream.linear.scatter [tilespmem:s4], [sflag:$0x2], $0x310, $0x38;
	[tilespmem:$0x1E480] =	vst v63  }
0xca: {  	_ =	swait.ge [sflag:s11], $0x310  }
0xcb: {  	[sflag:s11] =	ssyncset.done $0x0  }
0xcc: {  	s8 =	rddreg [dreg:$0xe];
	[sflag:s11] =	ssyncadd.s32 $0xFFFFFCF0  }
0xcd: {  	[spmem:s8] =	stream.linear.scatter [tilespmem:s4], [sflag:$0x2], $0x310, $0x38;
	[tilespmem:$0x1E480] =	vst v63  }
0xce: {  	_ =	swait.ge [sflag:s11], $0x310  }
0xcf: {  	[sflag:s11] =	ssyncset.done $0x0  }
0xd0: {  	s9 =	rddreg [dreg:$0xf];
	[sflag:s11] =	ssyncadd.s32 $0xFFFFFCF0  }
0xd1: {  	[spmem:s9] =	stream.linear.scatter [tilespmem:s4], [sflag:$0x2], $0x310, $0x38;
	[tilespmem:$0x1E480] =	vst v63  }
0xd2: {  	_ =	swait.ge [sflag:s11], $0x310  }
0xd3: {  	[sflag:s11] =	ssyncset.done $0x0  }
0xd4: {  	s12 =	rddreg [dreg:$0x10];
	[sflag:s11] =	ssyncadd.s32 $0xFFFFFCF0  }
0xd5: {  	[spmem:s12] =	stream.linear.scatter [tilespmem:s4], [sflag:$0x2], $0x310, $0x38;
	[tilespmem:$0x1E480] =	vst v63  }
0xd6: {  	_ =	swait.ge [sflag:s11], $0x310  }
0xd7: {  	[sflag:s11] =	ssyncset.done $0x0  }
0xd8: {  	s14 =	rddreg [dreg:$0x11];
	[sflag:s11] =	ssyncadd.s32 $0xFFFFFCF0  }
0xd9: {  	[spmem:s14] =	stream.linear.scatter [tilespmem:s4], [sflag:$0x2], $0x310, $0x38;
	[tilespmem:$0x1E480] =	vst v63  }
0xda: {  	_ =	swait.ge [sflag:s11], $0x310  }
0xdb: {  	[sflag:s11] =	ssyncset.done $0x0  }
0xdc: {  	s15 =	rddreg [dreg:$0x12];
	[sflag:s11] =	ssyncadd.s32 $0xFFFFFCF0  }
0xdd: {  	[spmem:s15] =	stream.linear.scatter [tilespmem:s4], [sflag:$0x2], $0x310, $0x38;
	[tilespmem:$0x1E480] =	vst v63  }
0xde: {  	_ =	swait.ge [sflag:s11], $0x310  }
0xdf: {  	[sflag:s11] =	ssyncset.done $0x0  }
0xe0: {  	s16 =	rddreg [dreg:$0x13];
	[sflag:s11] =	ssyncadd.s32 $0xFFFFFCF0  }
0xe1: {  	[spmem:s16] =	stream.linear.scatter [tilespmem:s4], [sflag:$0x2], $0x310, $0x38;
	[tilespmem:$0x1E480] =	vst v63  }
0xe2: {  	_ =	swait.ge [sflag:s11], $0x310  }
0xe3: {  	[sflag:s11] =	ssyncset.done $0x0  }
0xe4: {  	s20 =	rddreg [dreg:$0x15];
	[sflag:s11] =	ssyncadd.s32 $0xFFFFFCF0  }
0xe5: {  	[spmem:s20] =	stream.linear.scatter [tilespmem:s4], [sflag:$0x2], $0x310, $0x38;
	[tilespmem:$0x1E480] =	vst v63  }
0xe6: {  	_ =	swait.ge [sflag:s11], $0x310  }
0xe7: {  	[sflag:s11] =	ssyncset.done $0x0  }
0xe8: {  	s25 =	rddreg [dreg:$0x16];
	[sflag:s11] =	ssyncadd.s32 $0xFFFFFCF0  }
0xe9: {  	[spmem:s25] =	stream.linear.scatter [tilespmem:s4], [sflag:$0x2], $0x310, $0x38;
	[tilespmem:$0x1E480] =	vst v63  }
0xea: {  	_ =	swait.ge [sflag:s11], $0x310  }
0xeb: {  	[sflag:s11] =	ssyncset.done $0x0  }
0xec: {  	[sflag:s11] =	ssyncadd.s32 $0xFFFFFCF0  }
0xed: {  	[bflag:$0x0] =	sbarrier.arrive $0xFFFF  }
0xee: {  	s26 =	rddreg [dreg:$0x14]  }
0xef: {  	s31 =	simm.s32 $0x1B900;
	s4 =	rddreg [dreg:$0x1b]  }
0xf0: {  	[tilespmem:s31], [sflag:$0x2] =	stream.linear.gather [hbm4b:s26+s0], $0x100, $0x38;
	[tilespmem:$0x1E480] =	vst v63  }
0xf1: {  	s5 =	simm.s32 $0x1BA00;
	s6 =	rddreg [dreg:$0x1c]  }
0xf2: {  	[tilespmem:s5], [sflag:$0x2] =	stream.linear.gather [hbm4b:s4+s0], $0x100, $0x38;
	[tilespmem:$0x1E480] =	vst v63  }
0xf3: {  	s7 =	simm.s32 $0x1BB00;
	s8 =	rddreg [dreg:$0x1d]  }
0xf4: {  	[tilespmem:s7], [sflag:$0x2] =	stream.linear.gather [hbm4b:s6+s0], $0x100, $0x38;
	[tilespmem:$0x1E480] =	vst v63  }
0xf5: {  	s9 =	simm.s32 $0x1BC00;
	s12 =	rddreg [dreg:$0x1e]  }
0xf6: {  	[tilespmem:s9], [sflag:$0x2] =	stream.linear.gather [hbm4b:s8+s0], $0x100, $0x38;
	[tilespmem:$0x1E480] =	vst v63  }
0xf7: {  	s14 =	simm.s32 $0x1BD00;
	s15 =	rddreg [dreg:$0x1f]  }
0xf8: {  	[tilespmem:s14], [sflag:$0x2] =	stream.linear.gather [hbm4b:s12+s0], $0x100, $0x38;
	[tilespmem:$0x1E480] =	vst v63  }
0xf9: {  	s16 =	simm.s32 $0x1BE00;
	s20 =	sld [smem:$0x7FC]  }
0xfa: {  	[tilespmem:s16], [sflag:$0x2] =	stream.linear.gather [hbm4b:s15+s0], $0x100, $0x38;
	[tilespmem:$0x1E480] =	vst v63  }
.Ltmp2:
0xfb: {  	s25 =	simm.s32 $0x1BF00;
	s26 =	sld [smem:$0x7FD];
	(pc) =	sbr.rel .LBB2_2-.Ltmp2, $4  }
0xfc: {  	[tilespmem:s25], [sflag:$0x2] =	stream.linear.gather [hbm4b:s20+s0], $0x100, $0x38;
	[tilespmem:$0x1E480] =	vst v63  }
0xfd: {  	s28 =	simm.s32 $0x1D100;
	s30 =	simm.s32 $0x0;
	s31 =	simm.s32 $0x1C000  }
0xfe: {  	[tilespmem:s31], [sflag:$0x2] =	stream.linear.gather [hbm4b:s26+s0], $0x100, $0x38;
	[tilespmem:$0x1E480] =	vst v63  }
0xff: {  	s1 =	simm.s32 $0x0;
	s29 =	rddreg [dreg:$0x1a];
	s26 =	simm.s32 $0x1  }
.LBB2_4:
0x100: {  	s1 =	sadd.s32 $0x2000, s1  }
0x101: {  	p0 =	sne.s32 s24, s1  }
.Ltmp3:
0x102: {  	_ = 	snop;
	(pc) =	sbr.rel @!p0 .LBB2_5-.Ltmp3, $3  }
0x103: {  	_ =	sdelay $0x1  }
0x104: {  	s26 =	sadd.s32 $0x1, s26  }
0x105: {  	s29 =	sadd.s32 $0x100, s29;
	s28 =	sadd.s32 $0x400, s28;
	s30 =	sadd.s32 $0x1, s30  }
.LBB2_2:
0x106: {  	s0 =	sadd.s32 $0xFFFFFFFE, s26  }
0x107: {  	p0 =	sge.u32 s0, s22  }
0x108: {  	s0 =	simm.s32 @!p0 $0x1  }
0x109: {  	_ =	swait.ge @!p0 [sflag:s0], $0x80  }
0x10a: {  	[sflag:s0] =	ssyncset.done @!p0 $0x0  }
0x10b: {  	[sflag:s0] =	ssyncadd.s32 @!p0 $0xFFFFFF80  }
0x10c: {  	_ =	swait.ge @!p0 [sflag:s0], $0x80  }
0x10d: {  	[sflag:s0] =	ssyncset.done @!p0 $0x0  }
0x10e: {  	[sflag:s0] =	ssyncadd.s32 @!p0 $0xFFFFFF80  }
0x10f: {  	_ =	swait.ge @!p0 [sflag:s0], $0x80  }
0x110: {  	[sflag:s0] =	ssyncset.done @!p0 $0x0  }
0x111: {  	[sflag:s0] =	ssyncadd.s32 @!p0 $0xFFFFFF80  }
0x112: {  	_ =	swait.ge @!p0 [sflag:s0], $0x80  }
0x113: {  	[sflag:s0] =	ssyncset.done @!p0 $0x0  }
0x114: {  	[sflag:s0] =	ssyncadd.s32 @!p0 $0xFFFFFF80  }
0x115: {  	_ =	swait.ge @!p0 [sflag:s0], $0x80  }
0x116: {  	[sflag:s0] =	ssyncset.done @!p0 $0x0  }
0x117: {  	[sflag:s0] =	ssyncadd.s32 @!p0 $0xFFFFFF80  }
0x118: {  	_ =	swait.ge @!p0 [sflag:s0], $0x80  }
0x119: {  	[sflag:s0] =	ssyncset.done @!p0 $0x0  }
0x11a: {  	[sflag:s0] =	ssyncadd.s32 @!p0 $0xFFFFFF80  }
0x11b: {  	_ =	swait.ge @!p0 [sflag:s0], $0x80  }
0x11c: {  	[sflag:s0] =	ssyncset.done @!p0 $0x0  }
0x11d: {  	[sflag:s0] =	ssyncadd.s32 @!p0 $0xFFFFFF80  }
0x11e: {  	_ =	swait.ge @!p0 [sflag:s0], $0x80  }
0x11f: {  	[sflag:s0] =	ssyncset.done @!p0 $0x0  }
0x120: {  	[sflag:s0] =	ssyncadd.s32 @!p0 $0xFFFFFF80  }
0x121: {  	_ =	swait.ge @!p0 [sflag:s0], $0x80  }
0x122: {  	[sflag:s0] =	ssyncset.done @!p0 $0x0  }
0x123: {  	[sflag:s0] =	ssyncadd.s32 @!p0 $0xFFFFFF80  }
0x124: {  	_ =	swait.ge @!p0 [sflag:s0], $0x80  }
0x125: {  	[sflag:s0] =	ssyncset.done @!p0 $0x0  }
0x126: {  	[sflag:s0] =	ssyncadd.s32 @!p0 $0xFFFFFF80  }
0x127: {  	_ =	swait.ge @!p0 [sflag:s0], $0x80  }
0x128: {  	[sflag:s0] =	ssyncset.done @!p0 $0x0  }
0x129: {  	[sflag:s0] =	ssyncadd.s32 @!p0 $0xFFFFFF80  }
0x12a: {  	_ =	swait.ge @!p0 [sflag:s0], $0x80  }
0x12b: {  	[sflag:s0] =	ssyncset.done @!p0 $0x0  }
0x12c: {  	[sflag:s0] =	ssyncadd.s32 @!p0 $0xFFFFFF80  }
0x12d: {  	_ =	swait.ge @!p0 [sflag:s0], $0x80  }
0x12e: {  	[sflag:s0] =	ssyncset.done @!p0 $0x0  }
0x12f: {  	[sflag:s0] =	ssyncadd.s32 @!p0 $0xFFFFFF80  }
0x130: {  	_ =	swait.ge @!p0 [sflag:s0], $0x80  }
0x131: {  	[sflag:s0] =	ssyncset.done @!p0 $0x0  }
0x132: {  	s4 =	sadd.s32 $0xFFFFFFFF, s26;
	[sflag:s0] =	ssyncadd.s32 @!p0 $0xFFFFFF80  }
0x133: {  	p1 =	sge.u32 s4, s22;
	_ =	swait.ge @!p0 [sflag:s0], $0x80  }
.Ltmp4:
0x134: {  	[sflag:s0] =	ssyncset.done @!p0 $0x0;
	(pc) =	sbr.rel @p1 .LBB2_4-.Ltmp4, $4  }
0x135: {  	[sflag:s0] =	ssyncadd.s32 @!p0 $0xFFFFFF80  }
0x136: {  	_ =	swait.ge @!p0 [sflag:s0], $0x80  }
0x137: {  	[sflag:s0] =	ssyncset.done @!p0 $0x0  }
0x138: {  	[sflag:s0] =	ssyncadd.s32 @!p0 $0xFFFFFF80  }
0x139: {  	_ =	swait.ge [sflag:s11], $0x100  }
0x13a: {  	[sflag:s11] =	ssyncset.done $0x0  }
0x13b: {  	[sflag:s11] =	ssyncadd.s32 $0xFFFFFF00  }
0x13c: {  	_ =	swait.ge [sflag:s11], $0x100  }
0x13d: {  	[sflag:s11] =	ssyncset.done $0x0  }
0x13e: {  	[sflag:s11] =	ssyncadd.s32 $0xFFFFFF00  }
0x13f: {  	_ =	swait.ge [sflag:s11], $0x100  }
0x140: {  	[sflag:s11] =	ssyncset.done $0x0  }
0x141: {  	[sflag:s11] =	ssyncadd.s32 $0xFFFFFF00  }
0x142: {  	_ =	swait.ge [sflag:s11], $0x100  }
0x143: {  	[sflag:s11] =	ssyncset.done $0x0  }
0x144: {  	[sflag:s11] =	ssyncadd.s32 $0xFFFFFF00  }
0x145: {  	_ =	swait.ge [sflag:s11], $0x100  }
0x146: {  	[sflag:s11] =	ssyncset.done $0x0  }
0x147: {  	[sflag:s11] =	ssyncadd.s32 $0xFFFFFF00  }
0x148: {  	s0 =	smulhi.u32 $0xAAAAAAAB, s26;
	_ =	swait.ge [sflag:s11], $0x100  }
0x149: {  	[sflag:s11] =	ssyncset.done $0x0  }
0x14a: {  	s0 =	sshrl.u32 s0, $0x1;
	[sflag:s11] =	ssyncadd.s32 $0xFFFFFF00  }
0x14b: {  	s4 =	smul.u32 $0xFFFFA000, s0;
	_ =	swait.ge [sflag:s11], $0x100  }
0x14c: {  	p0 =	sge.u32 s26, s22;
	[sflag:s11] =	ssyncset.done $0x0  }
0x14d: {  	s5 =	sshra.s32 @!p0 s1, $0x2;
	s4 =	sshra.s32 s4, $0x2;
	[sflag:s11] =	ssyncadd.s32 $0xFFFFFF00  }
0x14e: {  	s0 =	smul.u32 $0x6000, s0;
	s4 =	sadd.s32 $0x1B900, s4;
	_ =	swait.ge [sflag:s11], $0x100  }
0x14f: {  	s7 =	simm.s32 @!p0 $0x0;
	s4 =	sadd.s32 @!p0 s5, s4;
	[sflag:s11] =	ssyncset.done $0x0  }
0x150: {  	s6 =	ssub.s32 $0x2400, s0;
	s5 =	sadd.s32 @!p0 $0x800, s4;
	[sflag:s11] =	ssyncadd.s32 $0xFFFFFF00  }
0x151: {  	[tilespmem:s5], [sflag:$0x2] =	stream.linear.gather @!p0 [hbm4b:s29+s7], $0x100, $0x38;
	[tilespmem:$0x1E480] =	vst v63  }
0x152: {  	s5 =	sadd.s32 @!p0 s6, s1  }
0x153: {  	s5 =	sshra.s32 @!p0 s5, $0x2  }
0x154: {  	s8 =	sadd.s32 @!p0 $0x20, s29;
	s6 =	ssub.s32 $0x2800, s0;
	s5 =	sadd.s32 @!p0 $0x1B900, s5  }
0x155: {  	[tilespmem:s5], [sflag:$0x2] =	stream.linear.gather @!p0 [hbm4b:s8+s7], $0x100, $0x38;
	[tilespmem:$0x1E480] =	vst v63  }
0x156: {  	s5 =	sadd.s32 @!p0 s6, s1  }
0x157: {  	s5 =	sshra.s32 @!p0 s5, $0x2  }
0x158: {  	s6 =	ssub.s32 $0x2C00, s0;
	s8 =	sadd.s32 @!p0 $0x40, s29;
	s5 =	sadd.s32 @!p0 $0x1B900, s5  }
0x159: {  	[tilespmem:s5], [sflag:$0x2] =	stream.linear.gather @!p0 [hbm4b:s8+s7], $0x100, $0x38;
	[tilespmem:$0x1E480] =	vst v63  }
0x15a: {  	s5 =	sadd.s32 @!p0 s6, s1  }
0x15b: {  	s5 =	sshra.s32 @!p0 s5, $0x2  }
0x15c: {  	s6 =	ssub.s32 $0x3000, s0;
	s8 =	sadd.s32 @!p0 $0x60, s29;
	s5 =	sadd.s32 @!p0 $0x1B900, s5  }
0x15d: {  	[tilespmem:s5], [sflag:$0x2] =	stream.linear.gather @!p0 [hbm4b:s8+s7], $0x100, $0x38;
	[tilespmem:$0x1E480] =	vst v63  }
0x15e: {  	s5 =	sadd.s32 @!p0 s6, s1  }
0x15f: {  	s5 =	sshra.s32 @!p0 s5, $0x2  }
0x160: {  	s6 =	ssub.s32 $0x3400, s0;
	s8 =	sadd.s32 @!p0 $0x80, s29;
	s5 =	sadd.s32 @!p0 $0x1B900, s5  }
0x161: {  	[tilespmem:s5], [sflag:$0x2] =	stream.linear.gather @!p0 [hbm4b:s8+s7], $0x100, $0x38;
	[tilespmem:$0x1E480] =	vst v63  }
0x162: {  	s5 =	sadd.s32 @!p0 s6, s1  }
0x163: {  	s25 =	smulhi.u32 $0xAAAAAAAB, s30;
	s0 =	ssub.s32 $0x3800, s0;
	s5 =	sshra.s32 @!p0 s5, $0x2  }
0x164: {  	s0 =	sadd.s32 @!p0 s0, s1;
	s8 =	sadd.s32 @!p0 $0xA0, s29;
	s5 =	sadd.s32 @!p0 $0x1B900, s5  }
0x165: {  	[tilespmem:s5], [sflag:$0x2] =	stream.linear.gather @!p0 [hbm4b:s8+s7], $0x100, $0x38;
	[tilespmem:$0x1E480] =	vst v63  }
0x166: {  	s9 =	simm.s32 $0x1DD00;
	s12 =	sshrl.u32 s25, $0x1;
	s5 =	sshra.s32 @!p0 s0, $0x2  }
0x167: {  	s6 =	sadd.s32 @!p0 $0xC0, s29;
	s0 =	smul.u32 $0x6000, s12;
	s5 =	sadd.s32 @!p0 $0x1B900, s5  }
0x168: {  	[tilespmem:s5], [sflag:$0x2] =	stream.linear.gather @!p0 [hbm4b:s6+s7], $0x100, $0x38;
	[tilespmem:$0x1E480] =	vst v63  }
0x169: {  	s16 =	simm.s32 $0x1DD80;
	s4 =	sadd.s32 @!p0 $0xF00, s4;
	s31 =	ssub.s32 $0x200, s0  }
0x16a: {  	s6 =	sadd.s32 @!p0 $0xE0, s29;
	s8 =	ssub.s32 $0x600, s0;
	s15 =	ssub.s32 $0xA00, s0  }
0x16b: {  	s25 =	ssub.s32 $0xE00, s0;
	s14 =	sadd.s32 s8, s1;
	s20 =	sadd.s32 s15, s1  }
0x16c: {  	[tilespmem:s4], [sflag:$0x2] =	stream.linear.gather @!p0 [hbm4b:s6+s7], $0x100, $0x38;
	[tilespmem:$0x1E480] =	vst v63  }
0x16d: {  	s15 =	ssub.s32 $0x1600, s0;
	s7 =	sadd.s32 s31, s1;
	s31 =	simm.s32 $0x1DE00  }
0x16e: {  	s6 =	sadd.s32 s25, s1;
	s25 =	ssub.s32 $0x1A00, s0;
	s4 =	sshra.s32 s7, $0x2  }
0x16f: {  	s7 =	ssub.s32 $0x1200, s0;
	s5 =	sadd.s32 $0x1B900, s4;
	s4 =	sshra.s32 s14, $0x2  }
0x170: {  	[spmem:s3] =	stream.indirect.scatter.add.f32 [tilespmem:s9], [sflag:$0x1], $0x1, s5, s13, $0xb8;
	[tilespmem:$0x1E480] =	vst v63  }
0x171: {  	s14 =	sadd.s32 s7, s1;
	s8 =	sadd.s32 $0x1B900, s4;
	s4 =	sshra.s32 s20, $0x2  }
0x172: {  	[spmem:s3] =	stream.indirect.scatter.add.f32 [tilespmem:s16], [sflag:$0x1], $0x1, s8, s13, $0xb8;
	[tilespmem:$0x1E480] =	vst v63  }
0x173: {  	s9 =	sadd.s32 $0x1B900, s4;
	s4 =	sshra.s32 s6, $0x2;
	s16 =	sadd.s32 s15, s1  }
0x174: {  	[spmem:s3] =	stream.indirect.scatter.add.f32 [tilespmem:s31], [sflag:$0x1], $0x1, s9, s13, $0xb8;
	[tilespmem:$0x1E480] =	vst v63  }
0x175: {  	s31 =	sadd.s32 $0x1B900, s4;
	s4 =	sshra.s32 s14, $0x2;
	s14 =	sadd.s32 s25, s1  }
0x176: {  	s25 =	smul.u32 $0xFFFFA000, s12;
	s20 =	sadd.s32 $0x1B900, s4;
	s4 =	sshra.s32 s16, $0x2  }
0x177: {  	[spmem:s3] =	stream.indirect.scatter.add.f32 [tilespmem:s17], [sflag:$0x1], $0x1, s31, s13, $0xb8;
	[tilespmem:$0x1E480] =	vst v63  }
0x178: {  	s6 =	sadd.s32 $0x1B900, s4;
	s4 =	sshra.s32 s14, $0x2;
	s14 =	ssub.s32 $0x1E00, s0  }
0x179: {  	[spmem:s3] =	stream.indirect.scatter.add.f32 [tilespmem:s18], [sflag:$0x1], $0x1, s20, s13, $0xb8;
	[tilespmem:$0x1E480] =	vst v63  }
0x17a: {  	s15 =	sshra.s32 s25, $0x2;
	s7 =	sadd.s32 $0x1B900, s4;
	s14 =	sadd.s32 s14, s1  }
0x17b: {  	[spmem:s3] =	stream.indirect.scatter.add.f32 [tilespmem:s19], [sflag:$0x1], $0x1, s6, s13, $0xb8;
	[tilespmem:$0x1E480] =	vst v63  }
0x17c: {  	s4 =	sadd.s32 $0x1B900, s15;
	s15 =	sshra.s32 s1, $0x2;
	s16 =	sshra.s32 s14, $0x2  }
0x17d: {  	[spmem:s3] =	stream.indirect.scatter.add.f32 [tilespmem:s21], [sflag:$0x1], $0x1, s7, s13, $0xb8;
	[tilespmem:$0x1E480] =	vst v63  }
0x17e: {  	s14 =	sadd.s32 s15, s4;
	s4 =	sadd.s32 $0x1B900, s16  }
0x17f: {  	[spmem:s3] =	stream.indirect.scatter.add.f32 [tilespmem:s23], [sflag:$0x1], $0x1, s4, s13, $0xb8;
	[tilespmem:$0x1E480] =	vst v63  }
0x180: {  	v2 =	vld [tilespmem:s14+$0x0];
	_ =	sdelay $0x7  }
0x181: {  	v2 =	vld.idx.msk [tilespmem:v2+s10+$0x0], $0xffff  }
0x182: {  	s12 =	smul.u32 $0xFFFFD000, s12;
	_ =	sdelay $0x1  }
0x183: {  	s12 =	sshra.s32 s12, $0x2;
	s16 =	ssub.s32 $0x40, s0  }
0x184: {  	s25 =	sadd.s32 s12, s28;
	s12 =	sadd.s32 $0x1B900, s15;
	s16 =	sshra.s32 s16, $0x2  }
0x185: {  	s15 =	sadd.s32 s16, s12;
	[tilespmem:s25+$0x0] =	vst v2  }
0x186: {  	v2 =	vld [tilespmem:s15+$0x0];
	_ =	sdelay $0x7  }
0x187: {  	v2 =	vld.idx.msk [tilespmem:v2+s10+$0x0], $0xffff;
	_ =	sdelay $0x2  }
0x188: {  	s16 =	ssub.s32 $0x80, s0  }
0x189: {  	s15 =	sshra.s32 s16, $0x2  }
0x18a: {  	s15 =	sadd.s32 s15, s12;
	[tilespmem:s25+$0x10] =	vst v2  }
0x18b: {  	v2 =	vld [tilespmem:s15+$0x0];
	_ =	sdelay $0x7  }
0x18c: {  	v2 =	vld.idx.msk [tilespmem:v2+s10+$0x0], $0xffff;
	_ =	sdelay $0x2  }
0x18d: {  	s16 =	ssub.s32 $0xC0, s0  }
0x18e: {  	s15 =	sshra.s32 s16, $0x2  }
0x18f: {  	s15 =	sadd.s32 s15, s12;
	[tilespmem:s25+$0x20] =	vst v2  }
0x190: {  	v2 =	vld [tilespmem:s15+$0x0];
	_ =	sdelay $0x7  }
0x191: {  	v2 =	vld.idx.msk [tilespmem:v2+s10+$0x0], $0xffff;
	_ =	sdelay $0x2  }
0x192: {  	s16 =	ssub.s32 $0x100, s0  }
0x193: {  	s15 =	sshra.s32 s16, $0x2  }
0x194: {  	s15 =	sadd.s32 s15, s12;
	[tilespmem:s25+$0x30] =	vst v2  }
0x195: {  	v2 =	vld [tilespmem:s15+$0x0];
	_ =	sdelay $0x7  }
0x196: {  	v2 =	vld.idx.msk [tilespmem:v2+s10+$0x0], $0xffff;
	_ =	sdelay $0x2  }
0x197: {  	s16 =	ssub.s32 $0x140, s0  }
0x198: {  	s15 =	sshra.s32 s16, $0x2  }
0x199: {  	s15 =	sadd.s32 s15, s12;
	[tilespmem:s25+$0x40] =	vst v2  }
0x19a: {  	v2 =	vld [tilespmem:s15+$0x0];
	_ =	sdelay $0x7  }
0x19b: {  	v2 =	vld.idx.msk [tilespmem:v2+s10+$0x0], $0xffff;
	_ =	sdelay $0x2  }
0x19c: {  	s16 =	ssub.s32 $0x180, s0  }
0x19d: {  	s15 =	sshra.s32 s16, $0x2  }
0x19e: {  	s15 =	sadd.s32 s15, s12;
	[tilespmem:s25+$0x50] =	vst v2  }
0x19f: {  	v2 =	vld [tilespmem:s15+$0x0];
	_ =	sdelay $0x7  }
0x1a0: {  	v2 =	vld.idx.msk [tilespmem:v2+s10+$0x0], $0xffff;
	_ =	sdelay $0x2  }
0x1a1: {  	s16 =	ssub.s32 $0x1C0, s0  }
0x1a2: {  	s15 =	sshra.s32 s16, $0x2  }
0x1a3: {  	s15 =	sadd.s32 s15, s12;
	[tilespmem:s25+$0x60] =	vst v2  }
0x1a4: {  	v2 =	vld [tilespmem:s15+$0x0];
	_ =	sdelay $0x7  }
0x1a5: {  	v2 =	vld.idx.msk [tilespmem:v2+s10+$0x0], $0xffff;
	_ =	sdelay $0x2  }
0x1a6: {  	s16 =	ssub.s32 $0x400, s0  }
0x1a7: {  	s15 =	sshra.s32 s16, $0x2  }
0x1a8: {  	s15 =	sadd.s32 s15, s12;
	[tilespmem:s25+$0x70] =	vst v2  }
0x1a9: {  	v2 =	vld [tilespmem:s15+$0x0];
	_ =	sdelay $0x7  }
0x1aa: {  	v2 =	vld.idx.msk [tilespmem:v2+s10+$0x0], $0xffff;
	_ =	sdelay $0x2  }
0x1ab: {  	s16 =	ssub.s32 $0x440, s0  }
0x1ac: {  	s15 =	sshra.s32 s16, $0x2  }
0x1ad: {  	s15 =	sadd.s32 s15, s12;
	[tilespmem:s25+$0x80] =	vst v2  }
0x1ae: {  	v2 =	vld [tilespmem:s15+$0x0];
	_ =	sdelay $0x7  }
0x1af: {  	v2 =	vld.idx.msk [tilespmem:v2+s10+$0x0], $0xffff;
	_ =	sdelay $0x2  }
0x1b0: {  	s16 =	ssub.s32 $0x480, s0  }
0x1b1: {  	s15 =	sshra.s32 s16, $0x2  }
0x1b2: {  	s15 =	sadd.s32 s15, s12;
	[tilespmem:s25+$0x90] =	vst v2  }
0x1b3: {  	v2 =	vld [tilespmem:s15+$0x0];
	_ =	sdelay $0x7  }
0x1b4: {  	v2 =	vld.idx.msk [tilespmem:v2+s10+$0x0], $0xffff;
	_ =	sdelay $0x2  }
0x1b5: {  	s16 =	ssub.s32 $0x4C0, s0  }
0x1b6: {  	s15 =	sshra.s32 s16, $0x2  }
0x1b7: {  	s15 =	sadd.s32 s15, s12;
	[tilespmem:s25+$0xA0] =	vst v2  }
0x1b8: {  	v2 =	vld [tilespmem:s15+$0x0];
	_ =	sdelay $0x7  }
0x1b9: {  	v2 =	vld.idx.msk [tilespmem:v2+s10+$0x0], $0xffff;
	_ =	sdelay $0x2  }
0x1ba: {  	s16 =	ssub.s32 $0x500, s0  }
0x1bb: {  	s15 =	sshra.s32 s16, $0x2  }
0x1bc: {  	s15 =	sadd.s32 s15, s12;
	[tilespmem:s25+$0xB0] =	vst v2  }
0x1bd: {  	v2 =	vld [tilespmem:s15+$0x0];
	_ =	sdelay $0x7  }
0x1be: {  	v2 =	vld.idx.msk [tilespmem:v2+s10+$0x0], $0xffff;
	_ =	sdelay $0x2  }
0x1bf: {  	s16 =	ssub.s32 $0x540, s0  }
0x1c0: {  	s15 =	sshra.s32 s16, $0x2  }
0x1c1: {  	s15 =	sadd.s32 s15, s12;
	[tilespmem:s25+$0xC0] =	vst v2  }
0x1c2: {  	v2 =	vld [tilespmem:s15+$0x0];
	_ =	sdelay $0x7  }
0x1c3: {  	v2 =	vld.idx.msk [tilespmem:v2+s10+$0x0], $0xffff;
	_ =	sdelay $0x2  }
0x1c4: {  	s16 =	ssub.s32 $0x580, s0  }
0x1c5: {  	s15 =	sshra.s32 s16, $0x2  }
0x1c6: {  	s15 =	sadd.s32 s15, s12;
	[tilespmem:s25+$0xD0] =	vst v2  }
0x1c7: {  	v2 =	vld [tilespmem:s15+$0x0];
	_ =	sdelay $0x7  }
0x1c8: {  	v2 =	vld.idx.msk [tilespmem:v2+s10+$0x0], $0xffff;
	_ =	sdelay $0x2  }
0x1c9: {  	s16 =	ssub.s32 $0x5C0, s0  }
0x1ca: {  	s15 =	sshra.s32 s16, $0x2  }
0x1cb: {  	s15 =	sadd.s32 s15, s12;
	[tilespmem:s25+$0xE0] =	vst v2  }
0x1cc: {  	v2 =	vld [tilespmem:s15+$0x0];
	_ =	sdelay $0x7  }
0x1cd: {  	v2 =	vld.idx.msk [tilespmem:v2+s10+$0x0], $0xffff;
	_ =	sdelay $0x2  }
0x1ce: {  	s16 =	ssub.s32 $0x800, s0  }
0x1cf: {  	s15 =	sshra.s32 s16, $0x2  }
0x1d0: {  	s15 =	sadd.s32 s15, s12;
	[tilespmem:s25+$0xF0] =	vst v2  }
0x1d1: {  	v2 =	vld [tilespmem:s15+$0x0];
	_ =	sdelay $0x7  }
0x1d2: {  	v2 =	vld.idx.msk [tilespmem:v2+s10+$0x0], $0xffff;
	_ =	sdelay $0x2  }
0x1d3: {  	s16 =	ssub.s32 $0x840, s0  }
0x1d4: {  	s15 =	sshra.s32 s16, $0x2  }
0x1d5: {  	s15 =	sadd.s32 s15, s12;
	[tilespmem:s25+$0x100] =	vst v2  }
0x1d6: {  	v2 =	vld [tilespmem:s15+$0x0];
	_ =	sdelay $0x7  }
0x1d7: {  	v2 =	vld.idx.msk [tilespmem:v2+s10+$0x0], $0xffff;
	_ =	sdelay $0x2  }
0x1d8: {  	s16 =	ssub.s32 $0x880, s0  }
0x1d9: {  	s15 =	sshra.s32 s16, $0x2  }
0x1da: {  	s15 =	sadd.s32 s15, s12;
	[tilespmem:s25+$0x110] =	vst v2  }
0x1db: {  	v2 =	vld [tilespmem:s15+$0x0];
	_ =	sdelay $0x7  }
0x1dc: {  	v2 =	vld.idx.msk [tilespmem:v2+s10+$0x0], $0xffff;
	_ =	sdelay $0x2  }
0x1dd: {  	s16 =	ssub.s32 $0x8C0, s0  }
0x1de: {  	s15 =	sshra.s32 s16, $0x2  }
0x1df: {  	s15 =	sadd.s32 s15, s12;
	[tilespmem:s25+$0x120] =	vst v2  }
0x1e0: {  	v2 =	vld [tilespmem:s15+$0x0];
	_ =	sdelay $0x7  }
0x1e1: {  	v2 =	vld.idx.msk [tilespmem:v2+s10+$0x0], $0xffff;
	_ =	sdelay $0x2  }
0x1e2: {  	s16 =	ssub.s32 $0x900, s0  }
0x1e3: {  	s15 =	sshra.s32 s16, $0x2  }
0x1e4: {  	s15 =	sadd.s32 s15, s12;
	[tilespmem:s25+$0x130] =	vst v2  }
0x1e5: {  	v2 =	vld [tilespmem:s15+$0x0];
	_ =	sdelay $0x7  }
0x1e6: {  	v2 =	vld.idx.msk [tilespmem:v2+s10+$0x0], $0xffff;
	_ =	sdelay $0x2  }
0x1e7: {  	s16 =	ssub.s32 $0x940, s0  }
0x1e8: {  	s15 =	sshra.s32 s16, $0x2  }
0x1e9: {  	s15 =	sadd.s32 s15, s12;
	[tilespmem:s25+$0x140] =	vst v2  }
0x1ea: {  	v2 =	vld [tilespmem:s15+$0x0];
	_ =	sdelay $0x7  }
0x1eb: {  	v2 =	vld.idx.msk [tilespmem:v2+s10+$0x0], $0xffff;
	_ =	sdelay $0x2  }
0x1ec: {  	s16 =	ssub.s32 $0x980, s0  }
0x1ed: {  	s15 =	sshra.s32 s16, $0x2  }
0x1ee: {  	s15 =	sadd.s32 s15, s12;
	[tilespmem:s25+$0x150] =	vst v2  }
0x1ef: {  	v2 =	vld [tilespmem:s15+$0x0];
	_ =	sdelay $0x7  }
0x1f0: {  	v2 =	vld.idx.msk [tilespmem:v2+s10+$0x0], $0xffff;
	_ =	sdelay $0x2  }
0x1f1: {  	s16 =	ssub.s32 $0x9C0, s0  }
0x1f2: {  	s15 =	sshra.s32 s16, $0x2  }
0x1f3: {  	s15 =	sadd.s32 s15, s12;
	[tilespmem:s25+$0x160] =	vst v2  }
0x1f4: {  	v2 =	vld [tilespmem:s15+$0x0];
	_ =	sdelay $0x7  }
0x1f5: {  	v2 =	vld.idx.msk [tilespmem:v2+s10+$0x0], $0xffff;
	_ =	sdelay $0x2  }
0x1f6: {  	s16 =	ssub.s32 $0xC00, s0  }
0x1f7: {  	s15 =	sshra.s32 s16, $0x2  }
0x1f8: {  	s15 =	sadd.s32 s15, s12;
	[tilespmem:s25+$0x170] =	vst v2  }
0x1f9: {  	v2 =	vld [tilespmem:s15+$0x0];
	_ =	sdelay $0x7  }
0x1fa: {  	v2 =	vld.idx.msk [tilespmem:v2+s10+$0x0], $0xffff;
	_ =	sdelay $0x2  }
0x1fb: {  	s16 =	ssub.s32 $0xC40, s0  }
0x1fc: {  	s15 =	sshra.s32 s16, $0x2  }
0x1fd: {  	s15 =	sadd.s32 s15, s12;
	[tilespmem:s25+$0x180] =	vst v2  }
0x1fe: {  	v2 =	vld [tilespmem:s15+$0x0];
	_ =	sdelay $0x7  }
0x1ff: {  	v2 =	vld.idx.msk [tilespmem:v2+s10+$0x0], $0xffff;
	_ =	sdelay $0x2  }
0x200: {  	s16 =	ssub.s32 $0xC80, s0  }
0x201: {  	s15 =	sshra.s32 s16, $0x2  }
0x202: {  	s15 =	sadd.s32 s15, s12;
	[tilespmem:s25+$0x190] =	vst v2  }
0x203: {  	v2 =	vld [tilespmem:s15+$0x0];
	_ =	sdelay $0x7  }
0x204: {  	v2 =	vld.idx.msk [tilespmem:v2+s10+$0x0], $0xffff;
	_ =	sdelay $0x2  }
0x205: {  	s16 =	ssub.s32 $0xCC0, s0  }
0x206: {  	s15 =	sshra.s32 s16, $0x2  }
0x207: {  	s15 =	sadd.s32 s15, s12;
	[tilespmem:s25+$0x1A0] =	vst v2  }
0x208: {  	v2 =	vld [tilespmem:s15+$0x0];
	_ =	sdelay $0x7  }
0x209: {  	v2 =	vld.idx.msk [tilespmem:v2+s10+$0x0], $0xffff;
	_ =	sdelay $0x2  }
0x20a: {  	s16 =	ssub.s32 $0xD00, s0  }
0x20b: {  	s15 =	sshra.s32 s16, $0x2  }
0x20c: {  	s15 =	sadd.s32 s15, s12;
	[tilespmem:s25+$0x1B0] =	vst v2  }
0x20d: {  	v2 =	vld [tilespmem:s15+$0x0];
	_ =	sdelay $0x7  }
0x20e: {  	v2 =	vld.idx.msk [tilespmem:v2+s10+$0x0], $0xffff;
	_ =	sdelay $0x2  }
0x20f: {  	s16 =	ssub.s32 $0xD40, s0  }
0x210: {  	s15 =	sshra.s32 s16, $0x2  }
0x211: {  	s15 =	sadd.s32 s15, s12;
	[tilespmem:s25+$0x1C0] =	vst v2  }
0x212: {  	v2 =	vld [tilespmem:s15+$0x0];
	_ =	sdelay $0x7  }
0x213: {  	v2 =	vld.idx.msk [tilespmem:v2+s10+$0x0], $0xffff;
	_ =	sdelay $0x2  }
0x214: {  	s16 =	ssub.s32 $0xD80, s0  }
0x215: {  	s15 =	sshra.s32 s16, $0x2  }
0x216: {  	s15 =	sadd.s32 s15, s12;
	[tilespmem:s25+$0x1D0] =	vst v2  }
0x217: {  	v2 =	vld [tilespmem:s15+$0x0];
	_ =	sdelay $0x7  }
0x218: {  	v2 =	vld.idx.msk [tilespmem:v2+s10+$0x0], $0xffff;
	_ =	sdelay $0x2  }
0x219: {  	s16 =	ssub.s32 $0xDC0, s0  }
0x21a: {  	s15 =	sshra.s32 s16, $0x2  }
0x21b: {  	s15 =	sadd.s32 s15, s12;
	[tilespmem:s25+$0x1E0] =	vst v2  }
0x21c: {  	v2 =	vld [tilespmem:s15+$0x0];
	_ =	sdelay $0x7  }
0x21d: {  	v2 =	vld.idx.msk [tilespmem:v2+s10+$0x0], $0xffff;
	_ =	sdelay $0x4  }
0x21e: {  	[tilespmem:s25+$0x1F0] =	vst v2  }
0x21f: {  	v2 =	vld [tilespmem:s14+$0x400];
	_ =	sdelay $0x7  }
0x220: {  	v2 =	vld.idx.msk [tilespmem:v2+s10+$0x0], $0xffff;
	_ =	sdelay $0x2  }
0x221: {  	s15 =	ssub.s32 $0x1040, s0  }
0x222: {  	s14 =	sshra.s32 s15, $0x2  }
0x223: {  	s14 =	sadd.s32 s14, s12;
	[tilespmem:s25+$0x200] =	vst v2  }
0x224: {  	v2 =	vld [tilespmem:s14+$0x0];
	_ =	sdelay $0x7  }
0x225: {  	v2 =	vld.idx.msk [tilespmem:v2+s10+$0x0], $0xffff;
	_ =	sdelay $0x2  }
0x226: {  	s16 =	ssub.s32 $0x1080, s0  }
0x227: {  	s14 =	sshra.s32 s16, $0x2  }
0x228: {  	s14 =	sadd.s32 s14, s12;
	[tilespmem:s25+$0x210] =	vst v2  }
0x229: {  	v2 =	vld [tilespmem:s14+$0x0];
	_ =	sdelay $0x7  }
0x22a: {  	v2 =	vld.idx.msk [tilespmem:v2+s10+$0x0], $0xffff;
	_ =	sdelay $0x2  }
0x22b: {  	s15 =	ssub.s32 $0x10C0, s0  }
0x22c: {  	s14 =	sshra.s32 s15, $0x2  }
0x22d: {  	s14 =	sadd.s32 s14, s12;
	[tilespmem:s25+$0x220] =	vst v2  }
0x22e: {  	v2 =	vld [tilespmem:s14+$0x0];
	_ =	sdelay $0x7  }
0x22f: {  	v2 =	vld.idx.msk [tilespmem:v2+s10+$0x0], $0xffff;
	_ =	sdelay $0x2  }
0x230: {  	s16 =	ssub.s32 $0x1100, s0  }
0x231: {  	s14 =	sshra.s32 s16, $0x2  }
0x232: {  	s14 =	sadd.s32 s14, s12;
	[tilespmem:s25+$0x230] =	vst v2  }
0x233: {  	v2 =	vld [tilespmem:s14+$0x0];
	_ =	sdelay $0x7  }
0x234: {  	v2 =	vld.idx.msk [tilespmem:v2+s10+$0x0], $0xffff;
	_ =	sdelay $0x2  }
0x235: {  	s15 =	ssub.s32 $0x1140, s0  }
0x236: {  	s14 =	sshra.s32 s15, $0x2  }
0x237: {  	s14 =	sadd.s32 s14, s12;
	[tilespmem:s25+$0x240] =	vst v2  }
0x238: {  	v2 =	vld [tilespmem:s14+$0x0];
	_ =	sdelay $0x7  }
0x239: {  	v2 =	vld.idx.msk [tilespmem:v2+s10+$0x0], $0xffff;
	_ =	sdelay $0x2  }
0x23a: {  	s16 =	ssub.s32 $0x1180, s0  }
0x23b: {  	s14 =	sshra.s32 s16, $0x2  }
0x23c: {  	s14 =	sadd.s32 s14, s12;
	[tilespmem:s25+$0x250] =	vst v2  }
0x23d: {  	v2 =	vld [tilespmem:s14+$0x0];
	_ =	sdelay $0x7  }
0x23e: {  	v2 =	vld.idx.msk [tilespmem:v2+s10+$0x0], $0xffff;
	_ =	sdelay $0x2  }
0x23f: {  	s15 =	ssub.s32 $0x11C0, s0  }
0x240: {  	s14 =	sshra.s32 s15, $0x2  }
0x241: {  	s14 =	sadd.s32 s14, s12;
	[tilespmem:s25+$0x260] =	vst v2  }
0x242: {  	v2 =	vld [tilespmem:s14+$0x0];
	_ =	sdelay $0x7  }
0x243: {  	v2 =	vld.idx.msk [tilespmem:v2+s10+$0x0], $0xffff;
	_ =	sdelay $0x2  }
0x244: {  	s16 =	ssub.s32 $0x1400, s0  }
0x245: {  	s14 =	sshra.s32 s16, $0x2  }
0x246: {  	s14 =	sadd.s32 s14, s12;
	[tilespmem:s25+$0x270] =	vst v2  }
0x247: {  	v2 =	vld [tilespmem:s14+$0x0];
	_ =	sdelay $0x7  }
0x248: {  	v2 =	vld.idx.msk [tilespmem:v2+s10+$0x0], $0xffff;
	_ =	sdelay $0x2  }
0x249: {  	s15 =	ssub.s32 $0x1440, s0  }
0x24a: {  	s14 =	sshra.s32 s15, $0x2  }
0x24b: {  	s14 =	sadd.s32 s14, s12;
	[tilespmem:s25+$0x280] =	vst v2  }
0x24c: {  	v2 =	vld [tilespmem:s14+$0x0];
	_ =	sdelay $0x7  }
0x24d: {  	v2 =	vld.idx.msk [tilespmem:v2+s10+$0x0], $0xffff;
	_ =	sdelay $0x2  }
0x24e: {  	s16 =	ssub.s32 $0x1480, s0  }
0x24f: {  	s14 =	sshra.s32 s16, $0x2  }
0x250: {  	s14 =	sadd.s32 s14, s12;
	[tilespmem:s25+$0x290] =	vst v2  }
0x251: {  	v2 =	vld [tilespmem:s14+$0x0];
	_ =	sdelay $0x7  }
0x252: {  	v2 =	vld.idx.msk [tilespmem:v2+s10+$0x0], $0xffff;
	_ =	sdelay $0x2  }
0x253: {  	s15 =	ssub.s32 $0x14C0, s0  }
0x254: {  	s14 =	sshra.s32 s15, $0x2  }
0x255: {  	s14 =	sadd.s32 s14, s12;
	[tilespmem:s25+$0x2A0] =	vst v2  }
0x256: {  	v2 =	vld [tilespmem:s14+$0x0];
	_ =	sdelay $0x7  }
0x257: {  	v2 =	vld.idx.msk [tilespmem:v2+s10+$0x0], $0xffff;
	_ =	sdelay $0x2  }
0x258: {  	s16 =	ssub.s32 $0x1500, s0  }
0x259: {  	s14 =	sshra.s32 s16, $0x2  }
0x25a: {  	s14 =	sadd.s32 s14, s12;
	[tilespmem:s25+$0x2B0] =	vst v2  }
0x25b: {  	v2 =	vld [tilespmem:s14+$0x0];
	_ =	sdelay $0x7  }
0x25c: {  	v2 =	vld.idx.msk [tilespmem:v2+s10+$0x0], $0xffff;
	_ =	sdelay $0x2  }
0x25d: {  	s15 =	ssub.s32 $0x1540, s0  }
0x25e: {  	s14 =	sshra.s32 s15, $0x2  }
0x25f: {  	s14 =	sadd.s32 s14, s12;
	[tilespmem:s25+$0x2C0] =	vst v2  }
0x260: {  	v2 =	vld [tilespmem:s14+$0x0];
	_ =	sdelay $0x7  }
0x261: {  	v2 =	vld.idx.msk [tilespmem:v2+s10+$0x0], $0xffff;
	_ =	sdelay $0x2  }
0x262: {  	s16 =	ssub.s32 $0x1580, s0  }
0x263: {  	s14 =	sshra.s32 s16, $0x2  }
0x264: {  	s14 =	sadd.s32 s14, s12;
	[tilespmem:s25+$0x2D0] =	vst v2  }
0x265: {  	v2 =	vld [tilespmem:s14+$0x0];
	_ =	sdelay $0x7  }
0x266: {  	v2 =	vld.idx.msk [tilespmem:v2+s10+$0x0], $0xffff;
	_ =	sdelay $0x2  }
0x267: {  	s15 =	ssub.s32 $0x15C0, s0  }
0x268: {  	s14 =	sshra.s32 s15, $0x2  }
0x269: {  	s14 =	sadd.s32 s14, s12;
	[tilespmem:s25+$0x2E0] =	vst v2  }
0x26a: {  	v2 =	vld [tilespmem:s14+$0x0];
	_ =	sdelay $0x7  }
0x26b: {  	v2 =	vld.idx.msk [tilespmem:v2+s10+$0x0], $0xffff;
	_ =	sdelay $0x2  }
0x26c: {  	s16 =	ssub.s32 $0x1800, s0  }
0x26d: {  	s14 =	sshra.s32 s16, $0x2  }
0x26e: {  	s14 =	sadd.s32 s14, s12;
	[tilespmem:s25+$0x2F0] =	vst v2  }
0x26f: {  	v2 =	vld [tilespmem:s14+$0x0];
	_ =	sdelay $0x7  }
0x270: {  	v2 =	vld.idx.msk [tilespmem:v2+s10+$0x0], $0xffff;
	_ =	sdelay $0x2  }
0x271: {  	s15 =	ssub.s32 $0x1840, s0  }
0x272: {  	s14 =	sshra.s32 s15, $0x2  }
0x273: {  	s14 =	sadd.s32 s14, s12;
	[tilespmem:s25+$0x300] =	vst v2  }
0x274: {  	v2 =	vld [tilespmem:s14+$0x0];
	_ =	sdelay $0x7  }
0x275: {  	v2 =	vld.idx.msk [tilespmem:v2+s10+$0x0], $0xffff;
	_ =	sdelay $0x2  }
0x276: {  	s16 =	ssub.s32 $0x1880, s0  }
0x277: {  	s14 =	sshra.s32 s16, $0x2  }
0x278: {  	s14 =	sadd.s32 s14, s12;
	[tilespmem:s25+$0x310] =	vst v2  }
0x279: {  	v2 =	vld [tilespmem:s14+$0x0];
	_ =	sdelay $0x7  }
0x27a: {  	v2 =	vld.idx.msk [tilespmem:v2+s10+$0x0], $0xffff;
	_ =	sdelay $0x2  }
0x27b: {  	s15 =	ssub.s32 $0x18C0, s0  }
0x27c: {  	s14 =	sshra.s32 s15, $0x2  }
0x27d: {  	s14 =	sadd.s32 s14, s12;
	[tilespmem:s25+$0x320] =	vst v2  }
0x27e: {  	v2 =	vld [tilespmem:s14+$0x0];
	_ =	sdelay $0x7  }
0x27f: {  	v2 =	vld.idx.msk [tilespmem:v2+s10+$0x0], $0xffff;
	_ =	sdelay $0x2  }
0x280: {  	s16 =	ssub.s32 $0x1900, s0  }
0x281: {  	s14 =	sshra.s32 s16, $0x2  }
0x282: {  	s14 =	sadd.s32 s14, s12;
	[tilespmem:s25+$0x330] =	vst v2  }
0x283: {  	v2 =	vld [tilespmem:s14+$0x0];
	_ =	sdelay $0x7  }
0x284: {  	v2 =	vld.idx.msk [tilespmem:v2+s10+$0x0], $0xffff;
	_ =	sdelay $0x2  }
0x285: {  	s15 =	ssub.s32 $0x1940, s0  }
0x286: {  	s14 =	sshra.s32 s15, $0x2  }
0x287: {  	s14 =	sadd.s32 s14, s12;
	[tilespmem:s25+$0x340] =	vst v2  }
0x288: {  	v2 =	vld [tilespmem:s14+$0x0];
	_ =	sdelay $0x7  }
0x289: {  	v2 =	vld.idx.msk [tilespmem:v2+s10+$0x0], $0xffff;
	_ =	sdelay $0x2  }
0x28a: {  	s16 =	ssub.s32 $0x1980, s0  }
0x28b: {  	s14 =	sshra.s32 s16, $0x2  }
0x28c: {  	s14 =	sadd.s32 s14, s12;
	[tilespmem:s25+$0x350] =	vst v2  }
0x28d: {  	v2 =	vld [tilespmem:s14+$0x0];
	_ =	sdelay $0x7  }
0x28e: {  	v2 =	vld.idx.msk [tilespmem:v2+s10+$0x0], $0xffff;
	_ =	sdelay $0x2  }
0x28f: {  	s15 =	ssub.s32 $0x19C0, s0  }
0x290: {  	s14 =	sshra.s32 s15, $0x2  }
0x291: {  	s14 =	sadd.s32 s14, s12;
	[tilespmem:s25+$0x360] =	vst v2  }
0x292: {  	v2 =	vld [tilespmem:s14+$0x0];
	_ =	sdelay $0x7  }
0x293: {  	v2 =	vld.idx.msk [tilespmem:v2+s10+$0x0], $0xffff;
	_ =	sdelay $0x2  }
0x294: {  	s16 =	ssub.s32 $0x1C00, s0  }
0x295: {  	s14 =	sshra.s32 s16, $0x2  }
0x296: {  	s14 =	sadd.s32 s14, s12;
	[tilespmem:s25+$0x370] =	vst v2  }
0x297: {  	v2 =	vld [tilespmem:s14+$0x0];
	_ =	sdelay $0x7  }
0x298: {  	v2 =	vld.idx.msk [tilespmem:v2+s10+$0x0], $0xffff;
	_ =	sdelay $0x2  }
0x299: {  	s15 =	ssub.s32 $0x1C40, s0  }
0x29a: {  	s14 =	sshra.s32 s15, $0x2  }
0x29b: {  	s14 =	sadd.s32 s14, s12;
	[tilespmem:s25+$0x380] =	vst v2  }
0x29c: {  	v2 =	vld [tilespmem:s14+$0x0];
	_ =	sdelay $0x7  }
0x29d: {  	v2 =	vld.idx.msk [tilespmem:v2+s10+$0x0], $0xffff;
	_ =	sdelay $0x2  }
0x29e: {  	s16 =	ssub.s32 $0x1C80, s0  }
0x29f: {  	s14 =	sshra.s32 s16, $0x2  }
0x2a0: {  	s14 =	sadd.s32 s14, s12;
	[tilespmem:s25+$0x390] =	vst v2  }
0x2a1: {  	v2 =	vld [tilespmem:s14+$0x0];
	_ =	sdelay $0x7  }
0x2a2: {  	v2 =	vld.idx.msk [tilespmem:v2+s10+$0x0], $0xffff;
	_ =	sdelay $0x2  }
0x2a3: {  	s15 =	ssub.s32 $0x1CC0, s0  }
0x2a4: {  	s14 =	sshra.s32 s15, $0x2  }
0x2a5: {  	s14 =	sadd.s32 s14, s12;
	[tilespmem:s25+$0x3A0] =	vst v2  }
0x2a6: {  	v2 =	vld [tilespmem:s14+$0x0];
	_ =	sdelay $0x7  }
0x2a7: {  	v2 =	vld.idx.msk [tilespmem:v2+s10+$0x0], $0xffff;
	_ =	sdelay $0x2  }
0x2a8: {  	s16 =	ssub.s32 $0x1D00, s0  }
0x2a9: {  	s14 =	sshra.s32 s16, $0x2  }
0x2aa: {  	s14 =	sadd.s32 s14, s12;
	[tilespmem:s25+$0x3B0] =	vst v2  }
0x2ab: {  	v2 =	vld [tilespmem:s14+$0x0];
	_ =	sdelay $0x7  }
0x2ac: {  	v2 =	vld.idx.msk [tilespmem:v2+s10+$0x0], $0xffff;
	_ =	sdelay $0x2  }
0x2ad: {  	s15 =	ssub.s32 $0x1D40, s0  }
0x2ae: {  	s14 =	sshra.s32 s15, $0x2  }
0x2af: {  	s14 =	sadd.s32 s14, s12;
	[tilespmem:s25+$0x3C0] =	vst v2  }
0x2b0: {  	v2 =	vld [tilespmem:s14+$0x0];
	_ =	sdelay $0x7  }
0x2b1: {  	v2 =	vld.idx.msk [tilespmem:v2+s10+$0x0], $0xffff;
	_ =	sdelay $0x2  }
0x2b2: {  	s16 =	ssub.s32 $0x1D80, s0  }
0x2b3: {  	s14 =	sshra.s32 s16, $0x2  }
0x2b4: {  	s14 =	sadd.s32 s14, s12;
	[tilespmem:s25+$0x3D0] =	vst v2  }
0x2b5: {  	v2 =	vld [tilespmem:s14+$0x0];
	_ =	sdelay $0x7  }
0x2b6: {  	v2 =	vld.idx.msk [tilespmem:v2+s10+$0x0], $0xffff;
	_ =	sdelay $0x2  }
0x2b7: {  	s0 =	ssub.s32 $0x1DC0, s0  }
0x2b8: {  	s0 =	sshra.s32 s0, $0x2  }
0x2b9: {  	s0 =	sadd.s32 s0, s12;
	[tilespmem:s25+$0x3E0] =	vst v2  }
0x2ba: {  	v2 =	vld [tilespmem:s0+$0x0];
	_ =	sdelay $0x7  }
0x2bb: {  	v2 =	vld.idx.msk [tilespmem:v2+s10+$0x0], $0xffff;
	_ =	sdelay $0x4  }
0x2bc: {  	[tilespmem:s25+$0x3F0] =	vst v2  }
0x2bd: {  	[spmem:s2] =	stream.indirect.scatter.add.f32 [tilespmem:s25], [sflag:$0x1], $0x1, s5, s13, $0xb8;
	[tilespmem:$0x1E480] =	vst v63  }
0x2be: {  	s5 =	sadd.s32 $0x80, s25  }
0x2bf: {  	[spmem:s2] =	stream.indirect.scatter.add.f32 [tilespmem:s5], [sflag:$0x1], $0x1, s8, s13, $0xb8;
	[tilespmem:$0x1E480] =	vst v63  }
0x2c0: {  	s12 =	sadd.s32 $0x100, s25  }
0x2c1: {  	[spmem:s2] =	stream.indirect.scatter.add.f32 [tilespmem:s12], [sflag:$0x1], $0x1, s9, s13, $0xb8;
	[tilespmem:$0x1E480] =	vst v63  }
0x2c2: {  	s14 =	sadd.s32 $0x180, s25  }
0x2c3: {  	[spmem:s2] =	stream.indirect.scatter.add.f32 [tilespmem:s14], [sflag:$0x1], $0x1, s31, s13, $0xb8;
	[tilespmem:$0x1E480] =	vst v63  }
0x2c4: {  	s15 =	sadd.s32 $0x200, s25  }
0x2c5: {  	[spmem:s2] =	stream.indirect.scatter.add.f32 [tilespmem:s15], [sflag:$0x1], $0x1, s20, s13, $0xb8;
	[tilespmem:$0x1E480] =	vst v63  }
0x2c6: {  	s16 =	sadd.s32 $0x280, s25  }
0x2c7: {  	[spmem:s2] =	stream.indirect.scatter.add.f32 [tilespmem:s16], [sflag:$0x1], $0x1, s6, s13, $0xb8;
	[tilespmem:$0x1E480] =	vst v63  }
.Ltmp5:
0x2c8: {  	_ = 	snop;
	(pc) =	sbr.rel .LBB2_4-.Ltmp5, $4  }
0x2c9: {  	s20 =	sadd.s32 $0x300, s25  }
0x2ca: {  	[spmem:s2] =	stream.indirect.scatter.add.f32 [tilespmem:s20], [sflag:$0x1], $0x1, s7, s13, $0xb8;
	[tilespmem:$0x1E480] =	vst v63  }
0x2cb: {  	s31 =	sadd.s32 $0x380, s25  }
0x2cc: {  	[spmem:s2] =	stream.indirect.scatter.add.f32 [tilespmem:s31], [sflag:$0x1], $0x1, s4, s13, $0xb8;
	[tilespmem:$0x1E480] =	vst v63  }
.LBB2_6:
0x2cd: {  	_ =	sfence.sel $0x180000  }
0x2ce: {  	[bflag:$0x0] =	sbarrier.arrive $0xFFFF  }
0x2cf: {  	_ =	strace $0x90000047  }
0x2d0: {  	s0 =	stileid.u32;
	[bflag:$0x2] =	sbarrier.arrive $0xFFFF  }
0x2d1: {  	p0 =	sne.s32 s0, $0x0;
	s0 =	rddreg [dreg:$0x4]  }
0x2d2: {  	s0 =	sadd.s32 @!p0 $0x100000, s0  }
0x2d3: {  	[sflag:s0] =	ssyncadd.tile.s32 @!p0 $0x1;
	_ =	shalt  }
.Lfunc_end2:
_tile_overlayer_lowered:
.L_overlay_start_2:
0x2d4: {  	(tag) =	ssettag $0x2  }
0x2d5: {  	s0 =	rddreg [dreg:$0x0];
	s2 =	stileid.u32  }
0x2d6: {  	s1 =	rddreg [dreg:$0x1];
	p0 =	sne.s32 s2, $0x0  }
0x2d7: {  	s3 =	rddreg [dreg:$0x2];
	[bflag:$0x3] =	sbarrier.arrive $0xFFFF;
	s2 =	simm.s32 @!p0 $0x1C03  }
0x2d8: {  	[timem:s3], [sflag:s2] =	dma.local @!p0 [hbm:s0], s1  }
0x2d9: {  	s0 =	simm.s32 @!p0 $0x3  }
0x2da: {  	_ =	swait.ge @!p0 [sflag:s0], s1  }
0x2db: {  	s1 =	ssub.s32 @!p0 $0x0, s1;
	[sflag:s0] =	ssyncset.done @!p0 $0x0  }
0x2dc: {  	[sflag:s0] =	ssyncadd.s32 @!p0 s1  }
0x2dd: {  	[bflag:$0x3] =	sbarrier.arrive $0xFFFF  }
0x2de: {  	_ =	shalt  }

</sc_bundles>
